<compile_context>
chip_gen: v7x
topology: tpu7x:2x2x1
jax: 0.10.2.dev20260603
libtpu: 0.0.44.dev20260713+nightly
codegen_flags: <defaults>
</compile_context>

<pallas_src>
import functools

import jax
import jax.numpy as jnp
from jax import lax
from jax.experimental import pallas as pl
from jax.experimental.pallas import tpu as pltpu
from jax.experimental.pallas import tpu_sc as plsc

NC = 2
NS = 16
K = 128


def _matmuls(x, Wm, Wf, Wr, bm2, bf2, br2):
    n, c_in = x.shape
    c_out = Wm.shape[1]
    ch = c_out // NC
    blk = 2000
    grid = n // blk

    def body(x_ref, wm_ref, wf_ref, wr_ref, bm_ref, bf_ref, br_ref,
             mh_ref, f_ref, r_ref):
        xb = x_ref[...]
        m = jnp.dot(xb, wm_ref[...],
                    preferred_element_type=jnp.float32) + bm_ref[...]
        mh_ref[0] = m[:, :ch].astype(jnp.bfloat16)
        mh_ref[1] = m[:, ch:].astype(jnp.bfloat16)
        f_ref[...] = jnp.dot(xb, wf_ref[...],
                             preferred_element_type=jnp.float32) + bf_ref[...]
        r_ref[...] = jnp.dot(xb, wr_ref[...],
                             preferred_element_type=jnp.float32) + br_ref[...]

    full = lambda i: (0, 0)
    rows = lambda i: (i, 0)
    return pl.pallas_call(
        body,
        grid=(grid,),
        in_specs=[
            pl.BlockSpec((blk, c_in), rows),
            pl.BlockSpec((c_in, c_out), full),
            pl.BlockSpec((c_in, 2 * c_out), full),
            pl.BlockSpec((c_in, c_out), full),
            pl.BlockSpec((1, c_out), full),
            pl.BlockSpec((1, 2 * c_out), full),
            pl.BlockSpec((1, c_out), full),
        ],
        out_specs=[
            pl.BlockSpec((NC, blk, ch), lambda i: (0, i, 0)),
            pl.BlockSpec((blk, 2 * c_out), rows),
            pl.BlockSpec((blk, c_out), rows),
        ],
        out_shape=[
            jax.ShapeDtypeStruct((NC, n, ch), jnp.bfloat16),
            jax.ShapeDtypeStruct((n, 2 * c_out), jnp.float32),
            jax.ShapeDtypeStruct((n, c_out), jnp.float32),
        ],
    )(x, Wm, Wf, Wr, bm2, bf2, br2)


SCH = 4
GP = 4
GPS = GP * SCH


def _sc_segment_sum(Mh, row2, col2, n_pad):
    ch = Mh.shape[2]
    chunks_total = row2.shape[0]
    chunks = chunks_total // NS
    nsup = chunks // SCH
    rpt = n_pad // NS

    @functools.partial(
        pl.kernel,
        out_type=(
            jax.ShapeDtypeStruct((NC, n_pad, ch), jnp.float32),
            jax.ShapeDtypeStruct((NC, n_pad, 16), jnp.float32),
        ),
        mesh=plsc.VectorSubcoreMesh(core_axis_name="c", subcore_axis_name="s"),
        compiler_params=pltpu.CompilerParams(use_tc_tiling_on_sc=False,
                                             needs_layout_passes=False),
        scratch_types=[
            pltpu.VMEM((2 * GPS, K), jnp.int32),
            pltpu.VMEM((2 * GPS, K), jnp.int32),
            pltpu.VMEM((2 * SCH, K, ch), jnp.bfloat16),
            pltpu.VMEM((SCH, K, ch), jnp.float32),
            pltpu.VMEM((K, 16), jnp.float32),
            pltpu.VMEM((K, 16), jnp.float32),
            pltpu.VMEM_SHARED((n_pad, ch), jnp.float32),
            pltpu.VMEM_SHARED((n_pad, 16), jnp.float32),
            pltpu.SemaphoreType.DMA,
            pltpu.SemaphoreType.DMA,
            pltpu.SemaphoreType.DMA,
            pltpu.SemaphoreType.DMA,
        ],
    )
    def k(mh_hbm, row_hbm, col_hbm, s_out, deg_out,
          ridx_b, cidx_b, gbuf, fbuf, ones_buf, zbuf, s_sh, deg_sh,
          gsem, ssem, dsem, isem):
        cid = lax.axis_index("c")
        sid = lax.axis_index("s")
        z16 = jnp.zeros((16,), jnp.float32)
        ones16 = jnp.full((16,), 1.0, jnp.float32)

        @plsc.parallel_loop(0, K, step=1, unroll=8)
        def zrow(i):
            for t in range(SCH):
                for j in range(ch // 16):
                    fbuf[t, i, pl.ds(j * 16, 16)] = z16
            ones_buf[i, :] = ones16
            zbuf[i, :] = z16

        sizes = [K] * (rpt // K) + ([rpt % K] if rpt % K else [])
        for t, sz in enumerate(sizes):
            pltpu.sync_copy(fbuf.at[t % SCH, pl.ds(0, sz)],
                            s_sh.at[pl.ds(sid * rpt + t * K, sz)])
        for t, sz in enumerate(sizes):
            pltpu.sync_copy(zbuf.at[pl.ds(0, sz)],
                            deg_sh.at[pl.ds(sid * rpt + t * K, sz)])
        plsc.subcore_barrier()

        base_chunk = sid * chunks

        def idx_row(sup):
            return (lax.rem(sup // GP, 2) * GPS + lax.rem(sup, GP) * SCH)

        def gb_row(sup):
            return lax.rem(sup, 2) * SCH

        def idx_group_copies(gg):
            cb = base_chunk + gg * GPS
            dst = lax.rem(gg, 2) * GPS
            return (
                pltpu.make_async_copy(row_hbm.at[pl.ds(cb, GPS)],
                                      ridx_b.at[pl.ds(dst, GPS)], isem),
                pltpu.make_async_copy(col_hbm.at[pl.ds(cb, GPS)],
                                      cidx_b.at[pl.ds(dst, GPS)], isem),
            )

        def fire_idx_group(gg):
            for d in idx_group_copies(gg):
                d.start()

        def drain_idx_group(gg):
            for d in idx_group_copies(gg):
                d.wait()

        def gather_copies(sup):
            ib = idx_row(sup)
            gb = gb_row(sup)
            return [
                pltpu.make_async_copy(mh_hbm.at[cid].at[ridx_b.at[ib + j]],
                                      gbuf.at[gb + j], gsem)
                for j in range(SCH)
            ]

        def fire_gathers(sup):
            for d in gather_copies(sup):
                d.start()

        def drain_gathers(sup):
            for d in gather_copies(sup):
                d.wait()

        def s_scatter_copies(sup):
            ib = idx_row(sup)
            return [
                pltpu.make_async_copy(fbuf.at[j],
                                      s_sh.at[cidx_b.at[ib + j]], ssem)
                for j in range(SCH)
            ]

        def convert_super(sup):
            gb = gb_row(sup)

            @plsc.parallel_loop(0, K, step=1, unroll=8)
            def conv(r):
                for j in range(SCH):
                    for g in range(ch // 32):
                        v = gbuf[gb + j, r, pl.ds(g * 32, 32)]
                        lo, hi = plsc.unpack(v, format=plsc.PackFormat.INTERLEAVED)
                        fbuf[j, r, pl.ds(g * 32, 16)] = lo
                        fbuf[j, r, pl.ds(g * 32 + 16, 16)] = hi

        def deg_scatter_copies(sup):
            ib = idx_row(sup)
            return [
                pltpu.make_async_copy(ones_buf,
                                      deg_sh.at[cidx_b.at[ib + j]], dsem)
                for j in range(SCH)
            ]

        def fire_scatters(sup):
            for j in range(SCH):
                pltpu.async_copy(fbuf.at[j],
                                 s_sh.at[cidx_b.at[idx_row(sup) + j]],
                                 ssem, add=True)

            @pl.when(cid == lax.rem(sup, 2))
            def _():
                for j in range(SCH):
                    pltpu.async_copy(ones_buf,
                                     deg_sh.at[cidx_b.at[idx_row(sup) + j]],
                                     dsem, add=True)

        def drain_scatters(sup):
            for d in s_scatter_copies(sup):
                d.wait()

            @pl.when(cid == lax.rem(sup, 2))
            def _():
                for d in deg_scatter_copies(sup):
                    d.wait()

        pltpu.sync_copy(row_hbm.at[pl.ds(base_chunk, GPS)],
                        ridx_b.at[pl.ds(0, GPS)])
        pltpu.sync_copy(col_hbm.at[pl.ds(base_chunk, GPS)],
                        cidx_b.at[pl.ds(0, GPS)])
        fire_gathers(0)

        def body(s, carry):
            @pl.when(jnp.logical_and(lax.rem(s, GP) == GP - 1, s + 1 < nsup))
            def _():
                drain_idx_group(s // GP + 1)

            @pl.when(s + 1 < nsup)
            def _():
                fire_gathers(s + 1)

            drain_gathers(s)

            @pl.when(s > 0)
            def _():
                drain_scatters(s - 1)

            convert_super(s)

            @pl.when(jnp.logical_and(lax.rem(s, GP) == 0, s + GP < nsup))
            def _():
                fire_idx_group(s // GP + 1)

            fire_scatters(s)
            return carry
        lax.fori_loop(0, nsup, body, 0)
        drain_scatters(nsup - 1)

        plsc.subcore_barrier()
        for t, sz in enumerate(sizes):
            pltpu.sync_copy(s_sh.at[pl.ds(sid * rpt + t * K, sz)],
                            fbuf.at[t % SCH, pl.ds(0, sz)])
            pltpu.sync_copy(fbuf.at[t % SCH, pl.ds(0, sz)],
                            s_out.at[cid, pl.ds(sid * rpt + t * K, sz)])
        for t, sz in enumerate(sizes):
            pltpu.sync_copy(deg_sh.at[pl.ds(sid * rpt + t * K, sz)],
                            zbuf.at[pl.ds(0, sz)])
            pltpu.sync_copy(zbuf.at[pl.ds(0, sz)],
                            deg_out.at[cid, pl.ds(sid * rpt + t * K, sz)])

    return k(Mh, row2, col2)


def _combine(S_parts, deg_part, F, R, P):
    n, c_out = R.shape
    ch = c_out // NC
    blk = 1000
    grid = n // blk

    def body(s_ref, d_ref, f_ref, r_ref, p_ref, o_ref):
        s_perm = jnp.concatenate([s_ref[0], s_ref[1]], axis=-1)
        s = jnp.dot(s_perm, p_ref[...], preferred_element_type=jnp.float32)
        dg = d_ref[0, :, 0] + d_ref[1, :, 0]
        gamma = f_ref[:, :c_out]
        beta = f_ref[:, c_out:]
        o_ref[...] = gamma * s + dg[:, None] * beta + r_ref[...]

    return pl.pallas_call(
        body,
        grid=(grid,),
        in_specs=[
            pl.BlockSpec((NC, blk, ch), lambda i: (0, i, 0)),
            pl.BlockSpec((NC, blk, 16), lambda i: (0, i, 0)),
            pl.BlockSpec((blk, 2 * c_out), lambda i: (i, 0)),
            pl.BlockSpec((blk, c_out), lambda i: (i, 0)),
            pl.BlockSpec((c_out, c_out), lambda i: (0, 0)),
        ],
        out_specs=pl.BlockSpec((blk, c_out), lambda i: (i, 0)),
        out_shape=jax.ShapeDtypeStruct((n, c_out), jnp.float32),
    )(S_parts, deg_part, F, R, P)


def kernel(x, edge_index, Wm, bm, Wf, bf, Wr, br):
    n = x.shape[0]
    e = edge_index.shape[1]

    unit = NS * K * SCH * GP
    e_pad = ((e + unit - 1) // unit) * unit
    n_pad = ((n + 1 + NS * 2 - 1) // (NS * 2)) * (NS * 2)

    row_p = edge_index[0].astype(jnp.int32)
    col_p = edge_index[1].astype(jnp.int32)
    if e_pad != e:
        pad = e_pad - e
        row_p = jnp.concatenate([row_p, jnp.zeros((pad,), jnp.int32)])
        col_p = jnp.concatenate([col_p, jnp.full((pad,), n, jnp.int32)])

    Mh, F, R = _matmuls(x, Wm, Wf, Wr,
                        bm.reshape(1, -1), bf.reshape(1, -1), br.reshape(1, -1))
    S_parts, deg_part = _sc_segment_sum(Mh, row_p.reshape(-1, K),
                                        col_p.reshape(-1, K), n_pad)

    c_out = Wm.shape[1]
    ch = c_out // NC
    pi = []
    for h in range(NC):
        for g in range(ch // 32):
            base = h * ch + g * 32
            pi.extend(base + 2 * k for k in range(16))
            pi.extend(base + 2 * k + 1 for k in range(16))
    P = jnp.zeros((c_out, c_out), jnp.float32).at[
        jnp.arange(c_out), jnp.array(pi, jnp.int32)].set(1.0)
    return _combine(S_parts, deg_part, F, R, P)

# --- scband reference (transcript-rebuilt; emitter-appended) ---
"""Pipeline reference for scband-fi-lmconv-936302871067 (READ-ONLY COPY).

The authoritative reference and input builder live on the scoring server;
editing this copy changes nothing except your own understanding.
"""

import jax, jax.numpy as jnp
import numpy as np

N = 10000
E = 320000
IN_C = 128
OUT_C = 128

def setup_inputs(seed: int = 0) -> dict:
    key = jax.random.key(seed)
    ks = jax.random.split(key, 8)
    x = jax.random.normal(ks[0], (N, IN_C), dtype=jnp.float32)
    edge_index = jax.random.randint(ks[1], (2, E), 0, N, dtype=jnp.int64)
    s = 1.0 / np.sqrt(IN_C)
    Wm = jax.random.uniform(ks[2], (IN_C, OUT_C), dtype=jnp.float32, minval=-s, maxval=s)
    bm = jax.random.uniform(ks[3], (OUT_C,), dtype=jnp.float32, minval=-s, maxval=s)
    Wf = jax.random.uniform(ks[4], (IN_C, OUT_C * 2), dtype=jnp.float32, minval=-s, maxval=s)
    bf = jax.random.uniform(ks[5], (OUT_C * 2,), dtype=jnp.float32, minval=-s, maxval=s)
    Wr = jax.random.uniform(ks[6], (IN_C, OUT_C), dtype=jnp.float32, minval=-s, maxval=s)
    br = jax.random.uniform(ks[7], (OUT_C,), dtype=jnp.float32, minval=-s, maxval=s)
    return {"x": x, "edge_index": edge_index, "Wm": Wm, "bm": bm, "Wf": Wf, "bf": bf, "Wr": Wr, "br": br}

def reference(x, edge_index, Wm, bm, Wf, bf, Wr, br):
    row = edge_index[0]
    col = edge_index[1]
    messages = x[row] @ Wm + bm
    film = x[col] @ Wf + bf
    gamma, beta = jnp.split(film, 2, axis=-1)
    modulated = gamma * messages + beta
    out = jnp.zeros((x.shape[0], OUT_C), dtype=x.dtype).at[col].add(modulated)
    return out + (x @ Wr + br)

if __name__ == "__main__":
    import jax
    _d = setup_inputs()
    print(jax.jit(kernel)(*tuple(_d.values())))

</pallas_src>

<mosaic_0001>
#map = affine_map<(d0, d1) -> (0, 0, 0)>
#map1 = affine_map<(d0, d1) -> (0, 0)>
module attributes {stable_mosaic.version = 14 : i64} {
  func.func @k(%arg0: i32, %arg1: i32, %arg2: memref<2x10000x64xbf16, #tpu.memory_space<hbm>>, %arg3: memref<2560x128xi32, #tpu.memory_space<hbm>>, %arg4: memref<2560x128xi32, #tpu.memory_space<hbm>>, %arg5: memref<2x10016x64xf32, #tpu.memory_space<hbm>>, %arg6: memref<2x10016x16xf32, #tpu.memory_space<hbm>>, %arg7: memref<32x128xi32, #tpu.memory_space<vmem>>, %arg8: memref<32x128xi32, #tpu.memory_space<vmem>>, %arg9: memref<8x128x64xbf16, #tpu.memory_space<vmem>>, %arg10: memref<4x128x64xf32, #tpu.memory_space<vmem>>, %arg11: memref<128x16xf32, #tpu.memory_space<vmem>>, %arg12: memref<128x16xf32, #tpu.memory_space<vmem>>, %arg13: memref<10016x64xf32, #tpu.memory_space<vmem_shared>>, %arg14: memref<10016x16xf32, #tpu.memory_space<vmem_shared>>, %arg15: memref<!tpu.dma_semaphore, #tpu.memory_space<semaphore_mem>>, %arg16: memref<!tpu.dma_semaphore, #tpu.memory_space<semaphore_mem>>, %arg17: memref<!tpu.dma_semaphore, #tpu.memory_space<semaphore_mem>>, %arg18: memref<!tpu.dma_semaphore, #tpu.memory_space<semaphore_mem>>) attributes {dimension_semantics = [#tpu.dimension_semantics<core_parallel>, #tpu.dimension_semantics<subcore_parallel>], iteration_bounds = array<i64: 2, 16>, scalar_prefetch = 0 : i64, scratch_operands = 12 : i64, tpu.core_type = #tpu.core_type<sc_vector_subcore>, window_params = [{transform_indices = #map}, {transform_indices = #map1}, {transform_indices = #map1}, {transform_indices = #map}, {transform_indices = #map}]} {
    %broadcast_in_dim3A = arith.constant 0.000000e+00 : f32
    %broadcast_in_dim3A_0 = vector.broadcast %broadcast_in_dim3A : f32 to vector<16xf32>
    %broadcast_in_dim3A_1 = arith.constant 1.000000e+00 : f32
    %broadcast_in_dim3A_2 = vector.broadcast %broadcast_in_dim3A_1 : f32 to vector<16xf32>
    %parallel_loop3A = arith.constant 0 : i32
    %parallel_loop3A_3 = arith.constant 128 : i32
    %parallel_loop3A_4 = arith.constant 1 : i32
    scf.for %parallel_loop3A_297 = %parallel_loop3A to %parallel_loop3A_3 step %parallel_loop3A_4  : i32 {
      %parallel_loop3A_298 = arith.constant 0 : i32
      %parallel_loop3A_299 = arith.index_cast %parallel_loop3A_298 : i32 to index
      %parallel_loop3A_300 = arith.index_cast %parallel_loop3A_297 : i32 to index
      %parallel_loop3A_301 = arith.constant 0 : index
      %parallel_loop3A_302 = tpu.vector_load %arg10[%parallel_loop3A_299, %parallel_loop3A_300, %parallel_loop3A_301] {strides = array<i32>} : memref<4x128x64xf32, #tpu.memory_space<vmem>>, vector<16xf32>,
      tpu.vector_store %arg10[%parallel_loop3A_299, %parallel_loop3A_300, %parallel_loop3A_301], %broadcast_in_dim3A_0 {strides = array<i32>} : memref<4x128x64xf32, #tpu.memory_space<vmem>>, vector<16xf32>,
      %parallel_loop3A_303 = arith.constant 0 : i32
      %parallel_loop3A_304 = arith.index_cast %parallel_loop3A_303 : i32 to index
      %parallel_loop3A_305 = arith.index_cast %parallel_loop3A_297 : i32 to index
      %parallel_loop3A_306 = arith.constant 16 : index
      %parallel_loop3A_307 = tpu.vector_load %arg10[%parallel_loop3A_304, %parallel_loop3A_305, %parallel_loop3A_306] {strides = array<i32>} : memref<4x128x64xf32, #tpu.memory_space<vmem>>, vector<16xf32>,
      tpu.vector_store %arg10[%parallel_loop3A_304, %parallel_loop3A_305, %parallel_loop3A_306], %broadcast_in_dim3A_0 {strides = array<i32>} : memref<4x128x64xf32, #tpu.memory_space<vmem>>, vector<16xf32>,
      %parallel_loop3A_308 = arith.constant 0 : i32
      %parallel_loop3A_309 = arith.index_cast %parallel_loop3A_308 : i32 to index
      %parallel_loop3A_310 = arith.index_cast %parallel_loop3A_297 : i32 to index
      %parallel_loop3A_311 = arith.constant 32 : index
      %parallel_loop3A_312 = tpu.vector_load %arg10[%parallel_loop3A_309, %parallel_loop3A_310, %parallel_loop3A_311] {strides = array<i32>} : memref<4x128x64xf32, #tpu.memory_space<vmem>>, vector<16xf32>,
      tpu.vector_store %arg10[%parallel_loop3A_309, %parallel_loop3A_310, %parallel_loop3A_311], %broadcast_in_dim3A_0 {strides = array<i32>} : memref<4x128x64xf32, #tpu.memory_space<vmem>>, vector<16xf32>,
      %parallel_loop3A_313 = arith.constant 0 : i32
      %parallel_loop3A_314 = arith.index_cast %parallel_loop3A_313 : i32 to index
      %parallel_loop3A_315 = arith.index_cast %parallel_loop3A_297 : i32 to index
      %parallel_loop3A_316 = arith.constant 48 : index
      %parallel_loop3A_317 = tpu.vector_load %arg10[%parallel_loop3A_314, %parallel_loop3A_315, %parallel_loop3A_316] {strides = array<i32>} : memref<4x128x64xf32, #tpu.memory_space<vmem>>, vector<16xf32>,
      tpu.vector_store %arg10[%parallel_loop3A_314, %parallel_loop3A_315, %parallel_loop3A_316], %broadcast_in_dim3A_0 {strides = array<i32>} : memref<4x128x64xf32, #tpu.memory_space<vmem>>, vector<16xf32>,
      %parallel_loop3A_318 = arith.constant 1 : i32
      %parallel_loop3A_319 = arith.index_cast %parallel_loop3A_318 : i32 to index
      %parallel_loop3A_320 = arith.index_cast %parallel_loop3A_297 : i32 to index
      %parallel_loop3A_321 = arith.constant 0 : index
      %parallel_loop3A_322 = tpu.vector_load %arg10[%parallel_loop3A_319, %parallel_loop3A_320, %parallel_loop3A_321] {strides = array<i32>} : memref<4x128x64xf32, #tpu.memory_space<vmem>>, vector<16xf32>,
      tpu.vector_store %arg10[%parallel_loop3A_319, %parallel_loop3A_320, %parallel_loop3A_321], %broadcast_in_dim3A_0 {strides = array<i32>} : memref<4x128x64xf32, #tpu.memory_space<vmem>>, vector<16xf32>,
      %parallel_loop3A_323 = arith.constant 1 : i32
      %parallel_loop3A_324 = arith.index_cast %parallel_loop3A_323 : i32 to index
      %parallel_loop3A_325 = arith.index_cast %parallel_loop3A_297 : i32 to index
      %parallel_loop3A_326 = arith.constant 16 : index
      %parallel_loop3A_327 = tpu.vector_load %arg10[%parallel_loop3A_324, %parallel_loop3A_325, %parallel_loop3A_326] {strides = array<i32>} : memref<4x128x64xf32, #tpu.memory_space<vmem>>, vector<16xf32>,
      tpu.vector_store %arg10[%parallel_loop3A_324, %parallel_loop3A_325, %parallel_loop3A_326], %broadcast_in_dim3A_0 {strides = array<i32>} : memref<4x128x64xf32, #tpu.memory_space<vmem>>, vector<16xf32>,
      %parallel_loop3A_328 = arith.constant 1 : i32
      %parallel_loop3A_329 = arith.index_cast %parallel_loop3A_328 : i32 to index
      %parallel_loop3A_330 = arith.index_cast %parallel_loop3A_297 : i32 to index
      %parallel_loop3A_331 = arith.constant 32 : index
      %parallel_loop3A_332 = tpu.vector_load %arg10[%parallel_loop3A_329, %parallel_loop3A_330, %parallel_loop3A_331] {strides = array<i32>} : memref<4x128x64xf32, #tpu.memory_space<vmem>>, vector<16xf32>,
      tpu.vector_store %arg10[%parallel_loop3A_329, %parallel_loop3A_330, %parallel_loop3A_331], %broadcast_in_dim3A_0 {strides = array<i32>} : memref<4x128x64xf32, #tpu.memory_space<vmem>>, vector<16xf32>,
      %parallel_loop3A_333 = arith.constant 1 : i32
      %parallel_loop3A_334 = arith.index_cast %parallel_loop3A_333 : i32 to index
      %parallel_loop3A_335 = arith.index_cast %parallel_loop3A_297 : i32 to index
      %parallel_loop3A_336 = arith.constant 48 : index
      %parallel_loop3A_337 = tpu.vector_load %arg10[%parallel_loop3A_334, %parallel_loop3A_335, %parallel_loop3A_336] {strides = array<i32>} : memref<4x128x64xf32, #tpu.memory_space<vmem>>, vector<16xf32>,
      tpu.vector_store %arg10[%parallel_loop3A_334, %parallel_loop3A_335, %parallel_loop3A_336], %broadcast_in_dim3A_0 {strides = array<i32>} : memref<4x128x64xf32, #tpu.memory_space<vmem>>, vector<16xf32>,
      %parallel_loop3A_338 = arith.constant 2 : i32
      %parallel_loop3A_339 = arith.index_cast %parallel_loop3A_338 : i32 to index
      %parallel_loop3A_340 = arith.index_cast %parallel_loop3A_297 : i32 to index
      %parallel_loop3A_341 = arith.constant 0 : index
      %parallel_loop3A_342 = tpu.vector_load %arg10[%parallel_loop3A_339, %parallel_loop3A_340, %parallel_loop3A_341] {strides = array<i32>} : memref<4x128x64xf32, #tpu.memory_space<vmem>>, vector<16xf32>,
      tpu.vector_store %arg10[%parallel_loop3A_339, %parallel_loop3A_340, %parallel_loop3A_341], %broadcast_in_dim3A_0 {strides = array<i32>} : memref<4x128x64xf32, #tpu.memory_space<vmem>>, vector<16xf32>,
      %parallel_loop3A_343 = arith.constant 2 : i32
      %parallel_loop3A_344 = arith.index_cast %parallel_loop3A_343 : i32 to index
      %parallel_loop3A_345 = arith.index_cast %parallel_loop3A_297 : i32 to index
      %parallel_loop3A_346 = arith.constant 16 : index
      %parallel_loop3A_347 = tpu.vector_load %arg10[%parallel_loop3A_344, %parallel_loop3A_345, %parallel_loop3A_346] {strides = array<i32>} : memref<4x128x64xf32, #tpu.memory_space<vmem>>, vector<16xf32>,
      tpu.vector_store %arg10[%parallel_loop3A_344, %parallel_loop3A_345, %parallel_loop3A_346], %broadcast_in_dim3A_0 {strides = array<i32>} : memref<4x128x64xf32, #tpu.memory_space<vmem>>, vector<16xf32>,
      %parallel_loop3A_348 = arith.constant 2 : i32
      %parallel_loop3A_349 = arith.index_cast %parallel_loop3A_348 : i32 to index
      %parallel_loop3A_350 = arith.index_cast %parallel_loop3A_297 : i32 to index
      %parallel_loop3A_351 = arith.constant 32 : index
      %parallel_loop3A_352 = tpu.vector_load %arg10[%parallel_loop3A_349, %parallel_loop3A_350, %parallel_loop3A_351] {strides = array<i32>} : memref<4x128x64xf32, #tpu.memory_space<vmem>>, vector<16xf32>,
      tpu.vector_store %arg10[%parallel_loop3A_349, %parallel_loop3A_350, %parallel_loop3A_351], %broadcast_in_dim3A_0 {strides = array<i32>} : memref<4x128x64xf32, #tpu.memory_space<vmem>>, vector<16xf32>,
      %parallel_loop3A_353 = arith.constant 2 : i32
      %parallel_loop3A_354 = arith.index_cast %parallel_loop3A_353 : i32 to index
      %parallel_loop3A_355 = arith.index_cast %parallel_loop3A_297 : i32 to index
      %parallel_loop3A_356 = arith.constant 48 : index
      %parallel_loop3A_357 = tpu.vector_load %arg10[%parallel_loop3A_354, %parallel_loop3A_355, %parallel_loop3A_356] {strides = array<i32>} : memref<4x128x64xf32, #tpu.memory_space<vmem>>, vector<16xf32>,
      tpu.vector_store %arg10[%parallel_loop3A_354, %parallel_loop3A_355, %parallel_loop3A_356], %broadcast_in_dim3A_0 {strides = array<i32>} : memref<4x128x64xf32, #tpu.memory_space<vmem>>, vector<16xf32>,
      %parallel_loop3A_358 = arith.constant 3 : i32
      %parallel_loop3A_359 = arith.index_cast %parallel_loop3A_358 : i32 to index
      %parallel_loop3A_360 = arith.index_cast %parallel_loop3A_297 : i32 to index
      %parallel_loop3A_361 = arith.constant 0 : index
      %parallel_loop3A_362 = tpu.vector_load %arg10[%parallel_loop3A_359, %parallel_loop3A_360, %parallel_loop3A_361] {strides = array<i32>} : memref<4x128x64xf32, #tpu.memory_space<vmem>>, vector<16xf32>,
      tpu.vector_store %arg10[%parallel_loop3A_359, %parallel_loop3A_360, %parallel_loop3A_361], %broadcast_in_dim3A_0 {strides = array<i32>} : memref<4x128x64xf32, #tpu.memory_space<vmem>>, vector<16xf32>,
      %parallel_loop3A_363 = arith.constant 3 : i32
      %parallel_loop3A_364 = arith.index_cast %parallel_loop3A_363 : i32 to index
      %parallel_loop3A_365 = arith.index_cast %parallel_loop3A_297 : i32 to index
      %parallel_loop3A_366 = arith.constant 16 : index
      %parallel_loop3A_367 = tpu.vector_load %arg10[%parallel_loop3A_364, %parallel_loop3A_365, %parallel_loop3A_366] {strides = array<i32>} : memref<4x128x64xf32, #tpu.memory_space<vmem>>, vector<16xf32>,
      tpu.vector_store %arg10[%parallel_loop3A_364, %parallel_loop3A_365, %parallel_loop3A_366], %broadcast_in_dim3A_0 {strides = array<i32>} : memref<4x128x64xf32, #tpu.memory_space<vmem>>, vector<16xf32>,
      %parallel_loop3A_368 = arith.constant 3 : i32
      %parallel_loop3A_369 = arith.index_cast %parallel_loop3A_368 : i32 to index
      %parallel_loop3A_370 = arith.index_cast %parallel_loop3A_297 : i32 to index
      %parallel_loop3A_371 = arith.constant 32 : index
      %parallel_loop3A_372 = tpu.vector_load %arg10[%parallel_loop3A_369, %parallel_loop3A_370, %parallel_loop3A_371] {strides = array<i32>} : memref<4x128x64xf32, #tpu.memory_space<vmem>>, vector<16xf32>,
      tpu.vector_store %arg10[%parallel_loop3A_369, %parallel_loop3A_370, %parallel_loop3A_371], %broadcast_in_dim3A_0 {strides = array<i32>} : memref<4x128x64xf32, #tpu.memory_space<vmem>>, vector<16xf32>,
      %parallel_loop3A_373 = arith.constant 3 : i32
      %parallel_loop3A_374 = arith.index_cast %parallel_loop3A_373 : i32 to index
      %parallel_loop3A_375 = arith.index_cast %parallel_loop3A_297 : i32 to index
      %parallel_loop3A_376 = arith.constant 48 : index
      %parallel_loop3A_377 = tpu.vector_load %arg10[%parallel_loop3A_374, %parallel_loop3A_375, %parallel_loop3A_376] {strides = array<i32>} : memref<4x128x64xf32, #tpu.memory_space<vmem>>, vector<16xf32>,
      tpu.vector_store %arg10[%parallel_loop3A_374, %parallel_loop3A_375, %parallel_loop3A_376], %broadcast_in_dim3A_0 {strides = array<i32>} : memref<4x128x64xf32, #tpu.memory_space<vmem>>, vector<16xf32>,
      %parallel_loop3A_378 = arith.index_cast %parallel_loop3A_297 : i32 to index
      %parallel_loop3A_379 = arith.constant 0 : index
      %parallel_loop3A_380 = tpu.vector_load %arg11[%parallel_loop3A_378, %parallel_loop3A_379] {strides = array<i32>} : memref<128x16xf32, #tpu.memory_space<vmem>>, vector<16xf32>,
      tpu.vector_store %arg11[%parallel_loop3A_378, %parallel_loop3A_379], %broadcast_in_dim3A_2 {strides = array<i32>} : memref<128x16xf32, #tpu.memory_space<vmem>>, vector<16xf32>,
      %parallel_loop3A_381 = arith.index_cast %parallel_loop3A_297 : i32 to index
      %parallel_loop3A_382 = arith.constant 0 : index
      %parallel_loop3A_383 = tpu.vector_load %arg12[%parallel_loop3A_381, %parallel_loop3A_382] {strides = array<i32>} : memref<128x16xf32, #tpu.memory_space<vmem>>, vector<16xf32>,
      tpu.vector_store %arg12[%parallel_loop3A_381, %parallel_loop3A_382], %broadcast_in_dim3A_0 {strides = array<i32>} : memref<128x16xf32, #tpu.memory_space<vmem>>, vector<16xf32>,
    } {sc.loop_unroll_factor = 8 : i64, sc.parallel_access}
    %mul3A = arith.constant 626 : i32
    %mul3A_5 = arith.muli %arg1, %mul3A : i32
    %add3A = arith.constant 0 : i32
    %add3A_6 = arith.addi %mul3A_5, %add3A : i32
    %run_scoped3A = arith.constant 0 : i32
    "tpu.region"() ({
      %run_scoped3A_297 = tpu.sem_alloc : memref<!tpu.dma_semaphore, #tpu.memory_space<semaphore_mem>>
      %dma_start3A_298 = arith.constant 0 : i32
      %dma_start3A_299 = arith.constant 0 : i32
      %dma_start3A_300 = tpu.memref_slice %arg10[%run_scoped3A, %dma_start3A_298, %dma_start3A_299] : memref<4x128x64xf32, #tpu.memory_space<vmem>> -> memref<1x128x64xf32, #tpu.memory_space<vmem>>
      %dma_start3A_301 = tpu.memref_squeeze %dma_start3A_300 : memref<1x128x64xf32, #tpu.memory_space<vmem>> -> memref<128x64xf32, #tpu.memory_space<vmem>>
      %dma_start3A_302 = arith.constant 0 : i32
      %dma_start3A_303 = tpu.memref_slice %arg13[%add3A_6, %dma_start3A_302] : memref<10016x64xf32, #tpu.memory_space<vmem_shared>> -> memref<128x64xf32, #tpu.memory_space<vmem_shared>>
      %dma_start3A_304 = arith.constant 0 : i32
      %dma_start3A_305 = tpu.memref_slice %arg13[%add3A_6, %dma_start3A_304] : memref<10016x64xf32, #tpu.memory_space<vmem_shared>> -> memref<128x64xf32, #tpu.memory_space<vmem_shared>>
      %dma_start3A_306 = arith.constant 0 : i32
      %dma_start3A_307 = arith.constant 0 : i32
      %dma_start3A_308 = tpu.memref_slice %arg10[%run_scoped3A, %dma_start3A_306, %dma_start3A_307] : memref<4x128x64xf32, #tpu.memory_space<vmem>> -> memref<1x128x64xf32, #tpu.memory_space<vmem>>
      %dma_start3A_309 = tpu.memref_squeeze %dma_start3A_308 : memref<1x128x64xf32, #tpu.memory_space<vmem>> -> memref<128x64xf32, #tpu.memory_space<vmem>>
      tpu.enqueue_dma source(%dma_start3A_309 : memref<128x64xf32, #tpu.memory_space<vmem>>) target(%dma_start3A_305 : memref<128x64xf32, #tpu.memory_space<vmem_shared>>) target_semaphore(%run_scoped3A_297 : memref<!tpu.dma_semaphore, #tpu.memory_space<semaphore_mem>>)
      %dma_wait3A_310 = arith.constant 0 : i32
      %dma_wait3A_311 = arith.constant 0 : i32
      %dma_wait3A_312 = tpu.memref_slice %arg10[%run_scoped3A, %dma_wait3A_310, %dma_wait3A_311] : memref<4x128x64xf32, #tpu.memory_space<vmem>> -> memref<1x128x64xf32, #tpu.memory_space<vmem>>
      %dma_wait3A_313 = tpu.memref_squeeze %dma_wait3A_312 : memref<1x128x64xf32, #tpu.memory_space<vmem>> -> memref<128x64xf32, #tpu.memory_space<vmem>>
      %dma_wait3A_314 = arith.constant 0 : i32
      %dma_wait3A_315 = tpu.memref_slice %arg13[%add3A_6, %dma_wait3A_314] : memref<10016x64xf32, #tpu.memory_space<vmem_shared>> -> memref<128x64xf32, #tpu.memory_space<vmem_shared>>
      %dma_wait3A_316 = arith.constant 0 : i32
      %dma_wait3A_317 = tpu.memref_slice %arg13[%add3A_6, %dma_wait3A_316] : memref<10016x64xf32, #tpu.memory_space<vmem_shared>> -> memref<128x64xf32, #tpu.memory_space<vmem_shared>>
      %dma_wait3A_318 = arith.constant 0 : i32
      %dma_wait3A_319 = arith.constant 0 : i32
      %dma_wait3A_320 = tpu.memref_slice %arg10[%run_scoped3A, %dma_wait3A_318, %dma_wait3A_319] : memref<4x128x64xf32, #tpu.memory_space<vmem>> -> memref<1x128x64xf32, #tpu.memory_space<vmem>>
      %dma_wait3A_321 = tpu.memref_squeeze %dma_wait3A_320 : memref<1x128x64xf32, #tpu.memory_space<vmem>> -> memref<128x64xf32, #tpu.memory_space<vmem>>
      tpu.wait_dma2 semaphore(%run_scoped3A_297 : memref<!tpu.dma_semaphore, #tpu.memory_space<semaphore_mem>>) src(%dma_wait3A_321 : memref<128x64xf32, #tpu.memory_space<vmem>>) dst(%dma_wait3A_317 : memref<128x64xf32, #tpu.memory_space<vmem_shared>>)
      tpu.yield
    }) : () -> ()
    %mul3A_7 = arith.constant 626 : i32
    %mul3A_8 = arith.muli %arg1, %mul3A_7 : i32
    %add3A_9 = arith.constant 128 : i32
    %add3A_10 = arith.addi %mul3A_8, %add3A_9 : i32
    %run_scoped3A_11 = arith.constant 1 : i32
    "tpu.region"() ({
      %run_scoped3A_297 = tpu.sem_alloc : memref<!tpu.dma_semaphore, #tpu.memory_space<semaphore_mem>>
      %dma_start3A_298 = arith.constant 0 : i32
      %dma_start3A_299 = arith.constant 0 : i32
      %dma_start3A_300 = tpu.memref_slice %arg10[%run_scoped3A_11, %dma_start3A_298, %dma_start3A_299] : memref<4x128x64xf32, #tpu.memory_space<vmem>> -> memref<1x128x64xf32, #tpu.memory_space<vmem>>
      %dma_start3A_301 = tpu.memref_squeeze %dma_start3A_300 : memref<1x128x64xf32, #tpu.memory_space<vmem>> -> memref<128x64xf32, #tpu.memory_space<vmem>>
      %dma_start3A_302 = arith.constant 0 : i32
      %dma_start3A_303 = tpu.memref_slice %arg13[%add3A_10, %dma_start3A_302] : memref<10016x64xf32, #tpu.memory_space<vmem_shared>> -> memref<128x64xf32, #tpu.memory_space<vmem_shared>>
      %dma_start3A_304 = arith.constant 0 : i32
      %dma_start3A_305 = tpu.memref_slice %arg13[%add3A_10, %dma_start3A_304] : memref<10016x64xf32, #tpu.memory_space<vmem_shared>> -> memref<128x64xf32, #tpu.memory_space<vmem_shared>>
      %dma_start3A_306 = arith.constant 0 : i32
      %dma_start3A_307 = arith.constant 0 : i32
      %dma_start3A_308 = tpu.memref_slice %arg10[%run_scoped3A_11, %dma_start3A_306, %dma_start3A_307] : memref<4x128x64xf32, #tpu.memory_space<vmem>> -> memref<1x128x64xf32, #tpu.memory_space<vmem>>
      %dma_start3A_309 = tpu.memref_squeeze %dma_start3A_308 : memref<1x128x64xf32, #tpu.memory_space<vmem>> -> memref<128x64xf32, #tpu.memory_space<vmem>>
      tpu.enqueue_dma source(%dma_start3A_309 : memref<128x64xf32, #tpu.memory_space<vmem>>) target(%dma_start3A_305 : memref<128x64xf32, #tpu.memory_space<vmem_shared>>) target_semaphore(%run_scoped3A_297 : memref<!tpu.dma_semaphore, #tpu.memory_space<semaphore_mem>>)
      %dma_wait3A_310 = arith.constant 0 : i32
      %dma_wait3A_311 = arith.constant 0 : i32
      %dma_wait3A_312 = tpu.memref_slice %arg10[%run_scoped3A_11, %dma_wait3A_310, %dma_wait3A_311] : memref<4x128x64xf32, #tpu.memory_space<vmem>> -> memref<1x128x64xf32, #tpu.memory_space<vmem>>
      %dma_wait3A_313 = tpu.memref_squeeze %dma_wait3A_312 : memref<1x128x64xf32, #tpu.memory_space<vmem>> -> memref<128x64xf32, #tpu.memory_space<vmem>>
      %dma_wait3A_314 = arith.constant 0 : i32
      %dma_wait3A_315 = tpu.memref_slice %arg13[%add3A_10, %dma_wait3A_314] : memref<10016x64xf32, #tpu.memory_space<vmem_shared>> -> memref<128x64xf32, #tpu.memory_space<vmem_shared>>
      %dma_wait3A_316 = arith.constant 0 : i32
      %dma_wait3A_317 = tpu.memref_slice %arg13[%add3A_10, %dma_wait3A_316] : memref<10016x64xf32, #tpu.memory_space<vmem_shared>> -> memref<128x64xf32, #tpu.memory_space<vmem_shared>>
      %dma_wait3A_318 = arith.constant 0 : i32
      %dma_wait3A_319 = arith.constant 0 : i32
      %dma_wait3A_320 = tpu.memref_slice %arg10[%run_scoped3A_11, %dma_wait3A_318, %dma_wait3A_319] : memref<4x128x64xf32, #tpu.memory_space<vmem>> -> memref<1x128x64xf32, #tpu.memory_space<vmem>>
      %dma_wait3A_321 = tpu.memref_squeeze %dma_wait3A_320 : memref<1x128x64xf32, #tpu.memory_space<vmem>> -> memref<128x64xf32, #tpu.memory_space<vmem>>
      tpu.wait_dma2 semaphore(%run_scoped3A_297 : memref<!tpu.dma_semaphore, #tpu.memory_space<semaphore_mem>>) src(%dma_wait3A_321 : memref<128x64xf32, #tpu.memory_space<vmem>>) dst(%dma_wait3A_317 : memref<128x64xf32, #tpu.memory_space<vmem_shared>>)
      tpu.yield
    }) : () -> ()
    %mul3A_12 = arith.constant 626 : i32
    %mul3A_13 = arith.muli %arg1, %mul3A_12 : i32
    %add3A_14 = arith.constant 256 : i32
    %add3A_15 = arith.addi %mul3A_13, %add3A_14 : i32
    %run_scoped3A_16 = arith.constant 2 : i32
    "tpu.region"() ({
      %run_scoped3A_297 = tpu.sem_alloc : memref<!tpu.dma_semaphore, #tpu.memory_space<semaphore_mem>>
      %dma_start3A_298 = arith.constant 0 : i32
      %dma_start3A_299 = arith.constant 0 : i32
      %dma_start3A_300 = tpu.memref_slice %arg10[%run_scoped3A_16, %dma_start3A_298, %dma_start3A_299] : memref<4x128x64xf32, #tpu.memory_space<vmem>> -> memref<1x128x64xf32, #tpu.memory_space<vmem>>
      %dma_start3A_301 = tpu.memref_squeeze %dma_start3A_300 : memref<1x128x64xf32, #tpu.memory_space<vmem>> -> memref<128x64xf32, #tpu.memory_space<vmem>>
      %dma_start3A_302 = arith.constant 0 : i32
      %dma_start3A_303 = tpu.memref_slice %arg13[%add3A_15, %dma_start3A_302] : memref<10016x64xf32, #tpu.memory_space<vmem_shared>> -> memref<128x64xf32, #tpu.memory_space<vmem_shared>>
      %dma_start3A_304 = arith.constant 0 : i32
      %dma_start3A_305 = tpu.memref_slice %arg13[%add3A_15, %dma_start3A_304] : memref<10016x64xf32, #tpu.memory_space<vmem_shared>> -> memref<128x64xf32, #tpu.memory_space<vmem_shared>>
      %dma_start3A_306 = arith.constant 0 : i32
      %dma_start3A_307 = arith.constant 0 : i32
      %dma_start3A_308 = tpu.memref_slice %arg10[%run_scoped3A_16, %dma_start3A_306, %dma_start3A_307] : memref<4x128x64xf32, #tpu.memory_space<vmem>> -> memref<1x128x64xf32, #tpu.memory_space<vmem>>
      %dma_start3A_309 = tpu.memref_squeeze %dma_start3A_308 : memref<1x128x64xf32, #tpu.memory_space<vmem>> -> memref<128x64xf32, #tpu.memory_space<vmem>>
      tpu.enqueue_dma source(%dma_start3A_309 : memref<128x64xf32, #tpu.memory_space<vmem>>) target(%dma_start3A_305 : memref<128x64xf32, #tpu.memory_space<vmem_shared>>) target_semaphore(%run_scoped3A_297 : memref<!tpu.dma_semaphore, #tpu.memory_space<semaphore_mem>>)
      %dma_wait3A_310 = arith.constant 0 : i32
      %dma_wait3A_311 = arith.constant 0 : i32
      %dma_wait3A_312 = tpu.memref_slice %arg10[%run_scoped3A_16, %dma_wait3A_310, %dma_wait3A_311] : memref<4x128x64xf32, #tpu.memory_space<vmem>> -> memref<1x128x64xf32, #tpu.memory_space<vmem>>
      %dma_wait3A_313 = tpu.memref_squeeze %dma_wait3A_312 : memref<1x128x64xf32, #tpu.memory_space<vmem>> -> memref<128x64xf32, #tpu.memory_space<vmem>>
      %dma_wait3A_314 = arith.constant 0 : i32
      %dma_wait3A_315 = tpu.memref_slice %arg13[%add3A_15, %dma_wait3A_314] : memref<10016x64xf32, #tpu.memory_space<vmem_shared>> -> memref<128x64xf32, #tpu.memory_space<vmem_shared>>
      %dma_wait3A_316 = arith.constant 0 : i32
      %dma_wait3A_317 = tpu.memref_slice %arg13[%add3A_15, %dma_wait3A_316] : memref<10016x64xf32, #tpu.memory_space<vmem_shared>> -> memref<128x64xf32, #tpu.memory_space<vmem_shared>>
      %dma_wait3A_318 = arith.constant 0 : i32
      %dma_wait3A_319 = arith.constant 0 : i32
      %dma_wait3A_320 = tpu.memref_slice %arg10[%run_scoped3A_16, %dma_wait3A_318, %dma_wait3A_319] : memref<4x128x64xf32, #tpu.memory_space<vmem>> -> memref<1x128x64xf32, #tpu.memory_space<vmem>>
      %dma_wait3A_321 = tpu.memref_squeeze %dma_wait3A_320 : memref<1x128x64xf32, #tpu.memory_space<vmem>> -> memref<128x64xf32, #tpu.memory_space<vmem>>
      tpu.wait_dma2 semaphore(%run_scoped3A_297 : memref<!tpu.dma_semaphore, #tpu.memory_space<semaphore_mem>>) src(%dma_wait3A_321 : memref<128x64xf32, #tpu.memory_space<vmem>>) dst(%dma_wait3A_317 : memref<128x64xf32, #tpu.memory_space<vmem_shared>>)
      tpu.yield
    }) : () -> ()
    %mul3A_17 = arith.constant 626 : i32
    %mul3A_18 = arith.muli %arg1, %mul3A_17 : i32
    %add3A_19 = arith.constant 384 : i32
    %add3A_20 = arith.addi %mul3A_18, %add3A_19 : i32
    %run_scoped3A_21 = arith.constant 3 : i32
    "tpu.region"() ({
      %run_scoped3A_297 = tpu.sem_alloc : memref<!tpu.dma_semaphore, #tpu.memory_space<semaphore_mem>>
      %dma_start3A_298 = arith.constant 0 : i32
      %dma_start3A_299 = arith.constant 0 : i32
      %dma_start3A_300 = tpu.memref_slice %arg10[%run_scoped3A_21, %dma_start3A_298, %dma_start3A_299] : memref<4x128x64xf32, #tpu.memory_space<vmem>> -> memref<1x128x64xf32, #tpu.memory_space<vmem>>
      %dma_start3A_301 = tpu.memref_squeeze %dma_start3A_300 : memref<1x128x64xf32, #tpu.memory_space<vmem>> -> memref<128x64xf32, #tpu.memory_space<vmem>>
      %dma_start3A_302 = arith.constant 0 : i32
      %dma_start3A_303 = tpu.memref_slice %arg13[%add3A_20, %dma_start3A_302] : memref<10016x64xf32, #tpu.memory_space<vmem_shared>> -> memref<128x64xf32, #tpu.memory_space<vmem_shared>>
      %dma_start3A_304 = arith.constant 0 : i32
      %dma_start3A_305 = tpu.memref_slice %arg13[%add3A_20, %dma_start3A_304] : memref<10016x64xf32, #tpu.memory_space<vmem_shared>> -> memref<128x64xf32, #tpu.memory_space<vmem_shared>>
      %dma_start3A_306 = arith.constant 0 : i32
      %dma_start3A_307 = arith.constant 0 : i32
      %dma_start3A_308 = tpu.memref_slice %arg10[%run_scoped3A_21, %dma_start3A_306, %dma_start3A_307] : memref<4x128x64xf32, #tpu.memory_space<vmem>> -> memref<1x128x64xf32, #tpu.memory_space<vmem>>
      %dma_start3A_309 = tpu.memref_squeeze %dma_start3A_308 : memref<1x128x64xf32, #tpu.memory_space<vmem>> -> memref<128x64xf32, #tpu.memory_space<vmem>>
      tpu.enqueue_dma source(%dma_start3A_309 : memref<128x64xf32, #tpu.memory_space<vmem>>) target(%dma_start3A_305 : memref<128x64xf32, #tpu.memory_space<vmem_shared>>) target_semaphore(%run_scoped3A_297 : memref<!tpu.dma_semaphore, #tpu.memory_space<semaphore_mem>>)
      %dma_wait3A_310 = arith.constant 0 : i32
      %dma_wait3A_311 = arith.constant 0 : i32
      %dma_wait3A_312 = tpu.memref_slice %arg10[%run_scoped3A_21, %dma_wait3A_310, %dma_wait3A_311] : memref<4x128x64xf32, #tpu.memory_space<vmem>> -> memref<1x128x64xf32, #tpu.memory_space<vmem>>
      %dma_wait3A_313 = tpu.memref_squeeze %dma_wait3A_312 : memref<1x128x64xf32, #tpu.memory_space<vmem>> -> memref<128x64xf32, #tpu.memory_space<vmem>>
      %dma_wait3A_314 = arith.constant 0 : i32
      %dma_wait3A_315 = tpu.memref_slice %arg13[%add3A_20, %dma_wait3A_314] : memref<10016x64xf32, #tpu.memory_space<vmem_shared>> -> memref<128x64xf32, #tpu.memory_space<vmem_shared>>
      %dma_wait3A_316 = arith.constant 0 : i32
      %dma_wait3A_317 = tpu.memref_slice %arg13[%add3A_20, %dma_wait3A_316] : memref<10016x64xf32, #tpu.memory_space<vmem_shared>> -> memref<128x64xf32, #tpu.memory_space<vmem_shared>>
      %dma_wait3A_318 = arith.constant 0 : i32
      %dma_wait3A_319 = arith.constant 0 : i32
      %dma_wait3A_320 = tpu.memref_slice %arg10[%run_scoped3A_21, %dma_wait3A_318, %dma_wait3A_319] : memref<4x128x64xf32, #tpu.memory_space<vmem>> -> memref<1x128x64xf32, #tpu.memory_space<vmem>>
      %dma_wait3A_321 = tpu.memref_squeeze %dma_wait3A_320 : memref<1x128x64xf32, #tpu.memory_space<vmem>> -> memref<128x64xf32, #tpu.memory_space<vmem>>
      tpu.wait_dma2 semaphore(%run_scoped3A_297 : memref<!tpu.dma_semaphore, #tpu.memory_space<semaphore_mem>>) src(%dma_wait3A_321 : memref<128x64xf32, #tpu.memory_space<vmem>>) dst(%dma_wait3A_317 : memref<128x64xf32, #tpu.memory_space<vmem_shared>>)
      tpu.yield
    }) : () -> ()
    %mul3A_22 = arith.constant 626 : i32
    %mul3A_23 = arith.muli %arg1, %mul3A_22 : i32
    %add3A_24 = arith.constant 512 : i32
    %add3A_25 = arith.addi %mul3A_23, %add3A_24 : i32
    %run_scoped3A_26 = arith.constant 0 : i32
    "tpu.region"() ({
      %run_scoped3A_297 = tpu.sem_alloc : memref<!tpu.dma_semaphore, #tpu.memory_space<semaphore_mem>>
      %dma_start3A_298 = arith.constant 0 : i32
      %dma_start3A_299 = arith.constant 0 : i32
      %dma_start3A_300 = tpu.memref_slice %arg10[%run_scoped3A_26, %dma_start3A_298, %dma_start3A_299] : memref<4x128x64xf32, #tpu.memory_space<vmem>> -> memref<1x114x64xf32, #tpu.memory_space<vmem>>
      %dma_start3A_301 = tpu.memref_squeeze %dma_start3A_300 : memref<1x114x64xf32, #tpu.memory_space<vmem>> -> memref<114x64xf32, #tpu.memory_space<vmem>>
      %dma_start3A_302 = arith.constant 0 : i32
      %dma_start3A_303 = tpu.memref_slice %arg13[%add3A_25, %dma_start3A_302] : memref<10016x64xf32, #tpu.memory_space<vmem_shared>> -> memref<114x64xf32, #tpu.memory_space<vmem_shared>>
      %dma_start3A_304 = arith.constant 0 : i32
      %dma_start3A_305 = tpu.memref_slice %arg13[%add3A_25, %dma_start3A_304] : memref<10016x64xf32, #tpu.memory_space<vmem_shared>> -> memref<114x64xf32, #tpu.memory_space<vmem_shared>>
      %dma_start3A_306 = arith.constant 0 : i32
      %dma_start3A_307 = arith.constant 0 : i32
      %dma_start3A_308 = tpu.memref_slice %arg10[%run_scoped3A_26, %dma_start3A_306, %dma_start3A_307] : memref<4x128x64xf32, #tpu.memory_space<vmem>> -> memref<1x114x64xf32, #tpu.memory_space<vmem>>
      %dma_start3A_309 = tpu.memref_squeeze %dma_start3A_308 : memref<1x114x64xf32, #tpu.memory_space<vmem>> -> memref<114x64xf32, #tpu.memory_space<vmem>>
      tpu.enqueue_dma source(%dma_start3A_309 : memref<114x64xf32, #tpu.memory_space<vmem>>) target(%dma_start3A_305 : memref<114x64xf32, #tpu.memory_space<vmem_shared>>) target_semaphore(%run_scoped3A_297 : memref<!tpu.dma_semaphore, #tpu.memory_space<semaphore_mem>>)
      %dma_wait3A_310 = arith.constant 0 : i32
      %dma_wait3A_311 = arith.constant 0 : i32
      %dma_wait3A_312 = tpu.memref_slice %arg10[%run_scoped3A_26, %dma_wait3A_310, %dma_wait3A_311] : memref<4x128x64xf32, #tpu.memory_space<vmem>> -> memref<1x114x64xf32, #tpu.memory_space<vmem>>
      %dma_wait3A_313 = tpu.memref_squeeze %dma_wait3A_312 : memref<1x114x64xf32, #tpu.memory_space<vmem>> -> memref<114x64xf32, #tpu.memory_space<vmem>>
      %dma_wait3A_314 = arith.constant 0 : i32
      %dma_wait3A_315 = tpu.memref_slice %arg13[%add3A_25, %dma_wait3A_314] : memref<10016x64xf32, #tpu.memory_space<vmem_shared>> -> memref<114x64xf32, #tpu.memory_space<vmem_shared>>
      %dma_wait3A_316 = arith.constant 0 : i32
      %dma_wait3A_317 = tpu.memref_slice %arg13[%add3A_25, %dma_wait3A_316] : memref<10016x64xf32, #tpu.memory_space<vmem_shared>> -> memref<114x64xf32, #tpu.memory_space<vmem_shared>>
      %dma_wait3A_318 = arith.constant 0 : i32
      %dma_wait3A_319 = arith.constant 0 : i32
      %dma_wait3A_320 = tpu.memref_slice %arg10[%run_scoped3A_26, %dma_wait3A_318, %dma_wait3A_319] : memref<4x128x64xf32, #tpu.memory_space<vmem>> -> memref<1x114x64xf32, #tpu.memory_space<vmem>>
      %dma_wait3A_321 = tpu.memref_squeeze %dma_wait3A_320 : memref<1x114x64xf32, #tpu.memory_space<vmem>> -> memref<114x64xf32, #tpu.memory_space<vmem>>
      tpu.wait_dma2 semaphore(%run_scoped3A_297 : memref<!tpu.dma_semaphore, #tpu.memory_space<semaphore_mem>>) src(%dma_wait3A_321 : memref<114x64xf32, #tpu.memory_space<vmem>>) dst(%dma_wait3A_317 : memref<114x64xf32, #tpu.memory_space<vmem_shared>>)
      tpu.yield
    }) : () -> ()
    %mul3A_27 = arith.constant 626 : i32
    %mul3A_28 = arith.muli %arg1, %mul3A_27 : i32
    %add3A_29 = arith.constant 0 : i32
    %add3A_30 = arith.addi %mul3A_28, %add3A_29 : i32
    "tpu.region"() ({
      %run_scoped3A_297 = tpu.sem_alloc : memref<!tpu.dma_semaphore, #tpu.memory_space<semaphore_mem>>
      %dma_start3A_298 = arith.constant 0 : i32
      %dma_start3A_299 = arith.constant 0 : i32
      %dma_start3A_300 = tpu.memref_slice %arg12[%dma_start3A_298, %dma_start3A_299] : memref<128x16xf32, #tpu.memory_space<vmem>> -> memref<128x16xf32, #tpu.memory_space<vmem>>
      %dma_start3A_301 = arith.constant 0 : i32
      %dma_start3A_302 = tpu.memref_slice %arg14[%add3A_30, %dma_start3A_301] : memref<10016x16xf32, #tpu.memory_space<vmem_shared>> -> memref<128x16xf32, #tpu.memory_space<vmem_shared>>
      %dma_start3A_303 = arith.constant 0 : i32
      %dma_start3A_304 = tpu.memref_slice %arg14[%add3A_30, %dma_start3A_303] : memref<10016x16xf32, #tpu.memory_space<vmem_shared>> -> memref<128x16xf32, #tpu.memory_space<vmem_shared>>
      %dma_start3A_305 = arith.constant 0 : i32
      %dma_start3A_306 = arith.constant 0 : i32
      %dma_start3A_307 = tpu.memref_slice %arg12[%dma_start3A_305, %dma_start3A_306] : memref<128x16xf32, #tpu.memory_space<vmem>> -> memref<128x16xf32, #tpu.memory_space<vmem>>
      tpu.enqueue_dma source(%dma_start3A_307 : memref<128x16xf32, #tpu.memory_space<vmem>>) target(%dma_start3A_304 : memref<128x16xf32, #tpu.memory_space<vmem_shared>>) target_semaphore(%run_scoped3A_297 : memref<!tpu.dma_semaphore, #tpu.memory_space<semaphore_mem>>)
      %dma_wait3A_308 = arith.constant 0 : i32
      %dma_wait3A_309 = arith.constant 0 : i32
      %dma_wait3A_310 = tpu.memref_slice %arg12[%dma_wait3A_308, %dma_wait3A_309] : memref<128x16xf32, #tpu.memory_space<vmem>> -> memref<128x16xf32, #tpu.memory_space<vmem>>
      %dma_wait3A_311 = arith.constant 0 : i32
      %dma_wait3A_312 = tpu.memref_slice %arg14[%add3A_30, %dma_wait3A_311] : memref<10016x16xf32, #tpu.memory_space<vmem_shared>> -> memref<128x16xf32, #tpu.memory_space<vmem_shared>>
      %dma_wait3A_313 = arith.constant 0 : i32
      %dma_wait3A_314 = tpu.memref_slice %arg14[%add3A_30, %dma_wait3A_313] : memref<10016x16xf32, #tpu.memory_space<vmem_shared>> -> memref<128x16xf32, #tpu.memory_space<vmem_shared>>
      %dma_wait3A_315 = arith.constant 0 : i32
      %dma_wait3A_316 = arith.constant 0 : i32
      %dma_wait3A_317 = tpu.memref_slice %arg12[%dma_wait3A_315, %dma_wait3A_316] : memref<128x16xf32, #tpu.memory_space<vmem>> -> memref<128x16xf32, #tpu.memory_space<vmem>>
      tpu.wait_dma2 semaphore(%run_scoped3A_297 : memref<!tpu.dma_semaphore, #tpu.memory_space<semaphore_mem>>) src(%dma_wait3A_317 : memref<128x16xf32, #tpu.memory_space<vmem>>) dst(%dma_wait3A_314 : memref<128x16xf32, #tpu.memory_space<vmem_shared>>)
      tpu.yield
    }) : () -> ()
    %mul3A_31 = arith.constant 626 : i32
    %mul3A_32 = arith.muli %arg1, %mul3A_31 : i32
    %add3A_33 = arith.constant 128 : i32
    %add3A_34 = arith.addi %mul3A_32, %add3A_33 : i32
    "tpu.region"() ({
      %run_scoped3A_297 = tpu.sem_alloc : memref<!tpu.dma_semaphore, #tpu.memory_space<semaphore_mem>>
      %dma_start3A_298 = arith.constant 0 : i32
      %dma_start3A_299 = arith.constant 0 : i32
      %dma_start3A_300 = tpu.memref_slice %arg12[%dma_start3A_298, %dma_start3A_299] : memref<128x16xf32, #tpu.memory_space<vmem>> -> memref<128x16xf32, #tpu.memory_space<vmem>>
      %dma_start3A_301 = arith.constant 0 : i32
      %dma_start3A_302 = tpu.memref_slice %arg14[%add3A_34, %dma_start3A_301] : memref<10016x16xf32, #tpu.memory_space<vmem_shared>> -> memref<128x16xf32, #tpu.memory_space<vmem_shared>>
      %dma_start3A_303 = arith.constant 0 : i32
      %dma_start3A_304 = tpu.memref_slice %arg14[%add3A_34, %dma_start3A_303] : memref<10016x16xf32, #tpu.memory_space<vmem_shared>> -> memref<128x16xf32, #tpu.memory_space<vmem_shared>>
      %dma_start3A_305 = arith.constant 0 : i32
      %dma_start3A_306 = arith.constant 0 : i32
      %dma_start3A_307 = tpu.memref_slice %arg12[%dma_start3A_305, %dma_start3A_306] : memref<128x16xf32, #tpu.memory_space<vmem>> -> memref<128x16xf32, #tpu.memory_space<vmem>>
      tpu.enqueue_dma source(%dma_start3A_307 : memref<128x16xf32, #tpu.memory_space<vmem>>) target(%dma_start3A_304 : memref<128x16xf32, #tpu.memory_space<vmem_shared>>) target_semaphore(%run_scoped3A_297 : memref<!tpu.dma_semaphore, #tpu.memory_space<semaphore_mem>>)
      %dma_wait3A_308 = arith.constant 0 : i32
      %dma_wait3A_309 = arith.constant 0 : i32
      %dma_wait3A_310 = tpu.memref_slice %arg12[%dma_wait3A_308, %dma_wait3A_309] : memref<128x16xf32, #tpu.memory_space<vmem>> -> memref<128x16xf32, #tpu.memory_space<vmem>>
      %dma_wait3A_311 = arith.constant 0 : i32
      %dma_wait3A_312 = tpu.memref_slice %arg14[%add3A_34, %dma_wait3A_311] : memref<10016x16xf32, #tpu.memory_space<vmem_shared>> -> memref<128x16xf32, #tpu.memory_space<vmem_shared>>
      %dma_wait3A_313 = arith.constant 0 : i32
      %dma_wait3A_314 = tpu.memref_slice %arg14[%add3A_34, %dma_wait3A_313] : memref<10016x16xf32, #tpu.memory_space<vmem_shared>> -> memref<128x16xf32, #tpu.memory_space<vmem_shared>>
      %dma_wait3A_315 = arith.constant 0 : i32
      %dma_wait3A_316 = arith.constant 0 : i32
      %dma_wait3A_317 = tpu.memref_slice %arg12[%dma_wait3A_315, %dma_wait3A_316] : memref<128x16xf32, #tpu.memory_space<vmem>> -> memref<128x16xf32, #tpu.memory_space<vmem>>
      tpu.wait_dma2 semaphore(%run_scoped3A_297 : memref<!tpu.dma_semaphore, #tpu.memory_space<semaphore_mem>>) src(%dma_wait3A_317 : memref<128x16xf32, #tpu.memory_space<vmem>>) dst(%dma_wait3A_314 : memref<128x16xf32, #tpu.memory_space<vmem_shared>>)
      tpu.yield
    }) : () -> ()
    %mul3A_35 = arith.constant 626 : i32
    %mul3A_36 = arith.muli %arg1, %mul3A_35 : i32
    %add3A_37 = arith.constant 256 : i32
    %add3A_38 = arith.addi %mul3A_36, %add3A_37 : i32
    "tpu.region"() ({
      %run_scoped3A_297 = tpu.sem_alloc : memref<!tpu.dma_semaphore, #tpu.memory_space<semaphore_mem>>
      %dma_start3A_298 = arith.constant 0 : i32
      %dma_start3A_299 = arith.constant 0 : i32
      %dma_start3A_300 = tpu.memref_slice %arg12[%dma_start3A_298, %dma_start3A_299] : memref<128x16xf32, #tpu.memory_space<vmem>> -> memref<128x16xf32, #tpu.memory_space<vmem>>
      %dma_start3A_301 = arith.constant 0 : i32
      %dma_start3A_302 = tpu.memref_slice %arg14[%add3A_38, %dma_start3A_301] : memref<10016x16xf32, #tpu.memory_space<vmem_shared>> -> memref<128x16xf32, #tpu.memory_space<vmem_shared>>
      %dma_start3A_303 = arith.constant 0 : i32
      %dma_start3A_304 = tpu.memref_slice %arg14[%add3A_38, %dma_start3A_303] : memref<10016x16xf32, #tpu.memory_space<vmem_shared>> -> memref<128x16xf32, #tpu.memory_space<vmem_shared>>
      %dma_start3A_305 = arith.constant 0 : i32
      %dma_start3A_306 = arith.constant 0 : i32
      %dma_start3A_307 = tpu.memref_slice %arg12[%dma_start3A_305, %dma_start3A_306] : memref<128x16xf32, #tpu.memory_space<vmem>> -> memref<128x16xf32, #tpu.memory_space<vmem>>
      tpu.enqueue_dma source(%dma_start3A_307 : memref<128x16xf32, #tpu.memory_space<vmem>>) target(%dma_start3A_304 : memref<128x16xf32, #tpu.memory_space<vmem_shared>>) target_semaphore(%run_scoped3A_297 : memref<!tpu.dma_semaphore, #tpu.memory_space<semaphore_mem>>)
      %dma_wait3A_308 = arith.constant 0 : i32
      %dma_wait3A_309 = arith.constant 0 : i32
      %dma_wait3A_310 = tpu.memref_slice %arg12[%dma_wait3A_308, %dma_wait3A_309] : memref<128x16xf32, #tpu.memory_space<vmem>> -> memref<128x16xf32, #tpu.memory_space<vmem>>
      %dma_wait3A_311 = arith.constant 0 : i32
      %dma_wait3A_312 = tpu.memref_slice %arg14[%add3A_38, %dma_wait3A_311] : memref<10016x16xf32, #tpu.memory_space<vmem_shared>> -> memref<128x16xf32, #tpu.memory_space<vmem_shared>>
      %dma_wait3A_313 = arith.constant 0 : i32
      %dma_wait3A_314 = tpu.memref_slice %arg14[%add3A_38, %dma_wait3A_313] : memref<10016x16xf32, #tpu.memory_space<vmem_shared>> -> memref<128x16xf32, #tpu.memory_space<vmem_shared>>
      %dma_wait3A_315 = arith.constant 0 : i32
      %dma_wait3A_316 = arith.constant 0 : i32
      %dma_wait3A_317 = tpu.memref_slice %arg12[%dma_wait3A_315, %dma_wait3A_316] : memref<128x16xf32, #tpu.memory_space<vmem>> -> memref<128x16xf32, #tpu.memory_space<vmem>>
      tpu.wait_dma2 semaphore(%run_scoped3A_297 : memref<!tpu.dma_semaphore, #tpu.memory_space<semaphore_mem>>) src(%dma_wait3A_317 : memref<128x16xf32, #tpu.memory_space<vmem>>) dst(%dma_wait3A_314 : memref<128x16xf32, #tpu.memory_space<vmem_shared>>)
      tpu.yield
    }) : () -> ()
    %mul3A_39 = arith.constant 626 : i32
    %mul3A_40 = arith.muli %arg1, %mul3A_39 : i32
    %add3A_41 = arith.constant 384 : i32
    %add3A_42 = arith.addi %mul3A_40, %add3A_41 : i32
    "tpu.region"() ({
      %run_scoped3A_297 = tpu.sem_alloc : memref<!tpu.dma_semaphore, #tpu.memory_space<semaphore_mem>>
      %dma_start3A_298 = arith.constant 0 : i32
      %dma_start3A_299 = arith.constant 0 : i32
      %dma_start3A_300 = tpu.memref_slice %arg12[%dma_start3A_298, %dma_start3A_299] : memref<128x16xf32, #tpu.memory_space<vmem>> -> memref<128x16xf32, #tpu.memory_space<vmem>>
      %dma_start3A_301 = arith.constant 0 : i32
      %dma_start3A_302 = tpu.memref_slice %arg14[%add3A_42, %dma_start3A_301] : memref<10016x16xf32, #tpu.memory_space<vmem_shared>> -> memref<128x16xf32, #tpu.memory_space<vmem_shared>>
      %dma_start3A_303 = arith.constant 0 : i32
      %dma_start3A_304 = tpu.memref_slice %arg14[%add3A_42, %dma_start3A_303] : memref<10016x16xf32, #tpu.memory_space<vmem_shared>> -> memref<128x16xf32, #tpu.memory_space<vmem_shared>>
      %dma_start3A_305 = arith.constant 0 : i32
      %dma_start3A_306 = arith.constant 0 : i32
      %dma_start3A_307 = tpu.memref_slice %arg12[%dma_start3A_305, %dma_start3A_306] : memref<128x16xf32, #tpu.memory_space<vmem>> -> memref<128x16xf32, #tpu.memory_space<vmem>>
      tpu.enqueue_dma source(%dma_start3A_307 : memref<128x16xf32, #tpu.memory_space<vmem>>) target(%dma_start3A_304 : memref<128x16xf32, #tpu.memory_space<vmem_shared>>) target_semaphore(%run_scoped3A_297 : memref<!tpu.dma_semaphore, #tpu.memory_space<semaphore_mem>>)
      %dma_wait3A_308 = arith.constant 0 : i32
      %dma_wait3A_309 = arith.constant 0 : i32
      %dma_wait3A_310 = tpu.memref_slice %arg12[%dma_wait3A_308, %dma_wait3A_309] : memref<128x16xf32, #tpu.memory_space<vmem>> -> memref<128x16xf32, #tpu.memory_space<vmem>>
      %dma_wait3A_311 = arith.constant 0 : i32
      %dma_wait3A_312 = tpu.memref_slice %arg14[%add3A_42, %dma_wait3A_311] : memref<10016x16xf32, #tpu.memory_space<vmem_shared>> -> memref<128x16xf32, #tpu.memory_space<vmem_shared>>
      %dma_wait3A_313 = arith.constant 0 : i32
      %dma_wait3A_314 = tpu.memref_slice %arg14[%add3A_42, %dma_wait3A_313] : memref<10016x16xf32, #tpu.memory_space<vmem_shared>> -> memref<128x16xf32, #tpu.memory_space<vmem_shared>>
      %dma_wait3A_315 = arith.constant 0 : i32
      %dma_wait3A_316 = arith.constant 0 : i32
      %dma_wait3A_317 = tpu.memref_slice %arg12[%dma_wait3A_315, %dma_wait3A_316] : memref<128x16xf32, #tpu.memory_space<vmem>> -> memref<128x16xf32, #tpu.memory_space<vmem>>
      tpu.wait_dma2 semaphore(%run_scoped3A_297 : memref<!tpu.dma_semaphore, #tpu.memory_space<semaphore_mem>>) src(%dma_wait3A_317 : memref<128x16xf32, #tpu.memory_space<vmem>>) dst(%dma_wait3A_314 : memref<128x16xf32, #tpu.memory_space<vmem_shared>>)
      tpu.yield
    }) : () -> ()
    %mul3A_43 = arith.constant 626 : i32
    %mul3A_44 = arith.muli %arg1, %mul3A_43 : i32
    %add3A_45 = arith.constant 512 : i32
    %add3A_46 = arith.addi %mul3A_44, %add3A_45 : i32
    "tpu.region"() ({
      %run_scoped3A_297 = tpu.sem_alloc : memref<!tpu.dma_semaphore, #tpu.memory_space<semaphore_mem>>
      %dma_start3A_298 = arith.constant 0 : i32
      %dma_start3A_299 = arith.constant 0 : i32
      %dma_start3A_300 = tpu.memref_slice %arg12[%dma_start3A_298, %dma_start3A_299] : memref<128x16xf32, #tpu.memory_space<vmem>> -> memref<114x16xf32, #tpu.memory_space<vmem>>
      %dma_start3A_301 = arith.constant 0 : i32
      %dma_start3A_302 = tpu.memref_slice %arg14[%add3A_46, %dma_start3A_301] : memref<10016x16xf32, #tpu.memory_space<vmem_shared>> -> memref<114x16xf32, #tpu.memory_space<vmem_shared>>
      %dma_start3A_303 = arith.constant 0 : i32
      %dma_start3A_304 = tpu.memref_slice %arg14[%add3A_46, %dma_start3A_303] : memref<10016x16xf32, #tpu.memory_space<vmem_shared>> -> memref<114x16xf32, #tpu.memory_space<vmem_shared>>
      %dma_start3A_305 = arith.constant 0 : i32
      %dma_start3A_306 = arith.constant 0 : i32
      %dma_start3A_307 = tpu.memref_slice %arg12[%dma_start3A_305, %dma_start3A_306] : memref<128x16xf32, #tpu.memory_space<vmem>> -> memref<114x16xf32, #tpu.memory_space<vmem>>
      tpu.enqueue_dma source(%dma_start3A_307 : memref<114x16xf32, #tpu.memory_space<vmem>>) target(%dma_start3A_304 : memref<114x16xf32, #tpu.memory_space<vmem_shared>>) target_semaphore(%run_scoped3A_297 : memref<!tpu.dma_semaphore, #tpu.memory_space<semaphore_mem>>)
      %dma_wait3A_308 = arith.constant 0 : i32
      %dma_wait3A_309 = arith.constant 0 : i32
      %dma_wait3A_310 = tpu.memref_slice %arg12[%dma_wait3A_308, %dma_wait3A_309] : memref<128x16xf32, #tpu.memory_space<vmem>> -> memref<114x16xf32, #tpu.memory_space<vmem>>
      %dma_wait3A_311 = arith.constant 0 : i32
      %dma_wait3A_312 = tpu.memref_slice %arg14[%add3A_46, %dma_wait3A_311] : memref<10016x16xf32, #tpu.memory_space<vmem_shared>> -> memref<114x16xf32, #tpu.memory_space<vmem_shared>>
      %dma_wait3A_313 = arith.constant 0 : i32
      %dma_wait3A_314 = tpu.memref_slice %arg14[%add3A_46, %dma_wait3A_313] : memref<10016x16xf32, #tpu.memory_space<vmem_shared>> -> memref<114x16xf32, #tpu.memory_space<vmem_shared>>
      %dma_wait3A_315 = arith.constant 0 : i32
      %dma_wait3A_316 = arith.constant 0 : i32
      %dma_wait3A_317 = tpu.memref_slice %arg12[%dma_wait3A_315, %dma_wait3A_316] : memref<128x16xf32, #tpu.memory_space<vmem>> -> memref<114x16xf32, #tpu.memory_space<vmem>>
      tpu.wait_dma2 semaphore(%run_scoped3A_297 : memref<!tpu.dma_semaphore, #tpu.memory_space<semaphore_mem>>) src(%dma_wait3A_317 : memref<114x16xf32, #tpu.memory_space<vmem>>) dst(%dma_wait3A_314 : memref<114x16xf32, #tpu.memory_space<vmem_shared>>)
      tpu.yield
    }) : () -> ()
    %barrier3A = arith.constant 0 : index
    tpu.barrier barrier_id(%barrier3A)
    %mul3A_47 = arith.constant 160 : i32
    %mul3A_48 = arith.muli %arg1, %mul3A_47 : i32
    "tpu.region"() ({
      %run_scoped3A_297 = tpu.sem_alloc : memref<!tpu.dma_semaphore, #tpu.memory_space<semaphore_mem>>
      %dma_start3A_298 = arith.constant 0 : i32
      %dma_start3A_299 = arith.constant 0 : i32
      %dma_start3A_300 = tpu.memref_slice %arg7[%dma_start3A_298, %dma_start3A_299] : memref<32x128xi32, #tpu.memory_space<vmem>> -> memref<16x128xi32, #tpu.memory_space<vmem>>
      %dma_start3A_301 = arith.constant 0 : i32
      %dma_start3A_302 = tpu.memref_slice %arg3[%mul3A_48, %dma_start3A_301] : memref<2560x128xi32, #tpu.memory_space<hbm>> -> memref<16x128xi32, #tpu.memory_space<hbm>>
      %dma_start3A_303 = arith.constant 0 : i32
      %dma_start3A_304 = arith.constant 0 : i32
      %dma_start3A_305 = tpu.memref_slice %arg7[%dma_start3A_303, %dma_start3A_304] : memref<32x128xi32, #tpu.memory_space<vmem>> -> memref<16x128xi32, #tpu.memory_space<vmem>>
      %dma_start3A_306 = arith.constant 0 : i32
      %dma_start3A_307 = tpu.memref_slice %arg3[%mul3A_48, %dma_start3A_306] : memref<2560x128xi32, #tpu.memory_space<hbm>> -> memref<16x128xi32, #tpu.memory_space<hbm>>
      tpu.enqueue_dma source(%dma_start3A_307 : memref<16x128xi32, #tpu.memory_space<hbm>>) target(%dma_start3A_305 : memref<16x128xi32, #tpu.memory_space<vmem>>) target_semaphore(%run_scoped3A_297 : memref<!tpu.dma_semaphore, #tpu.memory_space<semaphore_mem>>)
      %dma_wait3A_308 = arith.constant 0 : i32
      %dma_wait3A_309 = arith.constant 0 : i32
      %dma_wait3A_310 = tpu.memref_slice %arg7[%dma_wait3A_308, %dma_wait3A_309] : memref<32x128xi32, #tpu.memory_space<vmem>> -> memref<16x128xi32, #tpu.memory_space<vmem>>
      %dma_wait3A_311 = arith.constant 0 : i32
      %dma_wait3A_312 = tpu.memref_slice %arg3[%mul3A_48, %dma_wait3A_311] : memref<2560x128xi32, #tpu.memory_space<hbm>> -> memref<16x128xi32, #tpu.memory_space<hbm>>
      %dma_wait3A_313 = arith.constant 0 : i32
      %dma_wait3A_314 = arith.constant 0 : i32
      %dma_wait3A_315 = tpu.memref_slice %arg7[%dma_wait3A_313, %dma_wait3A_314] : memref<32x128xi32, #tpu.memory_space<vmem>> -> memref<16x128xi32, #tpu.memory_space<vmem>>
      %dma_wait3A_316 = arith.constant 0 : i32
      %dma_wait3A_317 = tpu.memref_slice %arg3[%mul3A_48, %dma_wait3A_316] : memref<2560x128xi32, #tpu.memory_space<hbm>> -> memref<16x128xi32, #tpu.memory_space<hbm>>
      tpu.wait_dma2 semaphore(%run_scoped3A_297 : memref<!tpu.dma_semaphore, #tpu.memory_space<semaphore_mem>>) src(%dma_wait3A_317 : memref<16x128xi32, #tpu.memory_space<hbm>>) dst(%dma_wait3A_315 : memref<16x128xi32, #tpu.memory_space<vmem>>)
      tpu.yield
    }) : () -> ()
    "tpu.region"() ({
      %run_scoped3A_297 = tpu.sem_alloc : memref<!tpu.dma_semaphore, #tpu.memory_space<semaphore_mem>>
      %dma_start3A_298 = arith.constant 0 : i32
      %dma_start3A_299 = arith.constant 0 : i32
      %dma_start3A_300 = tpu.memref_slice %arg8[%dma_start3A_298, %dma_start3A_299] : memref<32x128xi32, #tpu.memory_space<vmem>> -> memref<16x128xi32, #tpu.memory_space<vmem>>
      %dma_start3A_301 = arith.constant 0 : i32
      %dma_start3A_302 = tpu.memref_slice %arg4[%mul3A_48, %dma_start3A_301] : memref<2560x128xi32, #tpu.memory_space<hbm>> -> memref<16x128xi32, #tpu.memory_space<hbm>>
      %dma_start3A_303 = arith.constant 0 : i32
      %dma_start3A_304 = arith.constant 0 : i32
      %dma_start3A_305 = tpu.memref_slice %arg8[%dma_start3A_303, %dma_start3A_304] : memref<32x128xi32, #tpu.memory_space<vmem>> -> memref<16x128xi32, #tpu.memory_space<vmem>>
      %dma_start3A_306 = arith.constant 0 : i32
      %dma_start3A_307 = tpu.memref_slice %arg4[%mul3A_48, %dma_start3A_306] : memref<2560x128xi32, #tpu.memory_space<hbm>> -> memref<16x128xi32, #tpu.memory_space<hbm>>
      tpu.enqueue_dma source(%dma_start3A_307 : memref<16x128xi32, #tpu.memory_space<hbm>>) target(%dma_start3A_305 : memref<16x128xi32, #tpu.memory_space<vmem>>) target_semaphore(%run_scoped3A_297 : memref<!tpu.dma_semaphore, #tpu.memory_space<semaphore_mem>>)
      %dma_wait3A_308 = arith.constant 0 : i32
      %dma_wait3A_309 = arith.constant 0 : i32
      %dma_wait3A_310 = tpu.memref_slice %arg8[%dma_wait3A_308, %dma_wait3A_309] : memref<32x128xi32, #tpu.memory_space<vmem>> -> memref<16x128xi32, #tpu.memory_space<vmem>>
      %dma_wait3A_311 = arith.constant 0 : i32
      %dma_wait3A_312 = tpu.memref_slice %arg4[%mul3A_48, %dma_wait3A_311] : memref<2560x128xi32, #tpu.memory_space<hbm>> -> memref<16x128xi32, #tpu.memory_space<hbm>>
      %dma_wait3A_313 = arith.constant 0 : i32
      %dma_wait3A_314 = arith.constant 0 : i32
      %dma_wait3A_315 = tpu.memref_slice %arg8[%dma_wait3A_313, %dma_wait3A_314] : memref<32x128xi32, #tpu.memory_space<vmem>> -> memref<16x128xi32, #tpu.memory_space<vmem>>
      %dma_wait3A_316 = arith.constant 0 : i32
      %dma_wait3A_317 = tpu.memref_slice %arg4[%mul3A_48, %dma_wait3A_316] : memref<2560x128xi32, #tpu.memory_space<hbm>> -> memref<16x128xi32, #tpu.memory_space<hbm>>
      tpu.wait_dma2 semaphore(%run_scoped3A_297 : memref<!tpu.dma_semaphore, #tpu.memory_space<semaphore_mem>>) src(%dma_wait3A_317 : memref<16x128xi32, #tpu.memory_space<hbm>>) dst(%dma_wait3A_315 : memref<16x128xi32, #tpu.memory_space<vmem>>)
      tpu.yield
    }) : () -> ()
    %rem3A = arith.constant 0 : i32
    %rem3A_49 = arith.constant 2 : i32
    %rem3A_50 = arith.remsi %rem3A, %rem3A_49 : i32
    %mul3A_51 = arith.constant 16 : i32
    %mul3A_52 = arith.muli %rem3A_50, %mul3A_51 : i32
    %rem3A_53 = arith.constant 0 : i32
    %rem3A_54 = arith.constant 4 : i32
    %rem3A_55 = arith.remsi %rem3A_53, %rem3A_54 : i32
    %mul3A_56 = arith.constant 4 : i32
    %mul3A_57 = arith.muli %rem3A_55, %mul3A_56 : i32
    %add3A_58 = arith.addi %mul3A_52, %mul3A_57 : i32
    %rem3A_59 = arith.constant 0 : i32
    %rem3A_60 = arith.constant 2 : i32
    %rem3A_61 = arith.remsi %rem3A_59, %rem3A_60 : i32
    %mul3A_62 = arith.constant 4 : i32
    %mul3A_63 = arith.muli %rem3A_61, %mul3A_62 : i32
    %add3A_64 = arith.constant 0 : i32
    %add3A_65 = arith.addi %add3A_58, %add3A_64 : i32
    %add3A_66 = arith.constant 0 : i32
    %add3A_67 = arith.addi %mul3A_63, %add3A_66 : i32
    %add3A_68 = arith.constant 1 : i32
    %add3A_69 = arith.addi %add3A_58, %add3A_68 : i32
    %add3A_70 = arith.constant 1 : i32
    %add3A_71 = arith.addi %mul3A_63, %add3A_70 : i32
    %add3A_72 = arith.constant 2 : i32
    %add3A_73 = arith.addi %add3A_58, %add3A_72 : i32
    %add3A_74 = arith.constant 2 : i32
    %add3A_75 = arith.addi %mul3A_63, %add3A_74 : i32
    %add3A_76 = arith.constant 3 : i32
    %add3A_77 = arith.addi %add3A_58, %add3A_76 : i32
    %add3A_78 = arith.constant 3 : i32
    %add3A_79 = arith.addi %mul3A_63, %add3A_78 : i32
    %dma_start3A = arith.constant 0 : i32
    %dma_start3A_80 = arith.constant 0 : i32
    %dma_start3A_81 = tpu.memref_slice %arg9[%add3A_67, %dma_start3A, %dma_start3A_80] : memref<8x128x64xbf16, #tpu.memory_space<vmem>> -> memref<1x128x64xbf16, #tpu.memory_space<vmem>>
    %dma_start3A_82 = tpu.memref_squeeze %dma_start3A_81 : memref<1x128x64xbf16, #tpu.memory_space<vmem>> -> memref<128x64xbf16, #tpu.memory_space<vmem>>
    %dma_start3A_83 = arith.constant 0 : i32
    %dma_start3A_84 = tpu.memref_slice %arg7[%add3A_65, %dma_start3A_83] : memref<32x128xi32, #tpu.memory_space<vmem>> -> memref<1x128xi32, #tpu.memory_space<vmem>>
    %dma_start3A_85 = tpu.memref_squeeze %dma_start3A_84 : memref<1x128xi32, #tpu.memory_space<vmem>> -> memref<128xi32, #tpu.memory_space<vmem>>
    %dma_start3A_86 = arith.constant 0 : i32
    %dma_start3A_87 = arith.constant 0 : i32
    %dma_start3A_88 = tpu.memref_slice %arg2[%arg0, %dma_start3A_86, %dma_start3A_87] : memref<2x10000x64xbf16, #tpu.memory_space<hbm>> -> memref<1x10000x64xbf16, #tpu.memory_space<hbm>>
    %dma_start3A_89 = tpu.memref_squeeze %dma_start3A_88 : memref<1x10000x64xbf16, #tpu.memory_space<hbm>> -> memref<10000x64xbf16, #tpu.memory_space<hbm>>
    %dma_start3A_90 = arith.constant 0 : i32
    %dma_start3A_91 = arith.constant 0 : i32
    %dma_start3A_92 = tpu.memref_slice %dma_start3A_89[%dma_start3A_90, %dma_start3A_91] : memref<10000x64xbf16, #tpu.memory_space<hbm>> -> memref<10000x64xbf16, #tpu.memory_space<hbm>>
    tpu.enqueue_indirect_dma source(%dma_start3A_92 : memref<10000x64xbf16, #tpu.memory_space<hbm>>) target(%dma_start3A_82 : memref<128x64xbf16, #tpu.memory_space<vmem>>) offsets(%dma_start3A_85 : memref<128xi32, #tpu.memory_space<vmem>>) semaphore(%arg15 : memref<!tpu.dma_semaphore, #tpu.memory_space<semaphore_mem>>)
    %dma_start3A_93 = arith.constant 0 : i32
    %dma_start3A_94 = arith.constant 0 : i32
    %dma_start3A_95 = tpu.memref_slice %arg9[%add3A_71, %dma_start3A_93, %dma_start3A_94] : memref<8x128x64xbf16, #tpu.memory_space<vmem>> -> memref<1x128x64xbf16, #tpu.memory_space<vmem>>
    %dma_start3A_96 = tpu.memref_squeeze %dma_start3A_95 : memref<1x128x64xbf16, #tpu.memory_space<vmem>> -> memref<128x64xbf16, #tpu.memory_space<vmem>>
    %dma_start3A_97 = arith.constant 0 : i32
    %dma_start3A_98 = tpu.memref_slice %arg7[%add3A_69, %dma_start3A_97] : memref<32x128xi32, #tpu.memory_space<vmem>> -> memref<1x128xi32, #tpu.memory_space<vmem>>
    %dma_start3A_99 = tpu.memref_squeeze %dma_start3A_98 : memref<1x128xi32, #tpu.memory_space<vmem>> -> memref<128xi32, #tpu.memory_space<vmem>>
    %dma_start3A_100 = arith.constant 0 : i32
    %dma_start3A_101 = arith.constant 0 : i32
    %dma_start3A_102 = tpu.memref_slice %arg2[%arg0, %dma_start3A_100, %dma_start3A_101] : memref<2x10000x64xbf16, #tpu.memory_space<hbm>> -> memref<1x10000x64xbf16, #tpu.memory_space<hbm>>
    %dma_start3A_103 = tpu.memref_squeeze %dma_start3A_102 : memref<1x10000x64xbf16, #tpu.memory_space<hbm>> -> memref<10000x64xbf16, #tpu.memory_space<hbm>>
    %dma_start3A_104 = arith.constant 0 : i32
    %dma_start3A_105 = arith.constant 0 : i32
    %dma_start3A_106 = tpu.memref_slice %dma_start3A_103[%dma_start3A_104, %dma_start3A_105] : memref<10000x64xbf16, #tpu.memory_space<hbm>> -> memref<10000x64xbf16, #tpu.memory_space<hbm>>
    tpu.enqueue_indirect_dma source(%dma_start3A_106 : memref<10000x64xbf16, #tpu.memory_space<hbm>>) target(%dma_start3A_96 : memref<128x64xbf16, #tpu.memory_space<vmem>>) offsets(%dma_start3A_99 : memref<128xi32, #tpu.memory_space<vmem>>) semaphore(%arg15 : memref<!tpu.dma_semaphore, #tpu.memory_space<semaphore_mem>>)
    %dma_start3A_107 = arith.constant 0 : i32
    %dma_start3A_108 = arith.constant 0 : i32
    %dma_start3A_109 = tpu.memref_slice %arg9[%add3A_75, %dma_start3A_107, %dma_start3A_108] : memref<8x128x64xbf16, #tpu.memory_space<vmem>> -> memref<1x128x64xbf16, #tpu.memory_space<vmem>>
    %dma_start3A_110 = tpu.memref_squeeze %dma_start3A_109 : memref<1x128x64xbf16, #tpu.memory_space<vmem>> -> memref<128x64xbf16, #tpu.memory_space<vmem>>
    %dma_start3A_111 = arith.constant 0 : i32
    %dma_start3A_112 = tpu.memref_slice %arg7[%add3A_73, %dma_start3A_111] : memref<32x128xi32, #tpu.memory_space<vmem>> -> memref<1x128xi32, #tpu.memory_space<vmem>>
    %dma_start3A_113 = tpu.memref_squeeze %dma_start3A_112 : memref<1x128xi32, #tpu.memory_space<vmem>> -> memref<128xi32, #tpu.memory_space<vmem>>
    %dma_start3A_114 = arith.constant 0 : i32
    %dma_start3A_115 = arith.constant 0 : i32
    %dma_start3A_116 = tpu.memref_slice %arg2[%arg0, %dma_start3A_114, %dma_start3A_115] : memref<2x10000x64xbf16, #tpu.memory_space<hbm>> -> memref<1x10000x64xbf16, #tpu.memory_space<hbm>>
    %dma_start3A_117 = tpu.memref_squeeze %dma_start3A_116 : memref<1x10000x64xbf16, #tpu.memory_space<hbm>> -> memref<10000x64xbf16, #tpu.memory_space<hbm>>
    %dma_start3A_118 = arith.constant 0 : i32
    %dma_start3A_119 = arith.constant 0 : i32
    %dma_start3A_120 = tpu.memref_slice %dma_start3A_117[%dma_start3A_118, %dma_start3A_119] : memref<10000x64xbf16, #tpu.memory_space<hbm>> -> memref<10000x64xbf16, #tpu.memory_space<hbm>>
    tpu.enqueue_indirect_dma source(%dma_start3A_120 : memref<10000x64xbf16, #tpu.memory_space<hbm>>) target(%dma_start3A_110 : memref<128x64xbf16, #tpu.memory_space<vmem>>) offsets(%dma_start3A_113 : memref<128xi32, #tpu.memory_space<vmem>>) semaphore(%arg15 : memref<!tpu.dma_semaphore, #tpu.memory_space<semaphore_mem>>)
    %dma_start3A_121 = arith.constant 0 : i32
    %dma_start3A_122 = arith.constant 0 : i32
    %dma_start3A_123 = tpu.memref_slice %arg9[%add3A_79, %dma_start3A_121, %dma_start3A_122] : memref<8x128x64xbf16, #tpu.memory_space<vmem>> -> memref<1x128x64xbf16, #tpu.memory_space<vmem>>
    %dma_start3A_124 = tpu.memref_squeeze %dma_start3A_123 : memref<1x128x64xbf16, #tpu.memory_space<vmem>> -> memref<128x64xbf16, #tpu.memory_space<vmem>>
    %dma_start3A_125 = arith.constant 0 : i32
    %dma_start3A_126 = tpu.memref_slice %arg7[%add3A_77, %dma_start3A_125] : memref<32x128xi32, #tpu.memory_space<vmem>> -> memref<1x128xi32, #tpu.memory_space<vmem>>
    %dma_start3A_127 = tpu.memref_squeeze %dma_start3A_126 : memref<1x128xi32, #tpu.memory_space<vmem>> -> memref<128xi32, #tpu.memory_space<vmem>>
    %dma_start3A_128 = arith.constant 0 : i32
    %dma_start3A_129 = arith.constant 0 : i32
    %dma_start3A_130 = tpu.memref_slice %arg2[%arg0, %dma_start3A_128, %dma_start3A_129] : memref<2x10000x64xbf16, #tpu.memory_space<hbm>> -> memref<1x10000x64xbf16, #tpu.memory_space<hbm>>
    %dma_start3A_131 = tpu.memref_squeeze %dma_start3A_130 : memref<1x10000x64xbf16, #tpu.memory_space<hbm>> -> memref<10000x64xbf16, #tpu.memory_space<hbm>>
    %dma_start3A_132 = arith.constant 0 : i32
    %dma_start3A_133 = arith.constant 0 : i32
    %dma_start3A_134 = tpu.memref_slice %dma_start3A_131[%dma_start3A_132, %dma_start3A_133] : memref<10000x64xbf16, #tpu.memory_space<hbm>> -> memref<10000x64xbf16, #tpu.memory_space<hbm>>
    tpu.enqueue_indirect_dma source(%dma_start3A_134 : memref<10000x64xbf16, #tpu.memory_space<hbm>>) target(%dma_start3A_124 : memref<128x64xbf16, #tpu.memory_space<vmem>>) offsets(%dma_start3A_127 : memref<128xi32, #tpu.memory_space<vmem>>) semaphore(%arg15 : memref<!tpu.dma_semaphore, #tpu.memory_space<semaphore_mem>>)
    %scan3A = arith.constant 0 : i32
    %scan3A_135 = arith.constant 0 : i32
    %scan3A_136 = arith.constant 40 : i32
    %scan3A_137 = arith.addi %scan3A_135, %scan3A_136 : i32
    %scan3A_138 = arith.constant 1 : i32
    scf.for %scan3A_297 = %scan3A_135 to %scan3A_137 step %scan3A_138  : i32 {
      %rem3A_298 = arith.constant 4 : i32
      %rem3A_299 = arith.remsi %scan3A_297, %rem3A_298 : i32
      %eq3A_300 = arith.constant 3 : i32
      %eq3A_301 = arith.cmpi eq, %rem3A_299, %eq3A_300 : i32
      %add3A_302 = arith.constant 1 : i32
      %add3A_303 = arith.addi %scan3A_297, %add3A_302 : i32
      %lt3A = arith.constant 40 : i32
      %lt3A_304 = arith.cmpi slt, %add3A_303, %lt3A : i32
      %and3A = arith.andi %eq3A_301, %lt3A_304 : i1
      %convert_element_type3A_305 = arith.extui %and3A : i1 to i32
      %cond3A_306 = arith.constant 0 : i32
      %cond3A_307 = arith.cmpi ne, %convert_element_type3A_305, %cond3A_306 : i32
      scf.if %cond3A_307 {
        %jit3A_631 = arith.constant 4 : i32
        %div3A_632 = arith.divsi %scan3A_297, %jit3A_631 : i32
        %sign3A_633 = arith.constant 0 : i32
        %sign3A_634 = arith.cmpi sgt, %scan3A_297, %sign3A_633 : i32
        %sign3A_635 = arith.extui %sign3A_634 : i1 to i32
        %sign3A_636 = arith.constant 0 : i32
        %sign3A_637 = arith.cmpi slt, %scan3A_297, %sign3A_636 : i32
        %sign3A_638 = arith.extui %sign3A_637 : i1 to i32
        %sign3A_639 = arith.subi %sign3A_635, %sign3A_638 : i32
        %sign3A_640 = arith.constant 0 : i32
        %sign3A_641 = arith.cmpi sgt, %jit3A_631, %sign3A_640 : i32
        %sign3A_642 = arith.extui %sign3A_641 : i1 to i32
        %sign3A_643 = arith.constant 0 : i32
        %sign3A_644 = arith.cmpi slt, %jit3A_631, %sign3A_643 : i32
        %sign3A_645 = arith.extui %sign3A_644 : i1 to i32
        %sign3A_646 = arith.subi %sign3A_642, %sign3A_645 : i32
        %ne3A_647 = arith.cmpi ne, %sign3A_639, %sign3A_646 : i32
        %rem3A_648 = arith.remsi %scan3A_297, %jit3A_631 : i32
        %ne3A_649 = arith.constant 0 : i32
        %ne3A_650 = arith.cmpi ne, %rem3A_648, %ne3A_649 : i32
        %and3A_651 = arith.andi %ne3A_647, %ne3A_650 : i1
        %sub3A_652 = arith.constant 1 : i32
        %sub3A_653 = arith.subi %div3A_632, %sub3A_652 : i32
        %select_n3A_654 = arith.select %and3A_651, %sub3A_653, %div3A_632 : i32
        %add3A_655 = arith.constant 1 : i32
        %add3A_656 = arith.addi %select_n3A_654, %add3A_655 : i32
        %mul3A_657 = arith.constant 16 : i32
        %mul3A_658 = arith.muli %add3A_656, %mul3A_657 : i32
        %add3A_659 = arith.addi %mul3A_48, %mul3A_658 : i32
        %rem3A_660 = arith.constant 2 : i32
        %rem3A_661 = arith.remsi %add3A_656, %rem3A_660 : i32
        %mul3A_662 = arith.constant 16 : i32
        %mul3A_663 = arith.muli %rem3A_661, %mul3A_662 : i32
        %dma_wait3A_664 = arith.constant 0 : i32
        %dma_wait3A_665 = tpu.memref_slice %arg7[%mul3A_663, %dma_wait3A_664] : memref<32x128xi32, #tpu.memory_space<vmem>> -> memref<16x128xi32, #tpu.memory_space<vmem>>
        %dma_wait3A_666 = arith.constant 0 : i32
        %dma_wait3A_667 = tpu.memref_slice %arg3[%add3A_659, %dma_wait3A_666] : memref<2560x128xi32, #tpu.memory_space<hbm>> -> memref<16x128xi32, #tpu.memory_space<hbm>>
        %dma_wait3A_668 = arith.constant 0 : i32
        %dma_wait3A_669 = tpu.memref_slice %arg7[%mul3A_663, %dma_wait3A_668] : memref<32x128xi32, #tpu.memory_space<vmem>> -> memref<16x128xi32, #tpu.memory_space<vmem>>
        %dma_wait3A_670 = arith.constant 0 : i32
        %dma_wait3A_671 = tpu.memref_slice %arg3[%add3A_659, %dma_wait3A_670] : memref<2560x128xi32, #tpu.memory_space<hbm>> -> memref<16x128xi32, #tpu.memory_space<hbm>>
        tpu.wait_dma2 semaphore(%arg18 : memref<!tpu.dma_semaphore, #tpu.memory_space<semaphore_mem>>) src(%dma_wait3A_671 : memref<16x128xi32, #tpu.memory_space<hbm>>) dst(%dma_wait3A_669 : memref<16x128xi32, #tpu.memory_space<vmem>>)
        %dma_wait3A_672 = arith.constant 0 : i32
        %dma_wait3A_673 = tpu.memref_slice %arg8[%mul3A_663, %dma_wait3A_672] : memref<32x128xi32, #tpu.memory_space<vmem>> -> memref<16x128xi32, #tpu.memory_space<vmem>>
        %dma_wait3A_674 = arith.constant 0 : i32
        %dma_wait3A_675 = tpu.memref_slice %arg4[%add3A_659, %dma_wait3A_674] : memref<2560x128xi32, #tpu.memory_space<hbm>> -> memref<16x128xi32, #tpu.memory_space<hbm>>
        %dma_wait3A_676 = arith.constant 0 : i32
        %dma_wait3A_677 = tpu.memref_slice %arg8[%mul3A_663, %dma_wait3A_676] : memref<32x128xi32, #tpu.memory_space<vmem>> -> memref<16x128xi32, #tpu.memory_space<vmem>>
        %dma_wait3A_678 = arith.constant 0 : i32
        %dma_wait3A_679 = tpu.memref_slice %arg4[%add3A_659, %dma_wait3A_678] : memref<2560x128xi32, #tpu.memory_space<hbm>> -> memref<16x128xi32, #tpu.memory_space<hbm>>
        tpu.wait_dma2 semaphore(%arg18 : memref<!tpu.dma_semaphore, #tpu.memory_space<semaphore_mem>>) src(%dma_wait3A_679 : memref<16x128xi32, #tpu.memory_space<hbm>>) dst(%dma_wait3A_677 : memref<16x128xi32, #tpu.memory_space<vmem>>)
      } else {
      }
      %add3A_308 = arith.constant 1 : i32
      %add3A_309 = arith.addi %scan3A_297, %add3A_308 : i32
      %lt3A_310 = arith.constant 40 : i32
      %lt3A_311 = arith.cmpi slt, %add3A_309, %lt3A_310 : i32
      %convert_element_type3A_312 = arith.extui %lt3A_311 : i1 to i32
      %cond3A_313 = arith.constant 0 : i32
      %cond3A_314 = arith.cmpi ne, %convert_element_type3A_312, %cond3A_313 : i32
      scf.if %cond3A_314 {
        %add3A_631 = arith.constant 1 : i32
        %add3A_632 = arith.addi %scan3A_297, %add3A_631 : i32
        %jit3A_633 = arith.constant 4 : i32
        %div3A_634 = arith.divsi %add3A_632, %jit3A_633 : i32
        %sign3A_635 = arith.constant 0 : i32
        %sign3A_636 = arith.cmpi sgt, %add3A_632, %sign3A_635 : i32
        %sign3A_637 = arith.extui %sign3A_636 : i1 to i32
        %sign3A_638 = arith.constant 0 : i32
        %sign3A_639 = arith.cmpi slt, %add3A_632, %sign3A_638 : i32
        %sign3A_640 = arith.extui %sign3A_639 : i1 to i32
        %sign3A_641 = arith.subi %sign3A_637, %sign3A_640 : i32
        %sign3A_642 = arith.constant 0 : i32
        %sign3A_643 = arith.cmpi sgt, %jit3A_633, %sign3A_642 : i32
        %sign3A_644 = arith.extui %sign3A_643 : i1 to i32
        %sign3A_645 = arith.constant 0 : i32
        %sign3A_646 = arith.cmpi slt, %jit3A_633, %sign3A_645 : i32
        %sign3A_647 = arith.extui %sign3A_646 : i1 to i32
        %sign3A_648 = arith.subi %sign3A_644, %sign3A_647 : i32
        %ne3A_649 = arith.cmpi ne, %sign3A_641, %sign3A_648 : i32
        %rem3A_650 = arith.remsi %add3A_632, %jit3A_633 : i32
        %ne3A_651 = arith.constant 0 : i32
        %ne3A_652 = arith.cmpi ne, %rem3A_650, %ne3A_651 : i32
        %and3A_653 = arith.andi %ne3A_649, %ne3A_652 : i1
        %sub3A_654 = arith.constant 1 : i32
        %sub3A_655 = arith.subi %div3A_634, %sub3A_654 : i32
        %select_n3A_656 = arith.select %and3A_653, %sub3A_655, %div3A_634 : i32
        %rem3A_657 = arith.constant 2 : i32
        %rem3A_658 = arith.remsi %select_n3A_656, %rem3A_657 : i32
        %mul3A_659 = arith.constant 16 : i32
        %mul3A_660 = arith.muli %rem3A_658, %mul3A_659 : i32
        %rem3A_661 = arith.constant 4 : i32
        %rem3A_662 = arith.remsi %add3A_632, %rem3A_661 : i32
        %mul3A_663 = arith.constant 4 : i32
        %mul3A_664 = arith.muli %rem3A_662, %mul3A_663 : i32
        %add3A_665 = arith.addi %mul3A_660, %mul3A_664 : i32
        %rem3A_666 = arith.constant 2 : i32
        %rem3A_667 = arith.remsi %add3A_632, %rem3A_666 : i32
        %mul3A_668 = arith.constant 4 : i32
        %mul3A_669 = arith.muli %rem3A_667, %mul3A_668 : i32
        %add3A_670 = arith.constant 0 : i32
        %add3A_671 = arith.addi %add3A_665, %add3A_670 : i32
        %add3A_672 = arith.constant 0 : i32
        %add3A_673 = arith.addi %mul3A_669, %add3A_672 : i32
        %add3A_674 = arith.constant 1 : i32
        %add3A_675 = arith.addi %add3A_665, %add3A_674 : i32
        %add3A_676 = arith.constant 1 : i32
        %add3A_677 = arith.addi %mul3A_669, %add3A_676 : i32
        %add3A_678 = arith.constant 2 : i32
        %add3A_679 = arith.addi %add3A_665, %add3A_678 : i32
        %add3A_680 = arith.constant 2 : i32
        %add3A_681 = arith.addi %mul3A_669, %add3A_680 : i32
        %add3A_682 = arith.constant 3 : i32
        %add3A_683 = arith.addi %add3A_665, %add3A_682 : i32
        %add3A_684 = arith.constant 3 : i32
        %add3A_685 = arith.addi %mul3A_669, %add3A_684 : i32
        %dma_start3A_686 = arith.constant 0 : i32
        %dma_start3A_687 = arith.constant 0 : i32
        %dma_start3A_688 = tpu.memref_slice %arg9[%add3A_673, %dma_start3A_686, %dma_start3A_687] : memref<8x128x64xbf16, #tpu.memory_space<vmem>> -> memref<1x128x64xbf16, #tpu.memory_space<vmem>>
        %dma_start3A_689 = tpu.memref_squeeze %dma_start3A_688 : memref<1x128x64xbf16, #tpu.memory_space<vmem>> -> memref<128x64xbf16, #tpu.memory_space<vmem>>
        %dma_start3A_690 = arith.constant 0 : i32
        %dma_start3A_691 = tpu.memref_slice %arg7[%add3A_671, %dma_start3A_690] : memref<32x128xi32, #tpu.memory_space<vmem>> -> memref<1x128xi32, #tpu.memory_space<vmem>>
        %dma_start3A_692 = tpu.memref_squeeze %dma_start3A_691 : memref<1x128xi32, #tpu.memory_space<vmem>> -> memref<128xi32, #tpu.memory_space<vmem>>
        %dma_start3A_693 = arith.constant 0 : i32
        %dma_start3A_694 = arith.constant 0 : i32
        %dma_start3A_695 = tpu.memref_slice %arg2[%arg0, %dma_start3A_693, %dma_start3A_694] : memref<2x10000x64xbf16, #tpu.memory_space<hbm>> -> memref<1x10000x64xbf16, #tpu.memory_space<hbm>>
        %dma_start3A_696 = tpu.memref_squeeze %dma_start3A_695 : memref<1x10000x64xbf16, #tpu.memory_space<hbm>> -> memref<10000x64xbf16, #tpu.memory_space<hbm>>
        %dma_start3A_697 = arith.constant 0 : i32
        %dma_start3A_698 = arith.constant 0 : i32
        %dma_start3A_699 = tpu.memref_slice %dma_start3A_696[%dma_start3A_697, %dma_start3A_698] : memref<10000x64xbf16, #tpu.memory_space<hbm>> -> memref<10000x64xbf16, #tpu.memory_space<hbm>>
        tpu.enqueue_indirect_dma source(%dma_start3A_699 : memref<10000x64xbf16, #tpu.memory_space<hbm>>) target(%dma_start3A_689 : memref<128x64xbf16, #tpu.memory_space<vmem>>) offsets(%dma_start3A_692 : memref<128xi32, #tpu.memory_space<vmem>>) semaphore(%arg15 : memref<!tpu.dma_semaphore, #tpu.memory_space<semaphore_mem>>)
        %dma_start3A_700 = arith.constant 0 : i32
        %dma_start3A_701 = arith.constant 0 : i32
        %dma_start3A_702 = tpu.memref_slice %arg9[%add3A_677, %dma_start3A_700, %dma_start3A_701] : memref<8x128x64xbf16, #tpu.memory_space<vmem>> -> memref<1x128x64xbf16, #tpu.memory_space<vmem>>
        %dma_start3A_703 = tpu.memref_squeeze %dma_start3A_702 : memref<1x128x64xbf16, #tpu.memory_space<vmem>> -> memref<128x64xbf16, #tpu.memory_space<vmem>>
        %dma_start3A_704 = arith.constant 0 : i32
        %dma_start3A_705 = tpu.memref_slice %arg7[%add3A_675, %dma_start3A_704] : memref<32x128xi32, #tpu.memory_space<vmem>> -> memref<1x128xi32, #tpu.memory_space<vmem>>
        %dma_start3A_706 = tpu.memref_squeeze %dma_start3A_705 : memref<1x128xi32, #tpu.memory_space<vmem>> -> memref<128xi32, #tpu.memory_space<vmem>>
        %dma_start3A_707 = arith.constant 0 : i32
        %dma_start3A_708 = arith.constant 0 : i32
        %dma_start3A_709 = tpu.memref_slice %arg2[%arg0, %dma_start3A_707, %dma_start3A_708] : memref<2x10000x64xbf16, #tpu.memory_space<hbm>> -> memref<1x10000x64xbf16, #tpu.memory_space<hbm>>
        %dma_start3A_710 = tpu.memref_squeeze %dma_start3A_709 : memref<1x10000x64xbf16, #tpu.memory_space<hbm>> -> memref<10000x64xbf16, #tpu.memory_space<hbm>>
        %dma_start3A_711 = arith.constant 0 : i32
        %dma_start3A_712 = arith.constant 0 : i32
        %dma_start3A_713 = tpu.memref_slice %dma_start3A_710[%dma_start3A_711, %dma_start3A_712] : memref<10000x64xbf16, #tpu.memory_space<hbm>> -> memref<10000x64xbf16, #tpu.memory_space<hbm>>
        tpu.enqueue_indirect_dma source(%dma_start3A_713 : memref<10000x64xbf16, #tpu.memory_space<hbm>>) target(%dma_start3A_703 : memref<128x64xbf16, #tpu.memory_space<vmem>>) offsets(%dma_start3A_706 : memref<128xi32, #tpu.memory_space<vmem>>) semaphore(%arg15 : memref<!tpu.dma_semaphore, #tpu.memory_space<semaphore_mem>>)
        %dma_start3A_714 = arith.constant 0 : i32
        %dma_start3A_715 = arith.constant 0 : i32
        %dma_start3A_716 = tpu.memref_slice %arg9[%add3A_681, %dma_start3A_714, %dma_start3A_715] : memref<8x128x64xbf16, #tpu.memory_space<vmem>> -> memref<1x128x64xbf16, #tpu.memory_space<vmem>>
        %dma_start3A_717 = tpu.memref_squeeze %dma_start3A_716 : memref<1x128x64xbf16, #tpu.memory_space<vmem>> -> memref<128x64xbf16, #tpu.memory_space<vmem>>
        %dma_start3A_718 = arith.constant 0 : i32
        %dma_start3A_719 = tpu.memref_slice %arg7[%add3A_679, %dma_start3A_718] : memref<32x128xi32, #tpu.memory_space<vmem>> -> memref<1x128xi32, #tpu.memory_space<vmem>>
        %dma_start3A_720 = tpu.memref_squeeze %dma_start3A_719 : memref<1x128xi32, #tpu.memory_space<vmem>> -> memref<128xi32, #tpu.memory_space<vmem>>
        %dma_start3A_721 = arith.constant 0 : i32
        %dma_start3A_722 = arith.constant 0 : i32
        %dma_start3A_723 = tpu.memref_slice %arg2[%arg0, %dma_start3A_721, %dma_start3A_722] : memref<2x10000x64xbf16, #tpu.memory_space<hbm>> -> memref<1x10000x64xbf16, #tpu.memory_space<hbm>>
        %dma_start3A_724 = tpu.memref_squeeze %dma_start3A_723 : memref<1x10000x64xbf16, #tpu.memory_space<hbm>> -> memref<10000x64xbf16, #tpu.memory_space<hbm>>
        %dma_start3A_725 = arith.constant 0 : i32
        %dma_start3A_726 = arith.constant 0 : i32
        %dma_start3A_727 = tpu.memref_slice %dma_start3A_724[%dma_start3A_725, %dma_start3A_726] : memref<10000x64xbf16, #tpu.memory_space<hbm>> -> memref<10000x64xbf16, #tpu.memory_space<hbm>>
        tpu.enqueue_indirect_dma source(%dma_start3A_727 : memref<10000x64xbf16, #tpu.memory_space<hbm>>) target(%dma_start3A_717 : memref<128x64xbf16, #tpu.memory_space<vmem>>) offsets(%dma_start3A_720 : memref<128xi32, #tpu.memory_space<vmem>>) semaphore(%arg15 : memref<!tpu.dma_semaphore, #tpu.memory_space<semaphore_mem>>)
        %dma_start3A_728 = arith.constant 0 : i32
        %dma_start3A_729 = arith.constant 0 : i32
        %dma_start3A_730 = tpu.memref_slice %arg9[%add3A_685, %dma_start3A_728, %dma_start3A_729] : memref<8x128x64xbf16, #tpu.memory_space<vmem>> -> memref<1x128x64xbf16, #tpu.memory_space<vmem>>
        %dma_start3A_731 = tpu.memref_squeeze %dma_start3A_730 : memref<1x128x64xbf16, #tpu.memory_space<vmem>> -> memref<128x64xbf16, #tpu.memory_space<vmem>>
        %dma_start3A_732 = arith.constant 0 : i32
        %dma_start3A_733 = tpu.memref_slice %arg7[%add3A_683, %dma_start3A_732] : memref<32x128xi32, #tpu.memory_space<vmem>> -> memref<1x128xi32, #tpu.memory_space<vmem>>
        %dma_start3A_734 = tpu.memref_squeeze %dma_start3A_733 : memref<1x128xi32, #tpu.memory_space<vmem>> -> memref<128xi32, #tpu.memory_space<vmem>>
        %dma_start3A_735 = arith.constant 0 : i32
        %dma_start3A_736 = arith.constant 0 : i32
        %dma_start3A_737 = tpu.memref_slice %arg2[%arg0, %dma_start3A_735, %dma_start3A_736] : memref<2x10000x64xbf16, #tpu.memory_space<hbm>> -> memref<1x10000x64xbf16, #tpu.memory_space<hbm>>
        %dma_start3A_738 = tpu.memref_squeeze %dma_start3A_737 : memref<1x10000x64xbf16, #tpu.memory_space<hbm>> -> memref<10000x64xbf16, #tpu.memory_space<hbm>>
        %dma_start3A_739 = arith.constant 0 : i32
        %dma_start3A_740 = arith.constant 0 : i32
        %dma_start3A_741 = tpu.memref_slice %dma_start3A_738[%dma_start3A_739, %dma_start3A_740] : memref<10000x64xbf16, #tpu.memory_space<hbm>> -> memref<10000x64xbf16, #tpu.memory_space<hbm>>
        tpu.enqueue_indirect_dma source(%dma_start3A_741 : memref<10000x64xbf16, #tpu.memory_space<hbm>>) target(%dma_start3A_731 : memref<128x64xbf16, #tpu.memory_space<vmem>>) offsets(%dma_start3A_734 : memref<128xi32, #tpu.memory_space<vmem>>) semaphore(%arg15 : memref<!tpu.dma_semaphore, #tpu.memory_space<semaphore_mem>>)
      } else {
      }
      %jit3A = arith.constant 4 : i32
      %div3A = arith.divsi %scan3A_297, %jit3A : i32
      %sign3A = arith.constant 0 : i32
      %sign3A_315 = arith.cmpi sgt, %scan3A_297, %sign3A : i32
      %sign3A_316 = arith.extui %sign3A_315 : i1 to i32
      %sign3A_317 = arith.constant 0 : i32
      %sign3A_318 = arith.cmpi slt, %scan3A_297, %sign3A_317 : i32
      %sign3A_319 = arith.extui %sign3A_318 : i1 to i32
      %sign3A_320 = arith.subi %sign3A_316, %sign3A_319 : i32
      %sign3A_321 = arith.constant 0 : i32
      %sign3A_322 = arith.cmpi sgt, %jit3A, %sign3A_321 : i32
      %sign3A_323 = arith.extui %sign3A_322 : i1 to i32
      %sign3A_324 = arith.constant 0 : i32
      %sign3A_325 = arith.cmpi slt, %jit3A, %sign3A_324 : i32
      %sign3A_326 = arith.extui %sign3A_325 : i1 to i32
      %sign3A_327 = arith.subi %sign3A_323, %sign3A_326 : i32
      %ne3A = arith.cmpi ne, %sign3A_320, %sign3A_327 : i32
      %rem3A_328 = arith.remsi %scan3A_297, %jit3A : i32
      %ne3A_329 = arith.constant 0 : i32
      %ne3A_330 = arith.cmpi ne, %rem3A_328, %ne3A_329 : i32
      %and3A_331 = arith.andi %ne3A, %ne3A_330 : i1
      %sub3A = arith.constant 1 : i32
      %sub3A_332 = arith.subi %div3A, %sub3A : i32
      %select_n3A = arith.select %and3A_331, %sub3A_332, %div3A : i32
      %rem3A_333 = arith.constant 2 : i32
      %rem3A_334 = arith.remsi %select_n3A, %rem3A_333 : i32
      %mul3A_335 = arith.constant 16 : i32
      %mul3A_336 = arith.muli %rem3A_334, %mul3A_335 : i32
      %rem3A_337 = arith.constant 4 : i32
      %rem3A_338 = arith.remsi %scan3A_297, %rem3A_337 : i32
      %mul3A_339 = arith.constant 4 : i32
      %mul3A_340 = arith.muli %rem3A_338, %mul3A_339 : i32
      %add3A_341 = arith.addi %mul3A_336, %mul3A_340 : i32
      %rem3A_342 = arith.constant 2 : i32
      %rem3A_343 = arith.remsi %scan3A_297, %rem3A_342 : i32
      %mul3A_344 = arith.constant 4 : i32
      %mul3A_345 = arith.muli %rem3A_343, %mul3A_344 : i32
      %add3A_346 = arith.constant 0 : i32
      %add3A_347 = arith.addi %add3A_341, %add3A_346 : i32
      %add3A_348 = arith.constant 0 : i32
      %add3A_349 = arith.addi %mul3A_345, %add3A_348 : i32
      %add3A_350 = arith.constant 1 : i32
      %add3A_351 = arith.addi %add3A_341, %add3A_350 : i32
      %add3A_352 = arith.constant 1 : i32
      %add3A_353 = arith.addi %mul3A_345, %add3A_352 : i32
      %add3A_354 = arith.constant 2 : i32
      %add3A_355 = arith.addi %add3A_341, %add3A_354 : i32
      %add3A_356 = arith.constant 2 : i32
      %add3A_357 = arith.addi %mul3A_345, %add3A_356 : i32
      %add3A_358 = arith.constant 3 : i32
      %add3A_359 = arith.addi %add3A_341, %add3A_358 : i32
      %add3A_360 = arith.constant 3 : i32
      %add3A_361 = arith.addi %mul3A_345, %add3A_360 : i32
      %dma_wait3A_362 = arith.constant 0 : i32
      %dma_wait3A_363 = arith.constant 0 : i32
      %dma_wait3A_364 = tpu.memref_slice %arg9[%add3A_349, %dma_wait3A_362, %dma_wait3A_363] : memref<8x128x64xbf16, #tpu.memory_space<vmem>> -> memref<1x128x64xbf16, #tpu.memory_space<vmem>>
      %dma_wait3A_365 = tpu.memref_squeeze %dma_wait3A_364 : memref<1x128x64xbf16, #tpu.memory_space<vmem>> -> memref<128x64xbf16, #tpu.memory_space<vmem>>
      %dma_wait3A_366 = arith.constant 0 : i32
      %dma_wait3A_367 = tpu.memref_slice %arg7[%add3A_347, %dma_wait3A_366] : memref<32x128xi32, #tpu.memory_space<vmem>> -> memref<1x128xi32, #tpu.memory_space<vmem>>
      %dma_wait3A_368 = tpu.memref_squeeze %dma_wait3A_367 : memref<1x128xi32, #tpu.memory_space<vmem>> -> memref<128xi32, #tpu.memory_space<vmem>>
      %dma_wait3A_369 = arith.constant 0 : i32
      %dma_wait3A_370 = arith.constant 0 : i32
      %dma_wait3A_371 = tpu.memref_slice %arg2[%arg0, %dma_wait3A_369, %dma_wait3A_370] : memref<2x10000x64xbf16, #tpu.memory_space<hbm>> -> memref<1x10000x64xbf16, #tpu.memory_space<hbm>>
      %dma_wait3A_372 = tpu.memref_squeeze %dma_wait3A_371 : memref<1x10000x64xbf16, #tpu.memory_space<hbm>> -> memref<10000x64xbf16, #tpu.memory_space<hbm>>
      %dma_wait3A_373 = arith.constant 0 : i32
      %dma_wait3A_374 = arith.constant 0 : i32
      %dma_wait3A_375 = tpu.memref_slice %dma_wait3A_372[%dma_wait3A_373, %dma_wait3A_374] : memref<10000x64xbf16, #tpu.memory_space<hbm>> -> memref<10000x64xbf16, #tpu.memory_space<hbm>>
      tpu.wait_indirect_dma semaphore(%arg15 : memref<!tpu.dma_semaphore, #tpu.memory_space<semaphore_mem>>) src(%dma_wait3A_375 : memref<10000x64xbf16, #tpu.memory_space<hbm>>) dst(%dma_wait3A_365 : memref<128x64xbf16, #tpu.memory_space<vmem>>)
      %dma_wait3A_376 = arith.constant 0 : i32
      %dma_wait3A_377 = arith.constant 0 : i32
      %dma_wait3A_378 = tpu.memref_slice %arg9[%add3A_353, %dma_wait3A_376, %dma_wait3A_377] : memref<8x128x64xbf16, #tpu.memory_space<vmem>> -> memref<1x128x64xbf16, #tpu.memory_space<vmem>>
      %dma_wait3A_379 = tpu.memref_squeeze %dma_wait3A_378 : memref<1x128x64xbf16, #tpu.memory_space<vmem>> -> memref<128x64xbf16, #tpu.memory_space<vmem>>
      %dma_wait3A_380 = arith.constant 0 : i32
      %dma_wait3A_381 = tpu.memref_slice %arg7[%add3A_351, %dma_wait3A_380] : memref<32x128xi32, #tpu.memory_space<vmem>> -> memref<1x128xi32, #tpu.memory_space<vmem>>
      %dma_wait3A_382 = tpu.memref_squeeze %dma_wait3A_381 : memref<1x128xi32, #tpu.memory_space<vmem>> -> memref<128xi32, #tpu.memory_space<vmem>>
      %dma_wait3A_383 = arith.constant 0 : i32
      %dma_wait3A_384 = arith.constant 0 : i32
      %dma_wait3A_385 = tpu.memref_slice %arg2[%arg0, %dma_wait3A_383, %dma_wait3A_384] : memref<2x10000x64xbf16, #tpu.memory_space<hbm>> -> memref<1x10000x64xbf16, #tpu.memory_space<hbm>>
      %dma_wait3A_386 = tpu.memref_squeeze %dma_wait3A_385 : memref<1x10000x64xbf16, #tpu.memory_space<hbm>> -> memref<10000x64xbf16, #tpu.memory_space<hbm>>
      %dma_wait3A_387 = arith.constant 0 : i32
      %dma_wait3A_388 = arith.constant 0 : i32
      %dma_wait3A_389 = tpu.memref_slice %dma_wait3A_386[%dma_wait3A_387, %dma_wait3A_388] : memref<10000x64xbf16, #tpu.memory_space<hbm>> -> memref<10000x64xbf16, #tpu.memory_space<hbm>>
      tpu.wait_indirect_dma semaphore(%arg15 : memref<!tpu.dma_semaphore, #tpu.memory_space<semaphore_mem>>) src(%dma_wait3A_389 : memref<10000x64xbf16, #tpu.memory_space<hbm>>) dst(%dma_wait3A_379 : memref<128x64xbf16, #tpu.memory_space<vmem>>)
      %dma_wait3A_390 = arith.constant 0 : i32
      %dma_wait3A_391 = arith.constant 0 : i32
      %dma_wait3A_392 = tpu.memref_slice %arg9[%add3A_357, %dma_wait3A_390, %dma_wait3A_391] : memref<8x128x64xbf16, #tpu.memory_space<vmem>> -> memref<1x128x64xbf16, #tpu.memory_space<vmem>>
      %dma_wait3A_393 = tpu.memref_squeeze %dma_wait3A_392 : memref<1x128x64xbf16, #tpu.memory_space<vmem>> -> memref<128x64xbf16, #tpu.memory_space<vmem>>
      %dma_wait3A_394 = arith.constant 0 : i32
      %dma_wait3A_395 = tpu.memref_slice %arg7[%add3A_355, %dma_wait3A_394] : memref<32x128xi32, #tpu.memory_space<vmem>> -> memref<1x128xi32, #tpu.memory_space<vmem>>
      %dma_wait3A_396 = tpu.memref_squeeze %dma_wait3A_395 : memref<1x128xi32, #tpu.memory_space<vmem>> -> memref<128xi32, #tpu.memory_space<vmem>>
      %dma_wait3A_397 = arith.constant 0 : i32
      %dma_wait3A_398 = arith.constant 0 : i32
      %dma_wait3A_399 = tpu.memref_slice %arg2[%arg0, %dma_wait3A_397, %dma_wait3A_398] : memref<2x10000x64xbf16, #tpu.memory_space<hbm>> -> memref<1x10000x64xbf16, #tpu.memory_space<hbm>>
      %dma_wait3A_400 = tpu.memref_squeeze %dma_wait3A_399 : memref<1x10000x64xbf16, #tpu.memory_space<hbm>> -> memref<10000x64xbf16, #tpu.memory_space<hbm>>
      %dma_wait3A_401 = arith.constant 0 : i32
      %dma_wait3A_402 = arith.constant 0 : i32
      %dma_wait3A_403 = tpu.memref_slice %dma_wait3A_400[%dma_wait3A_401, %dma_wait3A_402] : memref<10000x64xbf16, #tpu.memory_space<hbm>> -> memref<10000x64xbf16, #tpu.memory_space<hbm>>
      tpu.wait_indirect_dma semaphore(%arg15 : memref<!tpu.dma_semaphore, #tpu.memory_space<semaphore_mem>>) src(%dma_wait3A_403 : memref<10000x64xbf16, #tpu.memory_space<hbm>>) dst(%dma_wait3A_393 : memref<128x64xbf16, #tpu.memory_space<vmem>>)
      %dma_wait3A_404 = arith.constant 0 : i32
      %dma_wait3A_405 = arith.constant 0 : i32
      %dma_wait3A_406 = tpu.memref_slice %arg9[%add3A_361, %dma_wait3A_404, %dma_wait3A_405] : memref<8x128x64xbf16, #tpu.memory_space<vmem>> -> memref<1x128x64xbf16, #tpu.memory_space<vmem>>
      %dma_wait3A_407 = tpu.memref_squeeze %dma_wait3A_406 : memref<1x128x64xbf16, #tpu.memory_space<vmem>> -> memref<128x64xbf16, #tpu.memory_space<vmem>>
      %dma_wait3A_408 = arith.constant 0 : i32
      %dma_wait3A_409 = tpu.memref_slice %arg7[%add3A_359, %dma_wait3A_408] : memref<32x128xi32, #tpu.memory_space<vmem>> -> memref<1x128xi32, #tpu.memory_space<vmem>>
      %dma_wait3A_410 = tpu.memref_squeeze %dma_wait3A_409 : memref<1x128xi32, #tpu.memory_space<vmem>> -> memref<128xi32, #tpu.memory_space<vmem>>
      %dma_wait3A_411 = arith.constant 0 : i32
      %dma_wait3A_412 = arith.constant 0 : i32
      %dma_wait3A_413 = tpu.memref_slice %arg2[%arg0, %dma_wait3A_411, %dma_wait3A_412] : memref<2x10000x64xbf16, #tpu.memory_space<hbm>> -> memref<1x10000x64xbf16, #tpu.memory_space<hbm>>
      %dma_wait3A_414 = tpu.memref_squeeze %dma_wait3A_413 : memref<1x10000x64xbf16, #tpu.memory_space<hbm>> -> memref<10000x64xbf16, #tpu.memory_space<hbm>>
      %dma_wait3A_415 = arith.constant 0 : i32
      %dma_wait3A_416 = arith.constant 0 : i32
      %dma_wait3A_417 = tpu.memref_slice %dma_wait3A_414[%dma_wait3A_415, %dma_wait3A_416] : memref<10000x64xbf16, #tpu.memory_space<hbm>> -> memref<10000x64xbf16, #tpu.memory_space<hbm>>
      tpu.wait_indirect_dma semaphore(%arg15 : memref<!tpu.dma_semaphore, #tpu.memory_space<semaphore_mem>>) src(%dma_wait3A_417 : memref<10000x64xbf16, #tpu.memory_space<hbm>>) dst(%dma_wait3A_407 : memref<128x64xbf16, #tpu.memory_space<vmem>>)
      %gt3A = arith.constant 0 : i32
      %gt3A_418 = arith.cmpi sgt, %scan3A_297, %gt3A : i32
      %convert_element_type3A_419 = arith.extui %gt3A_418 : i1 to i32
      %cond3A_420 = arith.constant 0 : i32
      %cond3A_421 = arith.cmpi ne, %convert_element_type3A_419, %cond3A_420 : i32
      scf.if %cond3A_421 {
        %sub3A_631 = arith.constant 1 : i32
        %sub3A_632 = arith.subi %scan3A_297, %sub3A_631 : i32
        %jit3A_633 = arith.constant 4 : i32
        %div3A_634 = arith.divsi %sub3A_632, %jit3A_633 : i32
        %sign3A_635 = arith.constant 0 : i32
        %sign3A_636 = arith.cmpi sgt, %sub3A_632, %sign3A_635 : i32
        %sign3A_637 = arith.extui %sign3A_636 : i1 to i32
        %sign3A_638 = arith.constant 0 : i32
        %sign3A_639 = arith.cmpi slt, %sub3A_632, %sign3A_638 : i32
        %sign3A_640 = arith.extui %sign3A_639 : i1 to i32
        %sign3A_641 = arith.subi %sign3A_637, %sign3A_640 : i32
        %sign3A_642 = arith.constant 0 : i32
        %sign3A_643 = arith.cmpi sgt, %jit3A_633, %sign3A_642 : i32
        %sign3A_644 = arith.extui %sign3A_643 : i1 to i32
        %sign3A_645 = arith.constant 0 : i32
        %sign3A_646 = arith.cmpi slt, %jit3A_633, %sign3A_645 : i32
        %sign3A_647 = arith.extui %sign3A_646 : i1 to i32
        %sign3A_648 = arith.subi %sign3A_644, %sign3A_647 : i32
        %ne3A_649 = arith.cmpi ne, %sign3A_641, %sign3A_648 : i32
        %rem3A_650 = arith.remsi %sub3A_632, %jit3A_633 : i32
        %ne3A_651 = arith.constant 0 : i32
        %ne3A_652 = arith.cmpi ne, %rem3A_650, %ne3A_651 : i32
        %and3A_653 = arith.andi %ne3A_649, %ne3A_652 : i1
        %sub3A_654 = arith.constant 1 : i32
        %sub3A_655 = arith.subi %div3A_634, %sub3A_654 : i32
        %select_n3A_656 = arith.select %and3A_653, %sub3A_655, %div3A_634 : i32
        %rem3A_657 = arith.constant 2 : i32
        %rem3A_658 = arith.remsi %select_n3A_656, %rem3A_657 : i32
        %mul3A_659 = arith.constant 16 : i32
        %mul3A_660 = arith.muli %rem3A_658, %mul3A_659 : i32
        %rem3A_661 = arith.constant 4 : i32
        %rem3A_662 = arith.remsi %sub3A_632, %rem3A_661 : i32
        %mul3A_663 = arith.constant 4 : i32
        %mul3A_664 = arith.muli %rem3A_662, %mul3A_663 : i32
        %add3A_665 = arith.addi %mul3A_660, %mul3A_664 : i32
        %add3A_666 = arith.constant 0 : i32
        %add3A_667 = arith.addi %add3A_665, %add3A_666 : i32
        %add3A_668 = arith.constant 1 : i32
        %add3A_669 = arith.addi %add3A_665, %add3A_668 : i32
        %add3A_670 = arith.constant 2 : i32
        %add3A_671 = arith.addi %add3A_665, %add3A_670 : i32
        %add3A_672 = arith.constant 3 : i32
        %add3A_673 = arith.addi %add3A_665, %add3A_672 : i32
        %dma_wait3A_674 = arith.constant 0 : i32
        %dma_wait3A_675 = arith.constant 0 : i32
        %dma_wait3A_676 = arith.constant 0 : i32
        %dma_wait3A_677 = tpu.memref_slice %arg10[%dma_wait3A_674, %dma_wait3A_675, %dma_wait3A_676] : memref<4x128x64xf32, #tpu.memory_space<vmem>> -> memref<1x128x64xf32, #tpu.memory_space<vmem>>
        %dma_wait3A_678 = tpu.memref_squeeze %dma_wait3A_677 : memref<1x128x64xf32, #tpu.memory_space<vmem>> -> memref<128x64xf32, #tpu.memory_space<vmem>>
        %dma_wait3A_679 = arith.constant 0 : i32
        %dma_wait3A_680 = tpu.memref_slice %arg8[%add3A_667, %dma_wait3A_679] : memref<32x128xi32, #tpu.memory_space<vmem>> -> memref<1x128xi32, #tpu.memory_space<vmem>>
        %dma_wait3A_681 = tpu.memref_squeeze %dma_wait3A_680 : memref<1x128xi32, #tpu.memory_space<vmem>> -> memref<128xi32, #tpu.memory_space<vmem>>
        %dma_wait3A_682 = arith.constant 0 : i32
        %dma_wait3A_683 = arith.constant 0 : i32
        %dma_wait3A_684 = tpu.memref_slice %arg13[%dma_wait3A_682, %dma_wait3A_683] : memref<10016x64xf32, #tpu.memory_space<vmem_shared>> -> memref<10016x64xf32, #tpu.memory_space<vmem_shared>>
        tpu.wait_indirect_dma semaphore(%arg16 : memref<!tpu.dma_semaphore, #tpu.memory_space<semaphore_mem>>) src(%dma_wait3A_678 : memref<128x64xf32, #tpu.memory_space<vmem>>) dst(%dma_wait3A_684 : memref<10016x64xf32, #tpu.memory_space<vmem_shared>>)
        %dma_wait3A_685 = arith.constant 1 : i32
        %dma_wait3A_686 = arith.constant 0 : i32
        %dma_wait3A_687 = arith.constant 0 : i32
        %dma_wait3A_688 = tpu.memref_slice %arg10[%dma_wait3A_685, %dma_wait3A_686, %dma_wait3A_687] : memref<4x128x64xf32, #tpu.memory_space<vmem>> -> memref<1x128x64xf32, #tpu.memory_space<vmem>>
        %dma_wait3A_689 = tpu.memref_squeeze %dma_wait3A_688 : memref<1x128x64xf32, #tpu.memory_space<vmem>> -> memref<128x64xf32, #tpu.memory_space<vmem>>
        %dma_wait3A_690 = arith.constant 0 : i32
        %dma_wait3A_691 = tpu.memref_slice %arg8[%add3A_669, %dma_wait3A_690] : memref<32x128xi32, #tpu.memory_space<vmem>> -> memref<1x128xi32, #tpu.memory_space<vmem>>
        %dma_wait3A_692 = tpu.memref_squeeze %dma_wait3A_691 : memref<1x128xi32, #tpu.memory_space<vmem>> -> memref<128xi32, #tpu.memory_space<vmem>>
        %dma_wait3A_693 = arith.constant 0 : i32
        %dma_wait3A_694 = arith.constant 0 : i32
        %dma_wait3A_695 = tpu.memref_slice %arg13[%dma_wait3A_693, %dma_wait3A_694] : memref<10016x64xf32, #tpu.memory_space<vmem_shared>> -> memref<10016x64xf32, #tpu.memory_space<vmem_shared>>
        tpu.wait_indirect_dma semaphore(%arg16 : memref<!tpu.dma_semaphore, #tpu.memory_space<semaphore_mem>>) src(%dma_wait3A_689 : memref<128x64xf32, #tpu.memory_space<vmem>>) dst(%dma_wait3A_695 : memref<10016x64xf32, #tpu.memory_space<vmem_shared>>)
        %dma_wait3A_696 = arith.constant 2 : i32
        %dma_wait3A_697 = arith.constant 0 : i32
        %dma_wait3A_698 = arith.constant 0 : i32
        %dma_wait3A_699 = tpu.memref_slice %arg10[%dma_wait3A_696, %dma_wait3A_697, %dma_wait3A_698] : memref<4x128x64xf32, #tpu.memory_space<vmem>> -> memref<1x128x64xf32, #tpu.memory_space<vmem>>
        %dma_wait3A_700 = tpu.memref_squeeze %dma_wait3A_699 : memref<1x128x64xf32, #tpu.memory_space<vmem>> -> memref<128x64xf32, #tpu.memory_space<vmem>>
        %dma_wait3A_701 = arith.constant 0 : i32
        %dma_wait3A_702 = tpu.memref_slice %arg8[%add3A_671, %dma_wait3A_701] : memref<32x128xi32, #tpu.memory_space<vmem>> -> memref<1x128xi32, #tpu.memory_space<vmem>>
        %dma_wait3A_703 = tpu.memref_squeeze %dma_wait3A_702 : memref<1x128xi32, #tpu.memory_space<vmem>> -> memref<128xi32, #tpu.memory_space<vmem>>
        %dma_wait3A_704 = arith.constant 0 : i32
        %dma_wait3A_705 = arith.constant 0 : i32
        %dma_wait3A_706 = tpu.memref_slice %arg13[%dma_wait3A_704, %dma_wait3A_705] : memref<10016x64xf32, #tpu.memory_space<vmem_shared>> -> memref<10016x64xf32, #tpu.memory_space<vmem_shared>>
        tpu.wait_indirect_dma semaphore(%arg16 : memref<!tpu.dma_semaphore, #tpu.memory_space<semaphore_mem>>) src(%dma_wait3A_700 : memref<128x64xf32, #tpu.memory_space<vmem>>) dst(%dma_wait3A_706 : memref<10016x64xf32, #tpu.memory_space<vmem_shared>>)
        %dma_wait3A_707 = arith.constant 3 : i32
        %dma_wait3A_708 = arith.constant 0 : i32
        %dma_wait3A_709 = arith.constant 0 : i32
        %dma_wait3A_710 = tpu.memref_slice %arg10[%dma_wait3A_707, %dma_wait3A_708, %dma_wait3A_709] : memref<4x128x64xf32, #tpu.memory_space<vmem>> -> memref<1x128x64xf32, #tpu.memory_space<vmem>>
        %dma_wait3A_711 = tpu.memref_squeeze %dma_wait3A_710 : memref<1x128x64xf32, #tpu.memory_space<vmem>> -> memref<128x64xf32, #tpu.memory_space<vmem>>
        %dma_wait3A_712 = arith.constant 0 : i32
        %dma_wait3A_713 = tpu.memref_slice %arg8[%add3A_673, %dma_wait3A_712] : memref<32x128xi32, #tpu.memory_space<vmem>> -> memref<1x128xi32, #tpu.memory_space<vmem>>
        %dma_wait3A_714 = tpu.memref_squeeze %dma_wait3A_713 : memref<1x128xi32, #tpu.memory_space<vmem>> -> memref<128xi32, #tpu.memory_space<vmem>>
        %dma_wait3A_715 = arith.constant 0 : i32
        %dma_wait3A_716 = arith.constant 0 : i32
        %dma_wait3A_717 = tpu.memref_slice %arg13[%dma_wait3A_715, %dma_wait3A_716] : memref<10016x64xf32, #tpu.memory_space<vmem_shared>> -> memref<10016x64xf32, #tpu.memory_space<vmem_shared>>
        tpu.wait_indirect_dma semaphore(%arg16 : memref<!tpu.dma_semaphore, #tpu.memory_space<semaphore_mem>>) src(%dma_wait3A_711 : memref<128x64xf32, #tpu.memory_space<vmem>>) dst(%dma_wait3A_717 : memref<10016x64xf32, #tpu.memory_space<vmem_shared>>)
        %rem3A_718 = arith.constant 2 : i32
        %rem3A_719 = arith.remsi %sub3A_632, %rem3A_718 : i32
        %eq3A_720 = arith.cmpi eq, %arg0, %rem3A_719 : i32
        %convert_element_type3A_721 = arith.extui %eq3A_720 : i1 to i32
        %cond3A_722 = arith.constant 0 : i32
        %cond3A_723 = arith.cmpi ne, %convert_element_type3A_721, %cond3A_722 : i32
        scf.if %cond3A_723 {
          %jit3A_724 = arith.constant 4 : i32
          %div3A_725 = arith.divsi %sub3A_632, %jit3A_724 : i32
          %sign3A_726 = arith.constant 0 : i32
          %sign3A_727 = arith.cmpi sgt, %sub3A_632, %sign3A_726 : i32
          %sign3A_728 = arith.extui %sign3A_727 : i1 to i32
          %sign3A_729 = arith.constant 0 : i32
          %sign3A_730 = arith.cmpi slt, %sub3A_632, %sign3A_729 : i32
          %sign3A_731 = arith.extui %sign3A_730 : i1 to i32
          %sign3A_732 = arith.subi %sign3A_728, %sign3A_731 : i32
          %sign3A_733 = arith.constant 0 : i32
          %sign3A_734 = arith.cmpi sgt, %jit3A_724, %sign3A_733 : i32
          %sign3A_735 = arith.extui %sign3A_734 : i1 to i32
          %sign3A_736 = arith.constant 0 : i32
          %sign3A_737 = arith.cmpi slt, %jit3A_724, %sign3A_736 : i32
          %sign3A_738 = arith.extui %sign3A_737 : i1 to i32
          %sign3A_739 = arith.subi %sign3A_735, %sign3A_738 : i32
          %ne3A_740 = arith.cmpi ne, %sign3A_732, %sign3A_739 : i32
          %rem3A_741 = arith.remsi %sub3A_632, %jit3A_724 : i32
          %ne3A_742 = arith.constant 0 : i32
          %ne3A_743 = arith.cmpi ne, %rem3A_741, %ne3A_742 : i32
          %and3A_744 = arith.andi %ne3A_740, %ne3A_743 : i1
          %sub3A_745 = arith.constant 1 : i32
          %sub3A_746 = arith.subi %div3A_725, %sub3A_745 : i32
          %select_n3A_747 = arith.select %and3A_744, %sub3A_746, %div3A_725 : i32
          %rem3A_748 = arith.constant 2 : i32
          %rem3A_749 = arith.remsi %select_n3A_747, %rem3A_748 : i32
          %mul3A_750 = arith.constant 16 : i32
          %mul3A_751 = arith.muli %rem3A_749, %mul3A_750 : i32
          %rem3A_752 = arith.constant 4 : i32
          %rem3A_753 = arith.remsi %sub3A_632, %rem3A_752 : i32
          %mul3A_754 = arith.constant 4 : i32
          %mul3A_755 = arith.muli %rem3A_753, %mul3A_754 : i32
          %add3A_756 = arith.addi %mul3A_751, %mul3A_755 : i32
          %add3A_757 = arith.constant 0 : i32
          %add3A_758 = arith.addi %add3A_756, %add3A_757 : i32
          %add3A_759 = arith.constant 1 : i32
          %add3A_760 = arith.addi %add3A_756, %add3A_759 : i32
          %add3A_761 = arith.constant 2 : i32
          %add3A_762 = arith.addi %add3A_756, %add3A_761 : i32
          %add3A_763 = arith.constant 3 : i32
          %add3A_764 = arith.addi %add3A_756, %add3A_763 : i32
          %dma_wait3A_765 = arith.constant 0 : i32
          %dma_wait3A_766 = tpu.memref_slice %arg8[%add3A_758, %dma_wait3A_765] : memref<32x128xi32, #tpu.memory_space<vmem>> -> memref<1x128xi32, #tpu.memory_space<vmem>>
          %dma_wait3A_767 = tpu.memref_squeeze %dma_wait3A_766 : memref<1x128xi32, #tpu.memory_space<vmem>> -> memref<128xi32, #tpu.memory_space<vmem>>
          %dma_wait3A_768 = arith.constant 0 : i32
          %dma_wait3A_769 = arith.constant 0 : i32
          %dma_wait3A_770 = tpu.memref_slice %arg14[%dma_wait3A_768, %dma_wait3A_769] : memref<10016x16xf32, #tpu.memory_space<vmem_shared>> -> memref<10016x16xf32, #tpu.memory_space<vmem_shared>>
          tpu.wait_indirect_dma semaphore(%arg17 : memref<!tpu.dma_semaphore, #tpu.memory_space<semaphore_mem>>) src(%arg11 : memref<128x16xf32, #tpu.memory_space<vmem>>) dst(%dma_wait3A_770 : memref<10016x16xf32, #tpu.memory_space<vmem_shared>>)
          %dma_wait3A_771 = arith.constant 0 : i32
          %dma_wait3A_772 = tpu.memref_slice %arg8[%add3A_760, %dma_wait3A_771] : memref<32x128xi32, #tpu.memory_space<vmem>> -> memref<1x128xi32, #tpu.memory_space<vmem>>
          %dma_wait3A_773 = tpu.memref_squeeze %dma_wait3A_772 : memref<1x128xi32, #tpu.memory_space<vmem>> -> memref<128xi32, #tpu.memory_space<vmem>>
          %dma_wait3A_774 = arith.constant 0 : i32
          %dma_wait3A_775 = arith.constant 0 : i32
          %dma_wait3A_776 = tpu.memref_slice %arg14[%dma_wait3A_774, %dma_wait3A_775] : memref<10016x16xf32, #tpu.memory_space<vmem_shared>> -> memref<10016x16xf32, #tpu.memory_space<vmem_shared>>
          tpu.wait_indirect_dma semaphore(%arg17 : memref<!tpu.dma_semaphore, #tpu.memory_space<semaphore_mem>>) src(%arg11 : memref<128x16xf32, #tpu.memory_space<vmem>>) dst(%dma_wait3A_776 : memref<10016x16xf32, #tpu.memory_space<vmem_shared>>)
          %dma_wait3A_777 = arith.constant 0 : i32
          %dma_wait3A_778 = tpu.memref_slice %arg8[%add3A_762, %dma_wait3A_777] : memref<32x128xi32, #tpu.memory_space<vmem>> -> memref<1x128xi32, #tpu.memory_space<vmem>>
          %dma_wait3A_779 = tpu.memref_squeeze %dma_wait3A_778 : memref<1x128xi32, #tpu.memory_space<vmem>> -> memref<128xi32, #tpu.memory_space<vmem>>
          %dma_wait3A_780 = arith.constant 0 : i32
          %dma_wait3A_781 = arith.constant 0 : i32
          %dma_wait3A_782 = tpu.memref_slice %arg14[%dma_wait3A_780, %dma_wait3A_781] : memref<10016x16xf32, #tpu.memory_space<vmem_shared>> -> memref<10016x16xf32, #tpu.memory_space<vmem_shared>>
          tpu.wait_indirect_dma semaphore(%arg17 : memref<!tpu.dma_semaphore, #tpu.memory_space<semaphore_mem>>) src(%arg11 : memref<128x16xf32, #tpu.memory_space<vmem>>) dst(%dma_wait3A_782 : memref<10016x16xf32, #tpu.memory_space<vmem_shared>>)
          %dma_wait3A_783 = arith.constant 0 : i32
          %dma_wait3A_784 = tpu.memref_slice %arg8[%add3A_764, %dma_wait3A_783] : memref<32x128xi32, #tpu.memory_space<vmem>> -> memref<1x128xi32, #tpu.memory_space<vmem>>
          %dma_wait3A_785 = tpu.memref_squeeze %dma_wait3A_784 : memref<1x128xi32, #tpu.memory_space<vmem>> -> memref<128xi32, #tpu.memory_space<vmem>>
          %dma_wait3A_786 = arith.constant 0 : i32
          %dma_wait3A_787 = arith.constant 0 : i32
          %dma_wait3A_788 = tpu.memref_slice %arg14[%dma_wait3A_786, %dma_wait3A_787] : memref<10016x16xf32, #tpu.memory_space<vmem_shared>> -> memref<10016x16xf32, #tpu.memory_space<vmem_shared>>
          tpu.wait_indirect_dma semaphore(%arg17 : memref<!tpu.dma_semaphore, #tpu.memory_space<semaphore_mem>>) src(%arg11 : memref<128x16xf32, #tpu.memory_space<vmem>>) dst(%dma_wait3A_788 : memref<10016x16xf32, #tpu.memory_space<vmem_shared>>)
        } else {
        }
      } else {
      }
      %rem3A_422 = arith.constant 2 : i32
      %rem3A_423 = arith.remsi %scan3A_297, %rem3A_422 : i32
      %mul3A_424 = arith.constant 4 : i32
      %mul3A_425 = arith.muli %rem3A_423, %mul3A_424 : i32
      %parallel_loop3A_426 = arith.constant 0 : i32
      %parallel_loop3A_427 = arith.constant 128 : i32
      %parallel_loop3A_428 = arith.constant 1 : i32
      scf.for %parallel_loop3A_631 = %parallel_loop3A_426 to %parallel_loop3A_427 step %parallel_loop3A_428  : i32 {
        %parallel_loop3A_632 = arith.constant 0 : i32
        %parallel_loop3A_633 = arith.addi %mul3A_425, %parallel_loop3A_632 : i32
        %parallel_loop3A_634 = arith.index_cast %parallel_loop3A_633 : i32 to index
        %parallel_loop3A_635 = arith.index_cast %parallel_loop3A_631 : i32 to index
        %parallel_loop3A_636 = arith.constant 0 : index
        %parallel_loop3A_637 = tpu.vector_load %arg9[%parallel_loop3A_634, %parallel_loop3A_635, %parallel_loop3A_636] {strides = array<i32>} : memref<8x128x64xbf16, #tpu.memory_space<vmem>>, vector<32xbf16>,
        %parallel_loop3A_638 = tpu.unpack_subelements %parallel_loop3A_637, 0 {pack_format = #tpu.pack_format<interleaved>} : vector<32xbf16> -> vector<16xf32>
        %parallel_loop3A_639 = tpu.unpack_subelements %parallel_loop3A_637, 1 {pack_format = #tpu.pack_format<interleaved>} : vector<32xbf16> -> vector<16xf32>
        %parallel_loop3A_640 = arith.constant 0 : i32
        %parallel_loop3A_641 = arith.index_cast %parallel_loop3A_640 : i32 to index
        %parallel_loop3A_642 = arith.index_cast %parallel_loop3A_631 : i32 to index
        %parallel_loop3A_643 = arith.constant 0 : index
        %parallel_loop3A_644 = tpu.vector_load %arg10[%parallel_loop3A_641, %parallel_loop3A_642, %parallel_loop3A_643] {strides = array<i32>} : memref<4x128x64xf32, #tpu.memory_space<vmem>>, vector<16xf32>,
        tpu.vector_store %arg10[%parallel_loop3A_641, %parallel_loop3A_642, %parallel_loop3A_643], %parallel_loop3A_638 {strides = array<i32>} : memref<4x128x64xf32, #tpu.memory_space<vmem>>, vector<16xf32>,
        %parallel_loop3A_645 = arith.constant 0 : i32
        %parallel_loop3A_646 = arith.index_cast %parallel_loop3A_645 : i32 to index
        %parallel_loop3A_647 = arith.index_cast %parallel_loop3A_631 : i32 to index
        %parallel_loop3A_648 = arith.constant 16 : index
        %parallel_loop3A_649 = tpu.vector_load %arg10[%parallel_loop3A_646, %parallel_loop3A_647, %parallel_loop3A_648] {strides = array<i32>} : memref<4x128x64xf32, #tpu.memory_space<vmem>>, vector<16xf32>,
        tpu.vector_store %arg10[%parallel_loop3A_646, %parallel_loop3A_647, %parallel_loop3A_648], %parallel_loop3A_639 {strides = array<i32>} : memref<4x128x64xf32, #tpu.memory_space<vmem>>, vector<16xf32>,
        %parallel_loop3A_650 = arith.constant 0 : i32
        %parallel_loop3A_651 = arith.addi %mul3A_425, %parallel_loop3A_650 : i32
        %parallel_loop3A_652 = arith.index_cast %parallel_loop3A_651 : i32 to index
        %parallel_loop3A_653 = arith.index_cast %parallel_loop3A_631 : i32 to index
        %parallel_loop3A_654 = arith.constant 32 : index
        %parallel_loop3A_655 = tpu.vector_load %arg9[%parallel_loop3A_652, %parallel_loop3A_653, %parallel_loop3A_654] {strides = array<i32>} : memref<8x128x64xbf16, #tpu.memory_space<vmem>>, vector<32xbf16>,
        %parallel_loop3A_656 = tpu.unpack_subelements %parallel_loop3A_655, 0 {pack_format = #tpu.pack_format<interleaved>} : vector<32xbf16> -> vector<16xf32>
        %parallel_loop3A_657 = tpu.unpack_subelements %parallel_loop3A_655, 1 {pack_format = #tpu.pack_format<interleaved>} : vector<32xbf16> -> vector<16xf32>
        %parallel_loop3A_658 = arith.constant 0 : i32
        %parallel_loop3A_659 = arith.index_cast %parallel_loop3A_658 : i32 to index
        %parallel_loop3A_660 = arith.index_cast %parallel_loop3A_631 : i32 to index
        %parallel_loop3A_661 = arith.constant 32 : index
        %parallel_loop3A_662 = tpu.vector_load %arg10[%parallel_loop3A_659, %parallel_loop3A_660, %parallel_loop3A_661] {strides = array<i32>} : memref<4x128x64xf32, #tpu.memory_space<vmem>>, vector<16xf32>,
        tpu.vector_store %arg10[%parallel_loop3A_659, %parallel_loop3A_660, %parallel_loop3A_661], %parallel_loop3A_656 {strides = array<i32>} : memref<4x128x64xf32, #tpu.memory_space<vmem>>, vector<16xf32>,
        %parallel_loop3A_663 = arith.constant 0 : i32
        %parallel_loop3A_664 = arith.index_cast %parallel_loop3A_663 : i32 to index
        %parallel_loop3A_665 = arith.index_cast %parallel_loop3A_631 : i32 to index
        %parallel_loop3A_666 = arith.constant 48 : index
        %parallel_loop3A_667 = tpu.vector_load %arg10[%parallel_loop3A_664, %parallel_loop3A_665, %parallel_loop3A_666] {strides = array<i32>} : memref<4x128x64xf32, #tpu.memory_space<vmem>>, vector<16xf32>,
        tpu.vector_store %arg10[%parallel_loop3A_664, %parallel_loop3A_665, %parallel_loop3A_666], %parallel_loop3A_657 {strides = array<i32>} : memref<4x128x64xf32, #tpu.memory_space<vmem>>, vector<16xf32>,
        %parallel_loop3A_668 = arith.constant 1 : i32
        %parallel_loop3A_669 = arith.addi %mul3A_425, %parallel_loop3A_668 : i32
        %parallel_loop3A_670 = arith.index_cast %parallel_loop3A_669 : i32 to index
        %parallel_loop3A_671 = arith.index_cast %parallel_loop3A_631 : i32 to index
        %parallel_loop3A_672 = arith.constant 0 : index
        %parallel_loop3A_673 = tpu.vector_load %arg9[%parallel_loop3A_670, %parallel_loop3A_671, %parallel_loop3A_672] {strides = array<i32>} : memref<8x128x64xbf16, #tpu.memory_space<vmem>>, vector<32xbf16>,
        %parallel_loop3A_674 = tpu.unpack_subelements %parallel_loop3A_673, 0 {pack_format = #tpu.pack_format<interleaved>} : vector<32xbf16> -> vector<16xf32>
        %parallel_loop3A_675 = tpu.unpack_subelements %parallel_loop3A_673, 1 {pack_format = #tpu.pack_format<interleaved>} : vector<32xbf16> -> vector<16xf32>
        %parallel_loop3A_676 = arith.constant 1 : i32
        %parallel_loop3A_677 = arith.index_cast %parallel_loop3A_676 : i32 to index
        %parallel_loop3A_678 = arith.index_cast %parallel_loop3A_631 : i32 to index
        %parallel_loop3A_679 = arith.constant 0 : index
        %parallel_loop3A_680 = tpu.vector_load %arg10[%parallel_loop3A_677, %parallel_loop3A_678, %parallel_loop3A_679] {strides = array<i32>} : memref<4x128x64xf32, #tpu.memory_space<vmem>>, vector<16xf32>,
        tpu.vector_store %arg10[%parallel_loop3A_677, %parallel_loop3A_678, %parallel_loop3A_679], %parallel_loop3A_674 {strides = array<i32>} : memref<4x128x64xf32, #tpu.memory_space<vmem>>, vector<16xf32>,
        %parallel_loop3A_681 = arith.constant 1 : i32
        %parallel_loop3A_682 = arith.index_cast %parallel_loop3A_681 : i32 to index
        %parallel_loop3A_683 = arith.index_cast %parallel_loop3A_631 : i32 to index
        %parallel_loop3A_684 = arith.constant 16 : index
        %parallel_loop3A_685 = tpu.vector_load %arg10[%parallel_loop3A_682, %parallel_loop3A_683, %parallel_loop3A_684] {strides = array<i32>} : memref<4x128x64xf32, #tpu.memory_space<vmem>>, vector<16xf32>,
        tpu.vector_store %arg10[%parallel_loop3A_682, %parallel_loop3A_683, %parallel_loop3A_684], %parallel_loop3A_675 {strides = array<i32>} : memref<4x128x64xf32, #tpu.memory_space<vmem>>, vector<16xf32>,
        %parallel_loop3A_686 = arith.constant 1 : i32
        %parallel_loop3A_687 = arith.addi %mul3A_425, %parallel_loop3A_686 : i32
        %parallel_loop3A_688 = arith.index_cast %parallel_loop3A_687 : i32 to index
        %parallel_loop3A_689 = arith.index_cast %parallel_loop3A_631 : i32 to index
        %parallel_loop3A_690 = arith.constant 32 : index
        %parallel_loop3A_691 = tpu.vector_load %arg9[%parallel_loop3A_688, %parallel_loop3A_689, %parallel_loop3A_690] {strides = array<i32>} : memref<8x128x64xbf16, #tpu.memory_space<vmem>>, vector<32xbf16>,
        %parallel_loop3A_692 = tpu.unpack_subelements %parallel_loop3A_691, 0 {pack_format = #tpu.pack_format<interleaved>} : vector<32xbf16> -> vector<16xf32>
        %parallel_loop3A_693 = tpu.unpack_subelements %parallel_loop3A_691, 1 {pack_format = #tpu.pack_format<interleaved>} : vector<32xbf16> -> vector<16xf32>
        %parallel_loop3A_694 = arith.constant 1 : i32
        %parallel_loop3A_695 = arith.index_cast %parallel_loop3A_694 : i32 to index
        %parallel_loop3A_696 = arith.index_cast %parallel_loop3A_631 : i32 to index
        %parallel_loop3A_697 = arith.constant 32 : index
        %parallel_loop3A_698 = tpu.vector_load %arg10[%parallel_loop3A_695, %parallel_loop3A_696, %parallel_loop3A_697] {strides = array<i32>} : memref<4x128x64xf32, #tpu.memory_space<vmem>>, vector<16xf32>,
        tpu.vector_store %arg10[%parallel_loop3A_695, %parallel_loop3A_696, %parallel_loop3A_697], %parallel_loop3A_692 {strides = array<i32>} : memref<4x128x64xf32, #tpu.memory_space<vmem>>, vector<16xf32>,
        %parallel_loop3A_699 = arith.constant 1 : i32
        %parallel_loop3A_700 = arith.index_cast %parallel_loop3A_699 : i32 to index
        %parallel_loop3A_701 = arith.index_cast %parallel_loop3A_631 : i32 to index
        %parallel_loop3A_702 = arith.constant 48 : index
        %parallel_loop3A_703 = tpu.vector_load %arg10[%parallel_loop3A_700, %parallel_loop3A_701, %parallel_loop3A_702] {strides = array<i32>} : memref<4x128x64xf32, #tpu.memory_space<vmem>>, vector<16xf32>,
        tpu.vector_store %arg10[%parallel_loop3A_700, %parallel_loop3A_701, %parallel_loop3A_702], %parallel_loop3A_693 {strides = array<i32>} : memref<4x128x64xf32, #tpu.memory_space<vmem>>, vector<16xf32>,
        %parallel_loop3A_704 = arith.constant 2 : i32
        %parallel_loop3A_705 = arith.addi %mul3A_425, %parallel_loop3A_704 : i32
        %parallel_loop3A_706 = arith.index_cast %parallel_loop3A_705 : i32 to index
        %parallel_loop3A_707 = arith.index_cast %parallel_loop3A_631 : i32 to index
        %parallel_loop3A_708 = arith.constant 0 : index
        %parallel_loop3A_709 = tpu.vector_load %arg9[%parallel_loop3A_706, %parallel_loop3A_707, %parallel_loop3A_708] {strides = array<i32>} : memref<8x128x64xbf16, #tpu.memory_space<vmem>>, vector<32xbf16>,
        %parallel_loop3A_710 = tpu.unpack_subelements %parallel_loop3A_709, 0 {pack_format = #tpu.pack_format<interleaved>} : vector<32xbf16> -> vector<16xf32>
        %parallel_loop3A_711 = tpu.unpack_subelements %parallel_loop3A_709, 1 {pack_format = #tpu.pack_format<interleaved>} : vector<32xbf16> -> vector<16xf32>
        %parallel_loop3A_712 = arith.constant 2 : i32
        %parallel_loop3A_713 = arith.index_cast %parallel_loop3A_712 : i32 to index
        %parallel_loop3A_714 = arith.index_cast %parallel_loop3A_631 : i32 to index
        %parallel_loop3A_715 = arith.constant 0 : index
        %parallel_loop3A_716 = tpu.vector_load %arg10[%parallel_loop3A_713, %parallel_loop3A_714, %parallel_loop3A_715] {strides = array<i32>} : memref<4x128x64xf32, #tpu.memory_space<vmem>>, vector<16xf32>,
        tpu.vector_store %arg10[%parallel_loop3A_713, %parallel_loop3A_714, %parallel_loop3A_715], %parallel_loop3A_710 {strides = array<i32>} : memref<4x128x64xf32, #tpu.memory_space<vmem>>, vector<16xf32>,
        %parallel_loop3A_717 = arith.constant 2 : i32
        %parallel_loop3A_718 = arith.index_cast %parallel_loop3A_717 : i32 to index
        %parallel_loop3A_719 = arith.index_cast %parallel_loop3A_631 : i32 to index
        %parallel_loop3A_720 = arith.constant 16 : index
        %parallel_loop3A_721 = tpu.vector_load %arg10[%parallel_loop3A_718, %parallel_loop3A_719, %parallel_loop3A_720] {strides = array<i32>} : memref<4x128x64xf32, #tpu.memory_space<vmem>>, vector<16xf32>,
        tpu.vector_store %arg10[%parallel_loop3A_718, %parallel_loop3A_719, %parallel_loop3A_720], %parallel_loop3A_711 {strides = array<i32>} : memref<4x128x64xf32, #tpu.memory_space<vmem>>, vector<16xf32>,
        %parallel_loop3A_722 = arith.constant 2 : i32
        %parallel_loop3A_723 = arith.addi %mul3A_425, %parallel_loop3A_722 : i32
        %parallel_loop3A_724 = arith.index_cast %parallel_loop3A_723 : i32 to index
        %parallel_loop3A_725 = arith.index_cast %parallel_loop3A_631 : i32 to index
        %parallel_loop3A_726 = arith.constant 32 : index
        %parallel_loop3A_727 = tpu.vector_load %arg9[%parallel_loop3A_724, %parallel_loop3A_725, %parallel_loop3A_726] {strides = array<i32>} : memref<8x128x64xbf16, #tpu.memory_space<vmem>>, vector<32xbf16>,
        %parallel_loop3A_728 = tpu.unpack_subelements %parallel_loop3A_727, 0 {pack_format = #tpu.pack_format<interleaved>} : vector<32xbf16> -> vector<16xf32>
        %parallel_loop3A_729 = tpu.unpack_subelements %parallel_loop3A_727, 1 {pack_format = #tpu.pack_format<interleaved>} : vector<32xbf16> -> vector<16xf32>
        %parallel_loop3A_730 = arith.constant 2 : i32
        %parallel_loop3A_731 = arith.index_cast %parallel_loop3A_730 : i32 to index
        %parallel_loop3A_732 = arith.index_cast %parallel_loop3A_631 : i32 to index
        %parallel_loop3A_733 = arith.constant 32 : index
        %parallel_loop3A_734 = tpu.vector_load %arg10[%parallel_loop3A_731, %parallel_loop3A_732, %parallel_loop3A_733] {strides = array<i32>} : memref<4x128x64xf32, #tpu.memory_space<vmem>>, vector<16xf32>,
        tpu.vector_store %arg10[%parallel_loop3A_731, %parallel_loop3A_732, %parallel_loop3A_733], %parallel_loop3A_728 {strides = array<i32>} : memref<4x128x64xf32, #tpu.memory_space<vmem>>, vector<16xf32>,
        %parallel_loop3A_735 = arith.constant 2 : i32
        %parallel_loop3A_736 = arith.index_cast %parallel_loop3A_735 : i32 to index
        %parallel_loop3A_737 = arith.index_cast %parallel_loop3A_631 : i32 to index
        %parallel_loop3A_738 = arith.constant 48 : index
        %parallel_loop3A_739 = tpu.vector_load %arg10[%parallel_loop3A_736, %parallel_loop3A_737, %parallel_loop3A_738] {strides = array<i32>} : memref<4x128x64xf32, #tpu.memory_space<vmem>>, vector<16xf32>,
        tpu.vector_store %arg10[%parallel_loop3A_736, %parallel_loop3A_737, %parallel_loop3A_738], %parallel_loop3A_729 {strides = array<i32>} : memref<4x128x64xf32, #tpu.memory_space<vmem>>, vector<16xf32>,
        %parallel_loop3A_740 = arith.constant 3 : i32
        %parallel_loop3A_741 = arith.addi %mul3A_425, %parallel_loop3A_740 : i32
        %parallel_loop3A_742 = arith.index_cast %parallel_loop3A_741 : i32 to index
        %parallel_loop3A_743 = arith.index_cast %parallel_loop3A_631 : i32 to index
        %parallel_loop3A_744 = arith.constant 0 : index
        %parallel_loop3A_745 = tpu.vector_load %arg9[%parallel_loop3A_742, %parallel_loop3A_743, %parallel_loop3A_744] {strides = array<i32>} : memref<8x128x64xbf16, #tpu.memory_space<vmem>>, vector<32xbf16>,
        %parallel_loop3A_746 = tpu.unpack_subelements %parallel_loop3A_745, 0 {pack_format = #tpu.pack_format<interleaved>} : vector<32xbf16> -> vector<16xf32>
        %parallel_loop3A_747 = tpu.unpack_subelements %parallel_loop3A_745, 1 {pack_format = #tpu.pack_format<interleaved>} : vector<32xbf16> -> vector<16xf32>
        %parallel_loop3A_748 = arith.constant 3 : i32
        %parallel_loop3A_749 = arith.index_cast %parallel_loop3A_748 : i32 to index
        %parallel_loop3A_750 = arith.index_cast %parallel_loop3A_631 : i32 to index
        %parallel_loop3A_751 = arith.constant 0 : index
        %parallel_loop3A_752 = tpu.vector_load %arg10[%parallel_loop3A_749, %parallel_loop3A_750, %parallel_loop3A_751] {strides = array<i32>} : memref<4x128x64xf32, #tpu.memory_space<vmem>>, vector<16xf32>,
        tpu.vector_store %arg10[%parallel_loop3A_749, %parallel_loop3A_750, %parallel_loop3A_751], %parallel_loop3A_746 {strides = array<i32>} : memref<4x128x64xf32, #tpu.memory_space<vmem>>, vector<16xf32>,
        %parallel_loop3A_753 = arith.constant 3 : i32
        %parallel_loop3A_754 = arith.index_cast %parallel_loop3A_753 : i32 to index
        %parallel_loop3A_755 = arith.index_cast %parallel_loop3A_631 : i32 to index
        %parallel_loop3A_756 = arith.constant 16 : index
        %parallel_loop3A_757 = tpu.vector_load %arg10[%parallel_loop3A_754, %parallel_loop3A_755, %parallel_loop3A_756] {strides = array<i32>} : memref<4x128x64xf32, #tpu.memory_space<vmem>>, vector<16xf32>,
        tpu.vector_store %arg10[%parallel_loop3A_754, %parallel_loop3A_755, %parallel_loop3A_756], %parallel_loop3A_747 {strides = array<i32>} : memref<4x128x64xf32, #tpu.memory_space<vmem>>, vector<16xf32>,
        %parallel_loop3A_758 = arith.constant 3 : i32
        %parallel_loop3A_759 = arith.addi %mul3A_425, %parallel_loop3A_758 : i32
        %parallel_loop3A_760 = arith.index_cast %parallel_loop3A_759 : i32 to index
        %parallel_loop3A_761 = arith.index_cast %parallel_loop3A_631 : i32 to index
        %parallel_loop3A_762 = arith.constant 32 : index
        %parallel_loop3A_763 = tpu.vector_load %arg9[%parallel_loop3A_760, %parallel_loop3A_761, %parallel_loop3A_762] {strides = array<i32>} : memref<8x128x64xbf16, #tpu.memory_space<vmem>>, vector<32xbf16>,
        %parallel_loop3A_764 = tpu.unpack_subelements %parallel_loop3A_763, 0 {pack_format = #tpu.pack_format<interleaved>} : vector<32xbf16> -> vector<16xf32>
        %parallel_loop3A_765 = tpu.unpack_subelements %parallel_loop3A_763, 1 {pack_format = #tpu.pack_format<interleaved>} : vector<32xbf16> -> vector<16xf32>
        %parallel_loop3A_766 = arith.constant 3 : i32
        %parallel_loop3A_767 = arith.index_cast %parallel_loop3A_766 : i32 to index
        %parallel_loop3A_768 = arith.index_cast %parallel_loop3A_631 : i32 to index
        %parallel_loop3A_769 = arith.constant 32 : index
        %parallel_loop3A_770 = tpu.vector_load %arg10[%parallel_loop3A_767, %parallel_loop3A_768, %parallel_loop3A_769] {strides = array<i32>} : memref<4x128x64xf32, #tpu.memory_space<vmem>>, vector<16xf32>,
        tpu.vector_store %arg10[%parallel_loop3A_767, %parallel_loop3A_768, %parallel_loop3A_769], %parallel_loop3A_764 {strides = array<i32>} : memref<4x128x64xf32, #tpu.memory_space<vmem>>, vector<16xf32>,
        %parallel_loop3A_771 = arith.constant 3 : i32
        %parallel_loop3A_772 = arith.index_cast %parallel_loop3A_771 : i32 to index
        %parallel_loop3A_773 = arith.index_cast %parallel_loop3A_631 : i32 to index
        %parallel_loop3A_774 = arith.constant 48 : index
        %parallel_loop3A_775 = tpu.vector_load %arg10[%parallel_loop3A_772, %parallel_loop3A_773, %parallel_loop3A_774] {strides = array<i32>} : memref<4x128x64xf32, #tpu.memory_space<vmem>>, vector<16xf32>,
        tpu.vector_store %arg10[%parallel_loop3A_772, %parallel_loop3A_773, %parallel_loop3A_774], %parallel_loop3A_765 {strides = array<i32>} : memref<4x128x64xf32, #tpu.memory_space<vmem>>, vector<16xf32>,
      } {sc.loop_unroll_factor = 8 : i64, sc.parallel_access}
      %rem3A_429 = arith.constant 4 : i32
      %rem3A_430 = arith.remsi %scan3A_297, %rem3A_429 : i32
      %eq3A_431 = arith.constant 0 : i32
      %eq3A_432 = arith.cmpi eq, %rem3A_430, %eq3A_431 : i32
      %add3A_433 = arith.constant 4 : i32
      %add3A_434 = arith.addi %scan3A_297, %add3A_433 : i32
      %lt3A_435 = arith.constant 40 : i32
      %lt3A_436 = arith.cmpi slt, %add3A_434, %lt3A_435 : i32
      %and3A_437 = arith.andi %eq3A_432, %lt3A_436 : i1
      %convert_element_type3A_438 = arith.extui %and3A_437 : i1 to i32
      %cond3A_439 = arith.constant 0 : i32
      %cond3A_440 = arith.cmpi ne, %convert_element_type3A_438, %cond3A_439 : i32
      scf.if %cond3A_440 {
        %jit3A_631 = arith.constant 4 : i32
        %div3A_632 = arith.divsi %scan3A_297, %jit3A_631 : i32
        %sign3A_633 = arith.constant 0 : i32
        %sign3A_634 = arith.cmpi sgt, %scan3A_297, %sign3A_633 : i32
        %sign3A_635 = arith.extui %sign3A_634 : i1 to i32
        %sign3A_636 = arith.constant 0 : i32
        %sign3A_637 = arith.cmpi slt, %scan3A_297, %sign3A_636 : i32
        %sign3A_638 = arith.extui %sign3A_637 : i1 to i32
        %sign3A_639 = arith.subi %sign3A_635, %sign3A_638 : i32
        %sign3A_640 = arith.constant 0 : i32
        %sign3A_641 = arith.cmpi sgt, %jit3A_631, %sign3A_640 : i32
        %sign3A_642 = arith.extui %sign3A_641 : i1 to i32
        %sign3A_643 = arith.constant 0 : i32
        %sign3A_644 = arith.cmpi slt, %jit3A_631, %sign3A_643 : i32
        %sign3A_645 = arith.extui %sign3A_644 : i1 to i32
        %sign3A_646 = arith.subi %sign3A_642, %sign3A_645 : i32
        %ne3A_647 = arith.cmpi ne, %sign3A_639, %sign3A_646 : i32
        %rem3A_648 = arith.remsi %scan3A_297, %jit3A_631 : i32
        %ne3A_649 = arith.constant 0 : i32
        %ne3A_650 = arith.cmpi ne, %rem3A_648, %ne3A_649 : i32
        %and3A_651 = arith.andi %ne3A_647, %ne3A_650 : i1
        %sub3A_652 = arith.constant 1 : i32
        %sub3A_653 = arith.subi %div3A_632, %sub3A_652 : i32
        %select_n3A_654 = arith.select %and3A_651, %sub3A_653, %div3A_632 : i32
        %add3A_655 = arith.constant 1 : i32
        %add3A_656 = arith.addi %select_n3A_654, %add3A_655 : i32
        %mul3A_657 = arith.constant 16 : i32
        %mul3A_658 = arith.muli %add3A_656, %mul3A_657 : i32
        %add3A_659 = arith.addi %mul3A_48, %mul3A_658 : i32
        %rem3A_660 = arith.constant 2 : i32
        %rem3A_661 = arith.remsi %add3A_656, %rem3A_660 : i32
        %mul3A_662 = arith.constant 16 : i32
        %mul3A_663 = arith.muli %rem3A_661, %mul3A_662 : i32
        %dma_start3A_664 = arith.constant 0 : i32
        %dma_start3A_665 = tpu.memref_slice %arg7[%mul3A_663, %dma_start3A_664] : memref<32x128xi32, #tpu.memory_space<vmem>> -> memref<16x128xi32, #tpu.memory_space<vmem>>
        %dma_start3A_666 = arith.constant 0 : i32
        %dma_start3A_667 = tpu.memref_slice %arg3[%add3A_659, %dma_start3A_666] : memref<2560x128xi32, #tpu.memory_space<hbm>> -> memref<16x128xi32, #tpu.memory_space<hbm>>
        %dma_start3A_668 = arith.constant 0 : i32
        %dma_start3A_669 = tpu.memref_slice %arg7[%mul3A_663, %dma_start3A_668] : memref<32x128xi32, #tpu.memory_space<vmem>> -> memref<16x128xi32, #tpu.memory_space<vmem>>
        %dma_start3A_670 = arith.constant 0 : i32
        %dma_start3A_671 = tpu.memref_slice %arg3[%add3A_659, %dma_start3A_670] : memref<2560x128xi32, #tpu.memory_space<hbm>> -> memref<16x128xi32, #tpu.memory_space<hbm>>
        tpu.enqueue_dma source(%dma_start3A_671 : memref<16x128xi32, #tpu.memory_space<hbm>>) target(%dma_start3A_669 : memref<16x128xi32, #tpu.memory_space<vmem>>) target_semaphore(%arg18 : memref<!tpu.dma_semaphore, #tpu.memory_space<semaphore_mem>>)
        %dma_start3A_672 = arith.constant 0 : i32
        %dma_start3A_673 = tpu.memref_slice %arg8[%mul3A_663, %dma_start3A_672] : memref<32x128xi32, #tpu.memory_space<vmem>> -> memref<16x128xi32, #tpu.memory_space<vmem>>
        %dma_start3A_674 = arith.constant 0 : i32
        %dma_start3A_675 = tpu.memref_slice %arg4[%add3A_659, %dma_start3A_674] : memref<2560x128xi32, #tpu.memory_space<hbm>> -> memref<16x128xi32, #tpu.memory_space<hbm>>
        %dma_start3A_676 = arith.constant 0 : i32
        %dma_start3A_677 = tpu.memref_slice %arg8[%mul3A_663, %dma_start3A_676] : memref<32x128xi32, #tpu.memory_space<vmem>> -> memref<16x128xi32, #tpu.memory_space<vmem>>
        %dma_start3A_678 = arith.constant 0 : i32
        %dma_start3A_679 = tpu.memref_slice %arg4[%add3A_659, %dma_start3A_678] : memref<2560x128xi32, #tpu.memory_space<hbm>> -> memref<16x128xi32, #tpu.memory_space<hbm>>
        tpu.enqueue_dma source(%dma_start3A_679 : memref<16x128xi32, #tpu.memory_space<hbm>>) target(%dma_start3A_677 : memref<16x128xi32, #tpu.memory_space<vmem>>) target_semaphore(%arg18 : memref<!tpu.dma_semaphore, #tpu.memory_space<semaphore_mem>>)
      } else {
      }
      %jit3A_441 = arith.constant 4 : i32
      %div3A_442 = arith.divsi %scan3A_297, %jit3A_441 : i32
      %sign3A_443 = arith.constant 0 : i32
      %sign3A_444 = arith.cmpi sgt, %scan3A_297, %sign3A_443 : i32
      %sign3A_445 = arith.extui %sign3A_444 : i1 to i32
      %sign3A_446 = arith.constant 0 : i32
      %sign3A_447 = arith.cmpi slt, %scan3A_297, %sign3A_446 : i32
      %sign3A_448 = arith.extui %sign3A_447 : i1 to i32
      %sign3A_449 = arith.subi %sign3A_445, %sign3A_448 : i32
      %sign3A_450 = arith.constant 0 : i32
      %sign3A_451 = arith.cmpi sgt, %jit3A_441, %sign3A_450 : i32
      %sign3A_452 = arith.extui %sign3A_451 : i1 to i32
      %sign3A_453 = arith.constant 0 : i32
      %sign3A_454 = arith.cmpi slt, %jit3A_441, %sign3A_453 : i32
      %sign3A_455 = arith.extui %sign3A_454 : i1 to i32
      %sign3A_456 = arith.subi %sign3A_452, %sign3A_455 : i32
      %ne3A_457 = arith.cmpi ne, %sign3A_449, %sign3A_456 : i32
      %rem3A_458 = arith.remsi %scan3A_297, %jit3A_441 : i32
      %ne3A_459 = arith.constant 0 : i32
      %ne3A_460 = arith.cmpi ne, %rem3A_458, %ne3A_459 : i32
      %and3A_461 = arith.andi %ne3A_457, %ne3A_460 : i1
      %sub3A_462 = arith.constant 1 : i32
      %sub3A_463 = arith.subi %div3A_442, %sub3A_462 : i32
      %select_n3A_464 = arith.select %and3A_461, %sub3A_463, %div3A_442 : i32
      %rem3A_465 = arith.constant 2 : i32
      %rem3A_466 = arith.remsi %select_n3A_464, %rem3A_465 : i32
      %mul3A_467 = arith.constant 16 : i32
      %mul3A_468 = arith.muli %rem3A_466, %mul3A_467 : i32
      %rem3A_469 = arith.constant 4 : i32
      %rem3A_470 = arith.remsi %scan3A_297, %rem3A_469 : i32
      %mul3A_471 = arith.constant 4 : i32
      %mul3A_472 = arith.muli %rem3A_470, %mul3A_471 : i32
      %add3A_473 = arith.addi %mul3A_468, %mul3A_472 : i32
      %add3A_474 = arith.constant 0 : i32
      %add3A_475 = arith.addi %add3A_473, %add3A_474 : i32
      %dma_start3A_476 = arith.constant 0 : i32
      %dma_start3A_477 = arith.constant 0 : i32
      %dma_start3A_478 = arith.constant 0 : i32
      %dma_start3A_479 = tpu.memref_slice %arg10[%dma_start3A_476, %dma_start3A_477, %dma_start3A_478] : memref<4x128x64xf32, #tpu.memory_space<vmem>> -> memref<1x128x64xf32, #tpu.memory_space<vmem>>
      %dma_start3A_480 = tpu.memref_squeeze %dma_start3A_479 : memref<1x128x64xf32, #tpu.memory_space<vmem>> -> memref<128x64xf32, #tpu.memory_space<vmem>>
      %dma_start3A_481 = arith.constant 0 : i32
      %dma_start3A_482 = tpu.memref_slice %arg8[%add3A_475, %dma_start3A_481] : memref<32x128xi32, #tpu.memory_space<vmem>> -> memref<1x128xi32, #tpu.memory_space<vmem>>
      %dma_start3A_483 = tpu.memref_squeeze %dma_start3A_482 : memref<1x128xi32, #tpu.memory_space<vmem>> -> memref<128xi32, #tpu.memory_space<vmem>>
      %dma_start3A_484 = arith.constant 0 : i32
      %dma_start3A_485 = arith.constant 0 : i32
      %dma_start3A_486 = tpu.memref_slice %arg13[%dma_start3A_484, %dma_start3A_485] : memref<10016x64xf32, #tpu.memory_space<vmem_shared>> -> memref<10016x64xf32, #tpu.memory_space<vmem_shared>>
      tpu.enqueue_indirect_dma source(%dma_start3A_480 : memref<128x64xf32, #tpu.memory_space<vmem>>) target(%dma_start3A_486 : memref<10016x64xf32, #tpu.memory_space<vmem_shared>>) offsets(%dma_start3A_483 : memref<128xi32, #tpu.memory_space<vmem>>) semaphore(%arg16 : memref<!tpu.dma_semaphore, #tpu.memory_space<semaphore_mem>>) {add = true}
      %jit3A_487 = arith.constant 4 : i32
      %div3A_488 = arith.divsi %scan3A_297, %jit3A_487 : i32
      %sign3A_489 = arith.constant 0 : i32
      %sign3A_490 = arith.cmpi sgt, %scan3A_297, %sign3A_489 : i32
      %sign3A_491 = arith.extui %sign3A_490 : i1 to i32
      %sign3A_492 = arith.constant 0 : i32
      %sign3A_493 = arith.cmpi slt, %scan3A_297, %sign3A_492 : i32
      %sign3A_494 = arith.extui %sign3A_493 : i1 to i32
      %sign3A_495 = arith.subi %sign3A_491, %sign3A_494 : i32
      %sign3A_496 = arith.constant 0 : i32
      %sign3A_497 = arith.cmpi sgt, %jit3A_487, %sign3A_496 : i32
      %sign3A_498 = arith.extui %sign3A_497 : i1 to i32
      %sign3A_499 = arith.constant 0 : i32
      %sign3A_500 = arith.cmpi slt, %jit3A_487, %sign3A_499 : i32
      %sign3A_501 = arith.extui %sign3A_500 : i1 to i32
      %sign3A_502 = arith.subi %sign3A_498, %sign3A_501 : i32
      %ne3A_503 = arith.cmpi ne, %sign3A_495, %sign3A_502 : i32
      %rem3A_504 = arith.remsi %scan3A_297, %jit3A_487 : i32
      %ne3A_505 = arith.constant 0 : i32
      %ne3A_506 = arith.cmpi ne, %rem3A_504, %ne3A_505 : i32
      %and3A_507 = arith.andi %ne3A_503, %ne3A_506 : i1
      %sub3A_508 = arith.constant 1 : i32
      %sub3A_509 = arith.subi %div3A_488, %sub3A_508 : i32
      %select_n3A_510 = arith.select %and3A_507, %sub3A_509, %div3A_488 : i32
      %rem3A_511 = arith.constant 2 : i32
      %rem3A_512 = arith.remsi %select_n3A_510, %rem3A_511 : i32
      %mul3A_513 = arith.constant 16 : i32
      %mul3A_514 = arith.muli %rem3A_512, %mul3A_513 : i32
      %rem3A_515 = arith.constant 4 : i32
      %rem3A_516 = arith.remsi %scan3A_297, %rem3A_515 : i32
      %mul3A_517 = arith.constant 4 : i32
      %mul3A_518 = arith.muli %rem3A_516, %mul3A_517 : i32
      %add3A_519 = arith.addi %mul3A_514, %mul3A_518 : i32
      %add3A_520 = arith.constant 1 : i32
      %add3A_521 = arith.addi %add3A_519, %add3A_520 : i32
      %dma_start3A_522 = arith.constant 1 : i32
      %dma_start3A_523 = arith.constant 0 : i32
      %dma_start3A_524 = arith.constant 0 : i32
      %dma_start3A_525 = tpu.memref_slice %arg10[%dma_start3A_522, %dma_start3A_523, %dma_start3A_524] : memref<4x128x64xf32, #tpu.memory_space<vmem>> -> memref<1x128x64xf32, #tpu.memory_space<vmem>>
      %dma_start3A_526 = tpu.memref_squeeze %dma_start3A_525 : memref<1x128x64xf32, #tpu.memory_space<vmem>> -> memref<128x64xf32, #tpu.memory_space<vmem>>
      %dma_start3A_527 = arith.constant 0 : i32
      %dma_start3A_528 = tpu.memref_slice %arg8[%add3A_521, %dma_start3A_527] : memref<32x128xi32, #tpu.memory_space<vmem>> -> memref<1x128xi32, #tpu.memory_space<vmem>>
      %dma_start3A_529 = tpu.memref_squeeze %dma_start3A_528 : memref<1x128xi32, #tpu.memory_space<vmem>> -> memref<128xi32, #tpu.memory_space<vmem>>
      %dma_start3A_530 = arith.constant 0 : i32
      %dma_start3A_531 = arith.constant 0 : i32
      %dma_start3A_532 = tpu.memref_slice %arg13[%dma_start3A_530, %dma_start3A_531] : memref<10016x64xf32, #tpu.memory_space<vmem_shared>> -> memref<10016x64xf32, #tpu.memory_space<vmem_shared>>
      tpu.enqueue_indirect_dma source(%dma_start3A_526 : memref<128x64xf32, #tpu.memory_space<vmem>>) target(%dma_start3A_532 : memref<10016x64xf32, #tpu.memory_space<vmem_shared>>) offsets(%dma_start3A_529 : memref<128xi32, #tpu.memory_space<vmem>>) semaphore(%arg16 : memref<!tpu.dma_semaphore, #tpu.memory_space<semaphore_mem>>) {add = true}
      %jit3A_533 = arith.constant 4 : i32
      %div3A_534 = arith.divsi %scan3A_297, %jit3A_533 : i32
      %sign3A_535 = arith.constant 0 : i32
      %sign3A_536 = arith.cmpi sgt, %scan3A_297, %sign3A_535 : i32
      %sign3A_537 = arith.extui %sign3A_536 : i1 to i32
      %sign3A_538 = arith.constant 0 : i32
      %sign3A_539 = arith.cmpi slt, %scan3A_297, %sign3A_538 : i32
      %sign3A_540 = arith.extui %sign3A_539 : i1 to i32
      %sign3A_541 = arith.subi %sign3A_537, %sign3A_540 : i32
      %sign3A_542 = arith.constant 0 : i32
      %sign3A_543 = arith.cmpi sgt, %jit3A_533, %sign3A_542 : i32
      %sign3A_544 = arith.extui %sign3A_543 : i1 to i32
      %sign3A_545 = arith.constant 0 : i32
      %sign3A_546 = arith.cmpi slt, %jit3A_533, %sign3A_545 : i32
      %sign3A_547 = arith.extui %sign3A_546 : i1 to i32
      %sign3A_548 = arith.subi %sign3A_544, %sign3A_547 : i32
      %ne3A_549 = arith.cmpi ne, %sign3A_541, %sign3A_548 : i32
      %rem3A_550 = arith.remsi %scan3A_297, %jit3A_533 : i32
      %ne3A_551 = arith.constant 0 : i32
      %ne3A_552 = arith.cmpi ne, %rem3A_550, %ne3A_551 : i32
      %and3A_553 = arith.andi %ne3A_549, %ne3A_552 : i1
      %sub3A_554 = arith.constant 1 : i32
      %sub3A_555 = arith.subi %div3A_534, %sub3A_554 : i32
      %select_n3A_556 = arith.select %and3A_553, %sub3A_555, %div3A_534 : i32
      %rem3A_557 = arith.constant 2 : i32
      %rem3A_558 = arith.remsi %select_n3A_556, %rem3A_557 : i32
      %mul3A_559 = arith.constant 16 : i32
      %mul3A_560 = arith.muli %rem3A_558, %mul3A_559 : i32
      %rem3A_561 = arith.constant 4 : i32
      %rem3A_562 = arith.remsi %scan3A_297, %rem3A_561 : i32
      %mul3A_563 = arith.constant 4 : i32
      %mul3A_564 = arith.muli %rem3A_562, %mul3A_563 : i32
      %add3A_565 = arith.addi %mul3A_560, %mul3A_564 : i32
      %add3A_566 = arith.constant 2 : i32
      %add3A_567 = arith.addi %add3A_565, %add3A_566 : i32
      %dma_start3A_568 = arith.constant 2 : i32
      %dma_start3A_569 = arith.constant 0 : i32
      %dma_start3A_570 = arith.constant 0 : i32
      %dma_start3A_571 = tpu.memref_slice %arg10[%dma_start3A_568, %dma_start3A_569, %dma_start3A_570] : memref<4x128x64xf32, #tpu.memory_space<vmem>> -> memref<1x128x64xf32, #tpu.memory_space<vmem>>
      %dma_start3A_572 = tpu.memref_squeeze %dma_start3A_571 : memref<1x128x64xf32, #tpu.memory_space<vmem>> -> memref<128x64xf32, #tpu.memory_space<vmem>>
      %dma_start3A_573 = arith.constant 0 : i32
      %dma_start3A_574 = tpu.memref_slice %arg8[%add3A_567, %dma_start3A_573] : memref<32x128xi32, #tpu.memory_space<vmem>> -> memref<1x128xi32, #tpu.memory_space<vmem>>
      %dma_start3A_575 = tpu.memref_squeeze %dma_start3A_574 : memref<1x128xi32, #tpu.memory_space<vmem>> -> memref<128xi32, #tpu.memory_space<vmem>>
      %dma_start3A_576 = arith.constant 0 : i32
      %dma_start3A_577 = arith.constant 0 : i32
      %dma_start3A_578 = tpu.memref_slice %arg13[%dma_start3A_576, %dma_start3A_577] : memref<10016x64xf32, #tpu.memory_space<vmem_shared>> -> memref<10016x64xf32, #tpu.memory_space<vmem_shared>>
      tpu.enqueue_indirect_dma source(%dma_start3A_572 : memref<128x64xf32, #tpu.memory_space<vmem>>) target(%dma_start3A_578 : memref<10016x64xf32, #tpu.memory_space<vmem_shared>>) offsets(%dma_start3A_575 : memref<128xi32, #tpu.memory_space<vmem>>) semaphore(%arg16 : memref<!tpu.dma_semaphore, #tpu.memory_space<semaphore_mem>>) {add = true}
      %jit3A_579 = arith.constant 4 : i32
      %div3A_580 = arith.divsi %scan3A_297, %jit3A_579 : i32
      %sign3A_581 = arith.constant 0 : i32
      %sign3A_582 = arith.cmpi sgt, %scan3A_297, %sign3A_581 : i32
      %sign3A_583 = arith.extui %sign3A_582 : i1 to i32
      %sign3A_584 = arith.constant 0 : i32
      %sign3A_585 = arith.cmpi slt, %scan3A_297, %sign3A_584 : i32
      %sign3A_586 = arith.extui %sign3A_585 : i1 to i32
      %sign3A_587 = arith.subi %sign3A_583, %sign3A_586 : i32
      %sign3A_588 = arith.constant 0 : i32
      %sign3A_589 = arith.cmpi sgt, %jit3A_579, %sign3A_588 : i32
      %sign3A_590 = arith.extui %sign3A_589 : i1 to i32
      %sign3A_591 = arith.constant 0 : i32
      %sign3A_592 = arith.cmpi slt, %jit3A_579, %sign3A_591 : i32
      %sign3A_593 = arith.extui %sign3A_592 : i1 to i32
      %sign3A_594 = arith.subi %sign3A_590, %sign3A_593 : i32
      %ne3A_595 = arith.cmpi ne, %sign3A_587, %sign3A_594 : i32
      %rem3A_596 = arith.remsi %scan3A_297, %jit3A_579 : i32
      %ne3A_597 = arith.constant 0 : i32
      %ne3A_598 = arith.cmpi ne, %rem3A_596, %ne3A_597 : i32
      %and3A_599 = arith.andi %ne3A_595, %ne3A_598 : i1
      %sub3A_600 = arith.constant 1 : i32
      %sub3A_601 = arith.subi %div3A_580, %sub3A_600 : i32
      %select_n3A_602 = arith.select %and3A_599, %sub3A_601, %div3A_580 : i32
      %rem3A_603 = arith.constant 2 : i32
      %rem3A_604 = arith.remsi %select_n3A_602, %rem3A_603 : i32
      %mul3A_605 = arith.constant 16 : i32
      %mul3A_606 = arith.muli %rem3A_604, %mul3A_605 : i32
      %rem3A_607 = arith.constant 4 : i32
      %rem3A_608 = arith.remsi %scan3A_297, %rem3A_607 : i32
      %mul3A_609 = arith.constant 4 : i32
      %mul3A_610 = arith.muli %rem3A_608, %mul3A_609 : i32
      %add3A_611 = arith.addi %mul3A_606, %mul3A_610 : i32
      %add3A_612 = arith.constant 3 : i32
      %add3A_613 = arith.addi %add3A_611, %add3A_612 : i32
      %dma_start3A_614 = arith.constant 3 : i32
      %dma_start3A_615 = arith.constant 0 : i32
      %dma_start3A_616 = arith.constant 0 : i32
      %dma_start3A_617 = tpu.memref_slice %arg10[%dma_start3A_614, %dma_start3A_615, %dma_start3A_616] : memref<4x128x64xf32, #tpu.memory_space<vmem>> -> memref<1x128x64xf32, #tpu.memory_space<vmem>>
      %dma_start3A_618 = tpu.memref_squeeze %dma_start3A_617 : memref<1x128x64xf32, #tpu.memory_space<vmem>> -> memref<128x64xf32, #tpu.memory_space<vmem>>
      %dma_start3A_619 = arith.constant 0 : i32
      %dma_start3A_620 = tpu.memref_slice %arg8[%add3A_613, %dma_start3A_619] : memref<32x128xi32, #tpu.memory_space<vmem>> -> memref<1x128xi32, #tpu.memory_space<vmem>>
      %dma_start3A_621 = tpu.memref_squeeze %dma_start3A_620 : memref<1x128xi32, #tpu.memory_space<vmem>> -> memref<128xi32, #tpu.memory_space<vmem>>
      %dma_start3A_622 = arith.constant 0 : i32
      %dma_start3A_623 = arith.constant 0 : i32
      %dma_start3A_624 = tpu.memref_slice %arg13[%dma_start3A_622, %dma_start3A_623] : memref<10016x64xf32, #tpu.memory_space<vmem_shared>> -> memref<10016x64xf32, #tpu.memory_space<vmem_shared>>
      tpu.enqueue_indirect_dma source(%dma_start3A_618 : memref<128x64xf32, #tpu.memory_space<vmem>>) target(%dma_start3A_624 : memref<10016x64xf32, #tpu.memory_space<vmem_shared>>) offsets(%dma_start3A_621 : memref<128xi32, #tpu.memory_space<vmem>>) semaphore(%arg16 : memref<!tpu.dma_semaphore, #tpu.memory_space<semaphore_mem>>) {add = true}
      %rem3A_625 = arith.constant 2 : i32
      %rem3A_626 = arith.remsi %scan3A_297, %rem3A_625 : i32
      %eq3A_627 = arith.cmpi eq, %arg0, %rem3A_626 : i32
      %convert_element_type3A_628 = arith.extui %eq3A_627 : i1 to i32
      %cond3A_629 = arith.constant 0 : i32
      %cond3A_630 = arith.cmpi ne, %convert_element_type3A_628, %cond3A_629 : i32
      scf.if %cond3A_630 {
        %jit3A_631 = arith.constant 4 : i32
        %div3A_632 = arith.divsi %scan3A_297, %jit3A_631 : i32
        %sign3A_633 = arith.constant 0 : i32
        %sign3A_634 = arith.cmpi sgt, %scan3A_297, %sign3A_633 : i32
        %sign3A_635 = arith.extui %sign3A_634 : i1 to i32
        %sign3A_636 = arith.constant 0 : i32
        %sign3A_637 = arith.cmpi slt, %scan3A_297, %sign3A_636 : i32
        %sign3A_638 = arith.extui %sign3A_637 : i1 to i32
        %sign3A_639 = arith.subi %sign3A_635, %sign3A_638 : i32
        %sign3A_640 = arith.constant 0 : i32
        %sign3A_641 = arith.cmpi sgt, %jit3A_631, %sign3A_640 : i32
        %sign3A_642 = arith.extui %sign3A_641 : i1 to i32
        %sign3A_643 = arith.constant 0 : i32
        %sign3A_644 = arith.cmpi slt, %jit3A_631, %sign3A_643 : i32
        %sign3A_645 = arith.extui %sign3A_644 : i1 to i32
        %sign3A_646 = arith.subi %sign3A_642, %sign3A_645 : i32
        %ne3A_647 = arith.cmpi ne, %sign3A_639, %sign3A_646 : i32
        %rem3A_648 = arith.remsi %scan3A_297, %jit3A_631 : i32
        %ne3A_649 = arith.constant 0 : i32
        %ne3A_650 = arith.cmpi ne, %rem3A_648, %ne3A_649 : i32
        %and3A_651 = arith.andi %ne3A_647, %ne3A_650 : i1
        %sub3A_652 = arith.constant 1 : i32
        %sub3A_653 = arith.subi %div3A_632, %sub3A_652 : i32
        %select_n3A_654 = arith.select %and3A_651, %sub3A_653, %div3A_632 : i32
        %rem3A_655 = arith.constant 2 : i32
        %rem3A_656 = arith.remsi %select_n3A_654, %rem3A_655 : i32
        %mul3A_657 = arith.constant 16 : i32
        %mul3A_658 = arith.muli %rem3A_656, %mul3A_657 : i32
        %rem3A_659 = arith.constant 4 : i32
        %rem3A_660 = arith.remsi %scan3A_297, %rem3A_659 : i32
        %mul3A_661 = arith.constant 4 : i32
        %mul3A_662 = arith.muli %rem3A_660, %mul3A_661 : i32
        %add3A_663 = arith.addi %mul3A_658, %mul3A_662 : i32
        %add3A_664 = arith.constant 0 : i32
        %add3A_665 = arith.addi %add3A_663, %add3A_664 : i32
        %dma_start3A_666 = arith.constant 0 : i32
        %dma_start3A_667 = tpu.memref_slice %arg8[%add3A_665, %dma_start3A_666] : memref<32x128xi32, #tpu.memory_space<vmem>> -> memref<1x128xi32, #tpu.memory_space<vmem>>
        %dma_start3A_668 = tpu.memref_squeeze %dma_start3A_667 : memref<1x128xi32, #tpu.memory_space<vmem>> -> memref<128xi32, #tpu.memory_space<vmem>>
        %dma_start3A_669 = arith.constant 0 : i32
        %dma_start3A_670 = arith.constant 0 : i32
        %dma_start3A_671 = tpu.memref_slice %arg14[%dma_start3A_669, %dma_start3A_670] : memref<10016x16xf32, #tpu.memory_space<vmem_shared>> -> memref<10016x16xf32, #tpu.memory_space<vmem_shared>>
        tpu.enqueue_indirect_dma source(%arg11 : memref<128x16xf32, #tpu.memory_space<vmem>>) target(%dma_start3A_671 : memref<10016x16xf32, #tpu.memory_space<vmem_shared>>) offsets(%dma_start3A_668 : memref<128xi32, #tpu.memory_space<vmem>>) semaphore(%arg17 : memref<!tpu.dma_semaphore, #tpu.memory_space<semaphore_mem>>) {add = true}
        %jit3A_672 = arith.constant 4 : i32
        %div3A_673 = arith.divsi %scan3A_297, %jit3A_672 : i32
        %sign3A_674 = arith.constant 0 : i32
        %sign3A_675 = arith.cmpi sgt, %scan3A_297, %sign3A_674 : i32
        %sign3A_676 = arith.extui %sign3A_675 : i1 to i32
        %sign3A_677 = arith.constant 0 : i32
        %sign3A_678 = arith.cmpi slt, %scan3A_297, %sign3A_677 : i32
        %sign3A_679 = arith.extui %sign3A_678 : i1 to i32
        %sign3A_680 = arith.subi %sign3A_676, %sign3A_679 : i32
        %sign3A_681 = arith.constant 0 : i32
        %sign3A_682 = arith.cmpi sgt, %jit3A_672, %sign3A_681 : i32
        %sign3A_683 = arith.extui %sign3A_682 : i1 to i32
        %sign3A_684 = arith.constant 0 : i32
        %sign3A_685 = arith.cmpi slt, %jit3A_672, %sign3A_684 : i32
        %sign3A_686 = arith.extui %sign3A_685 : i1 to i32
        %sign3A_687 = arith.subi %sign3A_683, %sign3A_686 : i32
        %ne3A_688 = arith.cmpi ne, %sign3A_680, %sign3A_687 : i32
        %rem3A_689 = arith.remsi %scan3A_297, %jit3A_672 : i32
        %ne3A_690 = arith.constant 0 : i32
        %ne3A_691 = arith.cmpi ne, %rem3A_689, %ne3A_690 : i32
        %and3A_692 = arith.andi %ne3A_688, %ne3A_691 : i1
        %sub3A_693 = arith.constant 1 : i32
        %sub3A_694 = arith.subi %div3A_673, %sub3A_693 : i32
        %select_n3A_695 = arith.select %and3A_692, %sub3A_694, %div3A_673 : i32
        %rem3A_696 = arith.constant 2 : i32
        %rem3A_697 = arith.remsi %select_n3A_695, %rem3A_696 : i32
        %mul3A_698 = arith.constant 16 : i32
        %mul3A_699 = arith.muli %rem3A_697, %mul3A_698 : i32
        %rem3A_700 = arith.constant 4 : i32
        %rem3A_701 = arith.remsi %scan3A_297, %rem3A_700 : i32
        %mul3A_702 = arith.constant 4 : i32
        %mul3A_703 = arith.muli %rem3A_701, %mul3A_702 : i32
        %add3A_704 = arith.addi %mul3A_699, %mul3A_703 : i32
        %add3A_705 = arith.constant 1 : i32
        %add3A_706 = arith.addi %add3A_704, %add3A_705 : i32
        %dma_start3A_707 = arith.constant 0 : i32
        %dma_start3A_708 = tpu.memref_slice %arg8[%add3A_706, %dma_start3A_707] : memref<32x128xi32, #tpu.memory_space<vmem>> -> memref<1x128xi32, #tpu.memory_space<vmem>>
        %dma_start3A_709 = tpu.memref_squeeze %dma_start3A_708 : memref<1x128xi32, #tpu.memory_space<vmem>> -> memref<128xi32, #tpu.memory_space<vmem>>
        %dma_start3A_710 = arith.constant 0 : i32
        %dma_start3A_711 = arith.constant 0 : i32
        %dma_start3A_712 = tpu.memref_slice %arg14[%dma_start3A_710, %dma_start3A_711] : memref<10016x16xf32, #tpu.memory_space<vmem_shared>> -> memref<10016x16xf32, #tpu.memory_space<vmem_shared>>
        tpu.enqueue_indirect_dma source(%arg11 : memref<128x16xf32, #tpu.memory_space<vmem>>) target(%dma_start3A_712 : memref<10016x16xf32, #tpu.memory_space<vmem_shared>>) offsets(%dma_start3A_709 : memref<128xi32, #tpu.memory_space<vmem>>) semaphore(%arg17 : memref<!tpu.dma_semaphore, #tpu.memory_space<semaphore_mem>>) {add = true}
        %jit3A_713 = arith.constant 4 : i32
        %div3A_714 = arith.divsi %scan3A_297, %jit3A_713 : i32
        %sign3A_715 = arith.constant 0 : i32
        %sign3A_716 = arith.cmpi sgt, %scan3A_297, %sign3A_715 : i32
        %sign3A_717 = arith.extui %sign3A_716 : i1 to i32
        %sign3A_718 = arith.constant 0 : i32
        %sign3A_719 = arith.cmpi slt, %scan3A_297, %sign3A_718 : i32
        %sign3A_720 = arith.extui %sign3A_719 : i1 to i32
        %sign3A_721 = arith.subi %sign3A_717, %sign3A_720 : i32
        %sign3A_722 = arith.constant 0 : i32
        %sign3A_723 = arith.cmpi sgt, %jit3A_713, %sign3A_722 : i32
        %sign3A_724 = arith.extui %sign3A_723 : i1 to i32
        %sign3A_725 = arith.constant 0 : i32
        %sign3A_726 = arith.cmpi slt, %jit3A_713, %sign3A_725 : i32
        %sign3A_727 = arith.extui %sign3A_726 : i1 to i32
        %sign3A_728 = arith.subi %sign3A_724, %sign3A_727 : i32
        %ne3A_729 = arith.cmpi ne, %sign3A_721, %sign3A_728 : i32
        %rem3A_730 = arith.remsi %scan3A_297, %jit3A_713 : i32
        %ne3A_731 = arith.constant 0 : i32
        %ne3A_732 = arith.cmpi ne, %rem3A_730, %ne3A_731 : i32
        %and3A_733 = arith.andi %ne3A_729, %ne3A_732 : i1
        %sub3A_734 = arith.constant 1 : i32
        %sub3A_735 = arith.subi %div3A_714, %sub3A_734 : i32
        %select_n3A_736 = arith.select %and3A_733, %sub3A_735, %div3A_714 : i32
        %rem3A_737 = arith.constant 2 : i32
        %rem3A_738 = arith.remsi %select_n3A_736, %rem3A_737 : i32
        %mul3A_739 = arith.constant 16 : i32
        %mul3A_740 = arith.muli %rem3A_738, %mul3A_739 : i32
        %rem3A_741 = arith.constant 4 : i32
        %rem3A_742 = arith.remsi %scan3A_297, %rem3A_741 : i32
        %mul3A_743 = arith.constant 4 : i32
        %mul3A_744 = arith.muli %rem3A_742, %mul3A_743 : i32
        %add3A_745 = arith.addi %mul3A_740, %mul3A_744 : i32
        %add3A_746 = arith.constant 2 : i32
        %add3A_747 = arith.addi %add3A_745, %add3A_746 : i32
        %dma_start3A_748 = arith.constant 0 : i32
        %dma_start3A_749 = tpu.memref_slice %arg8[%add3A_747, %dma_start3A_748] : memref<32x128xi32, #tpu.memory_space<vmem>> -> memref<1x128xi32, #tpu.memory_space<vmem>>
        %dma_start3A_750 = tpu.memref_squeeze %dma_start3A_749 : memref<1x128xi32, #tpu.memory_space<vmem>> -> memref<128xi32, #tpu.memory_space<vmem>>
        %dma_start3A_751 = arith.constant 0 : i32
        %dma_start3A_752 = arith.constant 0 : i32
        %dma_start3A_753 = tpu.memref_slice %arg14[%dma_start3A_751, %dma_start3A_752] : memref<10016x16xf32, #tpu.memory_space<vmem_shared>> -> memref<10016x16xf32, #tpu.memory_space<vmem_shared>>
        tpu.enqueue_indirect_dma source(%arg11 : memref<128x16xf32, #tpu.memory_space<vmem>>) target(%dma_start3A_753 : memref<10016x16xf32, #tpu.memory_space<vmem_shared>>) offsets(%dma_start3A_750 : memref<128xi32, #tpu.memory_space<vmem>>) semaphore(%arg17 : memref<!tpu.dma_semaphore, #tpu.memory_space<semaphore_mem>>) {add = true}
        %jit3A_754 = arith.constant 4 : i32
        %div3A_755 = arith.divsi %scan3A_297, %jit3A_754 : i32
        %sign3A_756 = arith.constant 0 : i32
        %sign3A_757 = arith.cmpi sgt, %scan3A_297, %sign3A_756 : i32
        %sign3A_758 = arith.extui %sign3A_757 : i1 to i32
        %sign3A_759 = arith.constant 0 : i32
        %sign3A_760 = arith.cmpi slt, %scan3A_297, %sign3A_759 : i32
        %sign3A_761 = arith.extui %sign3A_760 : i1 to i32
        %sign3A_762 = arith.subi %sign3A_758, %sign3A_761 : i32
        %sign3A_763 = arith.constant 0 : i32
        %sign3A_764 = arith.cmpi sgt, %jit3A_754, %sign3A_763 : i32
        %sign3A_765 = arith.extui %sign3A_764 : i1 to i32
        %sign3A_766 = arith.constant 0 : i32
        %sign3A_767 = arith.cmpi slt, %jit3A_754, %sign3A_766 : i32
        %sign3A_768 = arith.extui %sign3A_767 : i1 to i32
        %sign3A_769 = arith.subi %sign3A_765, %sign3A_768 : i32
        %ne3A_770 = arith.cmpi ne, %sign3A_762, %sign3A_769 : i32
        %rem3A_771 = arith.remsi %scan3A_297, %jit3A_754 : i32
        %ne3A_772 = arith.constant 0 : i32
        %ne3A_773 = arith.cmpi ne, %rem3A_771, %ne3A_772 : i32
        %and3A_774 = arith.andi %ne3A_770, %ne3A_773 : i1
        %sub3A_775 = arith.constant 1 : i32
        %sub3A_776 = arith.subi %div3A_755, %sub3A_775 : i32
        %select_n3A_777 = arith.select %and3A_774, %sub3A_776, %div3A_755 : i32
        %rem3A_778 = arith.constant 2 : i32
        %rem3A_779 = arith.remsi %select_n3A_777, %rem3A_778 : i32
        %mul3A_780 = arith.constant 16 : i32
        %mul3A_781 = arith.muli %rem3A_779, %mul3A_780 : i32
        %rem3A_782 = arith.constant 4 : i32
        %rem3A_783 = arith.remsi %scan3A_297, %rem3A_782 : i32
        %mul3A_784 = arith.constant 4 : i32
        %mul3A_785 = arith.muli %rem3A_783, %mul3A_784 : i32
        %add3A_786 = arith.addi %mul3A_781, %mul3A_785 : i32
        %add3A_787 = arith.constant 3 : i32
        %add3A_788 = arith.addi %add3A_786, %add3A_787 : i32
        %dma_start3A_789 = arith.constant 0 : i32
        %dma_start3A_790 = tpu.memref_slice %arg8[%add3A_788, %dma_start3A_789] : memref<32x128xi32, #tpu.memory_space<vmem>> -> memref<1x128xi32, #tpu.memory_space<vmem>>
        %dma_start3A_791 = tpu.memref_squeeze %dma_start3A_790 : memref<1x128xi32, #tpu.memory_space<vmem>> -> memref<128xi32, #tpu.memory_space<vmem>>
        %dma_start3A_792 = arith.constant 0 : i32
        %dma_start3A_793 = arith.constant 0 : i32
        %dma_start3A_794 = tpu.memref_slice %arg14[%dma_start3A_792, %dma_start3A_793] : memref<10016x16xf32, #tpu.memory_space<vmem_shared>> -> memref<10016x16xf32, #tpu.memory_space<vmem_shared>>
        tpu.enqueue_indirect_dma source(%arg11 : memref<128x16xf32, #tpu.memory_space<vmem>>) target(%dma_start3A_794 : memref<10016x16xf32, #tpu.memory_space<vmem_shared>>) offsets(%dma_start3A_791 : memref<128xi32, #tpu.memory_space<vmem>>) semaphore(%arg17 : memref<!tpu.dma_semaphore, #tpu.memory_space<semaphore_mem>>) {add = true}
      } else {
      }
    }
    %scan3A_139 = arith.constant 40 : i32
    %rem3A_140 = arith.constant 9 : i32
    %rem3A_141 = arith.constant 2 : i32
    %rem3A_142 = arith.remsi %rem3A_140, %rem3A_141 : i32
    %mul3A_143 = arith.constant 16 : i32
    %mul3A_144 = arith.muli %rem3A_142, %mul3A_143 : i32
    %rem3A_145 = arith.constant 39 : i32
    %rem3A_146 = arith.constant 4 : i32
    %rem3A_147 = arith.remsi %rem3A_145, %rem3A_146 : i32
    %mul3A_148 = arith.constant 4 : i32
    %mul3A_149 = arith.muli %rem3A_147, %mul3A_148 : i32
    %add3A_150 = arith.addi %mul3A_144, %mul3A_149 : i32
    %add3A_151 = arith.constant 0 : i32
    %add3A_152 = arith.addi %add3A_150, %add3A_151 : i32
    %add3A_153 = arith.constant 1 : i32
    %add3A_154 = arith.addi %add3A_150, %add3A_153 : i32
    %add3A_155 = arith.constant 2 : i32
    %add3A_156 = arith.addi %add3A_150, %add3A_155 : i32
    %add3A_157 = arith.constant 3 : i32
    %add3A_158 = arith.addi %add3A_150, %add3A_157 : i32
    %dma_wait3A = arith.constant 0 : i32
    %dma_wait3A_159 = arith.constant 0 : i32
    %dma_wait3A_160 = arith.constant 0 : i32
    %dma_wait3A_161 = tpu.memref_slice %arg10[%dma_wait3A, %dma_wait3A_159, %dma_wait3A_160] : memref<4x128x64xf32, #tpu.memory_space<vmem>> -> memref<1x128x64xf32, #tpu.memory_space<vmem>>
    %dma_wait3A_162 = tpu.memref_squeeze %dma_wait3A_161 : memref<1x128x64xf32, #tpu.memory_space<vmem>> -> memref<128x64xf32, #tpu.memory_space<vmem>>
    %dma_wait3A_163 = arith.constant 0 : i32
    %dma_wait3A_164 = tpu.memref_slice %arg8[%add3A_152, %dma_wait3A_163] : memref<32x128xi32, #tpu.memory_space<vmem>> -> memref<1x128xi32, #tpu.memory_space<vmem>>
    %dma_wait3A_165 = tpu.memref_squeeze %dma_wait3A_164 : memref<1x128xi32, #tpu.memory_space<vmem>> -> memref<128xi32, #tpu.memory_space<vmem>>
    %dma_wait3A_166 = arith.constant 0 : i32
    %dma_wait3A_167 = arith.constant 0 : i32
    %dma_wait3A_168 = tpu.memref_slice %arg13[%dma_wait3A_166, %dma_wait3A_167] : memref<10016x64xf32, #tpu.memory_space<vmem_shared>> -> memref<10016x64xf32, #tpu.memory_space<vmem_shared>>
    tpu.wait_indirect_dma semaphore(%arg16 : memref<!tpu.dma_semaphore, #tpu.memory_space<semaphore_mem>>) src(%dma_wait3A_162 : memref<128x64xf32, #tpu.memory_space<vmem>>) dst(%dma_wait3A_168 : memref<10016x64xf32, #tpu.memory_space<vmem_shared>>)
    %dma_wait3A_169 = arith.constant 1 : i32
    %dma_wait3A_170 = arith.constant 0 : i32
    %dma_wait3A_171 = arith.constant 0 : i32
    %dma_wait3A_172 = tpu.memref_slice %arg10[%dma_wait3A_169, %dma_wait3A_170, %dma_wait3A_171] : memref<4x128x64xf32, #tpu.memory_space<vmem>> -> memref<1x128x64xf32, #tpu.memory_space<vmem>>
    %dma_wait3A_173 = tpu.memref_squeeze %dma_wait3A_172 : memref<1x128x64xf32, #tpu.memory_space<vmem>> -> memref<128x64xf32, #tpu.memory_space<vmem>>
    %dma_wait3A_174 = arith.constant 0 : i32
    %dma_wait3A_175 = tpu.memref_slice %arg8[%add3A_154, %dma_wait3A_174] : memref<32x128xi32, #tpu.memory_space<vmem>> -> memref<1x128xi32, #tpu.memory_space<vmem>>
    %dma_wait3A_176 = tpu.memref_squeeze %dma_wait3A_175 : memref<1x128xi32, #tpu.memory_space<vmem>> -> memref<128xi32, #tpu.memory_space<vmem>>
    %dma_wait3A_177 = arith.constant 0 : i32
    %dma_wait3A_178 = arith.constant 0 : i32
    %dma_wait3A_179 = tpu.memref_slice %arg13[%dma_wait3A_177, %dma_wait3A_178] : memref<10016x64xf32, #tpu.memory_space<vmem_shared>> -> memref<10016x64xf32, #tpu.memory_space<vmem_shared>>
    tpu.wait_indirect_dma semaphore(%arg16 : memref<!tpu.dma_semaphore, #tpu.memory_space<semaphore_mem>>) src(%dma_wait3A_173 : memref<128x64xf32, #tpu.memory_space<vmem>>) dst(%dma_wait3A_179 : memref<10016x64xf32, #tpu.memory_space<vmem_shared>>)
    %dma_wait3A_180 = arith.constant 2 : i32
    %dma_wait3A_181 = arith.constant 0 : i32
    %dma_wait3A_182 = arith.constant 0 : i32
    %dma_wait3A_183 = tpu.memref_slice %arg10[%dma_wait3A_180, %dma_wait3A_181, %dma_wait3A_182] : memref<4x128x64xf32, #tpu.memory_space<vmem>> -> memref<1x128x64xf32, #tpu.memory_space<vmem>>
    %dma_wait3A_184 = tpu.memref_squeeze %dma_wait3A_183 : memref<1x128x64xf32, #tpu.memory_space<vmem>> -> memref<128x64xf32, #tpu.memory_space<vmem>>
    %dma_wait3A_185 = arith.constant 0 : i32
    %dma_wait3A_186 = tpu.memref_slice %arg8[%add3A_156, %dma_wait3A_185] : memref<32x128xi32, #tpu.memory_space<vmem>> -> memref<1x128xi32, #tpu.memory_space<vmem>>
    %dma_wait3A_187 = tpu.memref_squeeze %dma_wait3A_186 : memref<1x128xi32, #tpu.memory_space<vmem>> -> memref<128xi32, #tpu.memory_space<vmem>>
    %dma_wait3A_188 = arith.constant 0 : i32
    %dma_wait3A_189 = arith.constant 0 : i32
    %dma_wait3A_190 = tpu.memref_slice %arg13[%dma_wait3A_188, %dma_wait3A_189] : memref<10016x64xf32, #tpu.memory_space<vmem_shared>> -> memref<10016x64xf32, #tpu.memory_space<vmem_shared>>
    tpu.wait_indirect_dma semaphore(%arg16 : memref<!tpu.dma_semaphore, #tpu.memory_space<semaphore_mem>>) src(%dma_wait3A_184 : memref<128x64xf32, #tpu.memory_space<vmem>>) dst(%dma_wait3A_190 : memref<10016x64xf32, #tpu.memory_space<vmem_shared>>)
    %dma_wait3A_191 = arith.constant 3 : i32
    %dma_wait3A_192 = arith.constant 0 : i32
    %dma_wait3A_193 = arith.constant 0 : i32
    %dma_wait3A_194 = tpu.memref_slice %arg10[%dma_wait3A_191, %dma_wait3A_192, %dma_wait3A_193] : memref<4x128x64xf32, #tpu.memory_space<vmem>> -> memref<1x128x64xf32, #tpu.memory_space<vmem>>
    %dma_wait3A_195 = tpu.memref_squeeze %dma_wait3A_194 : memref<1x128x64xf32, #tpu.memory_space<vmem>> -> memref<128x64xf32, #tpu.memory_space<vmem>>
    %dma_wait3A_196 = arith.constant 0 : i32
    %dma_wait3A_197 = tpu.memref_slice %arg8[%add3A_158, %dma_wait3A_196] : memref<32x128xi32, #tpu.memory_space<vmem>> -> memref<1x128xi32, #tpu.memory_space<vmem>>
    %dma_wait3A_198 = tpu.memref_squeeze %dma_wait3A_197 : memref<1x128xi32, #tpu.memory_space<vmem>> -> memref<128xi32, #tpu.memory_space<vmem>>
    %dma_wait3A_199 = arith.constant 0 : i32
    %dma_wait3A_200 = arith.constant 0 : i32
    %dma_wait3A_201 = tpu.memref_slice %arg13[%dma_wait3A_199, %dma_wait3A_200] : memref<10016x64xf32, #tpu.memory_space<vmem_shared>> -> memref<10016x64xf32, #tpu.memory_space<vmem_shared>>
    tpu.wait_indirect_dma semaphore(%arg16 : memref<!tpu.dma_semaphore, #tpu.memory_space<semaphore_mem>>) src(%dma_wait3A_195 : memref<128x64xf32, #tpu.memory_space<vmem>>) dst(%dma_wait3A_201 : memref<10016x64xf32, #tpu.memory_space<vmem_shared>>)
    %rem3A_202 = arith.constant 39 : i32
    %rem3A_203 = arith.constant 2 : i32
    %rem3A_204 = arith.remsi %rem3A_202, %rem3A_203 : i32
    %eq3A = arith.cmpi eq, %arg0, %rem3A_204 : i32
    %convert_element_type3A = arith.extui %eq3A : i1 to i32
    %cond3A = arith.constant 0 : i32
    %cond3A_205 = arith.cmpi ne, %convert_element_type3A, %cond3A : i32
    scf.if %cond3A_205 {
      %rem3A_297 = arith.constant 9 : i32
      %rem3A_298 = arith.constant 2 : i32
      %rem3A_299 = arith.remsi %rem3A_297, %rem3A_298 : i32
      %mul3A_300 = arith.constant 16 : i32
      %mul3A_301 = arith.muli %rem3A_299, %mul3A_300 : i32
      %rem3A_302 = arith.constant 39 : i32
      %rem3A_303 = arith.constant 4 : i32
      %rem3A_304 = arith.remsi %rem3A_302, %rem3A_303 : i32
      %mul3A_305 = arith.constant 4 : i32
      %mul3A_306 = arith.muli %rem3A_304, %mul3A_305 : i32
      %add3A_307 = arith.addi %mul3A_301, %mul3A_306 : i32
      %add3A_308 = arith.constant 0 : i32
      %add3A_309 = arith.addi %add3A_307, %add3A_308 : i32
      %add3A_310 = arith.constant 1 : i32
      %add3A_311 = arith.addi %add3A_307, %add3A_310 : i32
      %add3A_312 = arith.constant 2 : i32
      %add3A_313 = arith.addi %add3A_307, %add3A_312 : i32
      %add3A_314 = arith.constant 3 : i32
      %add3A_315 = arith.addi %add3A_307, %add3A_314 : i32
      %dma_wait3A_316 = arith.constant 0 : i32
      %dma_wait3A_317 = tpu.memref_slice %arg8[%add3A_309, %dma_wait3A_316] : memref<32x128xi32, #tpu.memory_space<vmem>> -> memref<1x128xi32, #tpu.memory_space<vmem>>
      %dma_wait3A_318 = tpu.memref_squeeze %dma_wait3A_317 : memref<1x128xi32, #tpu.memory_space<vmem>> -> memref<128xi32, #tpu.memory_space<vmem>>
      %dma_wait3A_319 = arith.constant 0 : i32
      %dma_wait3A_320 = arith.constant 0 : i32
      %dma_wait3A_321 = tpu.memref_slice %arg14[%dma_wait3A_319, %dma_wait3A_320] : memref<10016x16xf32, #tpu.memory_space<vmem_shared>> -> memref<10016x16xf32, #tpu.memory_space<vmem_shared>>
      tpu.wait_indirect_dma semaphore(%arg17 : memref<!tpu.dma_semaphore, #tpu.memory_space<semaphore_mem>>) src(%arg11 : memref<128x16xf32, #tpu.memory_space<vmem>>) dst(%dma_wait3A_321 : memref<10016x16xf32, #tpu.memory_space<vmem_shared>>)
      %dma_wait3A_322 = arith.constant 0 : i32
      %dma_wait3A_323 = tpu.memref_slice %arg8[%add3A_311, %dma_wait3A_322] : memref<32x128xi32, #tpu.memory_space<vmem>> -> memref<1x128xi32, #tpu.memory_space<vmem>>
      %dma_wait3A_324 = tpu.memref_squeeze %dma_wait3A_323 : memref<1x128xi32, #tpu.memory_space<vmem>> -> memref<128xi32, #tpu.memory_space<vmem>>
      %dma_wait3A_325 = arith.constant 0 : i32
      %dma_wait3A_326 = arith.constant 0 : i32
      %dma_wait3A_327 = tpu.memref_slice %arg14[%dma_wait3A_325, %dma_wait3A_326] : memref<10016x16xf32, #tpu.memory_space<vmem_shared>> -> memref<10016x16xf32, #tpu.memory_space<vmem_shared>>
      tpu.wait_indirect_dma semaphore(%arg17 : memref<!tpu.dma_semaphore, #tpu.memory_space<semaphore_mem>>) src(%arg11 : memref<128x16xf32, #tpu.memory_space<vmem>>) dst(%dma_wait3A_327 : memref<10016x16xf32, #tpu.memory_space<vmem_shared>>)
      %dma_wait3A_328 = arith.constant 0 : i32
      %dma_wait3A_329 = tpu.memref_slice %arg8[%add3A_313, %dma_wait3A_328] : memref<32x128xi32, #tpu.memory_space<vmem>> -> memref<1x128xi32, #tpu.memory_space<vmem>>
      %dma_wait3A_330 = tpu.memref_squeeze %dma_wait3A_329 : memref<1x128xi32, #tpu.memory_space<vmem>> -> memref<128xi32, #tpu.memory_space<vmem>>
      %dma_wait3A_331 = arith.constant 0 : i32
      %dma_wait3A_332 = arith.constant 0 : i32
      %dma_wait3A_333 = tpu.memref_slice %arg14[%dma_wait3A_331, %dma_wait3A_332] : memref<10016x16xf32, #tpu.memory_space<vmem_shared>> -> memref<10016x16xf32, #tpu.memory_space<vmem_shared>>
      tpu.wait_indirect_dma semaphore(%arg17 : memref<!tpu.dma_semaphore, #tpu.memory_space<semaphore_mem>>) src(%arg11 : memref<128x16xf32, #tpu.memory_space<vmem>>) dst(%dma_wait3A_333 : memref<10016x16xf32, #tpu.memory_space<vmem_shared>>)
      %dma_wait3A_334 = arith.constant 0 : i32
      %dma_wait3A_335 = tpu.memref_slice %arg8[%add3A_315, %dma_wait3A_334] : memref<32x128xi32, #tpu.memory_space<vmem>> -> memref<1x128xi32, #tpu.memory_space<vmem>>
      %dma_wait3A_336 = tpu.memref_squeeze %dma_wait3A_335 : memref<1x128xi32, #tpu.memory_space<vmem>> -> memref<128xi32, #tpu.memory_space<vmem>>
      %dma_wait3A_337 = arith.constant 0 : i32
      %dma_wait3A_338 = arith.constant 0 : i32
      %dma_wait3A_339 = tpu.memref_slice %arg14[%dma_wait3A_337, %dma_wait3A_338] : memref<10016x16xf32, #tpu.memory_space<vmem_shared>> -> memref<10016x16xf32, #tpu.memory_space<vmem_shared>>
      tpu.wait_indirect_dma semaphore(%arg17 : memref<!tpu.dma_semaphore, #tpu.memory_space<semaphore_mem>>) src(%arg11 : memref<128x16xf32, #tpu.memory_space<vmem>>) dst(%dma_wait3A_339 : memref<10016x16xf32, #tpu.memory_space<vmem_shared>>)
    } else {
    }
    %barrier3A_206 = arith.constant 0 : index
    tpu.barrier barrier_id(%barrier3A_206)
    %mul3A_207 = arith.constant 626 : i32
    %mul3A_208 = arith.muli %arg1, %mul3A_207 : i32
    %add3A_209 = arith.constant 0 : i32
    %add3A_210 = arith.addi %mul3A_208, %add3A_209 : i32
    %run_scoped3A_211 = arith.constant 0 : i32
    "tpu.region"() ({
      %run_scoped3A_297 = tpu.sem_alloc : memref<!tpu.dma_semaphore, #tpu.memory_space<semaphore_mem>>
      %dma_start3A_298 = arith.constant 0 : i32
      %dma_start3A_299 = arith.constant 0 : i32
      %dma_start3A_300 = tpu.memref_slice %arg10[%run_scoped3A_211, %dma_start3A_298, %dma_start3A_299] : memref<4x128x64xf32, #tpu.memory_space<vmem>> -> memref<1x128x64xf32, #tpu.memory_space<vmem>>
      %dma_start3A_301 = tpu.memref_squeeze %dma_start3A_300 : memref<1x128x64xf32, #tpu.memory_space<vmem>> -> memref<128x64xf32, #tpu.memory_space<vmem>>
      %dma_start3A_302 = arith.constant 0 : i32
      %dma_start3A_303 = tpu.memref_slice %arg13[%add3A_210, %dma_start3A_302] : memref<10016x64xf32, #tpu.memory_space<vmem_shared>> -> memref<128x64xf32, #tpu.memory_space<vmem_shared>>
      %dma_start3A_304 = arith.constant 0 : i32
      %dma_start3A_305 = arith.constant 0 : i32
      %dma_start3A_306 = tpu.memref_slice %arg10[%run_scoped3A_211, %dma_start3A_304, %dma_start3A_305] : memref<4x128x64xf32, #tpu.memory_space<vmem>> -> memref<1x128x64xf32, #tpu.memory_space<vmem>>
      %dma_start3A_307 = tpu.memref_squeeze %dma_start3A_306 : memref<1x128x64xf32, #tpu.memory_space<vmem>> -> memref<128x64xf32, #tpu.memory_space<vmem>>
      %dma_start3A_308 = arith.constant 0 : i32
      %dma_start3A_309 = tpu.memref_slice %arg13[%add3A_210, %dma_start3A_308] : memref<10016x64xf32, #tpu.memory_space<vmem_shared>> -> memref<128x64xf32, #tpu.memory_space<vmem_shared>>
      tpu.enqueue_dma source(%dma_start3A_309 : memref<128x64xf32, #tpu.memory_space<vmem_shared>>) target(%dma_start3A_307 : memref<128x64xf32, #tpu.memory_space<vmem>>) target_semaphore(%run_scoped3A_297 : memref<!tpu.dma_semaphore, #tpu.memory_space<semaphore_mem>>)
      %dma_wait3A_310 = arith.constant 0 : i32
      %dma_wait3A_311 = arith.constant 0 : i32
      %dma_wait3A_312 = tpu.memref_slice %arg10[%run_scoped3A_211, %dma_wait3A_310, %dma_wait3A_311] : memref<4x128x64xf32, #tpu.memory_space<vmem>> -> memref<1x128x64xf32, #tpu.memory_space<vmem>>
      %dma_wait3A_313 = tpu.memref_squeeze %dma_wait3A_312 : memref<1x128x64xf32, #tpu.memory_space<vmem>> -> memref<128x64xf32, #tpu.memory_space<vmem>>
      %dma_wait3A_314 = arith.constant 0 : i32
      %dma_wait3A_315 = tpu.memref_slice %arg13[%add3A_210, %dma_wait3A_314] : memref<10016x64xf32, #tpu.memory_space<vmem_shared>> -> memref<128x64xf32, #tpu.memory_space<vmem_shared>>
      %dma_wait3A_316 = arith.constant 0 : i32
      %dma_wait3A_317 = arith.constant 0 : i32
      %dma_wait3A_318 = tpu.memref_slice %arg10[%run_scoped3A_211, %dma_wait3A_316, %dma_wait3A_317] : memref<4x128x64xf32, #tpu.memory_space<vmem>> -> memref<1x128x64xf32, #tpu.memory_space<vmem>>
      %dma_wait3A_319 = tpu.memref_squeeze %dma_wait3A_318 : memref<1x128x64xf32, #tpu.memory_space<vmem>> -> memref<128x64xf32, #tpu.memory_space<vmem>>
      %dma_wait3A_320 = arith.constant 0 : i32
      %dma_wait3A_321 = tpu.memref_slice %arg13[%add3A_210, %dma_wait3A_320] : memref<10016x64xf32, #tpu.memory_space<vmem_shared>> -> memref<128x64xf32, #tpu.memory_space<vmem_shared>>
      tpu.wait_dma2 semaphore(%run_scoped3A_297 : memref<!tpu.dma_semaphore, #tpu.memory_space<semaphore_mem>>) src(%dma_wait3A_321 : memref<128x64xf32, #tpu.memory_space<vmem_shared>>) dst(%dma_wait3A_319 : memref<128x64xf32, #tpu.memory_space<vmem>>)
      tpu.yield
    }) : () -> ()
    %mul3A_212 = arith.constant 626 : i32
    %mul3A_213 = arith.muli %arg1, %mul3A_212 : i32
    %add3A_214 = arith.constant 0 : i32
    %add3A_215 = arith.addi %mul3A_213, %add3A_214 : i32
    %run_scoped3A_216 = arith.constant 0 : i32
    "tpu.region"() ({
      %run_scoped3A_297 = tpu.sem_alloc : memref<!tpu.dma_semaphore, #tpu.memory_space<semaphore_mem>>
      %dma_start3A_298 = arith.constant 0 : i32
      %dma_start3A_299 = arith.constant 0 : i32
      %dma_start3A_300 = tpu.memref_slice %arg10[%run_scoped3A_216, %dma_start3A_298, %dma_start3A_299] : memref<4x128x64xf32, #tpu.memory_space<vmem>> -> memref<1x128x64xf32, #tpu.memory_space<vmem>>
      %dma_start3A_301 = tpu.memref_squeeze %dma_start3A_300 : memref<1x128x64xf32, #tpu.memory_space<vmem>> -> memref<128x64xf32, #tpu.memory_space<vmem>>
      %dma_start3A_302 = arith.constant 0 : i32
      %dma_start3A_303 = tpu.memref_slice %arg5[%arg0, %add3A_215, %dma_start3A_302] : memref<2x10016x64xf32, #tpu.memory_space<hbm>> -> memref<1x128x64xf32, #tpu.memory_space<hbm>>
      %dma_start3A_304 = tpu.memref_squeeze %dma_start3A_303 : memref<1x128x64xf32, #tpu.memory_space<hbm>> -> memref<128x64xf32, #tpu.memory_space<hbm>>
      %dma_start3A_305 = arith.constant 0 : i32
      %dma_start3A_306 = tpu.memref_slice %arg5[%arg0, %add3A_215, %dma_start3A_305] : memref<2x10016x64xf32, #tpu.memory_space<hbm>> -> memref<1x128x64xf32, #tpu.memory_space<hbm>>
      %dma_start3A_307 = tpu.memref_squeeze %dma_start3A_306 : memref<1x128x64xf32, #tpu.memory_space<hbm>> -> memref<128x64xf32, #tpu.memory_space<hbm>>
      %dma_start3A_308 = arith.constant 0 : i32
      %dma_start3A_309 = arith.constant 0 : i32
      %dma_start3A_310 = tpu.memref_slice %arg10[%run_scoped3A_216, %dma_start3A_308, %dma_start3A_309] : memref<4x128x64xf32, #tpu.memory_space<vmem>> -> memref<1x128x64xf32, #tpu.memory_space<vmem>>
      %dma_start3A_311 = tpu.memref_squeeze %dma_start3A_310 : memref<1x128x64xf32, #tpu.memory_space<vmem>> -> memref<128x64xf32, #tpu.memory_space<vmem>>
      tpu.enqueue_dma source(%dma_start3A_311 : memref<128x64xf32, #tpu.memory_space<vmem>>) target(%dma_start3A_307 : memref<128x64xf32, #tpu.memory_space<hbm>>) target_semaphore(%run_scoped3A_297 : memref<!tpu.dma_semaphore, #tpu.memory_space<semaphore_mem>>)
      %dma_wait3A_312 = arith.constant 0 : i32
      %dma_wait3A_313 = arith.constant 0 : i32
      %dma_wait3A_314 = tpu.memref_slice %arg10[%run_scoped3A_216, %dma_wait3A_312, %dma_wait3A_313] : memref<4x128x64xf32, #tpu.memory_space<vmem>> -> memref<1x128x64xf32, #tpu.memory_space<vmem>>
      %dma_wait3A_315 = tpu.memref_squeeze %dma_wait3A_314 : memref<1x128x64xf32, #tpu.memory_space<vmem>> -> memref<128x64xf32, #tpu.memory_space<vmem>>
      %dma_wait3A_316 = arith.constant 0 : i32
      %dma_wait3A_317 = tpu.memref_slice %arg5[%arg0, %add3A_215, %dma_wait3A_316] : memref<2x10016x64xf32, #tpu.memory_space<hbm>> -> memref<1x128x64xf32, #tpu.memory_space<hbm>>
      %dma_wait3A_318 = tpu.memref_squeeze %dma_wait3A_317 : memref<1x128x64xf32, #tpu.memory_space<hbm>> -> memref<128x64xf32, #tpu.memory_space<hbm>>
      %dma_wait3A_319 = arith.constant 0 : i32
      %dma_wait3A_320 = tpu.memref_slice %arg5[%arg0, %add3A_215, %dma_wait3A_319] : memref<2x10016x64xf32, #tpu.memory_space<hbm>> -> memref<1x128x64xf32, #tpu.memory_space<hbm>>
      %dma_wait3A_321 = tpu.memref_squeeze %dma_wait3A_320 : memref<1x128x64xf32, #tpu.memory_space<hbm>> -> memref<128x64xf32, #tpu.memory_space<hbm>>
      %dma_wait3A_322 = arith.constant 0 : i32
      %dma_wait3A_323 = arith.constant 0 : i32
      %dma_wait3A_324 = tpu.memref_slice %arg10[%run_scoped3A_216, %dma_wait3A_322, %dma_wait3A_323] : memref<4x128x64xf32, #tpu.memory_space<vmem>> -> memref<1x128x64xf32, #tpu.memory_space<vmem>>
      %dma_wait3A_325 = tpu.memref_squeeze %dma_wait3A_324 : memref<1x128x64xf32, #tpu.memory_space<vmem>> -> memref<128x64xf32, #tpu.memory_space<vmem>>
      tpu.wait_dma2 semaphore(%run_scoped3A_297 : memref<!tpu.dma_semaphore, #tpu.memory_space<semaphore_mem>>) src(%dma_wait3A_325 : memref<128x64xf32, #tpu.memory_space<vmem>>) dst(%dma_wait3A_321 : memref<128x64xf32, #tpu.memory_space<hbm>>)
      tpu.yield
    }) : () -> ()
    %mul3A_217 = arith.constant 626 : i32
    %mul3A_218 = arith.muli %arg1, %mul3A_217 : i32
    %add3A_219 = arith.constant 128 : i32
    %add3A_220 = arith.addi %mul3A_218, %add3A_219 : i32
    %run_scoped3A_221 = arith.constant 1 : i32
    "tpu.region"() ({
      %run_scoped3A_297 = tpu.sem_alloc : memref<!tpu.dma_semaphore, #tpu.memory_space<semaphore_mem>>
      %dma_start3A_298 = arith.constant 0 : i32
      %dma_start3A_299 = arith.constant 0 : i32
      %dma_start3A_300 = tpu.memref_slice %arg10[%run_scoped3A_221, %dma_start3A_298, %dma_start3A_299] : memref<4x128x64xf32, #tpu.memory_space<vmem>> -> memref<1x128x64xf32, #tpu.memory_space<vmem>>
      %dma_start3A_301 = tpu.memref_squeeze %dma_start3A_300 : memref<1x128x64xf32, #tpu.memory_space<vmem>> -> memref<128x64xf32, #tpu.memory_space<vmem>>
      %dma_start3A_302 = arith.constant 0 : i32
      %dma_start3A_303 = tpu.memref_slice %arg13[%add3A_220, %dma_start3A_302] : memref<10016x64xf32, #tpu.memory_space<vmem_shared>> -> memref<128x64xf32, #tpu.memory_space<vmem_shared>>
      %dma_start3A_304 = arith.constant 0 : i32
      %dma_start3A_305 = arith.constant 0 : i32
      %dma_start3A_306 = tpu.memref_slice %arg10[%run_scoped3A_221, %dma_start3A_304, %dma_start3A_305] : memref<4x128x64xf32, #tpu.memory_space<vmem>> -> memref<1x128x64xf32, #tpu.memory_space<vmem>>
      %dma_start3A_307 = tpu.memref_squeeze %dma_start3A_306 : memref<1x128x64xf32, #tpu.memory_space<vmem>> -> memref<128x64xf32, #tpu.memory_space<vmem>>
      %dma_start3A_308 = arith.constant 0 : i32
      %dma_start3A_309 = tpu.memref_slice %arg13[%add3A_220, %dma_start3A_308] : memref<10016x64xf32, #tpu.memory_space<vmem_shared>> -> memref<128x64xf32, #tpu.memory_space<vmem_shared>>
      tpu.enqueue_dma source(%dma_start3A_309 : memref<128x64xf32, #tpu.memory_space<vmem_shared>>) target(%dma_start3A_307 : memref<128x64xf32, #tpu.memory_space<vmem>>) target_semaphore(%run_scoped3A_297 : memref<!tpu.dma_semaphore, #tpu.memory_space<semaphore_mem>>)
      %dma_wait3A_310 = arith.constant 0 : i32
      %dma_wait3A_311 = arith.constant 0 : i32
      %dma_wait3A_312 = tpu.memref_slice %arg10[%run_scoped3A_221, %dma_wait3A_310, %dma_wait3A_311] : memref<4x128x64xf32, #tpu.memory_space<vmem>> -> memref<1x128x64xf32, #tpu.memory_space<vmem>>
      %dma_wait3A_313 = tpu.memref_squeeze %dma_wait3A_312 : memref<1x128x64xf32, #tpu.memory_space<vmem>> -> memref<128x64xf32, #tpu.memory_space<vmem>>
      %dma_wait3A_314 = arith.constant 0 : i32
      %dma_wait3A_315 = tpu.memref_slice %arg13[%add3A_220, %dma_wait3A_314] : memref<10016x64xf32, #tpu.memory_space<vmem_shared>> -> memref<128x64xf32, #tpu.memory_space<vmem_shared>>
      %dma_wait3A_316 = arith.constant 0 : i32
      %dma_wait3A_317 = arith.constant 0 : i32
      %dma_wait3A_318 = tpu.memref_slice %arg10[%run_scoped3A_221, %dma_wait3A_316, %dma_wait3A_317] : memref<4x128x64xf32, #tpu.memory_space<vmem>> -> memref<1x128x64xf32, #tpu.memory_space<vmem>>
      %dma_wait3A_319 = tpu.memref_squeeze %dma_wait3A_318 : memref<1x128x64xf32, #tpu.memory_space<vmem>> -> memref<128x64xf32, #tpu.memory_space<vmem>>
      %dma_wait3A_320 = arith.constant 0 : i32
      %dma_wait3A_321 = tpu.memref_slice %arg13[%add3A_220, %dma_wait3A_320] : memref<10016x64xf32, #tpu.memory_space<vmem_shared>> -> memref<128x64xf32, #tpu.memory_space<vmem_shared>>
      tpu.wait_dma2 semaphore(%run_scoped3A_297 : memref<!tpu.dma_semaphore, #tpu.memory_space<semaphore_mem>>) src(%dma_wait3A_321 : memref<128x64xf32, #tpu.memory_space<vmem_shared>>) dst(%dma_wait3A_319 : memref<128x64xf32, #tpu.memory_space<vmem>>)
      tpu.yield
    }) : () -> ()
    %mul3A_222 = arith.constant 626 : i32
    %mul3A_223 = arith.muli %arg1, %mul3A_222 : i32
    %add3A_224 = arith.constant 128 : i32
    %add3A_225 = arith.addi %mul3A_223, %add3A_224 : i32
    %run_scoped3A_226 = arith.constant 1 : i32
    "tpu.region"() ({
      %run_scoped3A_297 = tpu.sem_alloc : memref<!tpu.dma_semaphore, #tpu.memory_space<semaphore_mem>>
      %dma_start3A_298 = arith.constant 0 : i32
      %dma_start3A_299 = arith.constant 0 : i32
      %dma_start3A_300 = tpu.memref_slice %arg10[%run_scoped3A_226, %dma_start3A_298, %dma_start3A_299] : memref<4x128x64xf32, #tpu.memory_space<vmem>> -> memref<1x128x64xf32, #tpu.memory_space<vmem>>
      %dma_start3A_301 = tpu.memref_squeeze %dma_start3A_300 : memref<1x128x64xf32, #tpu.memory_space<vmem>> -> memref<128x64xf32, #tpu.memory_space<vmem>>
      %dma_start3A_302 = arith.constant 0 : i32
      %dma_start3A_303 = tpu.memref_slice %arg5[%arg0, %add3A_225, %dma_start3A_302] : memref<2x10016x64xf32, #tpu.memory_space<hbm>> -> memref<1x128x64xf32, #tpu.memory_space<hbm>>
      %dma_start3A_304 = tpu.memref_squeeze %dma_start3A_303 : memref<1x128x64xf32, #tpu.memory_space<hbm>> -> memref<128x64xf32, #tpu.memory_space<hbm>>
      %dma_start3A_305 = arith.constant 0 : i32
      %dma_start3A_306 = tpu.memref_slice %arg5[%arg0, %add3A_225, %dma_start3A_305] : memref<2x10016x64xf32, #tpu.memory_space<hbm>> -> memref<1x128x64xf32, #tpu.memory_space<hbm>>
      %dma_start3A_307 = tpu.memref_squeeze %dma_start3A_306 : memref<1x128x64xf32, #tpu.memory_space<hbm>> -> memref<128x64xf32, #tpu.memory_space<hbm>>
      %dma_start3A_308 = arith.constant 0 : i32
      %dma_start3A_309 = arith.constant 0 : i32
      %dma_start3A_310 = tpu.memref_slice %arg10[%run_scoped3A_226, %dma_start3A_308, %dma_start3A_309] : memref<4x128x64xf32, #tpu.memory_space<vmem>> -> memref<1x128x64xf32, #tpu.memory_space<vmem>>
      %dma_start3A_311 = tpu.memref_squeeze %dma_start3A_310 : memref<1x128x64xf32, #tpu.memory_space<vmem>> -> memref<128x64xf32, #tpu.memory_space<vmem>>
      tpu.enqueue_dma source(%dma_start3A_311 : memref<128x64xf32, #tpu.memory_space<vmem>>) target(%dma_start3A_307 : memref<128x64xf32, #tpu.memory_space<hbm>>) target_semaphore(%run_scoped3A_297 : memref<!tpu.dma_semaphore, #tpu.memory_space<semaphore_mem>>)
      %dma_wait3A_312 = arith.constant 0 : i32
      %dma_wait3A_313 = arith.constant 0 : i32
      %dma_wait3A_314 = tpu.memref_slice %arg10[%run_scoped3A_226, %dma_wait3A_312, %dma_wait3A_313] : memref<4x128x64xf32, #tpu.memory_space<vmem>> -> memref<1x128x64xf32, #tpu.memory_space<vmem>>
      %dma_wait3A_315 = tpu.memref_squeeze %dma_wait3A_314 : memref<1x128x64xf32, #tpu.memory_space<vmem>> -> memref<128x64xf32, #tpu.memory_space<vmem>>
      %dma_wait3A_316 = arith.constant 0 : i32
      %dma_wait3A_317 = tpu.memref_slice %arg5[%arg0, %add3A_225, %dma_wait3A_316] : memref<2x10016x64xf32, #tpu.memory_space<hbm>> -> memref<1x128x64xf32, #tpu.memory_space<hbm>>
      %dma_wait3A_318 = tpu.memref_squeeze %dma_wait3A_317 : memref<1x128x64xf32, #tpu.memory_space<hbm>> -> memref<128x64xf32, #tpu.memory_space<hbm>>
      %dma_wait3A_319 = arith.constant 0 : i32
      %dma_wait3A_320 = tpu.memref_slice %arg5[%arg0, %add3A_225, %dma_wait3A_319] : memref<2x10016x64xf32, #tpu.memory_space<hbm>> -> memref<1x128x64xf32, #tpu.memory_space<hbm>>
      %dma_wait3A_321 = tpu.memref_squeeze %dma_wait3A_320 : memref<1x128x64xf32, #tpu.memory_space<hbm>> -> memref<128x64xf32, #tpu.memory_space<hbm>>
      %dma_wait3A_322 = arith.constant 0 : i32
      %dma_wait3A_323 = arith.constant 0 : i32
      %dma_wait3A_324 = tpu.memref_slice %arg10[%run_scoped3A_226, %dma_wait3A_322, %dma_wait3A_323] : memref<4x128x64xf32, #tpu.memory_space<vmem>> -> memref<1x128x64xf32, #tpu.memory_space<vmem>>
      %dma_wait3A_325 = tpu.memref_squeeze %dma_wait3A_324 : memref<1x128x64xf32, #tpu.memory_space<vmem>> -> memref<128x64xf32, #tpu.memory_space<vmem>>
      tpu.wait_dma2 semaphore(%run_scoped3A_297 : memref<!tpu.dma_semaphore, #tpu.memory_space<semaphore_mem>>) src(%dma_wait3A_325 : memref<128x64xf32, #tpu.memory_space<vmem>>) dst(%dma_wait3A_321 : memref<128x64xf32, #tpu.memory_space<hbm>>)
      tpu.yield
    }) : () -> ()
    %mul3A_227 = arith.constant 626 : i32
    %mul3A_228 = arith.muli %arg1, %mul3A_227 : i32
    %add3A_229 = arith.constant 256 : i32
    %add3A_230 = arith.addi %mul3A_228, %add3A_229 : i32
    %run_scoped3A_231 = arith.constant 2 : i32
    "tpu.region"() ({
      %run_scoped3A_297 = tpu.sem_alloc : memref<!tpu.dma_semaphore, #tpu.memory_space<semaphore_mem>>
      %dma_start3A_298 = arith.constant 0 : i32
      %dma_start3A_299 = arith.constant 0 : i32
      %dma_start3A_300 = tpu.memref_slice %arg10[%run_scoped3A_231, %dma_start3A_298, %dma_start3A_299] : memref<4x128x64xf32, #tpu.memory_space<vmem>> -> memref<1x128x64xf32, #tpu.memory_space<vmem>>
      %dma_start3A_301 = tpu.memref_squeeze %dma_start3A_300 : memref<1x128x64xf32, #tpu.memory_space<vmem>> -> memref<128x64xf32, #tpu.memory_space<vmem>>
      %dma_start3A_302 = arith.constant 0 : i32
      %dma_start3A_303 = tpu.memref_slice %arg13[%add3A_230, %dma_start3A_302] : memref<10016x64xf32, #tpu.memory_space<vmem_shared>> -> memref<128x64xf32, #tpu.memory_space<vmem_shared>>
      %dma_start3A_304 = arith.constant 0 : i32
      %dma_start3A_305 = arith.constant 0 : i32
      %dma_start3A_306 = tpu.memref_slice %arg10[%run_scoped3A_231, %dma_start3A_304, %dma_start3A_305] : memref<4x128x64xf32, #tpu.memory_space<vmem>> -> memref<1x128x64xf32, #tpu.memory_space<vmem>>
      %dma_start3A_307 = tpu.memref_squeeze %dma_start3A_306 : memref<1x128x64xf32, #tpu.memory_space<vmem>> -> memref<128x64xf32, #tpu.memory_space<vmem>>
      %dma_start3A_308 = arith.constant 0 : i32
      %dma_start3A_309 = tpu.memref_slice %arg13[%add3A_230, %dma_start3A_308] : memref<10016x64xf32, #tpu.memory_space<vmem_shared>> -> memref<128x64xf32, #tpu.memory_space<vmem_shared>>
      tpu.enqueue_dma source(%dma_start3A_309 : memref<128x64xf32, #tpu.memory_space<vmem_shared>>) target(%dma_start3A_307 : memref<128x64xf32, #tpu.memory_space<vmem>>) target_semaphore(%run_scoped3A_297 : memref<!tpu.dma_semaphore, #tpu.memory_space<semaphore_mem>>)
      %dma_wait3A_310 = arith.constant 0 : i32
      %dma_wait3A_311 = arith.constant 0 : i32
      %dma_wait3A_312 = tpu.memref_slice %arg10[%run_scoped3A_231, %dma_wait3A_310, %dma_wait3A_311] : memref<4x128x64xf32, #tpu.memory_space<vmem>> -> memref<1x128x64xf32, #tpu.memory_space<vmem>>
      %dma_wait3A_313 = tpu.memref_squeeze %dma_wait3A_312 : memref<1x128x64xf32, #tpu.memory_space<vmem>> -> memref<128x64xf32, #tpu.memory_space<vmem>>
      %dma_wait3A_314 = arith.constant 0 : i32
      %dma_wait3A_315 = tpu.memref_slice %arg13[%add3A_230, %dma_wait3A_314] : memref<10016x64xf32, #tpu.memory_space<vmem_shared>> -> memref<128x64xf32, #tpu.memory_space<vmem_shared>>
      %dma_wait3A_316 = arith.constant 0 : i32
      %dma_wait3A_317 = arith.constant 0 : i32
      %dma_wait3A_318 = tpu.memref_slice %arg10[%run_scoped3A_231, %dma_wait3A_316, %dma_wait3A_317] : memref<4x128x64xf32, #tpu.memory_space<vmem>> -> memref<1x128x64xf32, #tpu.memory_space<vmem>>
      %dma_wait3A_319 = tpu.memref_squeeze %dma_wait3A_318 : memref<1x128x64xf32, #tpu.memory_space<vmem>> -> memref<128x64xf32, #tpu.memory_space<vmem>>
      %dma_wait3A_320 = arith.constant 0 : i32
      %dma_wait3A_321 = tpu.memref_slice %arg13[%add3A_230, %dma_wait3A_320] : memref<10016x64xf32, #tpu.memory_space<vmem_shared>> -> memref<128x64xf32, #tpu.memory_space<vmem_shared>>
      tpu.wait_dma2 semaphore(%run_scoped3A_297 : memref<!tpu.dma_semaphore, #tpu.memory_space<semaphore_mem>>) src(%dma_wait3A_321 : memref<128x64xf32, #tpu.memory_space<vmem_shared>>) dst(%dma_wait3A_319 : memref<128x64xf32, #tpu.memory_space<vmem>>)
      tpu.yield
    }) : () -> ()
    %mul3A_232 = arith.constant 626 : i32
    %mul3A_233 = arith.muli %arg1, %mul3A_232 : i32
    %add3A_234 = arith.constant 256 : i32
    %add3A_235 = arith.addi %mul3A_233, %add3A_234 : i32
    %run_scoped3A_236 = arith.constant 2 : i32
    "tpu.region"() ({
      %run_scoped3A_297 = tpu.sem_alloc : memref<!tpu.dma_semaphore, #tpu.memory_space<semaphore_mem>>
      %dma_start3A_298 = arith.constant 0 : i32
      %dma_start3A_299 = arith.constant 0 : i32
      %dma_start3A_300 = tpu.memref_slice %arg10[%run_scoped3A_236, %dma_start3A_298, %dma_start3A_299] : memref<4x128x64xf32, #tpu.memory_space<vmem>> -> memref<1x128x64xf32, #tpu.memory_space<vmem>>
      %dma_start3A_301 = tpu.memref_squeeze %dma_start3A_300 : memref<1x128x64xf32, #tpu.memory_space<vmem>> -> memref<128x64xf32, #tpu.memory_space<vmem>>
      %dma_start3A_302 = arith.constant 0 : i32
      %dma_start3A_303 = tpu.memref_slice %arg5[%arg0, %add3A_235, %dma_start3A_302] : memref<2x10016x64xf32, #tpu.memory_space<hbm>> -> memref<1x128x64xf32, #tpu.memory_space<hbm>>
      %dma_start3A_304 = tpu.memref_squeeze %dma_start3A_303 : memref<1x128x64xf32, #tpu.memory_space<hbm>> -> memref<128x64xf32, #tpu.memory_space<hbm>>
      %dma_start3A_305 = arith.constant 0 : i32
      %dma_start3A_306 = tpu.memref_slice %arg5[%arg0, %add3A_235, %dma_start3A_305] : memref<2x10016x64xf32, #tpu.memory_space<hbm>> -> memref<1x128x64xf32, #tpu.memory_space<hbm>>
      %dma_start3A_307 = tpu.memref_squeeze %dma_start3A_306 : memref<1x128x64xf32, #tpu.memory_space<hbm>> -> memref<128x64xf32, #tpu.memory_space<hbm>>
      %dma_start3A_308 = arith.constant 0 : i32
      %dma_start3A_309 = arith.constant 0 : i32
      %dma_start3A_310 = tpu.memref_slice %arg10[%run_scoped3A_236, %dma_start3A_308, %dma_start3A_309] : memref<4x128x64xf32, #tpu.memory_space<vmem>> -> memref<1x128x64xf32, #tpu.memory_space<vmem>>
      %dma_start3A_311 = tpu.memref_squeeze %dma_start3A_310 : memref<1x128x64xf32, #tpu.memory_space<vmem>> -> memref<128x64xf32, #tpu.memory_space<vmem>>
      tpu.enqueue_dma source(%dma_start3A_311 : memref<128x64xf32, #tpu.memory_space<vmem>>) target(%dma_start3A_307 : memref<128x64xf32, #tpu.memory_space<hbm>>) target_semaphore(%run_scoped3A_297 : memref<!tpu.dma_semaphore, #tpu.memory_space<semaphore_mem>>)
      %dma_wait3A_312 = arith.constant 0 : i32
      %dma_wait3A_313 = arith.constant 0 : i32
      %dma_wait3A_314 = tpu.memref_slice %arg10[%run_scoped3A_236, %dma_wait3A_312, %dma_wait3A_313] : memref<4x128x64xf32, #tpu.memory_space<vmem>> -> memref<1x128x64xf32, #tpu.memory_space<vmem>>
      %dma_wait3A_315 = tpu.memref_squeeze %dma_wait3A_314 : memref<1x128x64xf32, #tpu.memory_space<vmem>> -> memref<128x64xf32, #tpu.memory_space<vmem>>
      %dma_wait3A_316 = arith.constant 0 : i32
      %dma_wait3A_317 = tpu.memref_slice %arg5[%arg0, %add3A_235, %dma_wait3A_316] : memref<2x10016x64xf32, #tpu.memory_space<hbm>> -> memref<1x128x64xf32, #tpu.memory_space<hbm>>
      %dma_wait3A_318 = tpu.memref_squeeze %dma_wait3A_317 : memref<1x128x64xf32, #tpu.memory_space<hbm>> -> memref<128x64xf32, #tpu.memory_space<hbm>>
      %dma_wait3A_319 = arith.constant 0 : i32
      %dma_wait3A_320 = tpu.memref_slice %arg5[%arg0, %add3A_235, %dma_wait3A_319] : memref<2x10016x64xf32, #tpu.memory_space<hbm>> -> memref<1x128x64xf32, #tpu.memory_space<hbm>>
      %dma_wait3A_321 = tpu.memref_squeeze %dma_wait3A_320 : memref<1x128x64xf32, #tpu.memory_space<hbm>> -> memref<128x64xf32, #tpu.memory_space<hbm>>
      %dma_wait3A_322 = arith.constant 0 : i32
      %dma_wait3A_323 = arith.constant 0 : i32
      %dma_wait3A_324 = tpu.memref_slice %arg10[%run_scoped3A_236, %dma_wait3A_322, %dma_wait3A_323] : memref<4x128x64xf32, #tpu.memory_space<vmem>> -> memref<1x128x64xf32, #tpu.memory_space<vmem>>
      %dma_wait3A_325 = tpu.memref_squeeze %dma_wait3A_324 : memref<1x128x64xf32, #tpu.memory_space<vmem>> -> memref<128x64xf32, #tpu.memory_space<vmem>>
      tpu.wait_dma2 semaphore(%run_scoped3A_297 : memref<!tpu.dma_semaphore, #tpu.memory_space<semaphore_mem>>) src(%dma_wait3A_325 : memref<128x64xf32, #tpu.memory_space<vmem>>) dst(%dma_wait3A_321 : memref<128x64xf32, #tpu.memory_space<hbm>>)
      tpu.yield
    }) : () -> ()
    %mul3A_237 = arith.constant 626 : i32
    %mul3A_238 = arith.muli %arg1, %mul3A_237 : i32
    %add3A_239 = arith.constant 384 : i32
    %add3A_240 = arith.addi %mul3A_238, %add3A_239 : i32
    %run_scoped3A_241 = arith.constant 3 : i32
    "tpu.region"() ({
      %run_scoped3A_297 = tpu.sem_alloc : memref<!tpu.dma_semaphore, #tpu.memory_space<semaphore_mem>>
      %dma_start3A_298 = arith.constant 0 : i32
      %dma_start3A_299 = arith.constant 0 : i32
      %dma_start3A_300 = tpu.memref_slice %arg10[%run_scoped3A_241, %dma_start3A_298, %dma_start3A_299] : memref<4x128x64xf32, #tpu.memory_space<vmem>> -> memref<1x128x64xf32, #tpu.memory_space<vmem>>
      %dma_start3A_301 = tpu.memref_squeeze %dma_start3A_300 : memref<1x128x64xf32, #tpu.memory_space<vmem>> -> memref<128x64xf32, #tpu.memory_space<vmem>>
      %dma_start3A_302 = arith.constant 0 : i32
      %dma_start3A_303 = tpu.memref_slice %arg13[%add3A_240, %dma_start3A_302] : memref<10016x64xf32, #tpu.memory_space<vmem_shared>> -> memref<128x64xf32, #tpu.memory_space<vmem_shared>>
      %dma_start3A_304 = arith.constant 0 : i32
      %dma_start3A_305 = arith.constant 0 : i32
      %dma_start3A_306 = tpu.memref_slice %arg10[%run_scoped3A_241, %dma_start3A_304, %dma_start3A_305] : memref<4x128x64xf32, #tpu.memory_space<vmem>> -> memref<1x128x64xf32, #tpu.memory_space<vmem>>
      %dma_start3A_307 = tpu.memref_squeeze %dma_start3A_306 : memref<1x128x64xf32, #tpu.memory_space<vmem>> -> memref<128x64xf32, #tpu.memory_space<vmem>>
      %dma_start3A_308 = arith.constant 0 : i32
      %dma_start3A_309 = tpu.memref_slice %arg13[%add3A_240, %dma_start3A_308] : memref<10016x64xf32, #tpu.memory_space<vmem_shared>> -> memref<128x64xf32, #tpu.memory_space<vmem_shared>>
      tpu.enqueue_dma source(%dma_start3A_309 : memref<128x64xf32, #tpu.memory_space<vmem_shared>>) target(%dma_start3A_307 : memref<128x64xf32, #tpu.memory_space<vmem>>) target_semaphore(%run_scoped3A_297 : memref<!tpu.dma_semaphore, #tpu.memory_space<semaphore_mem>>)
      %dma_wait3A_310 = arith.constant 0 : i32
      %dma_wait3A_311 = arith.constant 0 : i32
      %dma_wait3A_312 = tpu.memref_slice %arg10[%run_scoped3A_241, %dma_wait3A_310, %dma_wait3A_311] : memref<4x128x64xf32, #tpu.memory_space<vmem>> -> memref<1x128x64xf32, #tpu.memory_space<vmem>>
      %dma_wait3A_313 = tpu.memref_squeeze %dma_wait3A_312 : memref<1x128x64xf32, #tpu.memory_space<vmem>> -> memref<128x64xf32, #tpu.memory_space<vmem>>
      %dma_wait3A_314 = arith.constant 0 : i32
      %dma_wait3A_315 = tpu.memref_slice %arg13[%add3A_240, %dma_wait3A_314] : memref<10016x64xf32, #tpu.memory_space<vmem_shared>> -> memref<128x64xf32, #tpu.memory_space<vmem_shared>>
      %dma_wait3A_316 = arith.constant 0 : i32
      %dma_wait3A_317 = arith.constant 0 : i32
      %dma_wait3A_318 = tpu.memref_slice %arg10[%run_scoped3A_241, %dma_wait3A_316, %dma_wait3A_317] : memref<4x128x64xf32, #tpu.memory_space<vmem>> -> memref<1x128x64xf32, #tpu.memory_space<vmem>>
      %dma_wait3A_319 = tpu.memref_squeeze %dma_wait3A_318 : memref<1x128x64xf32, #tpu.memory_space<vmem>> -> memref<128x64xf32, #tpu.memory_space<vmem>>
      %dma_wait3A_320 = arith.constant 0 : i32
      %dma_wait3A_321 = tpu.memref_slice %arg13[%add3A_240, %dma_wait3A_320] : memref<10016x64xf32, #tpu.memory_space<vmem_shared>> -> memref<128x64xf32, #tpu.memory_space<vmem_shared>>
      tpu.wait_dma2 semaphore(%run_scoped3A_297 : memref<!tpu.dma_semaphore, #tpu.memory_space<semaphore_mem>>) src(%dma_wait3A_321 : memref<128x64xf32, #tpu.memory_space<vmem_shared>>) dst(%dma_wait3A_319 : memref<128x64xf32, #tpu.memory_space<vmem>>)
      tpu.yield
    }) : () -> ()
    %mul3A_242 = arith.constant 626 : i32
    %mul3A_243 = arith.muli %arg1, %mul3A_242 : i32
    %add3A_244 = arith.constant 384 : i32
    %add3A_245 = arith.addi %mul3A_243, %add3A_244 : i32
    %run_scoped3A_246 = arith.constant 3 : i32
    "tpu.region"() ({
      %run_scoped3A_297 = tpu.sem_alloc : memref<!tpu.dma_semaphore, #tpu.memory_space<semaphore_mem>>
      %dma_start3A_298 = arith.constant 0 : i32
      %dma_start3A_299 = arith.constant 0 : i32
      %dma_start3A_300 = tpu.memref_slice %arg10[%run_scoped3A_246, %dma_start3A_298, %dma_start3A_299] : memref<4x128x64xf32, #tpu.memory_space<vmem>> -> memref<1x128x64xf32, #tpu.memory_space<vmem>>
      %dma_start3A_301 = tpu.memref_squeeze %dma_start3A_300 : memref<1x128x64xf32, #tpu.memory_space<vmem>> -> memref<128x64xf32, #tpu.memory_space<vmem>>
      %dma_start3A_302 = arith.constant 0 : i32
      %dma_start3A_303 = tpu.memref_slice %arg5[%arg0, %add3A_245, %dma_start3A_302] : memref<2x10016x64xf32, #tpu.memory_space<hbm>> -> memref<1x128x64xf32, #tpu.memory_space<hbm>>
      %dma_start3A_304 = tpu.memref_squeeze %dma_start3A_303 : memref<1x128x64xf32, #tpu.memory_space<hbm>> -> memref<128x64xf32, #tpu.memory_space<hbm>>
      %dma_start3A_305 = arith.constant 0 : i32
      %dma_start3A_306 = tpu.memref_slice %arg5[%arg0, %add3A_245, %dma_start3A_305] : memref<2x10016x64xf32, #tpu.memory_space<hbm>> -> memref<1x128x64xf32, #tpu.memory_space<hbm>>
      %dma_start3A_307 = tpu.memref_squeeze %dma_start3A_306 : memref<1x128x64xf32, #tpu.memory_space<hbm>> -> memref<128x64xf32, #tpu.memory_space<hbm>>
      %dma_start3A_308 = arith.constant 0 : i32
      %dma_start3A_309 = arith.constant 0 : i32
      %dma_start3A_310 = tpu.memref_slice %arg10[%run_scoped3A_246, %dma_start3A_308, %dma_start3A_309] : memref<4x128x64xf32, #tpu.memory_space<vmem>> -> memref<1x128x64xf32, #tpu.memory_space<vmem>>
      %dma_start3A_311 = tpu.memref_squeeze %dma_start3A_310 : memref<1x128x64xf32, #tpu.memory_space<vmem>> -> memref<128x64xf32, #tpu.memory_space<vmem>>
      tpu.enqueue_dma source(%dma_start3A_311 : memref<128x64xf32, #tpu.memory_space<vmem>>) target(%dma_start3A_307 : memref<128x64xf32, #tpu.memory_space<hbm>>) target_semaphore(%run_scoped3A_297 : memref<!tpu.dma_semaphore, #tpu.memory_space<semaphore_mem>>)
      %dma_wait3A_312 = arith.constant 0 : i32
      %dma_wait3A_313 = arith.constant 0 : i32
      %dma_wait3A_314 = tpu.memref_slice %arg10[%run_scoped3A_246, %dma_wait3A_312, %dma_wait3A_313] : memref<4x128x64xf32, #tpu.memory_space<vmem>> -> memref<1x128x64xf32, #tpu.memory_space<vmem>>
      %dma_wait3A_315 = tpu.memref_squeeze %dma_wait3A_314 : memref<1x128x64xf32, #tpu.memory_space<vmem>> -> memref<128x64xf32, #tpu.memory_space<vmem>>
      %dma_wait3A_316 = arith.constant 0 : i32
      %dma_wait3A_317 = tpu.memref_slice %arg5[%arg0, %add3A_245, %dma_wait3A_316] : memref<2x10016x64xf32, #tpu.memory_space<hbm>> -> memref<1x128x64xf32, #tpu.memory_space<hbm>>
      %dma_wait3A_318 = tpu.memref_squeeze %dma_wait3A_317 : memref<1x128x64xf32, #tpu.memory_space<hbm>> -> memref<128x64xf32, #tpu.memory_space<hbm>>
      %dma_wait3A_319 = arith.constant 0 : i32
      %dma_wait3A_320 = tpu.memref_slice %arg5[%arg0, %add3A_245, %dma_wait3A_319] : memref<2x10016x64xf32, #tpu.memory_space<hbm>> -> memref<1x128x64xf32, #tpu.memory_space<hbm>>
      %dma_wait3A_321 = tpu.memref_squeeze %dma_wait3A_320 : memref<1x128x64xf32, #tpu.memory_space<hbm>> -> memref<128x64xf32, #tpu.memory_space<hbm>>
      %dma_wait3A_322 = arith.constant 0 : i32
      %dma_wait3A_323 = arith.constant 0 : i32
      %dma_wait3A_324 = tpu.memref_slice %arg10[%run_scoped3A_246, %dma_wait3A_322, %dma_wait3A_323] : memref<4x128x64xf32, #tpu.memory_space<vmem>> -> memref<1x128x64xf32, #tpu.memory_space<vmem>>
      %dma_wait3A_325 = tpu.memref_squeeze %dma_wait3A_324 : memref<1x128x64xf32, #tpu.memory_space<vmem>> -> memref<128x64xf32, #tpu.memory_space<vmem>>
      tpu.wait_dma2 semaphore(%run_scoped3A_297 : memref<!tpu.dma_semaphore, #tpu.memory_space<semaphore_mem>>) src(%dma_wait3A_325 : memref<128x64xf32, #tpu.memory_space<vmem>>) dst(%dma_wait3A_321 : memref<128x64xf32, #tpu.memory_space<hbm>>)
      tpu.yield
    }) : () -> ()
    %mul3A_247 = arith.constant 626 : i32
    %mul3A_248 = arith.muli %arg1, %mul3A_247 : i32
    %add3A_249 = arith.constant 512 : i32
    %add3A_250 = arith.addi %mul3A_248, %add3A_249 : i32
    %run_scoped3A_251 = arith.constant 0 : i32
    "tpu.region"() ({
      %run_scoped3A_297 = tpu.sem_alloc : memref<!tpu.dma_semaphore, #tpu.memory_space<semaphore_mem>>
      %dma_start3A_298 = arith.constant 0 : i32
      %dma_start3A_299 = arith.constant 0 : i32
      %dma_start3A_300 = tpu.memref_slice %arg10[%run_scoped3A_251, %dma_start3A_298, %dma_start3A_299] : memref<4x128x64xf32, #tpu.memory_space<vmem>> -> memref<1x114x64xf32, #tpu.memory_space<vmem>>
      %dma_start3A_301 = tpu.memref_squeeze %dma_start3A_300 : memref<1x114x64xf32, #tpu.memory_space<vmem>> -> memref<114x64xf32, #tpu.memory_space<vmem>>
      %dma_start3A_302 = arith.constant 0 : i32
      %dma_start3A_303 = tpu.memref_slice %arg13[%add3A_250, %dma_start3A_302] : memref<10016x64xf32, #tpu.memory_space<vmem_shared>> -> memref<114x64xf32, #tpu.memory_space<vmem_shared>>
      %dma_start3A_304 = arith.constant 0 : i32
      %dma_start3A_305 = arith.constant 0 : i32
      %dma_start3A_306 = tpu.memref_slice %arg10[%run_scoped3A_251, %dma_start3A_304, %dma_start3A_305] : memref<4x128x64xf32, #tpu.memory_space<vmem>> -> memref<1x114x64xf32, #tpu.memory_space<vmem>>
      %dma_start3A_307 = tpu.memref_squeeze %dma_start3A_306 : memref<1x114x64xf32, #tpu.memory_space<vmem>> -> memref<114x64xf32, #tpu.memory_space<vmem>>
      %dma_start3A_308 = arith.constant 0 : i32
      %dma_start3A_309 = tpu.memref_slice %arg13[%add3A_250, %dma_start3A_308] : memref<10016x64xf32, #tpu.memory_space<vmem_shared>> -> memref<114x64xf32, #tpu.memory_space<vmem_shared>>
      tpu.enqueue_dma source(%dma_start3A_309 : memref<114x64xf32, #tpu.memory_space<vmem_shared>>) target(%dma_start3A_307 : memref<114x64xf32, #tpu.memory_space<vmem>>) target_semaphore(%run_scoped3A_297 : memref<!tpu.dma_semaphore, #tpu.memory_space<semaphore_mem>>)
      %dma_wait3A_310 = arith.constant 0 : i32
      %dma_wait3A_311 = arith.constant 0 : i32
      %dma_wait3A_312 = tpu.memref_slice %arg10[%run_scoped3A_251, %dma_wait3A_310, %dma_wait3A_311] : memref<4x128x64xf32, #tpu.memory_space<vmem>> -> memref<1x114x64xf32, #tpu.memory_space<vmem>>
      %dma_wait3A_313 = tpu.memref_squeeze %dma_wait3A_312 : memref<1x114x64xf32, #tpu.memory_space<vmem>> -> memref<114x64xf32, #tpu.memory_space<vmem>>
      %dma_wait3A_314 = arith.constant 0 : i32
      %dma_wait3A_315 = tpu.memref_slice %arg13[%add3A_250, %dma_wait3A_314] : memref<10016x64xf32, #tpu.memory_space<vmem_shared>> -> memref<114x64xf32, #tpu.memory_space<vmem_shared>>
      %dma_wait3A_316 = arith.constant 0 : i32
      %dma_wait3A_317 = arith.constant 0 : i32
      %dma_wait3A_318 = tpu.memref_slice %arg10[%run_scoped3A_251, %dma_wait3A_316, %dma_wait3A_317] : memref<4x128x64xf32, #tpu.memory_space<vmem>> -> memref<1x114x64xf32, #tpu.memory_space<vmem>>
      %dma_wait3A_319 = tpu.memref_squeeze %dma_wait3A_318 : memref<1x114x64xf32, #tpu.memory_space<vmem>> -> memref<114x64xf32, #tpu.memory_space<vmem>>
      %dma_wait3A_320 = arith.constant 0 : i32
      %dma_wait3A_321 = tpu.memref_slice %arg13[%add3A_250, %dma_wait3A_320] : memref<10016x64xf32, #tpu.memory_space<vmem_shared>> -> memref<114x64xf32, #tpu.memory_space<vmem_shared>>
      tpu.wait_dma2 semaphore(%run_scoped3A_297 : memref<!tpu.dma_semaphore, #tpu.memory_space<semaphore_mem>>) src(%dma_wait3A_321 : memref<114x64xf32, #tpu.memory_space<vmem_shared>>) dst(%dma_wait3A_319 : memref<114x64xf32, #tpu.memory_space<vmem>>)
      tpu.yield
    }) : () -> ()
    %mul3A_252 = arith.constant 626 : i32
    %mul3A_253 = arith.muli %arg1, %mul3A_252 : i32
    %add3A_254 = arith.constant 512 : i32
    %add3A_255 = arith.addi %mul3A_253, %add3A_254 : i32
    %run_scoped3A_256 = arith.constant 0 : i32
    "tpu.region"() ({
      %run_scoped3A_297 = tpu.sem_alloc : memref<!tpu.dma_semaphore, #tpu.memory_space<semaphore_mem>>
      %dma_start3A_298 = arith.constant 0 : i32
      %dma_start3A_299 = arith.constant 0 : i32
      %dma_start3A_300 = tpu.memref_slice %arg10[%run_scoped3A_256, %dma_start3A_298, %dma_start3A_299] : memref<4x128x64xf32, #tpu.memory_space<vmem>> -> memref<1x114x64xf32, #tpu.memory_space<vmem>>
      %dma_start3A_301 = tpu.memref_squeeze %dma_start3A_300 : memref<1x114x64xf32, #tpu.memory_space<vmem>> -> memref<114x64xf32, #tpu.memory_space<vmem>>
      %dma_start3A_302 = arith.constant 0 : i32
      %dma_start3A_303 = tpu.memref_slice %arg5[%arg0, %add3A_255, %dma_start3A_302] : memref<2x10016x64xf32, #tpu.memory_space<hbm>> -> memref<1x114x64xf32, #tpu.memory_space<hbm>>
      %dma_start3A_304 = tpu.memref_squeeze %dma_start3A_303 : memref<1x114x64xf32, #tpu.memory_space<hbm>> -> memref<114x64xf32, #tpu.memory_space<hbm>>
      %dma_start3A_305 = arith.constant 0 : i32
      %dma_start3A_306 = tpu.memref_slice %arg5[%arg0, %add3A_255, %dma_start3A_305] : memref<2x10016x64xf32, #tpu.memory_space<hbm>> -> memref<1x114x64xf32, #tpu.memory_space<hbm>>
      %dma_start3A_307 = tpu.memref_squeeze %dma_start3A_306 : memref<1x114x64xf32, #tpu.memory_space<hbm>> -> memref<114x64xf32, #tpu.memory_space<hbm>>
      %dma_start3A_308 = arith.constant 0 : i32
      %dma_start3A_309 = arith.constant 0 : i32
      %dma_start3A_310 = tpu.memref_slice %arg10[%run_scoped3A_256, %dma_start3A_308, %dma_start3A_309] : memref<4x128x64xf32, #tpu.memory_space<vmem>> -> memref<1x114x64xf32, #tpu.memory_space<vmem>>
      %dma_start3A_311 = tpu.memref_squeeze %dma_start3A_310 : memref<1x114x64xf32, #tpu.memory_space<vmem>> -> memref<114x64xf32, #tpu.memory_space<vmem>>
      tpu.enqueue_dma source(%dma_start3A_311 : memref<114x64xf32, #tpu.memory_space<vmem>>) target(%dma_start3A_307 : memref<114x64xf32, #tpu.memory_space<hbm>>) target_semaphore(%run_scoped3A_297 : memref<!tpu.dma_semaphore, #tpu.memory_space<semaphore_mem>>)
      %dma_wait3A_312 = arith.constant 0 : i32
      %dma_wait3A_313 = arith.constant 0 : i32
      %dma_wait3A_314 = tpu.memref_slice %arg10[%run_scoped3A_256, %dma_wait3A_312, %dma_wait3A_313] : memref<4x128x64xf32, #tpu.memory_space<vmem>> -> memref<1x114x64xf32, #tpu.memory_space<vmem>>
      %dma_wait3A_315 = tpu.memref_squeeze %dma_wait3A_314 : memref<1x114x64xf32, #tpu.memory_space<vmem>> -> memref<114x64xf32, #tpu.memory_space<vmem>>
      %dma_wait3A_316 = arith.constant 0 : i32
      %dma_wait3A_317 = tpu.memref_slice %arg5[%arg0, %add3A_255, %dma_wait3A_316] : memref<2x10016x64xf32, #tpu.memory_space<hbm>> -> memref<1x114x64xf32, #tpu.memory_space<hbm>>
      %dma_wait3A_318 = tpu.memref_squeeze %dma_wait3A_317 : memref<1x114x64xf32, #tpu.memory_space<hbm>> -> memref<114x64xf32, #tpu.memory_space<hbm>>
      %dma_wait3A_319 = arith.constant 0 : i32
      %dma_wait3A_320 = tpu.memref_slice %arg5[%arg0, %add3A_255, %dma_wait3A_319] : memref<2x10016x64xf32, #tpu.memory_space<hbm>> -> memref<1x114x64xf32, #tpu.memory_space<hbm>>
      %dma_wait3A_321 = tpu.memref_squeeze %dma_wait3A_320 : memref<1x114x64xf32, #tpu.memory_space<hbm>> -> memref<114x64xf32, #tpu.memory_space<hbm>>
      %dma_wait3A_322 = arith.constant 0 : i32
      %dma_wait3A_323 = arith.constant 0 : i32
      %dma_wait3A_324 = tpu.memref_slice %arg10[%run_scoped3A_256, %dma_wait3A_322, %dma_wait3A_323] : memref<4x128x64xf32, #tpu.memory_space<vmem>> -> memref<1x114x64xf32, #tpu.memory_space<vmem>>
      %dma_wait3A_325 = tpu.memref_squeeze %dma_wait3A_324 : memref<1x114x64xf32, #tpu.memory_space<vmem>> -> memref<114x64xf32, #tpu.memory_space<vmem>>
      tpu.wait_dma2 semaphore(%run_scoped3A_297 : memref<!tpu.dma_semaphore, #tpu.memory_space<semaphore_mem>>) src(%dma_wait3A_325 : memref<114x64xf32, #tpu.memory_space<vmem>>) dst(%dma_wait3A_321 : memref<114x64xf32, #tpu.memory_space<hbm>>)
      tpu.yield
    }) : () -> ()
    %mul3A_257 = arith.constant 626 : i32
    %mul3A_258 = arith.muli %arg1, %mul3A_257 : i32
    %add3A_259 = arith.constant 0 : i32
    %add3A_260 = arith.addi %mul3A_258, %add3A_259 : i32
    "tpu.region"() ({
      %run_scoped3A_297 = tpu.sem_alloc : memref<!tpu.dma_semaphore, #tpu.memory_space<semaphore_mem>>
      %dma_start3A_298 = arith.constant 0 : i32
      %dma_start3A_299 = arith.constant 0 : i32
      %dma_start3A_300 = tpu.memref_slice %arg12[%dma_start3A_298, %dma_start3A_299] : memref<128x16xf32, #tpu.memory_space<vmem>> -> memref<128x16xf32, #tpu.memory_space<vmem>>
      %dma_start3A_301 = arith.constant 0 : i32
      %dma_start3A_302 = tpu.memref_slice %arg14[%add3A_260, %dma_start3A_301] : memref<10016x16xf32, #tpu.memory_space<vmem_shared>> -> memref<128x16xf32, #tpu.memory_space<vmem_shared>>
      %dma_start3A_303 = arith.constant 0 : i32
      %dma_start3A_304 = arith.constant 0 : i32
      %dma_start3A_305 = tpu.memref_slice %arg12[%dma_start3A_303, %dma_start3A_304] : memref<128x16xf32, #tpu.memory_space<vmem>> -> memref<128x16xf32, #tpu.memory_space<vmem>>
      %dma_start3A_306 = arith.constant 0 : i32
      %dma_start3A_307 = tpu.memref_slice %arg14[%add3A_260, %dma_start3A_306] : memref<10016x16xf32, #tpu.memory_space<vmem_shared>> -> memref<128x16xf32, #tpu.memory_space<vmem_shared>>
      tpu.enqueue_dma source(%dma_start3A_307 : memref<128x16xf32, #tpu.memory_space<vmem_shared>>) target(%dma_start3A_305 : memref<128x16xf32, #tpu.memory_space<vmem>>) target_semaphore(%run_scoped3A_297 : memref<!tpu.dma_semaphore, #tpu.memory_space<semaphore_mem>>)
      %dma_wait3A_308 = arith.constant 0 : i32
      %dma_wait3A_309 = arith.constant 0 : i32
      %dma_wait3A_310 = tpu.memref_slice %arg12[%dma_wait3A_308, %dma_wait3A_309] : memref<128x16xf32, #tpu.memory_space<vmem>> -> memref<128x16xf32, #tpu.memory_space<vmem>>
      %dma_wait3A_311 = arith.constant 0 : i32
      %dma_wait3A_312 = tpu.memref_slice %arg14[%add3A_260, %dma_wait3A_311] : memref<10016x16xf32, #tpu.memory_space<vmem_shared>> -> memref<128x16xf32, #tpu.memory_space<vmem_shared>>
      %dma_wait3A_313 = arith.constant 0 : i32
      %dma_wait3A_314 = arith.constant 0 : i32
      %dma_wait3A_315 = tpu.memref_slice %arg12[%dma_wait3A_313, %dma_wait3A_314] : memref<128x16xf32, #tpu.memory_space<vmem>> -> memref<128x16xf32, #tpu.memory_space<vmem>>
      %dma_wait3A_316 = arith.constant 0 : i32
      %dma_wait3A_317 = tpu.memref_slice %arg14[%add3A_260, %dma_wait3A_316] : memref<10016x16xf32, #tpu.memory_space<vmem_shared>> -> memref<128x16xf32, #tpu.memory_space<vmem_shared>>
      tpu.wait_dma2 semaphore(%run_scoped3A_297 : memref<!tpu.dma_semaphore, #tpu.memory_space<semaphore_mem>>) src(%dma_wait3A_317 : memref<128x16xf32, #tpu.memory_space<vmem_shared>>) dst(%dma_wait3A_315 : memref<128x16xf32, #tpu.memory_space<vmem>>)
      tpu.yield
    }) : () -> ()
    %mul3A_261 = arith.constant 626 : i32
    %mul3A_262 = arith.muli %arg1, %mul3A_261 : i32
    %add3A_263 = arith.constant 0 : i32
    %add3A_264 = arith.addi %mul3A_262, %add3A_263 : i32
    "tpu.region"() ({
      %run_scoped3A_297 = tpu.sem_alloc : memref<!tpu.dma_semaphore, #tpu.memory_space<semaphore_mem>>
      %dma_start3A_298 = arith.constant 0 : i32
      %dma_start3A_299 = arith.constant 0 : i32
      %dma_start3A_300 = tpu.memref_slice %arg12[%dma_start3A_298, %dma_start3A_299] : memref<128x16xf32, #tpu.memory_space<vmem>> -> memref<128x16xf32, #tpu.memory_space<vmem>>
      %dma_start3A_301 = arith.constant 0 : i32
      %dma_start3A_302 = tpu.memref_slice %arg6[%arg0, %add3A_264, %dma_start3A_301] : memref<2x10016x16xf32, #tpu.memory_space<hbm>> -> memref<1x128x16xf32, #tpu.memory_space<hbm>>
      %dma_start3A_303 = tpu.memref_squeeze %dma_start3A_302 : memref<1x128x16xf32, #tpu.memory_space<hbm>> -> memref<128x16xf32, #tpu.memory_space<hbm>>
      %dma_start3A_304 = arith.constant 0 : i32
      %dma_start3A_305 = tpu.memref_slice %arg6[%arg0, %add3A_264, %dma_start3A_304] : memref<2x10016x16xf32, #tpu.memory_space<hbm>> -> memref<1x128x16xf32, #tpu.memory_space<hbm>>
      %dma_start3A_306 = tpu.memref_squeeze %dma_start3A_305 : memref<1x128x16xf32, #tpu.memory_space<hbm>> -> memref<128x16xf32, #tpu.memory_space<hbm>>
      %dma_start3A_307 = arith.constant 0 : i32
      %dma_start3A_308 = arith.constant 0 : i32
      %dma_start3A_309 = tpu.memref_slice %arg12[%dma_start3A_307, %dma_start3A_308] : memref<128x16xf32, #tpu.memory_space<vmem>> -> memref<128x16xf32, #tpu.memory_space<vmem>>
      tpu.enqueue_dma source(%dma_start3A_309 : memref<128x16xf32, #tpu.memory_space<vmem>>) target(%dma_start3A_306 : memref<128x16xf32, #tpu.memory_space<hbm>>) target_semaphore(%run_scoped3A_297 : memref<!tpu.dma_semaphore, #tpu.memory_space<semaphore_mem>>)
      %dma_wait3A_310 = arith.constant 0 : i32
      %dma_wait3A_311 = arith.constant 0 : i32
      %dma_wait3A_312 = tpu.memref_slice %arg12[%dma_wait3A_310, %dma_wait3A_311] : memref<128x16xf32, #tpu.memory_space<vmem>> -> memref<128x16xf32, #tpu.memory_space<vmem>>
      %dma_wait3A_313 = arith.constant 0 : i32
      %dma_wait3A_314 = tpu.memref_slice %arg6[%arg0, %add3A_264, %dma_wait3A_313] : memref<2x10016x16xf32, #tpu.memory_space<hbm>> -> memref<1x128x16xf32, #tpu.memory_space<hbm>>
      %dma_wait3A_315 = tpu.memref_squeeze %dma_wait3A_314 : memref<1x128x16xf32, #tpu.memory_space<hbm>> -> memref<128x16xf32, #tpu.memory_space<hbm>>
      %dma_wait3A_316 = arith.constant 0 : i32
      %dma_wait3A_317 = tpu.memref_slice %arg6[%arg0, %add3A_264, %dma_wait3A_316] : memref<2x10016x16xf32, #tpu.memory_space<hbm>> -> memref<1x128x16xf32, #tpu.memory_space<hbm>>
      %dma_wait3A_318 = tpu.memref_squeeze %dma_wait3A_317 : memref<1x128x16xf32, #tpu.memory_space<hbm>> -> memref<128x16xf32, #tpu.memory_space<hbm>>
      %dma_wait3A_319 = arith.constant 0 : i32
      %dma_wait3A_320 = arith.constant 0 : i32
      %dma_wait3A_321 = tpu.memref_slice %arg12[%dma_wait3A_319, %dma_wait3A_320] : memref<128x16xf32, #tpu.memory_space<vmem>> -> memref<128x16xf32, #tpu.memory_space<vmem>>
      tpu.wait_dma2 semaphore(%run_scoped3A_297 : memref<!tpu.dma_semaphore, #tpu.memory_space<semaphore_mem>>) src(%dma_wait3A_321 : memref<128x16xf32, #tpu.memory_space<vmem>>) dst(%dma_wait3A_318 : memref<128x16xf32, #tpu.memory_space<hbm>>)
      tpu.yield
    }) : () -> ()
    %mul3A_265 = arith.constant 626 : i32
    %mul3A_266 = arith.muli %arg1, %mul3A_265 : i32
    %add3A_267 = arith.constant 128 : i32
    %add3A_268 = arith.addi %mul3A_266, %add3A_267 : i32
    "tpu.region"() ({
      %run_scoped3A_297 = tpu.sem_alloc : memref<!tpu.dma_semaphore, #tpu.memory_space<semaphore_mem>>
      %dma_start3A_298 = arith.constant 0 : i32
      %dma_start3A_299 = arith.constant 0 : i32
      %dma_start3A_300 = tpu.memref_slice %arg12[%dma_start3A_298, %dma_start3A_299] : memref<128x16xf32, #tpu.memory_space<vmem>> -> memref<128x16xf32, #tpu.memory_space<vmem>>
      %dma_start3A_301 = arith.constant 0 : i32
      %dma_start3A_302 = tpu.memref_slice %arg14[%add3A_268, %dma_start3A_301] : memref<10016x16xf32, #tpu.memory_space<vmem_shared>> -> memref<128x16xf32, #tpu.memory_space<vmem_shared>>
      %dma_start3A_303 = arith.constant 0 : i32
      %dma_start3A_304 = arith.constant 0 : i32
      %dma_start3A_305 = tpu.memref_slice %arg12[%dma_start3A_303, %dma_start3A_304] : memref<128x16xf32, #tpu.memory_space<vmem>> -> memref<128x16xf32, #tpu.memory_space<vmem>>
      %dma_start3A_306 = arith.constant 0 : i32
      %dma_start3A_307 = tpu.memref_slice %arg14[%add3A_268, %dma_start3A_306] : memref<10016x16xf32, #tpu.memory_space<vmem_shared>> -> memref<128x16xf32, #tpu.memory_space<vmem_shared>>
      tpu.enqueue_dma source(%dma_start3A_307 : memref<128x16xf32, #tpu.memory_space<vmem_shared>>) target(%dma_start3A_305 : memref<128x16xf32, #tpu.memory_space<vmem>>) target_semaphore(%run_scoped3A_297 : memref<!tpu.dma_semaphore, #tpu.memory_space<semaphore_mem>>)
      %dma_wait3A_308 = arith.constant 0 : i32
      %dma_wait3A_309 = arith.constant 0 : i32
      %dma_wait3A_310 = tpu.memref_slice %arg12[%dma_wait3A_308, %dma_wait3A_309] : memref<128x16xf32, #tpu.memory_space<vmem>> -> memref<128x16xf32, #tpu.memory_space<vmem>>
      %dma_wait3A_311 = arith.constant 0 : i32
      %dma_wait3A_312 = tpu.memref_slice %arg14[%add3A_268, %dma_wait3A_311] : memref<10016x16xf32, #tpu.memory_space<vmem_shared>> -> memref<128x16xf32, #tpu.memory_space<vmem_shared>>
      %dma_wait3A_313 = arith.constant 0 : i32
      %dma_wait3A_314 = arith.constant 0 : i32
      %dma_wait3A_315 = tpu.memref_slice %arg12[%dma_wait3A_313, %dma_wait3A_314] : memref<128x16xf32, #tpu.memory_space<vmem>> -> memref<128x16xf32, #tpu.memory_space<vmem>>
      %dma_wait3A_316 = arith.constant 0 : i32
      %dma_wait3A_317 = tpu.memref_slice %arg14[%add3A_268, %dma_wait3A_316] : memref<10016x16xf32, #tpu.memory_space<vmem_shared>> -> memref<128x16xf32, #tpu.memory_space<vmem_shared>>
      tpu.wait_dma2 semaphore(%run_scoped3A_297 : memref<!tpu.dma_semaphore, #tpu.memory_space<semaphore_mem>>) src(%dma_wait3A_317 : memref<128x16xf32, #tpu.memory_space<vmem_shared>>) dst(%dma_wait3A_315 : memref<128x16xf32, #tpu.memory_space<vmem>>)
      tpu.yield
    }) : () -> ()
    %mul3A_269 = arith.constant 626 : i32
    %mul3A_270 = arith.muli %arg1, %mul3A_269 : i32
    %add3A_271 = arith.constant 128 : i32
    %add3A_272 = arith.addi %mul3A_270, %add3A_271 : i32
    "tpu.region"() ({
      %run_scoped3A_297 = tpu.sem_alloc : memref<!tpu.dma_semaphore, #tpu.memory_space<semaphore_mem>>
      %dma_start3A_298 = arith.constant 0 : i32
      %dma_start3A_299 = arith.constant 0 : i32
      %dma_start3A_300 = tpu.memref_slice %arg12[%dma_start3A_298, %dma_start3A_299] : memref<128x16xf32, #tpu.memory_space<vmem>> -> memref<128x16xf32, #tpu.memory_space<vmem>>
      %dma_start3A_301 = arith.constant 0 : i32
      %dma_start3A_302 = tpu.memref_slice %arg6[%arg0, %add3A_272, %dma_start3A_301] : memref<2x10016x16xf32, #tpu.memory_space<hbm>> -> memref<1x128x16xf32, #tpu.memory_space<hbm>>
      %dma_start3A_303 = tpu.memref_squeeze %dma_start3A_302 : memref<1x128x16xf32, #tpu.memory_space<hbm>> -> memref<128x16xf32, #tpu.memory_space<hbm>>
      %dma_start3A_304 = arith.constant 0 : i32
      %dma_start3A_305 = tpu.memref_slice %arg6[%arg0, %add3A_272, %dma_start3A_304] : memref<2x10016x16xf32, #tpu.memory_space<hbm>> -> memref<1x128x16xf32, #tpu.memory_space<hbm>>
      %dma_start3A_306 = tpu.memref_squeeze %dma_start3A_305 : memref<1x128x16xf32, #tpu.memory_space<hbm>> -> memref<128x16xf32, #tpu.memory_space<hbm>>
      %dma_start3A_307 = arith.constant 0 : i32
      %dma_start3A_308 = arith.constant 0 : i32
      %dma_start3A_309 = tpu.memref_slice %arg12[%dma_start3A_307, %dma_start3A_308] : memref<128x16xf32, #tpu.memory_space<vmem>> -> memref<128x16xf32, #tpu.memory_space<vmem>>
      tpu.enqueue_dma source(%dma_start3A_309 : memref<128x16xf32, #tpu.memory_space<vmem>>) target(%dma_start3A_306 : memref<128x16xf32, #tpu.memory_space<hbm>>) target_semaphore(%run_scoped3A_297 : memref<!tpu.dma_semaphore, #tpu.memory_space<semaphore_mem>>)
      %dma_wait3A_310 = arith.constant 0 : i32
      %dma_wait3A_311 = arith.constant 0 : i32
      %dma_wait3A_312 = tpu.memref_slice %arg12[%dma_wait3A_310, %dma_wait3A_311] : memref<128x16xf32, #tpu.memory_space<vmem>> -> memref<128x16xf32, #tpu.memory_space<vmem>>
      %dma_wait3A_313 = arith.constant 0 : i32
      %dma_wait3A_314 = tpu.memref_slice %arg6[%arg0, %add3A_272, %dma_wait3A_313] : memref<2x10016x16xf32, #tpu.memory_space<hbm>> -> memref<1x128x16xf32, #tpu.memory_space<hbm>>
      %dma_wait3A_315 = tpu.memref_squeeze %dma_wait3A_314 : memref<1x128x16xf32, #tpu.memory_space<hbm>> -> memref<128x16xf32, #tpu.memory_space<hbm>>
      %dma_wait3A_316 = arith.constant 0 : i32
      %dma_wait3A_317 = tpu.memref_slice %arg6[%arg0, %add3A_272, %dma_wait3A_316] : memref<2x10016x16xf32, #tpu.memory_space<hbm>> -> memref<1x128x16xf32, #tpu.memory_space<hbm>>
      %dma_wait3A_318 = tpu.memref_squeeze %dma_wait3A_317 : memref<1x128x16xf32, #tpu.memory_space<hbm>> -> memref<128x16xf32, #tpu.memory_space<hbm>>
      %dma_wait3A_319 = arith.constant 0 : i32
      %dma_wait3A_320 = arith.constant 0 : i32
      %dma_wait3A_321 = tpu.memref_slice %arg12[%dma_wait3A_319, %dma_wait3A_320] : memref<128x16xf32, #tpu.memory_space<vmem>> -> memref<128x16xf32, #tpu.memory_space<vmem>>
      tpu.wait_dma2 semaphore(%run_scoped3A_297 : memref<!tpu.dma_semaphore, #tpu.memory_space<semaphore_mem>>) src(%dma_wait3A_321 : memref<128x16xf32, #tpu.memory_space<vmem>>) dst(%dma_wait3A_318 : memref<128x16xf32, #tpu.memory_space<hbm>>)
      tpu.yield
    }) : () -> ()
    %mul3A_273 = arith.constant 626 : i32
    %mul3A_274 = arith.muli %arg1, %mul3A_273 : i32
    %add3A_275 = arith.constant 256 : i32
    %add3A_276 = arith.addi %mul3A_274, %add3A_275 : i32
    "tpu.region"() ({
      %run_scoped3A_297 = tpu.sem_alloc : memref<!tpu.dma_semaphore, #tpu.memory_space<semaphore_mem>>
      %dma_start3A_298 = arith.constant 0 : i32
      %dma_start3A_299 = arith.constant 0 : i32
      %dma_start3A_300 = tpu.memref_slice %arg12[%dma_start3A_298, %dma_start3A_299] : memref<128x16xf32, #tpu.memory_space<vmem>> -> memref<128x16xf32, #tpu.memory_space<vmem>>
      %dma_start3A_301 = arith.constant 0 : i32
      %dma_start3A_302 = tpu.memref_slice %arg14[%add3A_276, %dma_start3A_301] : memref<10016x16xf32, #tpu.memory_space<vmem_shared>> -> memref<128x16xf32, #tpu.memory_space<vmem_shared>>
      %dma_start3A_303 = arith.constant 0 : i32
      %dma_start3A_304 = arith.constant 0 : i32
      %dma_start3A_305 = tpu.memref_slice %arg12[%dma_start3A_303, %dma_start3A_304] : memref<128x16xf32, #tpu.memory_space<vmem>> -> memref<128x16xf32, #tpu.memory_space<vmem>>
      %dma_start3A_306 = arith.constant 0 : i32
      %dma_start3A_307 = tpu.memref_slice %arg14[%add3A_276, %dma_start3A_306] : memref<10016x16xf32, #tpu.memory_space<vmem_shared>> -> memref<128x16xf32, #tpu.memory_space<vmem_shared>>
      tpu.enqueue_dma source(%dma_start3A_307 : memref<128x16xf32, #tpu.memory_space<vmem_shared>>) target(%dma_start3A_305 : memref<128x16xf32, #tpu.memory_space<vmem>>) target_semaphore(%run_scoped3A_297 : memref<!tpu.dma_semaphore, #tpu.memory_space<semaphore_mem>>)
      %dma_wait3A_308 = arith.constant 0 : i32
      %dma_wait3A_309 = arith.constant 0 : i32
      %dma_wait3A_310 = tpu.memref_slice %arg12[%dma_wait3A_308, %dma_wait3A_309] : memref<128x16xf32, #tpu.memory_space<vmem>> -> memref<128x16xf32, #tpu.memory_space<vmem>>
      %dma_wait3A_311 = arith.constant 0 : i32
      %dma_wait3A_312 = tpu.memref_slice %arg14[%add3A_276, %dma_wait3A_311] : memref<10016x16xf32, #tpu.memory_space<vmem_shared>> -> memref<128x16xf32, #tpu.memory_space<vmem_shared>>
      %dma_wait3A_313 = arith.constant 0 : i32
      %dma_wait3A_314 = arith.constant 0 : i32
      %dma_wait3A_315 = tpu.memref_slice %arg12[%dma_wait3A_313, %dma_wait3A_314] : memref<128x16xf32, #tpu.memory_space<vmem>> -> memref<128x16xf32, #tpu.memory_space<vmem>>
      %dma_wait3A_316 = arith.constant 0 : i32
      %dma_wait3A_317 = tpu.memref_slice %arg14[%add3A_276, %dma_wait3A_316] : memref<10016x16xf32, #tpu.memory_space<vmem_shared>> -> memref<128x16xf32, #tpu.memory_space<vmem_shared>>
      tpu.wait_dma2 semaphore(%run_scoped3A_297 : memref<!tpu.dma_semaphore, #tpu.memory_space<semaphore_mem>>) src(%dma_wait3A_317 : memref<128x16xf32, #tpu.memory_space<vmem_shared>>) dst(%dma_wait3A_315 : memref<128x16xf32, #tpu.memory_space<vmem>>)
      tpu.yield
    }) : () -> ()
    %mul3A_277 = arith.constant 626 : i32
    %mul3A_278 = arith.muli %arg1, %mul3A_277 : i32
    %add3A_279 = arith.constant 256 : i32
    %add3A_280 = arith.addi %mul3A_278, %add3A_279 : i32
    "tpu.region"() ({
      %run_scoped3A_297 = tpu.sem_alloc : memref<!tpu.dma_semaphore, #tpu.memory_space<semaphore_mem>>
      %dma_start3A_298 = arith.constant 0 : i32
      %dma_start3A_299 = arith.constant 0 : i32
      %dma_start3A_300 = tpu.memref_slice %arg12[%dma_start3A_298, %dma_start3A_299] : memref<128x16xf32, #tpu.memory_space<vmem>> -> memref<128x16xf32, #tpu.memory_space<vmem>>
      %dma_start3A_301 = arith.constant 0 : i32
      %dma_start3A_302 = tpu.memref_slice %arg6[%arg0, %add3A_280, %dma_start3A_301] : memref<2x10016x16xf32, #tpu.memory_space<hbm>> -> memref<1x128x16xf32, #tpu.memory_space<hbm>>
      %dma_start3A_303 = tpu.memref_squeeze %dma_start3A_302 : memref<1x128x16xf32, #tpu.memory_space<hbm>> -> memref<128x16xf32, #tpu.memory_space<hbm>>
      %dma_start3A_304 = arith.constant 0 : i32
      %dma_start3A_305 = tpu.memref_slice %arg6[%arg0, %add3A_280, %dma_start3A_304] : memref<2x10016x16xf32, #tpu.memory_space<hbm>> -> memref<1x128x16xf32, #tpu.memory_space<hbm>>
      %dma_start3A_306 = tpu.memref_squeeze %dma_start3A_305 : memref<1x128x16xf32, #tpu.memory_space<hbm>> -> memref<128x16xf32, #tpu.memory_space<hbm>>
      %dma_start3A_307 = arith.constant 0 : i32
      %dma_start3A_308 = arith.constant 0 : i32
      %dma_start3A_309 = tpu.memref_slice %arg12[%dma_start3A_307, %dma_start3A_308] : memref<128x16xf32, #tpu.memory_space<vmem>> -> memref<128x16xf32, #tpu.memory_space<vmem>>
      tpu.enqueue_dma source(%dma_start3A_309 : memref<128x16xf32, #tpu.memory_space<vmem>>) target(%dma_start3A_306 : memref<128x16xf32, #tpu.memory_space<hbm>>) target_semaphore(%run_scoped3A_297 : memref<!tpu.dma_semaphore, #tpu.memory_space<semaphore_mem>>)
      %dma_wait3A_310 = arith.constant 0 : i32
      %dma_wait3A_311 = arith.constant 0 : i32
      %dma_wait3A_312 = tpu.memref_slice %arg12[%dma_wait3A_310, %dma_wait3A_311] : memref<128x16xf32, #tpu.memory_space<vmem>> -> memref<128x16xf32, #tpu.memory_space<vmem>>
      %dma_wait3A_313 = arith.constant 0 : i32
      %dma_wait3A_314 = tpu.memref_slice %arg6[%arg0, %add3A_280, %dma_wait3A_313] : memref<2x10016x16xf32, #tpu.memory_space<hbm>> -> memref<1x128x16xf32, #tpu.memory_space<hbm>>
      %dma_wait3A_315 = tpu.memref_squeeze %dma_wait3A_314 : memref<1x128x16xf32, #tpu.memory_space<hbm>> -> memref<128x16xf32, #tpu.memory_space<hbm>>
      %dma_wait3A_316 = arith.constant 0 : i32
      %dma_wait3A_317 = tpu.memref_slice %arg6[%arg0, %add3A_280, %dma_wait3A_316] : memref<2x10016x16xf32, #tpu.memory_space<hbm>> -> memref<1x128x16xf32, #tpu.memory_space<hbm>>
      %dma_wait3A_318 = tpu.memref_squeeze %dma_wait3A_317 : memref<1x128x16xf32, #tpu.memory_space<hbm>> -> memref<128x16xf32, #tpu.memory_space<hbm>>
      %dma_wait3A_319 = arith.constant 0 : i32
      %dma_wait3A_320 = arith.constant 0 : i32
      %dma_wait3A_321 = tpu.memref_slice %arg12[%dma_wait3A_319, %dma_wait3A_320] : memref<128x16xf32, #tpu.memory_space<vmem>> -> memref<128x16xf32, #tpu.memory_space<vmem>>
      tpu.wait_dma2 semaphore(%run_scoped3A_297 : memref<!tpu.dma_semaphore, #tpu.memory_space<semaphore_mem>>) src(%dma_wait3A_321 : memref<128x16xf32, #tpu.memory_space<vmem>>) dst(%dma_wait3A_318 : memref<128x16xf32, #tpu.memory_space<hbm>>)
      tpu.yield
    }) : () -> ()
    %mul3A_281 = arith.constant 626 : i32
    %mul3A_282 = arith.muli %arg1, %mul3A_281 : i32
    %add3A_283 = arith.constant 384 : i32
    %add3A_284 = arith.addi %mul3A_282, %add3A_283 : i32
    "tpu.region"() ({
      %run_scoped3A_297 = tpu.sem_alloc : memref<!tpu.dma_semaphore, #tpu.memory_space<semaphore_mem>>
      %dma_start3A_298 = arith.constant 0 : i32
      %dma_start3A_299 = arith.constant 0 : i32
      %dma_start3A_300 = tpu.memref_slice %arg12[%dma_start3A_298, %dma_start3A_299] : memref<128x16xf32, #tpu.memory_space<vmem>> -> memref<128x16xf32, #tpu.memory_space<vmem>>
      %dma_start3A_301 = arith.constant 0 : i32
      %dma_start3A_302 = tpu.memref_slice %arg14[%add3A_284, %dma_start3A_301] : memref<10016x16xf32, #tpu.memory_space<vmem_shared>> -> memref<128x16xf32, #tpu.memory_space<vmem_shared>>
      %dma_start3A_303 = arith.constant 0 : i32
      %dma_start3A_304 = arith.constant 0 : i32
      %dma_start3A_305 = tpu.memref_slice %arg12[%dma_start3A_303, %dma_start3A_304] : memref<128x16xf32, #tpu.memory_space<vmem>> -> memref<128x16xf32, #tpu.memory_space<vmem>>
      %dma_start3A_306 = arith.constant 0 : i32
      %dma_start3A_307 = tpu.memref_slice %arg14[%add3A_284, %dma_start3A_306] : memref<10016x16xf32, #tpu.memory_space<vmem_shared>> -> memref<128x16xf32, #tpu.memory_space<vmem_shared>>
      tpu.enqueue_dma source(%dma_start3A_307 : memref<128x16xf32, #tpu.memory_space<vmem_shared>>) target(%dma_start3A_305 : memref<128x16xf32, #tpu.memory_space<vmem>>) target_semaphore(%run_scoped3A_297 : memref<!tpu.dma_semaphore, #tpu.memory_space<semaphore_mem>>)
      %dma_wait3A_308 = arith.constant 0 : i32
      %dma_wait3A_309 = arith.constant 0 : i32
      %dma_wait3A_310 = tpu.memref_slice %arg12[%dma_wait3A_308, %dma_wait3A_309] : memref<128x16xf32, #tpu.memory_space<vmem>> -> memref<128x16xf32, #tpu.memory_space<vmem>>
      %dma_wait3A_311 = arith.constant 0 : i32
      %dma_wait3A_312 = tpu.memref_slice %arg14[%add3A_284, %dma_wait3A_311] : memref<10016x16xf32, #tpu.memory_space<vmem_shared>> -> memref<128x16xf32, #tpu.memory_space<vmem_shared>>
      %dma_wait3A_313 = arith.constant 0 : i32
      %dma_wait3A_314 = arith.constant 0 : i32
      %dma_wait3A_315 = tpu.memref_slice %arg12[%dma_wait3A_313, %dma_wait3A_314] : memref<128x16xf32, #tpu.memory_space<vmem>> -> memref<128x16xf32, #tpu.memory_space<vmem>>
      %dma_wait3A_316 = arith.constant 0 : i32
      %dma_wait3A_317 = tpu.memref_slice %arg14[%add3A_284, %dma_wait3A_316] : memref<10016x16xf32, #tpu.memory_space<vmem_shared>> -> memref<128x16xf32, #tpu.memory_space<vmem_shared>>
      tpu.wait_dma2 semaphore(%run_scoped3A_297 : memref<!tpu.dma_semaphore, #tpu.memory_space<semaphore_mem>>) src(%dma_wait3A_317 : memref<128x16xf32, #tpu.memory_space<vmem_shared>>) dst(%dma_wait3A_315 : memref<128x16xf32, #tpu.memory_space<vmem>>)
      tpu.yield
    }) : () -> ()
    %mul3A_285 = arith.constant 626 : i32
    %mul3A_286 = arith.muli %arg1, %mul3A_285 : i32
    %add3A_287 = arith.constant 384 : i32
    %add3A_288 = arith.addi %mul3A_286, %add3A_287 : i32
    "tpu.region"() ({
      %run_scoped3A_297 = tpu.sem_alloc : memref<!tpu.dma_semaphore, #tpu.memory_space<semaphore_mem>>
      %dma_start3A_298 = arith.constant 0 : i32
      %dma_start3A_299 = arith.constant 0 : i32
      %dma_start3A_300 = tpu.memref_slice %arg12[%dma_start3A_298, %dma_start3A_299] : memref<128x16xf32, #tpu.memory_space<vmem>> -> memref<128x16xf32, #tpu.memory_space<vmem>>
      %dma_start3A_301 = arith.constant 0 : i32
      %dma_start3A_302 = tpu.memref_slice %arg6[%arg0, %add3A_288, %dma_start3A_301] : memref<2x10016x16xf32, #tpu.memory_space<hbm>> -> memref<1x128x16xf32, #tpu.memory_space<hbm>>
      %dma_start3A_303 = tpu.memref_squeeze %dma_start3A_302 : memref<1x128x16xf32, #tpu.memory_space<hbm>> -> memref<128x16xf32, #tpu.memory_space<hbm>>
      %dma_start3A_304 = arith.constant 0 : i32
      %dma_start3A_305 = tpu.memref_slice %arg6[%arg0, %add3A_288, %dma_start3A_304] : memref<2x10016x16xf32, #tpu.memory_space<hbm>> -> memref<1x128x16xf32, #tpu.memory_space<hbm>>
      %dma_start3A_306 = tpu.memref_squeeze %dma_start3A_305 : memref<1x128x16xf32, #tpu.memory_space<hbm>> -> memref<128x16xf32, #tpu.memory_space<hbm>>
      %dma_start3A_307 = arith.constant 0 : i32
      %dma_start3A_308 = arith.constant 0 : i32
      %dma_start3A_309 = tpu.memref_slice %arg12[%dma_start3A_307, %dma_start3A_308] : memref<128x16xf32, #tpu.memory_space<vmem>> -> memref<128x16xf32, #tpu.memory_space<vmem>>
      tpu.enqueue_dma source(%dma_start3A_309 : memref<128x16xf32, #tpu.memory_space<vmem>>) target(%dma_start3A_306 : memref<128x16xf32, #tpu.memory_space<hbm>>) target_semaphore(%run_scoped3A_297 : memref<!tpu.dma_semaphore, #tpu.memory_space<semaphore_mem>>)
      %dma_wait3A_310 = arith.constant 0 : i32
      %dma_wait3A_311 = arith.constant 0 : i32
      %dma_wait3A_312 = tpu.memref_slice %arg12[%dma_wait3A_310, %dma_wait3A_311] : memref<128x16xf32, #tpu.memory_space<vmem>> -> memref<128x16xf32, #tpu.memory_space<vmem>>
      %dma_wait3A_313 = arith.constant 0 : i32
      %dma_wait3A_314 = tpu.memref_slice %arg6[%arg0, %add3A_288, %dma_wait3A_313] : memref<2x10016x16xf32, #tpu.memory_space<hbm>> -> memref<1x128x16xf32, #tpu.memory_space<hbm>>
      %dma_wait3A_315 = tpu.memref_squeeze %dma_wait3A_314 : memref<1x128x16xf32, #tpu.memory_space<hbm>> -> memref<128x16xf32, #tpu.memory_space<hbm>>
      %dma_wait3A_316 = arith.constant 0 : i32
      %dma_wait3A_317 = tpu.memref_slice %arg6[%arg0, %add3A_288, %dma_wait3A_316] : memref<2x10016x16xf32, #tpu.memory_space<hbm>> -> memref<1x128x16xf32, #tpu.memory_space<hbm>>
      %dma_wait3A_318 = tpu.memref_squeeze %dma_wait3A_317 : memref<1x128x16xf32, #tpu.memory_space<hbm>> -> memref<128x16xf32, #tpu.memory_space<hbm>>
      %dma_wait3A_319 = arith.constant 0 : i32
      %dma_wait3A_320 = arith.constant 0 : i32
      %dma_wait3A_321 = tpu.memref_slice %arg12[%dma_wait3A_319, %dma_wait3A_320] : memref<128x16xf32, #tpu.memory_space<vmem>> -> memref<128x16xf32, #tpu.memory_space<vmem>>
      tpu.wait_dma2 semaphore(%run_scoped3A_297 : memref<!tpu.dma_semaphore, #tpu.memory_space<semaphore_mem>>) src(%dma_wait3A_321 : memref<128x16xf32, #tpu.memory_space<vmem>>) dst(%dma_wait3A_318 : memref<128x16xf32, #tpu.memory_space<hbm>>)
      tpu.yield
    }) : () -> ()
    %mul3A_289 = arith.constant 626 : i32
    %mul3A_290 = arith.muli %arg1, %mul3A_289 : i32
    %add3A_291 = arith.constant 512 : i32
    %add3A_292 = arith.addi %mul3A_290, %add3A_291 : i32
    "tpu.region"() ({
      %run_scoped3A_297 = tpu.sem_alloc : memref<!tpu.dma_semaphore, #tpu.memory_space<semaphore_mem>>
      %dma_start3A_298 = arith.constant 0 : i32
      %dma_start3A_299 = arith.constant 0 : i32
      %dma_start3A_300 = tpu.memref_slice %arg12[%dma_start3A_298, %dma_start3A_299] : memref<128x16xf32, #tpu.memory_space<vmem>> -> memref<114x16xf32, #tpu.memory_space<vmem>>
      %dma_start3A_301 = arith.constant 0 : i32
      %dma_start3A_302 = tpu.memref_slice %arg14[%add3A_292, %dma_start3A_301] : memref<10016x16xf32, #tpu.memory_space<vmem_shared>> -> memref<114x16xf32, #tpu.memory_space<vmem_shared>>
      %dma_start3A_303 = arith.constant 0 : i32
      %dma_start3A_304 = arith.constant 0 : i32
      %dma_start3A_305 = tpu.memref_slice %arg12[%dma_start3A_303, %dma_start3A_304] : memref<128x16xf32, #tpu.memory_space<vmem>> -> memref<114x16xf32, #tpu.memory_space<vmem>>
      %dma_start3A_306 = arith.constant 0 : i32
      %dma_start3A_307 = tpu.memref_slice %arg14[%add3A_292, %dma_start3A_306] : memref<10016x16xf32, #tpu.memory_space<vmem_shared>> -> memref<114x16xf32, #tpu.memory_space<vmem_shared>>
      tpu.enqueue_dma source(%dma_start3A_307 : memref<114x16xf32, #tpu.memory_space<vmem_shared>>) target(%dma_start3A_305 : memref<114x16xf32, #tpu.memory_space<vmem>>) target_semaphore(%run_scoped3A_297 : memref<!tpu.dma_semaphore, #tpu.memory_space<semaphore_mem>>)
      %dma_wait3A_308 = arith.constant 0 : i32
      %dma_wait3A_309 = arith.constant 0 : i32
      %dma_wait3A_310 = tpu.memref_slice %arg12[%dma_wait3A_308, %dma_wait3A_309] : memref<128x16xf32, #tpu.memory_space<vmem>> -> memref<114x16xf32, #tpu.memory_space<vmem>>
      %dma_wait3A_311 = arith.constant 0 : i32
      %dma_wait3A_312 = tpu.memref_slice %arg14[%add3A_292, %dma_wait3A_311] : memref<10016x16xf32, #tpu.memory_space<vmem_shared>> -> memref<114x16xf32, #tpu.memory_space<vmem_shared>>
      %dma_wait3A_313 = arith.constant 0 : i32
      %dma_wait3A_314 = arith.constant 0 : i32
      %dma_wait3A_315 = tpu.memref_slice %arg12[%dma_wait3A_313, %dma_wait3A_314] : memref<128x16xf32, #tpu.memory_space<vmem>> -> memref<114x16xf32, #tpu.memory_space<vmem>>
      %dma_wait3A_316 = arith.constant 0 : i32
      %dma_wait3A_317 = tpu.memref_slice %arg14[%add3A_292, %dma_wait3A_316] : memref<10016x16xf32, #tpu.memory_space<vmem_shared>> -> memref<114x16xf32, #tpu.memory_space<vmem_shared>>
      tpu.wait_dma2 semaphore(%run_scoped3A_297 : memref<!tpu.dma_semaphore, #tpu.memory_space<semaphore_mem>>) src(%dma_wait3A_317 : memref<114x16xf32, #tpu.memory_space<vmem_shared>>) dst(%dma_wait3A_315 : memref<114x16xf32, #tpu.memory_space<vmem>>)
      tpu.yield
    }) : () -> ()
    %mul3A_293 = arith.constant 626 : i32
    %mul3A_294 = arith.muli %arg1, %mul3A_293 : i32
    %add3A_295 = arith.constant 512 : i32
    %add3A_296 = arith.addi %mul3A_294, %add3A_295 : i32
    "tpu.region"() ({
      %run_scoped3A_297 = tpu.sem_alloc : memref<!tpu.dma_semaphore, #tpu.memory_space<semaphore_mem>>
      %dma_start3A_298 = arith.constant 0 : i32
      %dma_start3A_299 = arith.constant 0 : i32
      %dma_start3A_300 = tpu.memref_slice %arg12[%dma_start3A_298, %dma_start3A_299] : memref<128x16xf32, #tpu.memory_space<vmem>> -> memref<114x16xf32, #tpu.memory_space<vmem>>
      %dma_start3A_301 = arith.constant 0 : i32
      %dma_start3A_302 = tpu.memref_slice %arg6[%arg0, %add3A_296, %dma_start3A_301] : memref<2x10016x16xf32, #tpu.memory_space<hbm>> -> memref<1x114x16xf32, #tpu.memory_space<hbm>>
      %dma_start3A_303 = tpu.memref_squeeze %dma_start3A_302 : memref<1x114x16xf32, #tpu.memory_space<hbm>> -> memref<114x16xf32, #tpu.memory_space<hbm>>
      %dma_start3A_304 = arith.constant 0 : i32
      %dma_start3A_305 = tpu.memref_slice %arg6[%arg0, %add3A_296, %dma_start3A_304] : memref<2x10016x16xf32, #tpu.memory_space<hbm>> -> memref<1x114x16xf32, #tpu.memory_space<hbm>>
      %dma_start3A_306 = tpu.memref_squeeze %dma_start3A_305 : memref<1x114x16xf32, #tpu.memory_space<hbm>> -> memref<114x16xf32, #tpu.memory_space<hbm>>
      %dma_start3A_307 = arith.constant 0 : i32
      %dma_start3A_308 = arith.constant 0 : i32
      %dma_start3A_309 = tpu.memref_slice %arg12[%dma_start3A_307, %dma_start3A_308] : memref<128x16xf32, #tpu.memory_space<vmem>> -> memref<114x16xf32, #tpu.memory_space<vmem>>
      tpu.enqueue_dma source(%dma_start3A_309 : memref<114x16xf32, #tpu.memory_space<vmem>>) target(%dma_start3A_306 : memref<114x16xf32, #tpu.memory_space<hbm>>) target_semaphore(%run_scoped3A_297 : memref<!tpu.dma_semaphore, #tpu.memory_space<semaphore_mem>>)
      %dma_wait3A_310 = arith.constant 0 : i32
      %dma_wait3A_311 = arith.constant 0 : i32
      %dma_wait3A_312 = tpu.memref_slice %arg12[%dma_wait3A_310, %dma_wait3A_311] : memref<128x16xf32, #tpu.memory_space<vmem>> -> memref<114x16xf32, #tpu.memory_space<vmem>>
      %dma_wait3A_313 = arith.constant 0 : i32
      %dma_wait3A_314 = tpu.memref_slice %arg6[%arg0, %add3A_296, %dma_wait3A_313] : memref<2x10016x16xf32, #tpu.memory_space<hbm>> -> memref<1x114x16xf32, #tpu.memory_space<hbm>>
      %dma_wait3A_315 = tpu.memref_squeeze %dma_wait3A_314 : memref<1x114x16xf32, #tpu.memory_space<hbm>> -> memref<114x16xf32, #tpu.memory_space<hbm>>
      %dma_wait3A_316 = arith.constant 0 : i32
      %dma_wait3A_317 = tpu.memref_slice %arg6[%arg0, %add3A_296, %dma_wait3A_316] : memref<2x10016x16xf32, #tpu.memory_space<hbm>> -> memref<1x114x16xf32, #tpu.memory_space<hbm>>
      %dma_wait3A_318 = tpu.memref_squeeze %dma_wait3A_317 : memref<1x114x16xf32, #tpu.memory_space<hbm>> -> memref<114x16xf32, #tpu.memory_space<hbm>>
      %dma_wait3A_319 = arith.constant 0 : i32
      %dma_wait3A_320 = arith.constant 0 : i32
      %dma_wait3A_321 = tpu.memref_slice %arg12[%dma_wait3A_319, %dma_wait3A_320] : memref<128x16xf32, #tpu.memory_space<vmem>> -> memref<114x16xf32, #tpu.memory_space<vmem>>
      tpu.wait_dma2 semaphore(%run_scoped3A_297 : memref<!tpu.dma_semaphore, #tpu.memory_space<semaphore_mem>>) src(%dma_wait3A_321 : memref<114x16xf32, #tpu.memory_space<vmem>>) dst(%dma_wait3A_318 : memref<114x16xf32, #tpu.memory_space<hbm>>)
      tpu.yield
    }) : () -> ()
    return
  }
}

module attributes {stable_mosaic.version = 14 : i64} {
  func.func @body(%arg0: i32, %arg1: memref<2000x128xf32, #tpu.memory_space<vmem>>, %arg2: memref<128x128xf32, #tpu.memory_space<vmem>>, %arg3: memref<128x256xf32, #tpu.memory_space<vmem>>, %arg4: memref<128x128xf32, #tpu.memory_space<vmem>>, %arg5: memref<1x128xf32, #tpu.memory_space<vmem>>, %arg6: memref<1x256xf32, #tpu.memory_space<vmem>>, %arg7: memref<1x128xf32, #tpu.memory_space<vmem>>, %arg8: memref<2x2000x64xbf16, #tpu.memory_space<vmem>>, %arg9: memref<2000x256xf32, #tpu.memory_space<vmem>>, %arg10: memref<2000x128xf32, #tpu.memory_space<vmem>>) attributes {dimension_semantics = [#tpu.dimension_semantics<arbitrary>], iteration_bounds = array<i64: 5>, scalar_prefetch = 0 : i64, scratch_operands = 0 : i64, tpu.core_type = #tpu.core_type<tc>, window_params = [{transform_indices = @transform_0, window_bounds = array<i64: 2000, 128>}, {pipeline_mode = #tpu.pipeline_mode<synchronous>, transform_indices = @transform_1, window_bounds = array<i64: 128, 128>}, {pipeline_mode = #tpu.pipeline_mode<synchronous>, transform_indices = @transform_2, window_bounds = array<i64: 128, 256>}, {pipeline_mode = #tpu.pipeline_mode<synchronous>, transform_indices = @transform_3, window_bounds = array<i64: 128, 128>}, {pipeline_mode = #tpu.pipeline_mode<synchronous>, transform_indices = @transform_4, window_bounds = array<i64: 1, 128>}, {pipeline_mode = #tpu.pipeline_mode<synchronous>, transform_indices = @transform_5, window_bounds = array<i64: 1, 256>}, {pipeline_mode = #tpu.pipeline_mode<synchronous>, transform_indices = @transform_6, window_bounds = array<i64: 1, 128>}, {transform_indices = @transform_7, window_bounds = array<i64: 2, 2000, 64>}, {transform_indices = @transform_8, window_bounds = array<i64: 2000, 256>}, {transform_indices = @transform_9, window_bounds = array<i64: 2000, 128>}]} {
    %get3A = arith.constant 0 : index
    %get3A_0 = arith.constant 0 : index
    %get3A_1 = vector.load %arg1[%get3A, %get3A_0] : memref<2000x128xf32, #tpu.memory_space<vmem>>, vector<2000x128xf32>
    %get3A_2 = arith.constant 0 : index
    %get3A_3 = arith.constant 0 : index
    %get3A_4 = vector.load %arg2[%get3A_2, %get3A_3] : memref<128x128xf32, #tpu.memory_space<vmem>>, vector<128x128xf32>
    %dot_general3A = arith.constant dense<0.000000e+00> : vector<2000x128xf32>
    %dot_general3A_5 = tpu.matmul %get3A_1, %get3A_4, %dot_general3A {dimension_numbers = #tpu.dot_dimension_numbers<[1], [0], [0], [1], [0, 0, 1, 1], [], []>, transpose_lhs_hint = false} : vector<2000x128xf32>, vector<128x128xf32>, vector<2000x128xf32> -> vector<2000x128xf32>
    %get3A_6 = arith.constant 0 : index
    %get3A_7 = arith.constant 0 : index
    %get3A_8 = vector.load %arg5[%get3A_6, %get3A_7] : memref<1x128xf32, #tpu.memory_space<vmem>>, vector<1x128xf32>
    %add3A = vector.broadcast %get3A_8 : vector<1x128xf32> to vector<2000x128xf32>
    %add3A_9 = arith.addf %dot_general3A_5, %add3A : vector<2000x128xf32>
    %slice3A = vector.extract_strided_slice %add3A_9 {offsets = [0, 0], sizes = [2000, 64], strides = [1, 1]} : vector<2000x128xf32> to vector<2000x64xf32>
    %convert_element_type3A = arith.truncf %slice3A : vector<2000x64xf32> to vector<2000x64xbf16>
    %swap3A = arith.constant 0 : index
    %swap3A_10 = arith.constant 0 : index
    %swap3A_11 = arith.constant 0 : index
    %swap3A_12 = vector.load %arg8[%swap3A, %swap3A_10, %swap3A_11] : memref<2x2000x64xbf16, #tpu.memory_space<vmem>>, vector<1x2000x64xbf16>
    %swap3A_13 = vector.shape_cast %swap3A_12 : vector<1x2000x64xbf16> to vector<2000x64xbf16>
    %swap3A_14 = vector.shape_cast %convert_element_type3A : vector<2000x64xbf16> to vector<1x2000x64xbf16>
    tpu.vector_store %arg8[%swap3A, %swap3A_10, %swap3A_11], %swap3A_14 {strides = array<i32>} : memref<2x2000x64xbf16, #tpu.memory_space<vmem>>, vector<1x2000x64xbf16>,
    %slice3A_15 = vector.extract_strided_slice %add3A_9 {offsets = [0, 64], sizes = [2000, 64], strides = [1, 1]} : vector<2000x128xf32> to vector<2000x64xf32>
    %convert_element_type3A_16 = arith.truncf %slice3A_15 : vector<2000x64xf32> to vector<2000x64xbf16>
    %swap3A_17 = arith.constant 1 : index
    %swap3A_18 = arith.constant 0 : index
    %swap3A_19 = arith.constant 0 : index
    %swap3A_20 = vector.load %arg8[%swap3A_17, %swap3A_18, %swap3A_19] : memref<2x2000x64xbf16, #tpu.memory_space<vmem>>, vector<1x2000x64xbf16>
    %swap3A_21 = vector.shape_cast %swap3A_20 : vector<1x2000x64xbf16> to vector<2000x64xbf16>
    %swap3A_22 = vector.shape_cast %convert_element_type3A_16 : vector<2000x64xbf16> to vector<1x2000x64xbf16>
    tpu.vector_store %arg8[%swap3A_17, %swap3A_18, %swap3A_19], %swap3A_22 {strides = array<i32>} : memref<2x2000x64xbf16, #tpu.memory_space<vmem>>, vector<1x2000x64xbf16>,
    %get3A_23 = arith.constant 0 : index
    %get3A_24 = arith.constant 0 : index
    %get3A_25 = vector.load %arg3[%get3A_23, %get3A_24] : memref<128x256xf32, #tpu.memory_space<vmem>>, vector<128x256xf32>
    %dot_general3A_26 = arith.constant dense<0.000000e+00> : vector<2000x256xf32>
    %dot_general3A_27 = tpu.matmul %get3A_1, %get3A_25, %dot_general3A_26 {dimension_numbers = #tpu.dot_dimension_numbers<[1], [0], [0], [1], [0, 0, 1, 1], [], []>, transpose_lhs_hint = false} : vector<2000x128xf32>, vector<128x256xf32>, vector<2000x256xf32> -> vector<2000x256xf32>
    %get3A_28 = arith.constant 0 : index
    %get3A_29 = arith.constant 0 : index
    %get3A_30 = vector.load %arg6[%get3A_28, %get3A_29] : memref<1x256xf32, #tpu.memory_space<vmem>>, vector<1x256xf32>
    %add3A_31 = vector.broadcast %get3A_30 : vector<1x256xf32> to vector<2000x256xf32>
    %add3A_32 = arith.addf %dot_general3A_27, %add3A_31 : vector<2000x256xf32>
    %swap3A_33 = arith.constant 0 : index
    %swap3A_34 = arith.constant 0 : index
    %swap3A_35 = vector.load %arg9[%swap3A_33, %swap3A_34] : memref<2000x256xf32, #tpu.memory_space<vmem>>, vector<2000x256xf32>
    tpu.vector_store %arg9[%swap3A_33, %swap3A_34], %add3A_32 {strides = array<i32>} : memref<2000x256xf32, #tpu.memory_space<vmem>>, vector<2000x256xf32>,
    %get3A_36 = arith.constant 0 : index
    %get3A_37 = arith.constant 0 : index
    %get3A_38 = vector.load %arg4[%get3A_36, %get3A_37] : memref<128x128xf32, #tpu.memory_space<vmem>>, vector<128x128xf32>
    %dot_general3A_39 = arith.constant dense<0.000000e+00> : vector<2000x128xf32>
    %dot_general3A_40 = tpu.matmul %get3A_1, %get3A_38, %dot_general3A_39 {dimension_numbers = #tpu.dot_dimension_numbers<[1], [0], [0], [1], [0, 0, 1, 1], [], []>, transpose_lhs_hint = false} : vector<2000x128xf32>, vector<128x128xf32>, vector<2000x128xf32> -> vector<2000x128xf32>
    %get3A_41 = arith.constant 0 : index
    %get3A_42 = arith.constant 0 : index
    %get3A_43 = vector.load %arg7[%get3A_41, %get3A_42] : memref<1x128xf32, #tpu.memory_space<vmem>>, vector<1x128xf32>
    %add3A_44 = vector.broadcast %get3A_43 : vector<1x128xf32> to vector<2000x128xf32>
    %add3A_45 = arith.addf %dot_general3A_40, %add3A_44 : vector<2000x128xf32>
    %swap3A_46 = arith.constant 0 : index
    %swap3A_47 = arith.constant 0 : index
    %swap3A_48 = vector.load %arg10[%swap3A_46, %swap3A_47] : memref<2000x128xf32, #tpu.memory_space<vmem>>, vector<2000x128xf32>
    tpu.vector_store %arg10[%swap3A_46, %swap3A_47], %add3A_45 {strides = array<i32>} : memref<2000x128xf32, #tpu.memory_space<vmem>>, vector<2000x128xf32>,
    return
  }
  func.func @transform_0(%arg0: i32) -> (i32, i32) {
    %c0_i32 = arith.constant 0 : i32
    %c0_i32_0 = arith.constant 0 : i32
    return %arg0, %c0_i32 : i32, i32
  }
  func.func @transform_1(%arg0: i32) -> (i32, i32) {
    %c0_i32 = arith.constant 0 : i32
    %c0_i32_0 = arith.constant 0 : i32
    %c0_i32_1 = arith.constant 0 : i32
    return %c0_i32, %c0_i32_0 : i32, i32
  }
  func.func @transform_2(%arg0: i32) -> (i32, i32) {
    %c0_i32 = arith.constant 0 : i32
    %c0_i32_0 = arith.constant 0 : i32
    %c0_i32_1 = arith.constant 0 : i32
    return %c0_i32, %c0_i32_0 : i32, i32
  }
  func.func @transform_3(%arg0: i32) -> (i32, i32) {
    %c0_i32 = arith.constant 0 : i32
    %c0_i32_0 = arith.constant 0 : i32
    %c0_i32_1 = arith.constant 0 : i32
    return %c0_i32, %c0_i32_0 : i32, i32
  }
  func.func @transform_4(%arg0: i32) -> (i32, i32) {
    %c0_i32 = arith.constant 0 : i32
    %c0_i32_0 = arith.constant 0 : i32
    %c0_i32_1 = arith.constant 0 : i32
    return %c0_i32, %c0_i32_0 : i32, i32
  }
  func.func @transform_5(%arg0: i32) -> (i32, i32) {
    %c0_i32 = arith.constant 0 : i32
    %c0_i32_0 = arith.constant 0 : i32
    %c0_i32_1 = arith.constant 0 : i32
    return %c0_i32, %c0_i32_0 : i32, i32
  }
  func.func @transform_6(%arg0: i32) -> (i32, i32) {
    %c0_i32 = arith.constant 0 : i32
    %c0_i32_0 = arith.constant 0 : i32
    %c0_i32_1 = arith.constant 0 : i32
    return %c0_i32, %c0_i32_0 : i32, i32
  }
  func.func @transform_7(%arg0: i32) -> (i32, i32, i32) {
    %c0_i32 = arith.constant 0 : i32
    %c0_i32_0 = arith.constant 0 : i32
    %c0_i32_1 = arith.constant 0 : i32
    return %c0_i32, %arg0, %c0_i32_0 : i32, i32, i32
  }
  func.func @transform_8(%arg0: i32) -> (i32, i32) {
    %c0_i32 = arith.constant 0 : i32
    %c0_i32_0 = arith.constant 0 : i32
    return %arg0, %c0_i32 : i32, i32
  }
  func.func @transform_9(%arg0: i32) -> (i32, i32) {
    %c0_i32 = arith.constant 0 : i32
    %c0_i32_0 = arith.constant 0 : i32
    return %arg0, %c0_i32 : i32, i32
  }
}

module attributes {stable_mosaic.version = 14 : i64} {
  func.func @body(%arg0: i32, %arg1: memref<2x1000x64xf32, #tpu.memory_space<vmem>>, %arg2: memref<2x1000x16xf32, #tpu.memory_space<vmem>>, %arg3: memref<1000x256xf32, #tpu.memory_space<vmem>>, %arg4: memref<1000x128xf32, #tpu.memory_space<vmem>>, %arg5: memref<128x128xf32, #tpu.memory_space<vmem>>, %arg6: memref<1000x128xf32, #tpu.memory_space<vmem>>) attributes {dimension_semantics = [#tpu.dimension_semantics<arbitrary>], iteration_bounds = array<i64: 10>, scalar_prefetch = 0 : i64, scratch_operands = 0 : i64, tpu.core_type = #tpu.core_type<tc>, window_params = [{transform_indices = @transform_0, window_bounds = array<i64: 2, 1000, 64>}, {transform_indices = @transform_1, window_bounds = array<i64: 2, 1000, 16>}, {transform_indices = @transform_2, window_bounds = array<i64: 1000, 256>}, {transform_indices = @transform_3, window_bounds = array<i64: 1000, 128>}, {pipeline_mode = #tpu.pipeline_mode<synchronous>, transform_indices = @transform_4, window_bounds = array<i64: 128, 128>}, {transform_indices = @transform_5, window_bounds = array<i64: 1000, 128>}]} {
    %get3A = arith.constant 0 : index
    %get3A_0 = arith.constant 0 : index
    %get3A_1 = arith.constant 0 : index
    %get3A_2 = vector.load %arg1[%get3A, %get3A_0, %get3A_1] : memref<2x1000x64xf32, #tpu.memory_space<vmem>>, vector<1x1000x64xf32>
    %get3A_3 = vector.shape_cast %get3A_2 : vector<1x1000x64xf32> to vector<1000x64xf32>
    %get3A_4 = arith.constant 1 : index
    %get3A_5 = arith.constant 0 : index
    %get3A_6 = arith.constant 0 : index
    %get3A_7 = vector.load %arg1[%get3A_4, %get3A_5, %get3A_6] : memref<2x1000x64xf32, #tpu.memory_space<vmem>>, vector<1x1000x64xf32>
    %get3A_8 = vector.shape_cast %get3A_7 : vector<1x1000x64xf32> to vector<1000x64xf32>
    %concatenate3A = tpu.concatenate %get3A_3, %get3A_8 in 1 : vector<1000x64xf32>, vector<1000x64xf32> -> vector<1000x128xf32>
    %get3A_9 = arith.constant 0 : index
    %get3A_10 = arith.constant 0 : index
    %get3A_11 = vector.load %arg5[%get3A_9, %get3A_10] : memref<128x128xf32, #tpu.memory_space<vmem>>, vector<128x128xf32>
    %dot_general3A = arith.constant dense<0.000000e+00> : vector<1000x128xf32>
    %dot_general3A_12 = tpu.matmul %concatenate3A, %get3A_11, %dot_general3A {dimension_numbers = #tpu.dot_dimension_numbers<[1], [0], [0], [1], [0, 0, 1, 1], [], []>, transpose_lhs_hint = false} : vector<1000x128xf32>, vector<128x128xf32>, vector<1000x128xf32> -> vector<1000x128xf32>
    %get3A_13 = arith.constant 0 : index
    %get3A_14 = arith.constant 0 : index
    %get3A_15 = arith.constant 0 : index
    %get3A_16 = vector.load %arg2[%get3A_13, %get3A_14, %get3A_15] : memref<2x1000x16xf32, #tpu.memory_space<vmem>>, vector<1x1000x1xf32>
    %get3A_17 = vector.shape_cast %get3A_16 : vector<1x1000x1xf32> to vector<1000xf32>
    %get3A_18 = arith.constant 1 : index
    %get3A_19 = arith.constant 0 : index
    %get3A_20 = arith.constant 0 : index
    %get3A_21 = vector.load %arg2[%get3A_18, %get3A_19, %get3A_20] : memref<2x1000x16xf32, #tpu.memory_space<vmem>>, vector<1x1000x1xf32>
    %get3A_22 = vector.shape_cast %get3A_21 : vector<1x1000x1xf32> to vector<1000xf32>
    %add3A = arith.addf %get3A_17, %get3A_22 : vector<1000xf32>
    %get3A_23 = arith.constant 0 : index
    %get3A_24 = arith.constant 0 : index
    %get3A_25 = vector.load %arg3[%get3A_23, %get3A_24] : memref<1000x256xf32, #tpu.memory_space<vmem>>, vector<1000x128xf32>
    %get3A_26 = arith.constant 0 : index
    %get3A_27 = arith.constant 128 : index
    %get3A_28 = vector.load %arg3[%get3A_26, %get3A_27] : memref<1000x256xf32, #tpu.memory_space<vmem>>, vector<1000x128xf32>
    %mul3A = arith.mulf %get3A_25, %dot_general3A_12 : vector<1000x128xf32>
    %broadcast_in_dim3A = vector.shape_cast %add3A : vector<1000xf32> to vector<1000x1xf32>
    %mul3A_29 = vector.broadcast %broadcast_in_dim3A : vector<1000x1xf32> to vector<1000x128xf32>
    %mul3A_30 = arith.mulf %mul3A_29, %get3A_28 : vector<1000x128xf32>
    %add3A_31 = arith.addf %mul3A, %mul3A_30 : vector<1000x128xf32>
    %get3A_32 = arith.constant 0 : index
    %get3A_33 = arith.constant 0 : index
    %get3A_34 = vector.load %arg4[%get3A_32, %get3A_33] : memref<1000x128xf32, #tpu.memory_space<vmem>>, vector<1000x128xf32>
    %add3A_35 = arith.addf %add3A_31, %get3A_34 : vector<1000x128xf32>
    %swap3A = arith.constant 0 : index
    %swap3A_36 = arith.constant 0 : index
    %swap3A_37 = vector.load %arg6[%swap3A, %swap3A_36] : memref<1000x128xf32, #tpu.memory_space<vmem>>, vector<1000x128xf32>
    tpu.vector_store %arg6[%swap3A, %swap3A_36], %add3A_35 {strides = array<i32>} : memref<1000x128xf32, #tpu.memory_space<vmem>>, vector<1000x128xf32>,
    return
  }
  func.func @transform_0(%arg0: i32) -> (i32, i32, i32) {
    %c0_i32 = arith.constant 0 : i32
    %c0_i32_0 = arith.constant 0 : i32
    %c0_i32_1 = arith.constant 0 : i32
    return %c0_i32, %arg0, %c0_i32_0 : i32, i32, i32
  }
  func.func @transform_1(%arg0: i32) -> (i32, i32, i32) {
    %c0_i32 = arith.constant 0 : i32
    %c0_i32_0 = arith.constant 0 : i32
    %c0_i32_1 = arith.constant 0 : i32
    return %c0_i32, %arg0, %c0_i32_0 : i32, i32, i32
  }
  func.func @transform_2(%arg0: i32) -> (i32, i32) {
    %c0_i32 = arith.constant 0 : i32
    %c0_i32_0 = arith.constant 0 : i32
    return %arg0, %c0_i32 : i32, i32
  }
  func.func @transform_3(%arg0: i32) -> (i32, i32) {
    %c0_i32 = arith.constant 0 : i32
    %c0_i32_0 = arith.constant 0 : i32
    return %arg0, %c0_i32 : i32, i32
  }
  func.func @transform_4(%arg0: i32) -> (i32, i32) {
    %c0_i32 = arith.constant 0 : i32
    %c0_i32_0 = arith.constant 0 : i32
    %c0_i32_1 = arith.constant 0 : i32
    return %c0_i32, %c0_i32_0 : i32, i32
  }
  func.func @transform_5(%arg0: i32) -> (i32, i32) {
    %c0_i32 = arith.constant 0 : i32
    %c0_i32_0 = arith.constant 0 : i32
    return %arg0, %c0_i32 : i32, i32
  }
}

</mosaic_0001>

<sc_bundles>
// kernel: kernel.5.cloned.1.call-start
scs
__scs_entry_jumppad:
0x0: {  	(pc) =	sbr.rel $0x88, $3  }
0x1: {  	(tag) =	ssettag $0x0;
	lr =	simm.s32 $0x1  }
0x2: {  	[smem:$0x3F99] =	sst lr;
	_ =	strace $0xD0000000  }
0x3: {  	_ = 	snop  }
0x4: {  	_ = 	snop  }
0x5: {  	_ = 	snop  }
0x6: {  	_ = 	snop  }
0x7: {  	_ = 	snop  }
__scs_overlays_trampoline_lowered:
0x8: {  	[smem:$0x3FA8] =	sst s0  }
0x9: {  	[smem:$0x3FA9] =	sst s1  }
0xa: {  	[smem:$0x3FAA] =	sst s2  }
0xb: {  	[smem:$0x3FAB] =	sst s3  }
0xc: {  	[smem:$0x3FAC] =	sst s4  }
0xd: {  	[smem:$0x3FAD] =	sst s5  }
0xe: {  	[smem:$0x3FAE] =	sst s6  }
0xf: {  	[smem:$0x3FAF] =	sst s7  }
0x10: {  	[smem:$0x3FB0] =	sst s8  }
0x11: {  	[smem:$0x3FB1] =	sst s9;
	s0 =	simm.s32 @!p0 $0x0  }
0x12: {  	s1 =	sld [smem:$0x3F97];
	s0 =	simm.s32 @p0 $0x1  }
0x13: {  	[smem:$0x3FB2] =	sst s0;
	s0 =	simm.s32 @!p1 $0x0  }
0x14: {  	s2 =	sld [smem:$0x3F96];
	s0 =	simm.s32 @p1 $0x1  }
0x15: {  	[smem:$0x3FB3] =	sst s0;
	s0 =	simm.s32 @!p2 $0x0  }
0x16: {  	s3 =	sld [smem:$0x3FDB];
	s0 =	simm.s32 @p2 $0x1  }
0x17: {  	s4 =	simm.s32 $0x1BF5;
	[smem:$0x3FB5] =	sst s0  }
0x18: {  	s0 =	sld [smem:$0x3F98];
	_ =	swait.ge [sflag:s4], $0x0  }
0x19: {  	s7 =	sld [smem:$0x3F99]  }
0x1a: {  	s8 =	sadd.s32 $0xFFFFE003, lr  }
0x1b: {  	s9 =	sadd.s32 $0xFFFFFEF7, lr;
	s5 =	simm.s32 $0xFFFFFFFF;
	p2 =	slt.u32 s8, $0xFFFFF086  }
0x1c: {  	p1 =	slt.u32 s9, $0xF7A;
	s5 =	simm.s32 @!p2 $0x0  }
0x1d: {  	s5 =	simm.s32 @p1 $0x1;
	p0 =	seq.s32 s7, s2  }
0x1e: {  	s7 =	smul.u32 @!p0 $0xF7A, s2;
	p2 =	seq.s32 @!p0 s5, $0x0  }
0x1f: {  	s9 =	smul.u32 $0xF7A, s1;
	s8 =	simm.s32 @!p0 $0x1BF5;
	p2 =	por !p2, p0  }
0x20: {  	[sflag:s8] =	ssyncset.s32 @!p0 $0xFFFFF086;
	s6 =	sadd.s32 @!p0 s3, s7;
	s7 =	simm.s32 @!p0 $0x108  }
0x21: {  	s3 =	sadd.s32 s3, s9;
	s6 =	sadd.s32 @!p0 $0x88, s6;
	s7 =	simm.s32 @p2 $0x1082  }
0x22: {  	[simem:s7], [sflag:s8] =	dma.local @!p0 [hbm:s6], $0xF7A  }
0x23: {  	s9 =	sor.u32 $0xD0000000, s2;
	s6 =	simm.s32 $0x108;
	_ =	swait.ge @!p0 [sflag:s8], $0x0  }
0x24: {  	s3 =	sadd.s32 $0x88, s3;
	s6 =	simm.s32 @!p1 $0x1082;
	[sflag:s4] =	ssyncset.s32 $0xFFFFF086  }
0x25: {  	[simem:s6], [sflag:s4] =	dma.local [hbm:s3], $0xF7A  }
0x26: {  	[smem:$0x3F99] =	sst s1;
	(tag) =	ssettag s2;
	_ =	strace s9  }
0x27: {  	s1 =	sld [smem:$0x3FA9]  }
0x28: {  	s2 =	sld [smem:$0x3FAA]  }
0x29: {  	s4 =	sld [smem:$0x3FAC]  }
0x2a: {  	p0 =	seq.s32 s5, $0x0;
	s5 =	sld [smem:$0x3FAD]  }
0x2b: {  	s6 =	sld [smem:$0x3FAE]  }
0x2c: {  	s7 =	sld [smem:$0x3FAF]  }
0x2d: {  	s3 =	simm.s32 $0x108;
	s8 =	sld [smem:$0x3FB0]  }
0x2e: {  	s3 =	simm.s32 @!p0 $0x1082;
	s9 =	sld [smem:$0x3FB1]  }
0x2f: {  	lr =	sadd.s32 s0, s3;
	s0 =	sld [smem:$0x3FA8]  }
0x30: {  	s3 =	sld [smem:$0x3FAB]  }
0x31: {  	[smem:$0x3FB4] =	sst s10  }
0x32: {  	s10 =	sld [smem:$0x3FB2];
	_ =	sdelay $0x3  }
0x33: {  	p0 =	seq.s32 s10, $0x1;
	s10 =	sld [smem:$0x3FB4];
	_ =	sdelay $0x3  }
0x34: {  	[smem:$0x3FB4] =	sst s10  }
0x35: {  	s10 =	sld [smem:$0x3FB3];
	_ =	sdelay $0x3  }
0x36: {  	p1 =	seq.s32 s10, $0x1;
	s10 =	sld [smem:$0x3FB4];
	_ =	sdelay $0x3  }
0x37: {  	[smem:$0x3FB4] =	sst s10  }
0x38: {  	s10 =	sld [smem:$0x3FB5]  }
0x39: {  	_ = 	snop;
	(pc) =	sbr.ind lr, $3  }
0x3a: {  	_ = 	snop  }
0x3b: {  	_ = 	snop  }
0x3c: {  	p2 =	seq.s32 s10, $0x1;
	s10 =	sld [smem:$0x3FB4]  }
0x3d: {  	_ =	shalt  }
0x3e: {  	_ =	shalt  }
0x3f: {  	_ =	shalt  }
0x40: {  	_ =	shalt  }
0x41: {  	_ =	shalt  }
0x42: {  	_ =	shalt  }
0x43: {  	_ =	shalt  }
0x44: {  	_ =	shalt  }
0x45: {  	_ =	shalt  }
0x46: {  	_ =	shalt  }
0x47: {  	_ =	shalt  }
0x48: {  	_ =	shalt  }
0x49: {  	_ =	shalt  }
0x4a: {  	_ =	shalt  }
0x4b: {  	_ =	shalt  }
0x4c: {  	_ =	shalt  }
0x4d: {  	_ =	shalt  }
0x4e: {  	_ =	shalt  }
0x4f: {  	_ =	shalt  }
0x50: {  	_ =	shalt  }
0x51: {  	_ =	shalt  }
0x52: {  	_ =	shalt  }
0x53: {  	_ =	shalt  }
0x54: {  	_ =	shalt  }
0x55: {  	_ =	shalt  }
0x56: {  	_ =	shalt  }
0x57: {  	_ =	shalt  }
0x58: {  	_ =	shalt  }
0x59: {  	_ =	shalt  }
0x5a: {  	_ =	shalt  }
0x5b: {  	_ =	shalt  }
0x5c: {  	_ =	shalt  }
0x5d: {  	_ =	shalt  }
0x5e: {  	_ =	shalt  }
0x5f: {  	_ =	shalt  }
0x60: {  	_ =	shalt  }
0x61: {  	_ =	shalt  }
0x62: {  	_ =	shalt  }
0x63: {  	_ =	shalt  }
0x64: {  	_ =	shalt  }
0x65: {  	_ =	shalt  }
0x66: {  	_ =	shalt  }
0x67: {  	_ =	shalt  }
0x68: {  	_ =	shalt  }
0x69: {  	_ =	shalt  }
0x6a: {  	_ =	shalt  }
0x6b: {  	_ =	shalt  }
0x6c: {  	_ =	shalt  }
0x6d: {  	_ =	shalt  }
0x6e: {  	_ =	shalt  }
0x6f: {  	_ =	shalt  }
0x70: {  	_ =	shalt  }
0x71: {  	_ =	shalt  }
0x72: {  	_ =	shalt  }
0x73: {  	_ =	shalt  }
0x74: {  	_ =	shalt  }
0x75: {  	_ =	shalt  }
0x76: {  	_ =	shalt  }
0x77: {  	_ =	shalt  }
0x78: {  	_ =	shalt  }
0x79: {  	_ =	shalt  }
0x7a: {  	_ =	shalt  }
0x7b: {  	_ =	shalt  }
0x7c: {  	_ =	shalt  }
0x7d: {  	_ =	shalt  }
0x7e: {  	_ =	shalt  }
0x7f: {  	_ =	shalt  }
0x80: {  	_ =	shalt  }
0x81: {  	_ =	shalt  }
0x82: {  	_ =	shalt  }
0x83: {  	_ =	shalt  }
0x84: {  	_ =	shalt  }
0x85: {  	_ =	shalt  }
0x86: {  	_ =	shalt  }
0x87: {  	_ =	shalt  }
.Lfunc_end0:
.L_simem_size_0:
called_computation_lowered:
.L_overlay_start_0:
0x88: {  	s2 =	sld [smem:$0x3FD9]  }
0x89: {  	s3 =	sld [smem:$0x3FFE];
	_ =	sdelay $0x1  }
0x8a: {  	s1 =	srdreg.scid  }
0x8b: {  	s0 =	sand.u32 $0x1, s1  }
0x8c: {  	s17 =	sshll.u32 s0, $0xA;
	s2 =	sadd.s32 s3, s2  }
0x8d: {  	s2 =	sadd.s32 s2, s17  }
0x8e: {  	[smem:$0x3FC0] =	sst s2  }
0x8f: {  	_ = 	snop  }
0x90: {  	s2 =	sld [smem:$0x3FD0];
	(tm) =	ssettm $0x1  }
0x91: {  	s18 =	sld [smem:$0x3FFB];
	_ =	sdelay $0x3  }
0x92: {  	_ =	strace s18  }
0x93: {  	s3 =	sld [smem:$0x3FFC];
	_ =	sdelay $0x3  }
0x94: {  	_ =	strace s3  }
0x95: {  	s3 =	sld [smem:$0x3FFD];
	_ =	sdelay $0x3  }
0x96: {  	_ =	strace s3  }
0x97: {  	_ =	strace $0x8FFFFFFF  }
0x98: {  	s19 =	sld [smem:$0x3FDB];
	_ =	sdelay $0x1  }
0x99: {  	s4 =	simm.s32 $_scs_section_size  }
0x9a: {  	s5 =	simm.s32 $_size__tile_overlayer_lowered;
	s6 =	simm.s32 $_tile_overlayer_lowered  }
0x9b: {  	s22 =	simm.s32 $0x1BFF;
	s21 =	sshll.u32 s6, $0x1;
	s3 =	sadd.s32 s4, s19  }
0x9c: {  	s7 =	simm.s32 $0x0;
	s20 =	sshll.u32 s5, $0x1;
	s5 =	sadd.s32 s21, s3  }
0x9d: {  	[timem:s7], [sflag:s22] =	dma.local [hbm:s5], s20  }
0x9e: {  	_ =	swait.ge [sflag:s22], s20  }
0x9f: {  	s4 =	ssub.s32 $0x0, s20;
	[sflag:s22] =	ssyncset.done $0x0  }
0xa0: {  	[sflag:s22] =	ssyncadd.s32 s4;
	_ =	sdelay $0x1  }
0xa1: {  	s23 =	simm.s32 $0x1B8B  }
0xa2: {  	_ =	swait.ge [sflag:s23], $0x1  }
0xa3: {  	[sflag:s23] =	ssyncset.done $0x0  }
0xa4: {  	s25 =	simm.s32 $0x1B8E;
	s24 =	sld [smem:$0x3FFE];
	[sflag:s23] =	ssyncadd.s32 $0xFFFFFFFF  }
0xa5: {  	s26 =	simm.s32 $execute0_lowered;
	[smem:$0x3FD2] =	sst s25  }
0xa6: {  	s5 =	sshll.u32 s26, $0x1;
	_ =	strace $0x80000046;
	[dreg:$0x1] =	wrdreg $0xFFFFFFFF  }
0xa7: {  	s28 =	simm.s32 $_size_execute0_lowered;
	s3 =	sadd.s32 s3, s5;
	[dreg:$0x0] =	wrdreg $0x0  }
0xa8: {  	s5 =	sshll.u32 s28, $0x1;
	[dreg:$0x2] =	wrdreg s3  }
0xa9: {  	[dreg:$0x3] =	wrdreg s5  }
0xaa: {  	[dreg:$0x4] =	wrdreg $0xC0  }
0xab: {  	_ =	task [dreg:s7], $0x5FFFF  }
0xac: {  	[dreg:$0x1] =	wrdreg $0xFFFFFFFF  }
0xad: {  	[dreg:$0x0] =	wrdreg $0x60  }
0xae: {  	[dreg:$0x2] =	wrdreg s2  }
0xaf: {  	[dreg:$0x3] =	wrdreg s24  }
0xb0: {  	[dreg:$0x4] =	wrdreg $0x130000  }
0xb1: {  	[dreg:$0x5] =	wrdreg $0x1CC800  }
0xb2: {  	[dreg:$0x6] =	wrdreg $0x9  }
0xb3: {  	_ =	task.clear_ibuf [dreg:s7], $0x7FFFF;
	_ =	strace $0x90000046  }
0xb4: {  	s29 =	simm.s32 $0x9;
	_ =	strace $0x80000048  }
0xb5: {  	_ =	swait.ge [sflag:s29], $0x1  }
0xb6: {  	[sflag:s29] =	ssyncadd.s32 $0xFFFFFFFF  }
0xb7: {  	_ =	strace $0x90000048  }
0xb8: {  	_ =	sfence  }
0xb9: {  	s30 =	sld [smem:$0x0];
	_ =	sdelay $0x2  }
0xba: {  	s31 =	sshll.u32 s1, $0xD;
	s1 =	sshrl.u32 s1, $0x2  }
0xbb: {  	s3 =	sand.u32 $0x4000, s31;
	s1 =	sadd.s32 s1, s30  }
0xbc: {  	s0 =	sor.u32 s3, s0;
	s1 =	sshll.u32 s1, $0x11  }
0xbd: {  	s0 =	sor.u32 s1, s0  }
0xbe: {  	s0 =	sadd.s32 $0x8F2B, s0  }
0xbf: {  	[sflag:s0] =	ssyncadd.remote.s32 $0x1  }
0xc0: {  	_ =	sfence.sel $0xFFFF  }
0xc1: {  	[dreg:$0x0] =	wrdreg $0xFFFFFFFF;
	(pc) =	sbr.abs _section_cstart, $3  }
0xc2: {  	[dreg:$0x1] =	wrdreg $0xFFFFFFFF  }
0xc3: {  	_ =	task.clear_ibuf [dreg:s7], $0x2FFFF;
	_ =	strace $0x9FFFFFFF  }
0xc4: {  	(tm) =	ssettm $0x7FFFFFFF  }
0xc5: {  	_ =	shalt  }
tec
execute0_lowered:
.L_overlay_start_1:
0x0: {  	(tag) =	ssettag $0x1  }
0x1: {  	s4 =	rddreg [dreg:$0x0];
	s21 =	stileid.u32  }
0x2: {  	s1 =	srdreg.scid;
	s6 =	smul.u32 $0x272, s21  }
0x3: {  	s5 =	rddreg [dreg:$0x1];
	s9 =	smul.u32 $0x9C80, s21  }
0x4: {  	s3 =	simm.s32 $0x0;
	s2 =	sand.u32 $0x1, s1;
	s16 =	smul.u32 $0x2720, s21  }
0x5: {  	s31 =	simm.s32 $0x0;
	[smem:$0x7FF] =	sst s3;
	s14 =	smul.u32 $0x9C40, s2  }
0x6: {  	s8 =	sadd.s32 $0x64200, s5;
	s0 =	ssub.s32 $0x2, s2;
	s15 =	smul.u32 $0x9C800, s2  }
0x7: {  	s29 =	smul.u32 $0x27200, s2;
	p0 =	seq.s32 s2, $0x0;
	s7 =	sshrl.u32 s0, $0x1  }
0x8: {  	s23 =	sadd.s32 $0x80, s6;
	s11 =	sadd.s32 $0x100, s6;
	s13 =	sadd.s32 $0x180, s6  }
0x9: {  	s6 =	sadd.s32 $0x200, s6;
	s0 =	ssub.s32 s0, s7;
	s10 =	sshll.u32 s23, $0x6  }
0xa: {  	s12 =	sshll.u32 s11, $0x6;
	s17 =	sshll.u32 s13, $0x6;
	s20 =	sshll.u32 s6, $0x6  }
0xb: {  	s7 =	sshll.u32 s23, $0x4;
	s11 =	sshll.u32 s11, $0x4;
	s13 =	sshll.u32 s13, $0x4  }
0xc: {  	s6 =	sshll.u32 s6, $0x4;
	s4 =	sadd.s32 s4, s14;
	s24 =	sadd.s32 s9, s15  }
0xd: {  	s18 =	sadd.s32 s15, s10;
	s14 =	sshrl.u32 s24, $0x3;
	s19 =	sadd.s32 s15, s12  }
0xe: {  	s28 =	sadd.s32 s15, s17;
	s15 =	sadd.s32 s15, s20;
	s22 =	sadd.s32 s29, s7  }
0xf: {  	s23 =	sadd.s32 s29, s11;
	s24 =	sadd.s32 $0x8B400, s5;
	s0 =	smax.u32 s0, $0x1  }
0x10: {  	s18 =	sshrl.u32 s18, $0x3;
	s14 =	sadd.s32 s8, s14;
	s26 =	sshrl.u32 s19, $0x3  }
0x11: {  	s30 =	sshrl.u32 s28, $0x3;
	[dreg:$0x5] =	wrdreg s14;
	s25 =	sadd.s32 s8, s18  }
0x12: {  	s15 =	sshrl.u32 s15, $0x3;
	s14 =	sadd.s32 s8, s26;
	[dreg:$0x6] =	wrdreg s25  }
0x13: {  	s28 =	sadd.s32 s29, s13;
	[dreg:$0x7] =	wrdreg s14;
	s14 =	sadd.s32 s8, s30  }
0x14: {  	s18 =	sadd.s32 s16, s29;
	s8 =	sadd.s32 s8, s15;
	[dreg:$0x8] =	wrdreg s14  }
0x15: {  	s29 =	sadd.s32 s29, s6;
	s15 =	sshrl.u32 s23, $0x3;
	[dreg:$0x9] =	wrdreg s8  }
0x16: {  	s19 =	sshrl.u32 s29, $0x3;
	s26 =	sadd.s32 s24, s15;
	s15 =	rddreg [dreg:$0x3]  }
0x17: {  	s8 =	sshrl.u32 s18, $0x3;
	s14 =	sshrl.u32 s22, $0x3;
	[dreg:$0xc] =	wrdreg s26  }
0x18: {  	s30 =	sadd.s32 s24, s19;
	s25 =	sadd.s32 s24, s14;
	s14 =	rddreg [dreg:$0x2]  }
0x19: {  	s18 =	sadd.s32 $0x5A200, s5;
	s8 =	sadd.s32 s24, s8;
	[dreg:$0xe] =	wrdreg s30  }
0x1a: {  	s19 =	sadd.s32 $0x50200, s5;
	[dreg:$0xa] =	wrdreg s8;
	s8 =	sshrl.u32 s28, $0x3  }
0x1b: {  	s26 =	sadd.s32 s16, s15;
	[dreg:$0xb] =	wrdreg s25;
	s8 =	sadd.s32 s24, s8  }
0x1c: {  	s25 =	sadd.s32 s17, s14;
	s17 =	sadd.s32 s20, s14;
	[dreg:$0xd] =	wrdreg s8  }
0x1d: {  	s7 =	sadd.s32 s7, s15;
	_ =	strace $0x80000047;
	[dreg:$0xf] =	wrdreg s17  }
0x1e: {  	s29 =	sadd.s32 s13, s15;
	s6 =	sadd.s32 s6, s15;
	[dreg:$0x10] =	wrdreg s26  }
0x1f: {  	s16 =	simm.s32 $0x1;
	s28 =	sadd.s32 s11, s15;
	[dreg:$0x11] =	wrdreg s7  }
0x20: {  	s22 =	sadd.s32 s9, s14;
	s20 =	smul.u32 $0xA00, s21;
	[dreg:$0x12] =	wrdreg s28  }
0x21: {  	s23 =	sadd.s32 s10, s14;
	s9 =	simm.s32 $0xE000;
	[dreg:$0x13] =	wrdreg s29  }
0x22: {  	s10 =	simm.s32 $0x10000;
	s30 =	sadd.s32 s18, s20;
	[dreg:$0x14] =	wrdreg s6  }
0x23: {  	s11 =	simm.s32 $0x12800;
	s5 =	sadd.s32 s19, s20;
	[dreg:$0x15] =	wrdreg s30  }
0x24: {  	s24 =	sadd.s32 s12, s14;
	s12 =	simm.s32 $0x80;
	[dreg:$0x16] =	wrdreg s5  }
0x25: {  	s8 =	simm.s32 $0xC000;
	[dreg:$0x17] =	wrdreg s0;
	s5 =	smul.u32 $0x5000, s21  }
0x26: {  	v0 =	vimm.f32 $0.0e+00;
	v1 =	vimm.f32 $1.000000000e+00;
	s6 =	simm.s32 $0xA000;
	s7 =	simm.s32 $0x5;
	s17 =	simm.s32 $0x2  }
.LBB2_1:
0x27: {  	s0 =	simm.s32 $0x101F0  }
0x28: {  	[tilespmem:s0+$0xFFFF9E10] =	vst v0  }
0x29: {  	[tilespmem:s0+$0xFFFFFE40] =	vst v0  }
0x2a: {  	[tilespmem:s0+$0xFFFFFE30] =	vst v0  }
0x2b: {  	[tilespmem:s0+$0x0] =	vst v0  }
0x2c: {  	[tilespmem:s0+$0xFFFFFFF0] =	vst v0  }
0x2d: {  	[tilespmem:s0+$0xFFFFFFE0] =	vst v0  }
0x2e: {  	[tilespmem:s0+$0xFFFFFFD0] =	vst v0  }
0x2f: {  	[tilespmem:s0+$0xFFFFE000] =	vst v0  }
0x30: {  	[tilespmem:s0+$0xFFFFDFF0] =	vst v0  }
0x31: {  	[tilespmem:s0+$0xFFFFDFE0] =	vst v0  }
0x32: {  	[tilespmem:s0+$0xFFFFDFD0] =	vst v0  }
0x33: {  	[tilespmem:s0+$0xFFFFC000] =	vst v0  }
0x34: {  	[tilespmem:s0+$0xFFFFBFF0] =	vst v0  }
0x35: {  	[tilespmem:s0+$0xFFFFBFE0] =	vst v0  }
0x36: {  	[tilespmem:s0+$0xFFFFBFD0] =	vst v0  }
0x37: {  	[tilespmem:s0+$0xFFFFA000] =	vst v0  }
0x38: {  	[tilespmem:s0+$0xFFFF9FF0] =	vst v0  }
0x39: {  	[tilespmem:s0+$0xFFFF9FE0] =	vst v0  }
0x3a: {  	[tilespmem:s0+$0xFFFF9FD0] =	vst v0  }
0x3b: {  	[tilespmem:s0+$0xFFFFFF70] =	vst v0  }
0x3c: {  	[tilespmem:s0+$0xFFFFFF80] =	vst v0  }
0x3d: {  	[tilespmem:s0+$0xFFFFFFC0] =	vst v0  }
0x3e: {  	[tilespmem:s0+$0xFFFFFFB0] =	vst v0  }
0x3f: {  	[tilespmem:s0+$0xFFFFFFA0] =	vst v0  }
0x40: {  	[tilespmem:s0+$0xFFFFFF90] =	vst v0  }
0x41: {  	[tilespmem:s0+$0xFFFFDFC0] =	vst v0  }
0x42: {  	[tilespmem:s0+$0xFFFFDFB0] =	vst v0  }
0x43: {  	[tilespmem:s0+$0xFFFFDFA0] =	vst v0  }
0x44: {  	[tilespmem:s0+$0xFFFFDF90] =	vst v0  }
0x45: {  	[tilespmem:s0+$0xFFFFBFC0] =	vst v0  }
0x46: {  	[tilespmem:s0+$0xFFFFBFB0] =	vst v0  }
0x47: {  	[tilespmem:s0+$0xFFFFBFA0] =	vst v0  }
0x48: {  	[tilespmem:s0+$0xFFFFBF90] =	vst v0  }
0x49: {  	[tilespmem:s0+$0xFFFF9FC0] =	vst v0  }
0x4a: {  	[tilespmem:s0+$0xFFFF9FB0] =	vst v0  }
0x4b: {  	[tilespmem:s0+$0xFFFF9FA0] =	vst v0  }
0x4c: {  	[tilespmem:s0+$0xFFFF9F90] =	vst v0  }
0x4d: {  	[tilespmem:s0+$0xFFFFFF60] =	vst v0  }
0x4e: {  	[tilespmem:s0+$0xFFFFFF50] =	vst v0  }
0x4f: {  	[tilespmem:s0+$0xFFFFDF80] =	vst v0  }
0x50: {  	[tilespmem:s0+$0xFFFFDF70] =	vst v0  }
0x51: {  	[tilespmem:s0+$0xFFFFDF60] =	vst v0  }
0x52: {  	[tilespmem:s0+$0xFFFFDF50] =	vst v0  }
0x53: {  	[tilespmem:s0+$0xFFFFBF80] =	vst v0  }
0x54: {  	[tilespmem:s0+$0xFFFFBF70] =	vst v0  }
0x55: {  	[tilespmem:s0+$0xFFFFBF60] =	vst v0  }
0x56: {  	[tilespmem:s0+$0xFFFFBF50] =	vst v0  }
0x57: {  	[tilespmem:s0+$0xFFFF9F80] =	vst v0  }
0x58: {  	[tilespmem:s0+$0xFFFF9F70] =	vst v0  }
0x59: {  	[tilespmem:s0+$0xFFFF9F60] =	vst v0  }
0x5a: {  	[tilespmem:s0+$0xFFFF9F50] =	vst v0  }
0x5b: {  	[tilespmem:s0+$0xFFFFFF40] =	vst v0  }
0x5c: {  	[tilespmem:s0+$0xFFFFFF30] =	vst v0  }
0x5d: {  	[tilespmem:s0+$0xFFFFFF20] =	vst v0  }
0x5e: {  	[tilespmem:s0+$0xFFFFFF10] =	vst v0  }
0x5f: {  	[tilespmem:s0+$0xFFFFDF40] =	vst v0  }
0x60: {  	[tilespmem:s0+$0xFFFFDF30] =	vst v0  }
0x61: {  	[tilespmem:s0+$0xFFFFDF20] =	vst v0  }
0x62: {  	[tilespmem:s0+$0xFFFFDF10] =	vst v0  }
0x63: {  	[tilespmem:s0+$0xFFFFBF40] =	vst v0  }
0x64: {  	[tilespmem:s0+$0xFFFFBF30] =	vst v0  }
0x65: {  	[tilespmem:s0+$0xFFFFBF20] =	vst v0  }
0x66: {  	[tilespmem:s0+$0xFFFFBF10] =	vst v0  }
0x67: {  	[tilespmem:s0+$0xFFFF9F40] =	vst v0  }
0x68: {  	[tilespmem:s0+$0xFFFF9F30] =	vst v0  }
0x69: {  	[tilespmem:s0+$0xFFFF9F20] =	vst v0  }
0x6a: {  	[tilespmem:s0+$0xFFFF9F10] =	vst v0  }
0x6b: {  	[tilespmem:s0+$0xFFFFFE80] =	vst v0  }
0x6c: {  	[tilespmem:s0+$0xFFFFFE70] =	vst v0  }
0x6d: {  	[tilespmem:s0+$0xFFFFFEC0] =	vst v0  }
0x6e: {  	[tilespmem:s0+$0xFFFFFEB0] =	vst v0  }
0x6f: {  	[tilespmem:s0+$0xFFFFFF00] =	vst v0  }
0x70: {  	[tilespmem:s0+$0xFFFFFEF0] =	vst v0  }
0x71: {  	[tilespmem:s0+$0xFFFFFEE0] =	vst v0  }
0x72: {  	[tilespmem:s0+$0xFFFFFED0] =	vst v0  }
0x73: {  	[tilespmem:s0+$0xFFFFDF00] =	vst v0  }
0x74: {  	[tilespmem:s0+$0xFFFFDEF0] =	vst v0  }
0x75: {  	[tilespmem:s0+$0xFFFFDEE0] =	vst v0  }
0x76: {  	[tilespmem:s0+$0xFFFFDED0] =	vst v0  }
0x77: {  	[tilespmem:s0+$0xFFFFBF00] =	vst v0  }
0x78: {  	[tilespmem:s0+$0xFFFFBEF0] =	vst v0  }
0x79: {  	[tilespmem:s0+$0xFFFFBEE0] =	vst v0  }
0x7a: {  	[tilespmem:s0+$0xFFFFBED0] =	vst v0  }
0x7b: {  	[tilespmem:s0+$0xFFFF9F00] =	vst v0  }
0x7c: {  	[tilespmem:s0+$0xFFFF9EF0] =	vst v0  }
0x7d: {  	[tilespmem:s0+$0xFFFF9EE0] =	vst v0  }
0x7e: {  	[tilespmem:s0+$0xFFFF9ED0] =	vst v0  }
0x7f: {  	[tilespmem:s0+$0xFFFFFEA0] =	vst v0  }
0x80: {  	[tilespmem:s0+$0xFFFFFE90] =	vst v0  }
0x81: {  	[tilespmem:s0+$0xFFFFDEC0] =	vst v0  }
0x82: {  	[tilespmem:s0+$0xFFFFDEB0] =	vst v0  }
0x83: {  	[tilespmem:s0+$0xFFFFDEA0] =	vst v0  }
0x84: {  	[tilespmem:s0+$0xFFFFDE90] =	vst v0  }
0x85: {  	[tilespmem:s0+$0xFFFFBEC0] =	vst v0  }
0x86: {  	[tilespmem:s0+$0xFFFFBEB0] =	vst v0  }
0x87: {  	[tilespmem:s0+$0xFFFFBEA0] =	vst v0  }
0x88: {  	[tilespmem:s0+$0xFFFFBE90] =	vst v0  }
0x89: {  	[tilespmem:s0+$0xFFFF9EC0] =	vst v0  }
0x8a: {  	[tilespmem:s0+$0xFFFF9EB0] =	vst v0  }
0x8b: {  	[tilespmem:s0+$0xFFFF9EA0] =	vst v0  }
0x8c: {  	[tilespmem:s0+$0xFFFF9E90] =	vst v0  }
0x8d: {  	[tilespmem:s0+$0xFFFFFE60] =	vst v0  }
0x8e: {  	[tilespmem:s0+$0xFFFFFE50] =	vst v0  }
0x8f: {  	[tilespmem:s0+$0xFFFFDE80] =	vst v0  }
0x90: {  	[tilespmem:s0+$0xFFFFDE70] =	vst v0  }
0x91: {  	[tilespmem:s0+$0xFFFFDE60] =	vst v0  }
0x92: {  	[tilespmem:s0+$0xFFFFDE50] =	vst v0  }
0x93: {  	[tilespmem:s0+$0xFFFFBE80] =	vst v0  }
0x94: {  	[tilespmem:s0+$0xFFFFBE70] =	vst v0  }
0x95: {  	[tilespmem:s0+$0xFFFFBE60] =	vst v0  }
0x96: {  	[tilespmem:s0+$0xFFFFBE50] =	vst v0  }
0x97: {  	[tilespmem:s0+$0xFFFF9E80] =	vst v0  }
0x98: {  	[tilespmem:s0+$0xFFFF9E70] =	vst v0  }
0x99: {  	[tilespmem:s0+$0xFFFF9E60] =	vst v0  }
0x9a: {  	[tilespmem:s0+$0xFFFF9E50] =	vst v0  }
0x9b: {  	[tilespmem:s0+$0xFFFFFE20] =	vst v0  }
0x9c: {  	[tilespmem:s0+$0xFFFFFE10] =	vst v0  }
0x9d: {  	[tilespmem:s0+$0xFFFFDE40] =	vst v0  }
0x9e: {  	[tilespmem:s0+$0xFFFFDE30] =	vst v0  }
0x9f: {  	[tilespmem:s0+$0xFFFFDE20] =	vst v0  }
0xa0: {  	[tilespmem:s0+$0xFFFFDE10] =	vst v0  }
0xa1: {  	[tilespmem:s0+$0xFFFFBE40] =	vst v0  }
0xa2: {  	[tilespmem:s0+$0xFFFFBE30] =	vst v0  }
0xa3: {  	[tilespmem:s0+$0xFFFFBE20] =	vst v0  }
0xa4: {  	[tilespmem:s0+$0xFFFFBE10] =	vst v0  }
0xa5: {  	[tilespmem:s0+$0xFFFF9E40] =	vst v0  }
0xa6: {  	[tilespmem:s0+$0xFFFF9E30] =	vst v0  }
0xa7: {  	s21 =	simm.s32 $0x12040;
	[tilespmem:s0+$0xFFFF9E20] =	vst v0  }
0xa8: {  	[tilespmem:s21+$0x30] =	vst v1  }
0xa9: {  	[tilespmem:s21+$0x20] =	vst v1  }
0xaa: {  	[tilespmem:s21+$0x10] =	vst v1  }
0xab: {  	[tilespmem:s21+$0x0] =	vst v1  }
0xac: {  	[tilespmem:s21+$0xFFFFFFF0] =	vst v1  }
0xad: {  	[tilespmem:s21+$0xFFFFFFE0] =	vst v1  }
0xae: {  	[tilespmem:s21+$0xFFFFFFD0] =	vst v1  }
0xaf: {  	s13 =	simm.s32 $0x12840;
	[tilespmem:s21+$0xFFFFFFC0] =	vst v1  }
0xb0: {  	[tilespmem:s13+$0x30] =	vst v0  }
0xb1: {  	[tilespmem:s13+$0x20] =	vst v0  }
0xb2: {  	[tilespmem:s13+$0x10] =	vst v0  }
0xb3: {  	[tilespmem:s13+$0x0] =	vst v0  }
0xb4: {  	[tilespmem:s13+$0xFFFFFFF0] =	vst v0  }
0xb5: {  	[tilespmem:s13+$0xFFFFFFE0] =	vst v0  }
0xb6: {  	s20 =	simm.s32 $0x0;
	s21 =	simm.s32 $0x120C0;
	[tilespmem:s13+$0xFFFFFFD0] =	vst v0  }
.LBB2_2:
0xb7: {  	s20 =	sadd.s32 $0x8, s20;
	[tilespmem:s13+$0xFFFFFFC0] =	vst v0;
	s0 =	sadd.s32 $0x200, s0;
	s13 =	sadd.s32 $0x80, s13  }
0xb8: {  	[tilespmem:s0+$0xFFFF9E10] =	vst v0;
	p1 =	slt.u32 s20, $0x78  }
0xb9: {  	[tilespmem:s0+$0xFFFFFE40] =	vst v0  }
0xba: {  	[tilespmem:s0+$0xFFFFFE30] =	vst v0  }
0xbb: {  	[tilespmem:s0+$0x0] =	vst v0  }
0xbc: {  	[tilespmem:s0+$0xFFFFFFF0] =	vst v0  }
0xbd: {  	[tilespmem:s0+$0xFFFFFFE0] =	vst v0  }
0xbe: {  	[tilespmem:s0+$0xFFFFFFD0] =	vst v0  }
0xbf: {  	[tilespmem:s0+$0xFFFFE000] =	vst v0  }
0xc0: {  	[tilespmem:s0+$0xFFFFDFF0] =	vst v0  }
0xc1: {  	[tilespmem:s0+$0xFFFFDFE0] =	vst v0  }
0xc2: {  	[tilespmem:s0+$0xFFFFDFD0] =	vst v0  }
0xc3: {  	[tilespmem:s0+$0xFFFFC000] =	vst v0  }
0xc4: {  	[tilespmem:s0+$0xFFFFBFF0] =	vst v0  }
0xc5: {  	[tilespmem:s0+$0xFFFFBFE0] =	vst v0  }
0xc6: {  	[tilespmem:s0+$0xFFFFBFD0] =	vst v0  }
0xc7: {  	[tilespmem:s0+$0xFFFFA000] =	vst v0  }
0xc8: {  	[tilespmem:s0+$0xFFFF9FF0] =	vst v0  }
0xc9: {  	[tilespmem:s0+$0xFFFF9FE0] =	vst v0  }
0xca: {  	[tilespmem:s0+$0xFFFF9FD0] =	vst v0  }
0xcb: {  	[tilespmem:s21+$0x30] =	vst v1  }
0xcc: {  	[tilespmem:s13+$0x30] =	vst v0  }
0xcd: {  	[tilespmem:s0+$0xFFFFFF70] =	vst v0  }
0xce: {  	[tilespmem:s0+$0xFFFFFF80] =	vst v0  }
0xcf: {  	[tilespmem:s0+$0xFFFFFFC0] =	vst v0  }
0xd0: {  	[tilespmem:s0+$0xFFFFFFB0] =	vst v0  }
0xd1: {  	[tilespmem:s0+$0xFFFFFFA0] =	vst v0  }
0xd2: {  	[tilespmem:s0+$0xFFFFFF90] =	vst v0  }
0xd3: {  	[tilespmem:s0+$0xFFFFDFC0] =	vst v0  }
0xd4: {  	[tilespmem:s0+$0xFFFFDFB0] =	vst v0  }
0xd5: {  	[tilespmem:s0+$0xFFFFDFA0] =	vst v0  }
0xd6: {  	[tilespmem:s0+$0xFFFFDF90] =	vst v0  }
0xd7: {  	[tilespmem:s0+$0xFFFFBFC0] =	vst v0  }
0xd8: {  	[tilespmem:s0+$0xFFFFBFB0] =	vst v0  }
0xd9: {  	[tilespmem:s0+$0xFFFFBFA0] =	vst v0  }
0xda: {  	[tilespmem:s0+$0xFFFFBF90] =	vst v0  }
0xdb: {  	[tilespmem:s0+$0xFFFF9FC0] =	vst v0  }
0xdc: {  	[tilespmem:s0+$0xFFFF9FB0] =	vst v0  }
0xdd: {  	[tilespmem:s0+$0xFFFF9FA0] =	vst v0  }
0xde: {  	[tilespmem:s0+$0xFFFF9F90] =	vst v0  }
0xdf: {  	[tilespmem:s21+$0x20] =	vst v1  }
0xe0: {  	[tilespmem:s13+$0x20] =	vst v0  }
0xe1: {  	[tilespmem:s0+$0xFFFFFF60] =	vst v0  }
0xe2: {  	[tilespmem:s0+$0xFFFFFF50] =	vst v0  }
0xe3: {  	[tilespmem:s0+$0xFFFFDF80] =	vst v0  }
0xe4: {  	[tilespmem:s0+$0xFFFFDF70] =	vst v0  }
0xe5: {  	[tilespmem:s0+$0xFFFFDF60] =	vst v0  }
0xe6: {  	[tilespmem:s0+$0xFFFFDF50] =	vst v0  }
0xe7: {  	[tilespmem:s0+$0xFFFFBF80] =	vst v0  }
0xe8: {  	[tilespmem:s0+$0xFFFFBF70] =	vst v0  }
0xe9: {  	[tilespmem:s0+$0xFFFFBF60] =	vst v0  }
0xea: {  	[tilespmem:s0+$0xFFFFBF50] =	vst v0  }
0xeb: {  	[tilespmem:s0+$0xFFFF9F80] =	vst v0  }
0xec: {  	[tilespmem:s0+$0xFFFF9F70] =	vst v0  }
0xed: {  	[tilespmem:s0+$0xFFFF9F60] =	vst v0  }
0xee: {  	[tilespmem:s0+$0xFFFF9F50] =	vst v0  }
0xef: {  	[tilespmem:s21+$0x10] =	vst v1  }
0xf0: {  	[tilespmem:s13+$0x10] =	vst v0  }
0xf1: {  	[tilespmem:s0+$0xFFFFFF40] =	vst v0  }
0xf2: {  	[tilespmem:s0+$0xFFFFFF30] =	vst v0  }
0xf3: {  	[tilespmem:s0+$0xFFFFFF20] =	vst v0  }
0xf4: {  	[tilespmem:s0+$0xFFFFFF10] =	vst v0  }
0xf5: {  	[tilespmem:s0+$0xFFFFDF40] =	vst v0  }
0xf6: {  	[tilespmem:s0+$0xFFFFDF30] =	vst v0  }
0xf7: {  	[tilespmem:s0+$0xFFFFDF20] =	vst v0  }
0xf8: {  	[tilespmem:s0+$0xFFFFDF10] =	vst v0  }
0xf9: {  	[tilespmem:s0+$0xFFFFBF40] =	vst v0  }
0xfa: {  	[tilespmem:s0+$0xFFFFBF30] =	vst v0  }
0xfb: {  	[tilespmem:s0+$0xFFFFBF20] =	vst v0  }
0xfc: {  	[tilespmem:s0+$0xFFFFBF10] =	vst v0  }
0xfd: {  	[tilespmem:s0+$0xFFFF9F40] =	vst v0  }
0xfe: {  	[tilespmem:s0+$0xFFFF9F30] =	vst v0  }
0xff: {  	[tilespmem:s0+$0xFFFF9F20] =	vst v0  }
0x100: {  	[tilespmem:s0+$0xFFFF9F10] =	vst v0  }
0x101: {  	[tilespmem:s21+$0x0] =	vst v1  }
0x102: {  	[tilespmem:s13+$0x0] =	vst v0  }
0x103: {  	[tilespmem:s0+$0xFFFFFE80] =	vst v0  }
0x104: {  	[tilespmem:s0+$0xFFFFFE70] =	vst v0  }
0x105: {  	[tilespmem:s0+$0xFFFFFEC0] =	vst v0  }
0x106: {  	[tilespmem:s0+$0xFFFFFEB0] =	vst v0  }
0x107: {  	[tilespmem:s0+$0xFFFFFF00] =	vst v0  }
0x108: {  	[tilespmem:s0+$0xFFFFFEF0] =	vst v0  }
0x109: {  	[tilespmem:s0+$0xFFFFFEE0] =	vst v0  }
0x10a: {  	[tilespmem:s0+$0xFFFFFED0] =	vst v0  }
0x10b: {  	[tilespmem:s0+$0xFFFFDF00] =	vst v0  }
0x10c: {  	[tilespmem:s0+$0xFFFFDEF0] =	vst v0  }
0x10d: {  	[tilespmem:s0+$0xFFFFDEE0] =	vst v0  }
0x10e: {  	[tilespmem:s0+$0xFFFFDED0] =	vst v0  }
0x10f: {  	[tilespmem:s0+$0xFFFFBF00] =	vst v0  }
0x110: {  	[tilespmem:s0+$0xFFFFBEF0] =	vst v0  }
0x111: {  	[tilespmem:s0+$0xFFFFBEE0] =	vst v0  }
0x112: {  	[tilespmem:s0+$0xFFFFBED0] =	vst v0  }
0x113: {  	[tilespmem:s0+$0xFFFF9F00] =	vst v0  }
0x114: {  	[tilespmem:s0+$0xFFFF9EF0] =	vst v0  }
0x115: {  	[tilespmem:s0+$0xFFFF9EE0] =	vst v0  }
0x116: {  	[tilespmem:s0+$0xFFFF9ED0] =	vst v0  }
0x117: {  	[tilespmem:s21+$0xFFFFFFF0] =	vst v1  }
0x118: {  	[tilespmem:s13+$0xFFFFFFF0] =	vst v0  }
0x119: {  	[tilespmem:s0+$0xFFFFFEA0] =	vst v0  }
0x11a: {  	[tilespmem:s0+$0xFFFFFE90] =	vst v0  }
0x11b: {  	[tilespmem:s0+$0xFFFFDEC0] =	vst v0  }
0x11c: {  	[tilespmem:s0+$0xFFFFDEB0] =	vst v0  }
0x11d: {  	[tilespmem:s0+$0xFFFFDEA0] =	vst v0  }
0x11e: {  	[tilespmem:s0+$0xFFFFDE90] =	vst v0  }
0x11f: {  	[tilespmem:s0+$0xFFFFBEC0] =	vst v0  }
0x120: {  	[tilespmem:s0+$0xFFFFBEB0] =	vst v0  }
0x121: {  	[tilespmem:s0+$0xFFFFBEA0] =	vst v0  }
0x122: {  	[tilespmem:s0+$0xFFFFBE90] =	vst v0  }
0x123: {  	[tilespmem:s0+$0xFFFF9EC0] =	vst v0  }
0x124: {  	[tilespmem:s0+$0xFFFF9EB0] =	vst v0  }
0x125: {  	[tilespmem:s0+$0xFFFF9EA0] =	vst v0  }
0x126: {  	[tilespmem:s0+$0xFFFF9E90] =	vst v0  }
0x127: {  	[tilespmem:s21+$0xFFFFFFE0] =	vst v1  }
0x128: {  	[tilespmem:s13+$0xFFFFFFE0] =	vst v0  }
0x129: {  	[tilespmem:s0+$0xFFFFFE60] =	vst v0  }
0x12a: {  	[tilespmem:s0+$0xFFFFFE50] =	vst v0  }
0x12b: {  	[tilespmem:s0+$0xFFFFDE80] =	vst v0  }
0x12c: {  	[tilespmem:s0+$0xFFFFDE70] =	vst v0  }
0x12d: {  	[tilespmem:s0+$0xFFFFDE60] =	vst v0  }
0x12e: {  	[tilespmem:s0+$0xFFFFDE50] =	vst v0  }
0x12f: {  	[tilespmem:s0+$0xFFFFBE80] =	vst v0  }
0x130: {  	[tilespmem:s0+$0xFFFFBE70] =	vst v0  }
0x131: {  	[tilespmem:s0+$0xFFFFBE60] =	vst v0  }
0x132: {  	[tilespmem:s0+$0xFFFFBE50] =	vst v0  }
0x133: {  	[tilespmem:s0+$0xFFFF9E80] =	vst v0  }
0x134: {  	[tilespmem:s0+$0xFFFF9E70] =	vst v0  }
0x135: {  	[tilespmem:s0+$0xFFFF9E60] =	vst v0  }
0x136: {  	[tilespmem:s0+$0xFFFF9E50] =	vst v0  }
0x137: {  	[tilespmem:s21+$0xFFFFFFD0] =	vst v1  }
0x138: {  	[tilespmem:s13+$0xFFFFFFD0] =	vst v0  }
0x139: {  	[tilespmem:s0+$0xFFFFFE20] =	vst v0  }
0x13a: {  	[tilespmem:s0+$0xFFFFFE10] =	vst v0  }
0x13b: {  	[tilespmem:s0+$0xFFFFDE40] =	vst v0  }
0x13c: {  	[tilespmem:s0+$0xFFFFDE30] =	vst v0  }
0x13d: {  	[tilespmem:s0+$0xFFFFDE20] =	vst v0  }
0x13e: {  	[tilespmem:s0+$0xFFFFDE10] =	vst v0  }
0x13f: {  	[tilespmem:s0+$0xFFFFBE40] =	vst v0  }
0x140: {  	[tilespmem:s0+$0xFFFFBE30] =	vst v0  }
0x141: {  	[tilespmem:s0+$0xFFFFBE20] =	vst v0  }
.Ltmp0:
0x142: {  	[tilespmem:s0+$0xFFFFBE10] =	vst v0;
	(pc) =	sbr.rel @p1 .LBB2_2-.Ltmp0, $4  }
0x143: {  	[tilespmem:s0+$0xFFFF9E40] =	vst v0  }
0x144: {  	[tilespmem:s0+$0xFFFF9E30] =	vst v0  }
0x145: {  	[tilespmem:s0+$0xFFFF9E20] =	vst v0  }
0x146: {  	[tilespmem:s21+$0xFFFFFFC0] =	vst v1;
	s21 =	sadd.s32 $0x80, s21  }
0x147: {  	[tilespmem:s13+$0xFFFFFFC0] =	vst v0  }
0x148: {  	[spmem:s22] =	stream.linear.scatter [tilespmem:s6], [sflag:$0x5], $0x2000, $0x38;
	[tilespmem:$0x1F3A0] =	vst v63  }
0x149: {  	_ =	swait.ge [sflag:s7], $0x2000  }
0x14a: {  	[sflag:s7] =	ssyncset.done $0x0  }
0x14b: {  	[sflag:s7] =	ssyncadd.s32 $0xFFFFE000  }
0x14c: {  	[spmem:s23] =	stream.linear.scatter [tilespmem:s8], [sflag:$0x5], $0x2000, $0x38;
	[tilespmem:$0x1F3A0] =	vst v63  }
0x14d: {  	_ =	swait.ge [sflag:s7], $0x2000  }
0x14e: {  	[sflag:s7] =	ssyncset.done $0x0  }
0x14f: {  	[sflag:s7] =	ssyncadd.s32 $0xFFFFE000  }
0x150: {  	[spmem:s24] =	stream.linear.scatter [tilespmem:s9], [sflag:$0x5], $0x2000, $0x38;
	[tilespmem:$0x1F3A0] =	vst v63  }
0x151: {  	_ =	swait.ge [sflag:s7], $0x2000  }
0x152: {  	[sflag:s7] =	ssyncset.done $0x0  }
0x153: {  	[sflag:s7] =	ssyncadd.s32 $0xFFFFE000  }
0x154: {  	[spmem:s25] =	stream.linear.scatter [tilespmem:s10], [sflag:$0x5], $0x2000, $0x38;
	[tilespmem:$0x1F3A0] =	vst v63  }
0x155: {  	_ =	swait.ge [sflag:s7], $0x2000  }
0x156: {  	[sflag:s7] =	ssyncset.done $0x0  }
0x157: {  	s0 =	rddreg [dreg:$0xf];
	[sflag:s7] =	ssyncadd.s32 $0xFFFFE000  }
0x158: {  	[spmem:s0] =	stream.linear.scatter [tilespmem:s6], [sflag:$0x5], $0x1C80, $0x38;
	[tilespmem:$0x1F3A0] =	vst v63  }
0x159: {  	_ =	swait.ge [sflag:s7], $0x1C80  }
0x15a: {  	[sflag:s7] =	ssyncset.done $0x0  }
0x15b: {  	s13 =	rddreg [dreg:$0x10];
	[sflag:s7] =	ssyncadd.s32 $0xFFFFE380  }
0x15c: {  	[spmem:s13] =	stream.linear.scatter [tilespmem:s11], [sflag:$0x5], $0x800, $0x38;
	[tilespmem:$0x1F3A0] =	vst v63  }
0x15d: {  	_ =	swait.ge [sflag:s7], $0x800  }
0x15e: {  	[sflag:s7] =	ssyncset.done $0x0  }
0x15f: {  	s20 =	rddreg [dreg:$0x11];
	[sflag:s7] =	ssyncadd.s32 $0xFFFFF800  }
0x160: {  	[spmem:s20] =	stream.linear.scatter [tilespmem:s11], [sflag:$0x5], $0x800, $0x38;
	[tilespmem:$0x1F3A0] =	vst v63  }
0x161: {  	_ =	swait.ge [sflag:s7], $0x800  }
0x162: {  	[sflag:s7] =	ssyncset.done $0x0  }
0x163: {  	s21 =	rddreg [dreg:$0x12];
	[sflag:s7] =	ssyncadd.s32 $0xFFFFF800  }
0x164: {  	[spmem:s21] =	stream.linear.scatter [tilespmem:s11], [sflag:$0x5], $0x800, $0x38;
	[tilespmem:$0x1F3A0] =	vst v63  }
0x165: {  	_ =	swait.ge [sflag:s7], $0x800  }
0x166: {  	[sflag:s7] =	ssyncset.done $0x0  }
0x167: {  	s26 =	smov.u32 s22;
	s22 =	rddreg [dreg:$0x13];
	[sflag:s7] =	ssyncadd.s32 $0xFFFFF800  }
0x168: {  	[spmem:s22] =	stream.linear.scatter [tilespmem:s11], [sflag:$0x5], $0x800, $0x38;
	[tilespmem:$0x1F3A0] =	vst v63  }
0x169: {  	_ =	swait.ge [sflag:s7], $0x800  }
0x16a: {  	[sflag:s7] =	ssyncset.done $0x0  }
0x16b: {  	s28 =	smov.u32 s23;
	s23 =	rddreg [dreg:$0x14];
	[sflag:s7] =	ssyncadd.s32 $0xFFFFF800  }
0x16c: {  	[spmem:s23] =	stream.linear.scatter [tilespmem:s11], [sflag:$0x5], $0x720, $0x38;
	[tilespmem:$0x1F3A0] =	vst v63  }
0x16d: {  	_ =	swait.ge [sflag:s7], $0x720  }
0x16e: {  	[sflag:s7] =	ssyncset.done $0x0  }
0x16f: {  	[sflag:s7] =	ssyncadd.s32 $0xFFFFF8E0  }
0x170: {  	[bflag:$0x0] =	sbarrier.arrive $0xFFFF  }
0x171: {  	s29 =	smov.u32 s24;
	s13 =	simm.s32 $0x0;
	s24 =	rddreg [dreg:$0x15]  }
0x172: {  	[tilespmem:s13], [sflag:$0x5] =	stream.linear.gather [hbm4b:s24+s13], $0x800, $0x38;
	[tilespmem:$0x1F3A0] =	vst v63  }
0x173: {  	_ =	swait.ge [sflag:s7], $0x800  }
0x174: {  	s30 =	smov.u32 s25;
	[sflag:s7] =	ssyncset.done $0x0  }
0x175: {  	s20 =	simm.s32 $0x1000;
	s25 =	rddreg [dreg:$0x16];
	[sflag:s7] =	ssyncadd.s32 $0xFFFFF800  }
0x176: {  	[tilespmem:s20], [sflag:$0x5] =	stream.linear.gather [hbm4b:s25+s13], $0x800, $0x38;
	[tilespmem:$0x1F3A0] =	vst v63  }
0x177: {  	_ =	swait.ge [sflag:s7], $0x800  }
0x178: {  	[sflag:s7] =	ssyncset.done $0x0  }
0x179: {  	s20 =	simm.s32 $0x2000;
	[sflag:s7] =	ssyncadd.s32 $0xFFFFF800  }
0x17a: {  	[tilespmem:s20], [sflag:$0x1] =	stream.indirect.gather [hbm4b:s4+s12], $0x20, s13, s12, $0xb8;
	[tilespmem:$0x1F3A0] =	vst v63  }
0x17b: {  	s21 =	simm.s32 $0x3000  }
0x17c: {  	[tilespmem:s21], [sflag:$0x1] =	stream.indirect.gather [hbm4b:s4+s12], $0x20, s12, s12, $0xb8;
	[tilespmem:$0x1F3A0] =	vst v63  }
0x17d: {  	s22 =	simm.s32 $0x100;
	s23 =	simm.s32 $0x4000  }
0x17e: {  	[tilespmem:s23], [sflag:$0x1] =	stream.indirect.gather [hbm4b:s4+s12], $0x20, s22, s12, $0xb8;
	[tilespmem:$0x1F3A0] =	vst v63  }
0x17f: {  	p1 =	por $0x0, $0x0;
	s24 =	simm.s32 $0x180;
	s25 =	simm.s32 $0x5000  }
0x180: {  	[tilespmem:s25], [sflag:$0x1] =	stream.indirect.gather [hbm4b:s4+s12], $0x20, s24, s12, $0xb8;
	[tilespmem:$0x1F3A0] =	vst v63  }
.LBB2_4:
0x181: {  	s20 =	sand.u32 $0x3, s13;
	p2 =	seq.s32 s13, $0x27  }
0x182: {  	p3 =	sne.s32 @!p2 s20, $0x3  }
0x183: {  	p3 =	por p3, p2  }
0x184: {  	s21 =	simm.s32 @!p3 $0x4  }
0x185: {  	_ =	swait.ge @!p3 [sflag:s21], $0x800  }
0x186: {  	[sflag:s21] =	ssyncset.done @!p3 $0x0  }
0x187: {  	[sflag:s21] =	ssyncadd.s32 @!p3 $0xFFFFF800  }
0x188: {  	s0 =	sadd.s32 $0x1, s13;
	_ =	swait.ge @!p3 [sflag:s21], $0x800  }
0x189: {  	s22 =	sshll.u32 @!p2 s0, $0xE;
	[sflag:s21] =	ssyncset.done @!p3 $0x0  }
0x18a: {  	[sflag:s21] =	ssyncadd.s32 @!p3 $0xFFFFF800;
	s21 =	sand.u32 @!p2 $0x4000, s22;
	s22 =	sshll.u32 @!p2 s0, $0x9  }
0x18b: {  	s24 =	simm.s32 @!p2 $0x80;
	s23 =	sor.u32 @!p2 $0x2000, s21;
	s22 =	sand.u32 @!p2 $0xE00, s22  }
0x18c: {  	[tilespmem:s23], [sflag:$0x1] =	stream.indirect.gather @!p2 [hbm4b:s4+s24], $0x20, s22, s24, $0xb8;
	[tilespmem:$0x1F3A0] =	vst v63  }
0x18d: {  	s23 =	sor.u32 @!p2 $0x3000, s21;
	s25 =	sor.u32 @!p2 $0x80, s22  }
0x18e: {  	[tilespmem:s23], [sflag:$0x1] =	stream.indirect.gather @!p2 [hbm4b:s4+s24], $0x20, s25, s24, $0xb8;
	[tilespmem:$0x1F3A0] =	vst v63  }
0x18f: {  	s23 =	sadd.s32 @!p2 $0x4000, s21;
	s25 =	sor.u32 @!p2 $0x100, s22  }
0x190: {  	[tilespmem:s23], [sflag:$0x1] =	stream.indirect.gather @!p2 [hbm4b:s4+s24], $0x20, s25, s24, $0xb8;
	[tilespmem:$0x1F3A0] =	vst v63  }
0x191: {  	s21 =	sadd.s32 @!p2 $0x5000, s21;
	s22 =	sor.u32 @!p2 $0x180, s22  }
0x192: {  	[tilespmem:s21], [sflag:$0x1] =	stream.indirect.gather @!p2 [hbm4b:s4+s24], $0x20, s22, s24, $0xb8;
	[tilespmem:$0x1F3A0] =	vst v63  }
0x193: {  	_ =	swait.ge [sflag:s16], $0x1000  }
0x194: {  	[sflag:s16] =	ssyncset.done $0x0  }
0x195: {  	[sflag:s16] =	ssyncadd.s32 $0xFFFFF000  }
0x196: {  	_ =	swait.ge [sflag:s16], $0x1000  }
0x197: {  	[sflag:s16] =	ssyncset.done $0x0  }
0x198: {  	[sflag:s16] =	ssyncadd.s32 $0xFFFFF000  }
0x199: {  	_ =	swait.ge [sflag:s16], $0x1000  }
0x19a: {  	[sflag:s16] =	ssyncset.done $0x0  }
0x19b: {  	[sflag:s16] =	ssyncadd.s32 $0xFFFFF000  }
0x19c: {  	_ =	swait.ge [sflag:s16], $0x1000  }
0x19d: {  	p2 =	seq.s32 s13, $0x0;
	[sflag:s16] =	ssyncset.done $0x0  }
0x19e: {  	s21 =	simm.s32 @!p2 $0x2;
	[sflag:s16] =	ssyncadd.s32 $0xFFFFF000  }
0x19f: {  	_ =	swait.ge @!p2 [sflag:s21], $0x2000  }
0x1a0: {  	[sflag:s21] =	ssyncset.done @!p2 $0x0  }
0x1a1: {  	[sflag:s21] =	ssyncadd.s32 @!p2 $0xFFFFE000  }
0x1a2: {  	_ =	swait.ge @!p2 [sflag:s21], $0x2000  }
0x1a3: {  	[sflag:s21] =	ssyncset.done @!p2 $0x0  }
0x1a4: {  	[sflag:s21] =	ssyncadd.s32 @!p2 $0xFFFFE000  }
0x1a5: {  	_ =	swait.ge @!p2 [sflag:s21], $0x2000  }
0x1a6: {  	s22 =	sxor.u32 @!p2 s1, s13;
	[sflag:s21] =	ssyncset.done @!p2 $0x0  }
0x1a7: {  	s22 =	sand.u32 @!p2 $0x1, s22;
	[sflag:s21] =	ssyncadd.s32 @!p2 $0xFFFFE000  }
0x1a8: {  	p3 =	seq.s32 @!p2 s22, $0x0;
	_ =	swait.ge @!p2 [sflag:s21], $0x2000  }
0x1a9: {  	p3 =	por p3, p2;
	[sflag:s21] =	ssyncset.done @!p2 $0x0  }
0x1aa: {  	[sflag:s21] =	ssyncadd.s32 @!p2 $0xFFFFE000;
	s21 =	simm.s32 @!p3 $0x3  }
0x1ab: {  	_ =	swait.ge @!p3 [sflag:s21], $0x800  }
0x1ac: {  	[sflag:s21] =	ssyncset.done @!p3 $0x0  }
0x1ad: {  	[sflag:s21] =	ssyncadd.s32 @!p3 $0xFFFFF800  }
0x1ae: {  	_ =	swait.ge @!p3 [sflag:s21], $0x800  }
0x1af: {  	[sflag:s21] =	ssyncset.done @!p3 $0x0  }
0x1b0: {  	[sflag:s21] =	ssyncadd.s32 @!p3 $0xFFFFF800  }
0x1b1: {  	_ =	swait.ge @!p3 [sflag:s21], $0x800  }
0x1b2: {  	[sflag:s21] =	ssyncset.done @!p3 $0x0  }
0x1b3: {  	s22 =	simm.s32 $0x1;
	[sflag:s21] =	ssyncadd.s32 @!p3 $0xFFFFF800  }
0x1b4: {  	s22 =	simm.s32 @!p1 $0x0;
	_ =	swait.ge @!p3 [sflag:s21], $0x800  }
0x1b5: {  	s22 =	sshll.u32 s22, $0xE;
	[sflag:s21] =	ssyncset.done @!p3 $0x0  }
0x1b6: {  	s25 =	sadd.s32 $0x4000, s22;
	[sflag:s21] =	ssyncadd.s32 @!p3 $0xFFFFF800  }
0x1b7: {  	v2 =	vld [tilespmem:s25+$0xFFFFE0E0];
	_ =	sdelay $0x1  }
0x1b8: {  	v3 =	vld [tilespmem:s25+$0xFFFFE020];
	_ =	sdelay $0x1  }
0x1b9: {  	v4 =	vld [tilespmem:s25+$0xFFFFE040]  }
0x1ba: {  	s21 =	simm.s32 $0x101F0;
	v5 =	vunpack.i.l.bf16.f32 v2  }
0x1bb: {  	v6 =	vld [tilespmem:s25+$0xFFFFE060];
	v2 =	vunpack.i.u.bf16.f32 v2;
	[tilespmem:s21+$0xFFFF9FD0] =	vst v5  }
0x1bc: {  	v7 =	vld [tilespmem:s25+$0xFFFFE000];
	v5 =	vunpack.i.l.bf16.f32 v3;
	[tilespmem:s21+$0xFFFF9FE0] =	vst v2  }
0x1bd: {  	v2 =	vunpack.i.u.bf16.f32 v3;
	[tilespmem:s21+$0xFFFF9E50] =	vst v5;
	v3 =	vld [tilespmem:s25+$0xFFFFE0F0]  }
0x1be: {  	v5 =	vunpack.i.l.bf16.f32 v4;
	[tilespmem:s21+$0xFFFF9E60] =	vst v2  }
0x1bf: {  	v2 =	vunpack.i.u.bf16.f32 v4;
	[tilespmem:s21+$0xFFFF9E90] =	vst v5  }
0x1c0: {  	v4 =	vunpack.i.l.bf16.f32 v6;
	[tilespmem:s21+$0xFFFF9EA0] =	vst v2  }
0x1c1: {  	v2 =	vld [tilespmem:s25+$0xFFFFE080];
	v5 =	vunpack.i.l.bf16.f32 v7;
	[tilespmem:s21+$0xFFFF9ED0] =	vst v4  }
0x1c2: {  	[tilespmem:s21+$0xFFFF9E10] =	vst v5;
	v4 =	vunpack.i.l.bf16.f32 v3  }
0x1c3: {  	v5 =	vld [tilespmem:s25+$0xFFFFE0A0];
	v3 =	vunpack.i.u.bf16.f32 v3;
	[tilespmem:s21+$0xFFFF9FF0] =	vst v4  }
0x1c4: {  	v4 =	vunpack.i.u.bf16.f32 v7;
	[tilespmem:s21+$0xFFFFA000] =	vst v3  }
0x1c5: {  	v3 =	vunpack.i.u.bf16.f32 v6;
	[tilespmem:s21+$0xFFFF9E20] =	vst v4;
	v4 =	vld [tilespmem:s25+$0xFFFFF0E0]  }
0x1c6: {  	v6 =	vunpack.i.l.bf16.f32 v2;
	[tilespmem:s21+$0xFFFF9EE0] =	vst v3  }
0x1c7: {  	v2 =	vunpack.i.u.bf16.f32 v2;
	v3 =	vld [tilespmem:s25+$0xFFFFE0C0];
	[tilespmem:s21+$0xFFFF9F10] =	vst v6  }
0x1c8: {  	v6 =	vunpack.i.l.bf16.f32 v5;
	[tilespmem:s21+$0xFFFF9F20] =	vst v2  }
0x1c9: {  	v2 =	vunpack.i.u.bf16.f32 v5;
	v5 =	vld [tilespmem:s25+$0xFFFFE010];
	[tilespmem:s21+$0xFFFF9F50] =	vst v6  }
0x1ca: {  	[tilespmem:s21+$0xFFFF9F60] =	vst v2;
	v2 =	vunpack.i.l.bf16.f32 v4  }
0x1cb: {  	v6 =	vld [tilespmem:s25+$0xFFFFE030];
	v4 =	vunpack.i.u.bf16.f32 v4;
	[tilespmem:s21+$0xFFFFBFD0] =	vst v2  }
0x1cc: {  	v2 =	vunpack.i.l.bf16.f32 v3;
	[tilespmem:s21+$0xFFFFBFE0] =	vst v4  }
0x1cd: {  	v3 =	vunpack.i.u.bf16.f32 v3;
	[tilespmem:s21+$0xFFFF9F90] =	vst v2;
	v2 =	vld [tilespmem:s25+$0xFFFFF0F0]  }
0x1ce: {  	v4 =	vunpack.i.l.bf16.f32 v5;
	[tilespmem:s21+$0xFFFF9FA0] =	vst v3  }
0x1cf: {  	v5 =	vunpack.i.u.bf16.f32 v5;
	v3 =	vld [tilespmem:s25+$0xFFFFE050];
	[tilespmem:s21+$0xFFFF9E30] =	vst v4  }
0x1d0: {  	v4 =	vunpack.i.l.bf16.f32 v6;
	[tilespmem:s21+$0xFFFF9E40] =	vst v5  }
0x1d1: {  	v5 =	vunpack.i.u.bf16.f32 v6;
	v6 =	vld [tilespmem:s25+$0xFFFFE070];
	[tilespmem:s21+$0xFFFF9E70] =	vst v4  }
0x1d2: {  	[tilespmem:s21+$0xFFFF9E80] =	vst v5;
	v4 =	vunpack.i.l.bf16.f32 v2  }
0x1d3: {  	v5 =	vld [tilespmem:s25+$0xFFFFE090];
	v2 =	vunpack.i.u.bf16.f32 v2;
	[tilespmem:s21+$0xFFFFBFF0] =	vst v4  }
0x1d4: {  	v4 =	vunpack.i.l.bf16.f32 v3;
	[tilespmem:s21+$0xFFFFC000] =	vst v2  }
0x1d5: {  	v2 =	vunpack.i.u.bf16.f32 v3;
	[tilespmem:s21+$0xFFFF9EB0] =	vst v4;
	v3 =	vld [tilespmem:s25+$0xE0]  }
0x1d6: {  	v4 =	vunpack.i.l.bf16.f32 v6;
	[tilespmem:s21+$0xFFFF9EC0] =	vst v2  }
0x1d7: {  	v2 =	vld [tilespmem:s25+$0xFFFFE0B0];
	v6 =	vunpack.i.u.bf16.f32 v6;
	[tilespmem:s21+$0xFFFF9EF0] =	vst v4  }
0x1d8: {  	v4 =	vunpack.i.l.bf16.f32 v5;
	[tilespmem:s21+$0xFFFF9F00] =	vst v6  }
0x1d9: {  	v5 =	vunpack.i.u.bf16.f32 v5;
	v6 =	vld [tilespmem:s25+$0xFFFFE0D0];
	[tilespmem:s21+$0xFFFF9F30] =	vst v4  }
0x1da: {  	[tilespmem:s21+$0xFFFF9F40] =	vst v5;
	v4 =	vunpack.i.l.bf16.f32 v3  }
0x1db: {  	v5 =	vld [tilespmem:s25+$0xFFFFF000];
	v3 =	vunpack.i.u.bf16.f32 v3;
	[tilespmem:s21+$0xFFFFDFD0] =	vst v4  }
0x1dc: {  	v4 =	vunpack.i.l.bf16.f32 v2;
	[tilespmem:s21+$0xFFFFDFE0] =	vst v3  }
0x1dd: {  	v2 =	vunpack.i.u.bf16.f32 v2;
	[tilespmem:s21+$0xFFFF9F70] =	vst v4;
	v3 =	vld [tilespmem:s25+$0xF0]  }
0x1de: {  	v4 =	vunpack.i.l.bf16.f32 v6;
	[tilespmem:s21+$0xFFFF9F80] =	vst v2  }
0x1df: {  	v2 =	vld [tilespmem:s25+$0xFFFFF020];
	v6 =	vunpack.i.u.bf16.f32 v6;
	[tilespmem:s21+$0xFFFF9FB0] =	vst v4  }
0x1e0: {  	v4 =	vunpack.i.l.bf16.f32 v5;
	[tilespmem:s21+$0xFFFF9FC0] =	vst v6  }
0x1e1: {  	v5 =	vunpack.i.u.bf16.f32 v5;
	v6 =	vld [tilespmem:s25+$0xFFFFF040];
	[tilespmem:s21+$0xFFFFBE10] =	vst v4  }
0x1e2: {  	[tilespmem:s21+$0xFFFFBE20] =	vst v5;
	v4 =	vunpack.i.l.bf16.f32 v3  }
0x1e3: {  	v5 =	vld [tilespmem:s25+$0xFFFFF060];
	v3 =	vunpack.i.u.bf16.f32 v3;
	[tilespmem:s21+$0xFFFFDFF0] =	vst v4  }
0x1e4: {  	v4 =	vunpack.i.l.bf16.f32 v2;
	[tilespmem:s21+$0xFFFFE000] =	vst v3  }
0x1e5: {  	v2 =	vunpack.i.u.bf16.f32 v2;
	[tilespmem:s21+$0xFFFFBE50] =	vst v4;
	v3 =	vld [tilespmem:s25+$0x10E0]  }
0x1e6: {  	v4 =	vunpack.i.l.bf16.f32 v6;
	[tilespmem:s21+$0xFFFFBE60] =	vst v2  }
0x1e7: {  	v2 =	vld [tilespmem:s25+$0xFFFFF080];
	v6 =	vunpack.i.u.bf16.f32 v6;
	[tilespmem:s21+$0xFFFFBE90] =	vst v4  }
0x1e8: {  	v4 =	vunpack.i.l.bf16.f32 v5;
	[tilespmem:s21+$0xFFFFBEA0] =	vst v6  }
0x1e9: {  	v5 =	vunpack.i.u.bf16.f32 v5;
	v6 =	vld [tilespmem:s25+$0xFFFFF0A0];
	[tilespmem:s21+$0xFFFFBED0] =	vst v4  }
0x1ea: {  	[tilespmem:s21+$0xFFFFBEE0] =	vst v5;
	v4 =	vunpack.i.l.bf16.f32 v3  }
0x1eb: {  	v5 =	vld [tilespmem:s25+$0xFFFFF0C0];
	v3 =	vunpack.i.u.bf16.f32 v3;
	[tilespmem:s21+$0xFFFFFFD0] =	vst v4  }
0x1ec: {  	v4 =	vunpack.i.l.bf16.f32 v2;
	[tilespmem:s21+$0xFFFFFFE0] =	vst v3  }
0x1ed: {  	v3 =	vunpack.i.u.bf16.f32 v2;
	[tilespmem:s21+$0xFFFFBF10] =	vst v4;
	v2 =	vld [tilespmem:s25+$0x10F0]  }
0x1ee: {  	v7 =	vunpack.i.l.bf16.f32 v6;
	v4 =	vld [tilespmem:s25+$0xFFFFF010];
	[tilespmem:s21+$0xFFFFBF20] =	vst v3  }
0x1ef: {  	v3 =	vunpack.i.u.bf16.f32 v6;
	[tilespmem:s21+$0xFFFFBF50] =	vst v7  }
0x1f0: {  	v6 =	vunpack.i.l.bf16.f32 v5;
	v7 =	vld [tilespmem:s25+$0xFFFFF030];
	[tilespmem:s21+$0xFFFFBF60] =	vst v3  }
0x1f1: {  	v3 =	vunpack.i.u.bf16.f32 v5;
	[tilespmem:s21+$0xFFFFBF90] =	vst v6  }
0x1f2: {  	v5 =	vld [tilespmem:s25+$0xFFFFF050];
	[tilespmem:s21+$0xFFFFBFA0] =	vst v3;
	v3 =	vunpack.i.u.bf16.f32 v2  }
0x1f3: {  	v6 =	vunpack.i.l.bf16.f32 v4;
	[tilespmem:s21+$0x0] =	vst v3  }
0x1f4: {  	v3 =	vunpack.i.u.bf16.f32 v4;
	v4 =	vld [tilespmem:s25+$0xFFFFF070];
	[tilespmem:s21+$0xFFFFBE30] =	vst v6  }
0x1f5: {  	v6 =	vunpack.i.l.bf16.f32 v7;
	[tilespmem:s21+$0xFFFFBE40] =	vst v3  }
0x1f6: {  	v3 =	vunpack.i.u.bf16.f32 v7;
	v7 =	vld [tilespmem:s25+$0xFFFFF090];
	[tilespmem:s21+$0xFFFFBE70] =	vst v6  }
0x1f7: {  	v6 =	vunpack.i.l.bf16.f32 v5;
	[tilespmem:s21+$0xFFFFBE80] =	vst v3  }
0x1f8: {  	v3 =	vunpack.i.u.bf16.f32 v5;
	v5 =	vld [tilespmem:s25+$0xFFFFF0B0];
	[tilespmem:s21+$0xFFFFBEB0] =	vst v6  }
0x1f9: {  	[tilespmem:s21+$0xFFFFBEC0] =	vst v3;
	v6 =	vunpack.i.l.bf16.f32 v4  }
0x1fa: {  	v3 =	vunpack.i.u.bf16.f32 v4;
	v4 =	vld [tilespmem:s25+$0xFFFFF0D0];
	[tilespmem:s21+$0xFFFFBEF0] =	vst v6  }
0x1fb: {  	v6 =	vunpack.i.l.bf16.f32 v7;
	[tilespmem:s21+$0xFFFFBF00] =	vst v3  }
0x1fc: {  	v3 =	vunpack.i.u.bf16.f32 v7;
	v7 =	vld [tilespmem:s25+$0x0];
	[tilespmem:s21+$0xFFFFBF30] =	vst v6  }
0x1fd: {  	v6 =	vunpack.i.l.bf16.f32 v5;
	[tilespmem:s21+$0xFFFFBF40] =	vst v3  }
0x1fe: {  	v3 =	vunpack.i.u.bf16.f32 v5;
	v5 =	vld [tilespmem:s25+$0x20];
	[tilespmem:s21+$0xFFFFBF70] =	vst v6  }
0x1ff: {  	[tilespmem:s21+$0xFFFFBF80] =	vst v3;
	v6 =	vunpack.i.l.bf16.f32 v4  }
0x200: {  	v3 =	vunpack.i.u.bf16.f32 v4;
	v4 =	vld [tilespmem:s25+$0x40];
	[tilespmem:s21+$0xFFFFBFB0] =	vst v6  }
0x201: {  	v6 =	vunpack.i.l.bf16.f32 v7;
	[tilespmem:s21+$0xFFFFBFC0] =	vst v3  }
0x202: {  	v3 =	vunpack.i.u.bf16.f32 v7;
	v7 =	vld [tilespmem:s25+$0x60];
	[tilespmem:s21+$0xFFFFDE10] =	vst v6  }
0x203: {  	v6 =	vunpack.i.l.bf16.f32 v5;
	[tilespmem:s21+$0xFFFFDE20] =	vst v3  }
0x204: {  	v3 =	vunpack.i.u.bf16.f32 v5;
	v5 =	vld [tilespmem:s25+$0x80];
	[tilespmem:s21+$0xFFFFDE50] =	vst v6  }
0x205: {  	[tilespmem:s21+$0xFFFFDE60] =	vst v3;
	v6 =	vunpack.i.l.bf16.f32 v4  }
0x206: {  	v3 =	vunpack.i.u.bf16.f32 v4;
	v4 =	vld [tilespmem:s25+$0xA0];
	[tilespmem:s21+$0xFFFFDE90] =	vst v6  }
0x207: {  	v6 =	vunpack.i.l.bf16.f32 v7;
	[tilespmem:s21+$0xFFFFDEA0] =	vst v3  }
0x208: {  	v3 =	vunpack.i.u.bf16.f32 v7;
	v7 =	vld [tilespmem:s25+$0xC0];
	[tilespmem:s21+$0xFFFFDED0] =	vst v6  }
0x209: {  	v6 =	vunpack.i.l.bf16.f32 v5;
	[tilespmem:s21+$0xFFFFDEE0] =	vst v3  }
0x20a: {  	v3 =	vunpack.i.u.bf16.f32 v5;
	v5 =	vld [tilespmem:s25+$0x10];
	[tilespmem:s21+$0xFFFFDF10] =	vst v6  }
0x20b: {  	[tilespmem:s21+$0xFFFFDF20] =	vst v3;
	v6 =	vunpack.i.l.bf16.f32 v4  }
0x20c: {  	v3 =	vunpack.i.u.bf16.f32 v4;
	v4 =	vld [tilespmem:s25+$0x30];
	[tilespmem:s21+$0xFFFFDF50] =	vst v6  }
0x20d: {  	v6 =	vunpack.i.l.bf16.f32 v7;
	[tilespmem:s21+$0xFFFFDF60] =	vst v3  }
0x20e: {  	v3 =	vunpack.i.u.bf16.f32 v7;
	v7 =	vld [tilespmem:s25+$0x50];
	[tilespmem:s21+$0xFFFFDF90] =	vst v6  }
0x20f: {  	v6 =	vunpack.i.l.bf16.f32 v5;
	[tilespmem:s21+$0xFFFFDFA0] =	vst v3  }
0x210: {  	v3 =	vunpack.i.u.bf16.f32 v5;
	v5 =	vld [tilespmem:s25+$0x70];
	[tilespmem:s21+$0xFFFFDE30] =	vst v6  }
0x211: {  	[tilespmem:s21+$0xFFFFDE40] =	vst v3;
	v6 =	vunpack.i.l.bf16.f32 v4  }
0x212: {  	v3 =	vunpack.i.u.bf16.f32 v4;
	v4 =	vld [tilespmem:s25+$0x90];
	[tilespmem:s21+$0xFFFFDE70] =	vst v6  }
0x213: {  	v6 =	vunpack.i.l.bf16.f32 v7;
	[tilespmem:s21+$0xFFFFDE80] =	vst v3  }
0x214: {  	v3 =	vunpack.i.u.bf16.f32 v7;
	v7 =	vld [tilespmem:s25+$0xB0];
	[tilespmem:s21+$0xFFFFDEB0] =	vst v6  }
0x215: {  	v6 =	vunpack.i.l.bf16.f32 v5;
	[tilespmem:s21+$0xFFFFDEC0] =	vst v3  }
0x216: {  	v3 =	vunpack.i.u.bf16.f32 v5;
	v5 =	vld [tilespmem:s25+$0xD0];
	[tilespmem:s21+$0xFFFFDEF0] =	vst v6  }
0x217: {  	[tilespmem:s21+$0xFFFFDF00] =	vst v3;
	v6 =	vunpack.i.l.bf16.f32 v4  }
0x218: {  	v3 =	vunpack.i.u.bf16.f32 v4;
	v4 =	vld [tilespmem:s25+$0x1000];
	[tilespmem:s21+$0xFFFFDF30] =	vst v6  }
0x219: {  	v6 =	vunpack.i.l.bf16.f32 v7;
	[tilespmem:s21+$0xFFFFDF40] =	vst v3  }
0x21a: {  	v3 =	vunpack.i.u.bf16.f32 v7;
	v7 =	vld [tilespmem:s25+$0x1020];
	[tilespmem:s21+$0xFFFFDF70] =	vst v6  }
0x21b: {  	v6 =	vunpack.i.l.bf16.f32 v5;
	[tilespmem:s21+$0xFFFFDF80] =	vst v3  }
0x21c: {  	v3 =	vunpack.i.u.bf16.f32 v5;
	v5 =	vld [tilespmem:s25+$0x1040];
	[tilespmem:s21+$0xFFFFDFB0] =	vst v6  }
0x21d: {  	[tilespmem:s21+$0xFFFFDFC0] =	vst v3;
	v6 =	vunpack.i.l.bf16.f32 v4  }
0x21e: {  	v3 =	vunpack.i.u.bf16.f32 v4;
	v4 =	vld [tilespmem:s25+$0x1060];
	[tilespmem:s21+$0xFFFFFE10] =	vst v6  }
0x21f: {  	v6 =	vunpack.i.l.bf16.f32 v7;
	[tilespmem:s21+$0xFFFFFE20] =	vst v3  }
0x220: {  	v3 =	vunpack.i.u.bf16.f32 v7;
	v7 =	vld [tilespmem:s25+$0x1080];
	[tilespmem:s21+$0xFFFFFE50] =	vst v6  }
0x221: {  	v6 =	vunpack.i.l.bf16.f32 v5;
	[tilespmem:s21+$0xFFFFFE60] =	vst v3  }
0x222: {  	v3 =	vunpack.i.u.bf16.f32 v5;
	v5 =	vld [tilespmem:s25+$0x10A0];
	[tilespmem:s21+$0xFFFFFE90] =	vst v6  }
0x223: {  	[tilespmem:s21+$0xFFFFFEA0] =	vst v3;
	v6 =	vunpack.i.l.bf16.f32 v4  }
0x224: {  	v3 =	vunpack.i.u.bf16.f32 v4;
	v4 =	vld [tilespmem:s25+$0x10C0];
	[tilespmem:s21+$0xFFFFFED0] =	vst v6  }
0x225: {  	v6 =	vunpack.i.l.bf16.f32 v7;
	[tilespmem:s21+$0xFFFFFEE0] =	vst v3  }
0x226: {  	v3 =	vunpack.i.u.bf16.f32 v7;
	v7 =	vld [tilespmem:s25+$0x1010];
	[tilespmem:s21+$0xFFFFFF10] =	vst v6  }
0x227: {  	v6 =	vunpack.i.l.bf16.f32 v5;
	[tilespmem:s21+$0xFFFFFF20] =	vst v3  }
0x228: {  	v3 =	vunpack.i.u.bf16.f32 v5;
	v5 =	vld [tilespmem:s25+$0x1030];
	[tilespmem:s21+$0xFFFFFF50] =	vst v6  }
0x229: {  	[tilespmem:s21+$0xFFFFFF60] =	vst v3;
	v6 =	vunpack.i.l.bf16.f32 v4  }
0x22a: {  	v3 =	vunpack.i.u.bf16.f32 v4;
	v4 =	vld [tilespmem:s25+$0x1050];
	[tilespmem:s21+$0xFFFFFF90] =	vst v6  }
0x22b: {  	v6 =	vunpack.i.l.bf16.f32 v7;
	[tilespmem:s21+$0xFFFFFFA0] =	vst v3  }
0x22c: {  	v3 =	vunpack.i.u.bf16.f32 v7;
	v7 =	vld [tilespmem:s25+$0x1070];
	[tilespmem:s21+$0xFFFFFE30] =	vst v6  }
0x22d: {  	v8 =	vld [tilespmem:s25+$0x1090];
	v6 =	vunpack.i.l.bf16.f32 v5;
	[tilespmem:s21+$0xFFFFFE40] =	vst v3  }
0x22e: {  	v9 =	vld [tilespmem:s25+$0x10B0];
	v3 =	vunpack.i.u.bf16.f32 v5;
	[tilespmem:s21+$0xFFFFFE70] =	vst v6  }
0x22f: {  	v6 =	vld [tilespmem:s25+$0x10D0];
	[tilespmem:s21+$0xFFFFFE80] =	vst v3;
	v5 =	vunpack.i.l.bf16.f32 v4  }
0x230: {  	v3 =	vunpack.i.u.bf16.f32 v4;
	[tilespmem:s21+$0xFFFFFEB0] =	vst v5  }
0x231: {  	v4 =	vunpack.i.l.bf16.f32 v7;
	[tilespmem:s21+$0xFFFFFEC0] =	vst v3  }
0x232: {  	v2 =	vunpack.i.l.bf16.f32 v2;
	v7 =	vunpack.i.u.bf16.f32 v7;
	[tilespmem:s21+$0xFFFFFEF0] =	vst v4  }
0x233: {  	v5 =	vunpack.i.u.bf16.f32 v8;
	v8 =	vunpack.i.l.bf16.f32 v8;
	v3 =	vunpack.i.u.bf16.f32 v9;
	[tilespmem:s21+$0xFFFFFF00] =	vst v7  }
0x234: {  	s23 =	simm.s32 $0x0;
	s22 =	sand.u32 $0x1, s13;
	s24 =	sadd.s32 $0x100, s25;
	v7 =	vunpack.i.l.bf16.f32 v9;
	[tilespmem:s21+$0xFFFFFF30] =	vst v8;
	v4 =	vunpack.i.u.bf16.f32 v6;
	v6 =	vunpack.i.l.bf16.f32 v6  }
.LBB2_5:
0x235: {  	v8 =	vld [tilespmem:s24+$0xFFFFE0E0];
	[tilespmem:s21+$0xFFFFFF40] =	vst v5  }
0x236: {  	v5 =	vld [tilespmem:s24+$0xFFFFE020];
	[tilespmem:s21+$0xFFFFFF70] =	vst v7  }
0x237: {  	v7 =	vld [tilespmem:s24+$0xFFFFE040];
	[tilespmem:s21+$0xFFFFFF80] =	vst v3  }
0x238: {  	v3 =	vld [tilespmem:s24+$0xFFFFE060];
	[tilespmem:s21+$0xFFFFFFB0] =	vst v6  }
0x239: {  	v6 =	vld [tilespmem:s24+$0xFFFFE080];
	[tilespmem:s21+$0xFFFFFFC0] =	vst v4  }
0x23a: {  	v4 =	vld [tilespmem:s24+$0xFFFFE0A0];
	v9 =	vunpack.i.l.bf16.f32 v8;
	[tilespmem:s21+$0xFFFFFFF0] =	vst v2;
	s21 =	sadd.s32 $0x200, s21  }
0x23b: {  	v8 =	vunpack.i.u.bf16.f32 v8;
	v2 =	vunpack.i.u.bf16.f32 v5;
	v5 =	vunpack.i.l.bf16.f32 v5;
	v10 =	vld [tilespmem:s24+$0xFFFFE0C0];
	[tilespmem:s21+$0xFFFF9FD0] =	vst v9  }
0x23c: {  	s23 =	sadd.s32 $0x8, s23;
	v9 =	vld [tilespmem:s24+$0xFFFFE000];
	v11 =	vunpack.i.u.bf16.f32 v7;
	v7 =	vunpack.i.l.bf16.f32 v7;
	[tilespmem:s21+$0xFFFF9FE0] =	vst v8  }
0x23d: {  	p2 =	slt.u32 s23, $0x78;
	[tilespmem:s21+$0xFFFF9E50] =	vst v5;
	v5 =	vunpack.i.u.bf16.f32 v3;
	v3 =	vunpack.i.l.bf16.f32 v3;
	v8 =	vld [tilespmem:s24+$0xFFFFE0F0]  }
0x23e: {  	[tilespmem:s21+$0xFFFF9E60] =	vst v2;
	v2 =	vunpack.i.u.bf16.f32 v6;
	v6 =	vunpack.i.l.bf16.f32 v6  }
0x23f: {  	v12 =	vld [tilespmem:s24+$0xFFFFE030];
	[tilespmem:s21+$0xFFFF9E90] =	vst v7;
	v7 =	vunpack.i.u.bf16.f32 v4;
	v4 =	vunpack.i.l.bf16.f32 v4  }
0x240: {  	[tilespmem:s21+$0xFFFF9EA0] =	vst v11;
	v11 =	vunpack.i.u.bf16.f32 v10;
	v10 =	vunpack.i.l.bf16.f32 v10  }
0x241: {  	v13 =	vunpack.i.u.bf16.f32 v9;
	v9 =	vunpack.i.l.bf16.f32 v9;
	v14 =	vld [tilespmem:s24+$0xFFFFE050];
	[tilespmem:s21+$0xFFFF9ED0] =	vst v3  }
0x242: {  	[tilespmem:s21+$0xFFFF9E10] =	vst v9;
	v3 =	vunpack.i.l.bf16.f32 v8  }
0x243: {  	v8 =	vunpack.i.u.bf16.f32 v8;
	[tilespmem:s21+$0xFFFF9FF0] =	vst v3  }
0x244: {  	v3 =	vunpack.i.u.bf16.f32 v12;
	v9 =	vunpack.i.l.bf16.f32 v12;
	[tilespmem:s21+$0xFFFFA000] =	vst v8  }
0x245: {  	[tilespmem:s21+$0xFFFF9E20] =	vst v13;
	v8 =	vld [tilespmem:s24+$0xFFFFF0E0]  }
0x246: {  	v12 =	vld [tilespmem:s24+$0xFFFFE010];
	v13 =	vunpack.i.u.bf16.f32 v14;
	v14 =	vunpack.i.l.bf16.f32 v14;
	[tilespmem:s21+$0xFFFF9EE0] =	vst v5  }
0x247: {  	v5 =	vld [tilespmem:s24+$0xFFFFE070];
	[tilespmem:s21+$0xFFFF9F10] =	vst v6  }
0x248: {  	[tilespmem:s21+$0xFFFF9F20] =	vst v2  }
0x249: {  	v2 =	vld [tilespmem:s24+$0xFFFFE090];
	[tilespmem:s21+$0xFFFF9F50] =	vst v4  }
0x24a: {  	[tilespmem:s21+$0xFFFF9F60] =	vst v7;
	v4 =	vunpack.i.l.bf16.f32 v8  }
0x24b: {  	v8 =	vunpack.i.u.bf16.f32 v8;
	v6 =	vunpack.i.u.bf16.f32 v12;
	v7 =	vunpack.i.l.bf16.f32 v12;
	v12 =	vld [tilespmem:s24+$0xFFFFE0B0];
	[tilespmem:s21+$0xFFFFBFD0] =	vst v4  }
0x24c: {  	v4 =	vunpack.i.u.bf16.f32 v5;
	v5 =	vunpack.i.l.bf16.f32 v5;
	[tilespmem:s21+$0xFFFFBFE0] =	vst v8  }
0x24d: {  	[tilespmem:s21+$0xFFFF9F90] =	vst v10;
	v8 =	vld [tilespmem:s24+$0xFFFFF0F0]  }
0x24e: {  	v10 =	vunpack.i.u.bf16.f32 v2;
	v2 =	vunpack.i.l.bf16.f32 v2;
	[tilespmem:s21+$0xFFFF9FA0] =	vst v11  }
0x24f: {  	[tilespmem:s21+$0xFFFF9E30] =	vst v7;
	v7 =	vld [tilespmem:s24+$0xFFFFE0D0]  }
0x250: {  	[tilespmem:s21+$0xFFFF9E40] =	vst v6;
	v6 =	vunpack.i.u.bf16.f32 v12;
	v11 =	vunpack.i.l.bf16.f32 v12  }
0x251: {  	v12 =	vld [tilespmem:s24+$0xFFFFF000];
	[tilespmem:s21+$0xFFFF9E70] =	vst v9  }
0x252: {  	[tilespmem:s21+$0xFFFF9E80] =	vst v3;
	v3 =	vunpack.i.l.bf16.f32 v8  }
0x253: {  	v8 =	vunpack.i.u.bf16.f32 v8;
	v9 =	vld [tilespmem:s24+$0xFFFFF020];
	[tilespmem:s21+$0xFFFFBFF0] =	vst v3  }
0x254: {  	v3 =	vunpack.i.u.bf16.f32 v7;
	v7 =	vunpack.i.l.bf16.f32 v7;
	[tilespmem:s21+$0xFFFFC000] =	vst v8  }
0x255: {  	[tilespmem:s21+$0xFFFF9EB0] =	vst v14;
	v8 =	vld [tilespmem:s24+$0xE0]  }
0x256: {  	v14 =	vunpack.i.u.bf16.f32 v12;
	v12 =	vunpack.i.l.bf16.f32 v12;
	[tilespmem:s21+$0xFFFF9EC0] =	vst v13  }
0x257: {  	v13 =	vld [tilespmem:s24+$0xFFFFF040];
	[tilespmem:s21+$0xFFFF9EF0] =	vst v5  }
0x258: {  	v5 =	vunpack.i.u.bf16.f32 v9;
	v9 =	vunpack.i.l.bf16.f32 v9;
	[tilespmem:s21+$0xFFFF9F00] =	vst v4  }
0x259: {  	v4 =	vld [tilespmem:s24+$0xFFFFF060];
	[tilespmem:s21+$0xFFFF9F30] =	vst v2  }
0x25a: {  	[tilespmem:s21+$0xFFFF9F40] =	vst v10;
	v2 =	vunpack.i.l.bf16.f32 v8  }
0x25b: {  	v8 =	vunpack.i.u.bf16.f32 v8;
	v10 =	vld [tilespmem:s24+$0xFFFFF080];
	[tilespmem:s21+$0xFFFFDFD0] =	vst v2  }
0x25c: {  	v2 =	vunpack.i.u.bf16.f32 v13;
	v13 =	vunpack.i.l.bf16.f32 v13;
	[tilespmem:s21+$0xFFFFDFE0] =	vst v8  }
0x25d: {  	[tilespmem:s21+$0xFFFF9F70] =	vst v11;
	v8 =	vld [tilespmem:s24+$0xF0]  }
0x25e: {  	v11 =	vunpack.i.u.bf16.f32 v4;
	v4 =	vunpack.i.l.bf16.f32 v4;
	[tilespmem:s21+$0xFFFF9F80] =	vst v6  }
0x25f: {  	v6 =	vld [tilespmem:s24+$0xFFFFF0A0];
	[tilespmem:s21+$0xFFFF9FB0] =	vst v7  }
0x260: {  	v7 =	vunpack.i.u.bf16.f32 v10;
	v10 =	vunpack.i.l.bf16.f32 v10;
	[tilespmem:s21+$0xFFFF9FC0] =	vst v3  }
0x261: {  	[tilespmem:s21+$0xFFFFBE10] =	vst v12;
	v3 =	vld [tilespmem:s24+$0xFFFFF0C0]  }
0x262: {  	[tilespmem:s21+$0xFFFFBE20] =	vst v14;
	v12 =	vunpack.i.l.bf16.f32 v8  }
0x263: {  	v8 =	vunpack.i.u.bf16.f32 v8;
	v14 =	vld [tilespmem:s24+$0xFFFFF010];
	[tilespmem:s21+$0xFFFFDFF0] =	vst v12  }
0x264: {  	v12 =	vunpack.i.u.bf16.f32 v6;
	v6 =	vunpack.i.l.bf16.f32 v6;
	[tilespmem:s21+$0xFFFFE000] =	vst v8  }
0x265: {  	[tilespmem:s21+$0xFFFFBE50] =	vst v9;
	v8 =	vld [tilespmem:s24+$0x10E0]  }
0x266: {  	[tilespmem:s21+$0xFFFFBE60] =	vst v5;
	v5 =	vunpack.i.u.bf16.f32 v3;
	v3 =	vunpack.i.l.bf16.f32 v3  }
0x267: {  	v9 =	vld [tilespmem:s24+$0xFFFFF030];
	[tilespmem:s21+$0xFFFFBE90] =	vst v13  }
0x268: {  	v13 =	vunpack.i.u.bf16.f32 v14;
	v14 =	vunpack.i.l.bf16.f32 v14;
	[tilespmem:s21+$0xFFFFBEA0] =	vst v2  }
0x269: {  	v2 =	vld [tilespmem:s24+$0xFFFFF050];
	[tilespmem:s21+$0xFFFFBED0] =	vst v4  }
0x26a: {  	[tilespmem:s21+$0xFFFFBEE0] =	vst v11;
	v4 =	vunpack.i.l.bf16.f32 v8  }
0x26b: {  	v8 =	vunpack.i.u.bf16.f32 v8;
	v11 =	vld [tilespmem:s24+$0xFFFFF070];
	[tilespmem:s21+$0xFFFFFFD0] =	vst v4  }
0x26c: {  	v4 =	vunpack.i.u.bf16.f32 v9;
	v9 =	vunpack.i.l.bf16.f32 v9;
	[tilespmem:s21+$0xFFFFFFE0] =	vst v8  }
0x26d: {  	[tilespmem:s21+$0xFFFFBF10] =	vst v10;
	v8 =	vld [tilespmem:s24+$0x10F0]  }
0x26e: {  	v10 =	vunpack.i.u.bf16.f32 v2;
	v15 =	vunpack.i.l.bf16.f32 v2;
	[tilespmem:s21+$0xFFFFBF20] =	vst v7  }
0x26f: {  	v7 =	vld [tilespmem:s24+$0xFFFFF090];
	[tilespmem:s21+$0xFFFFBF50] =	vst v6  }
0x270: {  	v6 =	vunpack.i.u.bf16.f32 v11;
	v11 =	vunpack.i.l.bf16.f32 v11;
	[tilespmem:s21+$0xFFFFBF60] =	vst v12  }
0x271: {  	v12 =	vld [tilespmem:s24+$0xFFFFF0B0];
	[tilespmem:s21+$0xFFFFBF90] =	vst v3  }
0x272: {  	[tilespmem:s21+$0xFFFFBFA0] =	vst v5;
	v3 =	vunpack.i.u.bf16.f32 v8;
	v2 =	vunpack.i.l.bf16.f32 v8  }
0x273: {  	v5 =	vld [tilespmem:s24+$0xFFFFF0D0];
	[tilespmem:s21+$0x0] =	vst v3  }
0x274: {  	[tilespmem:s21+$0xFFFFBE30] =	vst v14;
	v3 =	vunpack.i.u.bf16.f32 v7;
	v7 =	vunpack.i.l.bf16.f32 v7  }
0x275: {  	[tilespmem:s21+$0xFFFFBE40] =	vst v13  }
0x276: {  	v8 =	vld [tilespmem:s24+$0x0];
	[tilespmem:s21+$0xFFFFBE70] =	vst v9;
	v9 =	vunpack.i.u.bf16.f32 v12;
	v12 =	vunpack.i.l.bf16.f32 v12  }
0x277: {  	[tilespmem:s21+$0xFFFFBE80] =	vst v4  }
0x278: {  	v4 =	vld [tilespmem:s24+$0x20];
	[tilespmem:s21+$0xFFFFBEB0] =	vst v15;
	v13 =	vunpack.i.u.bf16.f32 v5;
	v5 =	vunpack.i.l.bf16.f32 v5  }
0x279: {  	[tilespmem:s21+$0xFFFFBEC0] =	vst v10  }
0x27a: {  	v10 =	vld [tilespmem:s24+$0x40];
	[tilespmem:s21+$0xFFFFBEF0] =	vst v11  }
0x27b: {  	v11 =	vunpack.i.u.bf16.f32 v8;
	v8 =	vunpack.i.l.bf16.f32 v8;
	[tilespmem:s21+$0xFFFFBF00] =	vst v6  }
0x27c: {  	v6 =	vld [tilespmem:s24+$0x60];
	[tilespmem:s21+$0xFFFFBF30] =	vst v7  }
0x27d: {  	v7 =	vunpack.i.u.bf16.f32 v4;
	v4 =	vunpack.i.l.bf16.f32 v4;
	[tilespmem:s21+$0xFFFFBF40] =	vst v3  }
0x27e: {  	v3 =	vld [tilespmem:s24+$0x80];
	[tilespmem:s21+$0xFFFFBF70] =	vst v12  }
0x27f: {  	v12 =	vunpack.i.u.bf16.f32 v10;
	v10 =	vunpack.i.l.bf16.f32 v10;
	[tilespmem:s21+$0xFFFFBF80] =	vst v9  }
0x280: {  	v9 =	vld [tilespmem:s24+$0xA0];
	[tilespmem:s21+$0xFFFFBFB0] =	vst v5  }
0x281: {  	v5 =	vunpack.i.u.bf16.f32 v6;
	v6 =	vunpack.i.l.bf16.f32 v6;
	[tilespmem:s21+$0xFFFFBFC0] =	vst v13  }
0x282: {  	[tilespmem:s21+$0xFFFFDE10] =	vst v8;
	v8 =	vld [tilespmem:s24+$0xC0]  }
0x283: {  	[tilespmem:s21+$0xFFFFDE20] =	vst v11;
	v11 =	vunpack.i.u.bf16.f32 v3;
	v3 =	vunpack.i.l.bf16.f32 v3  }
0x284: {  	v13 =	vld [tilespmem:s24+$0x10];
	[tilespmem:s21+$0xFFFFDE50] =	vst v4  }
0x285: {  	[tilespmem:s21+$0xFFFFDE60] =	vst v7;
	v4 =	vunpack.i.u.bf16.f32 v9;
	v7 =	vunpack.i.l.bf16.f32 v9  }
0x286: {  	v9 =	vld [tilespmem:s24+$0x30];
	[tilespmem:s21+$0xFFFFDE90] =	vst v10  }
0x287: {  	[tilespmem:s21+$0xFFFFDEA0] =	vst v12;
	v10 =	vunpack.i.u.bf16.f32 v8;
	v8 =	vunpack.i.l.bf16.f32 v8  }
0x288: {  	v12 =	vld [tilespmem:s24+$0x50];
	[tilespmem:s21+$0xFFFFDED0] =	vst v6  }
0x289: {  	v6 =	vunpack.i.u.bf16.f32 v13;
	v13 =	vunpack.i.l.bf16.f32 v13;
	[tilespmem:s21+$0xFFFFDEE0] =	vst v5  }
0x28a: {  	v5 =	vld [tilespmem:s24+$0x70];
	[tilespmem:s21+$0xFFFFDF10] =	vst v3  }
0x28b: {  	v3 =	vunpack.i.u.bf16.f32 v9;
	v9 =	vunpack.i.l.bf16.f32 v9;
	[tilespmem:s21+$0xFFFFDF20] =	vst v11  }
0x28c: {  	v11 =	vld [tilespmem:s24+$0x90];
	[tilespmem:s21+$0xFFFFDF50] =	vst v7  }
0x28d: {  	v7 =	vunpack.i.u.bf16.f32 v12;
	v12 =	vunpack.i.l.bf16.f32 v12;
	[tilespmem:s21+$0xFFFFDF60] =	vst v4  }
0x28e: {  	v4 =	vld [tilespmem:s24+$0xB0];
	[tilespmem:s21+$0xFFFFDF90] =	vst v8  }
0x28f: {  	v8 =	vunpack.i.u.bf16.f32 v5;
	v5 =	vunpack.i.l.bf16.f32 v5;
	[tilespmem:s21+$0xFFFFDFA0] =	vst v10  }
0x290: {  	[tilespmem:s21+$0xFFFFDE30] =	vst v13;
	v10 =	vld [tilespmem:s24+$0xD0]  }
0x291: {  	[tilespmem:s21+$0xFFFFDE40] =	vst v6;
	v6 =	vunpack.i.u.bf16.f32 v11;
	v11 =	vunpack.i.l.bf16.f32 v11  }
0x292: {  	v13 =	vld [tilespmem:s24+$0x1000];
	[tilespmem:s21+$0xFFFFDE70] =	vst v9  }
0x293: {  	[tilespmem:s21+$0xFFFFDE80] =	vst v3;
	v3 =	vunpack.i.u.bf16.f32 v4;
	v4 =	vunpack.i.l.bf16.f32 v4  }
0x294: {  	v9 =	vld [tilespmem:s24+$0x1020];
	[tilespmem:s21+$0xFFFFDEB0] =	vst v12  }
0x295: {  	[tilespmem:s21+$0xFFFFDEC0] =	vst v7;
	v7 =	vunpack.i.u.bf16.f32 v10;
	v10 =	vunpack.i.l.bf16.f32 v10  }
0x296: {  	v12 =	vld [tilespmem:s24+$0x1040];
	[tilespmem:s21+$0xFFFFDEF0] =	vst v5  }
0x297: {  	v5 =	vunpack.i.u.bf16.f32 v13;
	v13 =	vunpack.i.l.bf16.f32 v13;
	[tilespmem:s21+$0xFFFFDF00] =	vst v8  }
0x298: {  	v8 =	vld [tilespmem:s24+$0x1060];
	[tilespmem:s21+$0xFFFFDF30] =	vst v11  }
0x299: {  	v11 =	vunpack.i.u.bf16.f32 v9;
	v9 =	vunpack.i.l.bf16.f32 v9;
	[tilespmem:s21+$0xFFFFDF40] =	vst v6  }
0x29a: {  	v6 =	vld [tilespmem:s24+$0x1080];
	[tilespmem:s21+$0xFFFFDF70] =	vst v4  }
0x29b: {  	v4 =	vunpack.i.u.bf16.f32 v12;
	v12 =	vunpack.i.l.bf16.f32 v12;
	[tilespmem:s21+$0xFFFFDF80] =	vst v3  }
0x29c: {  	v3 =	vld [tilespmem:s24+$0x10A0];
	[tilespmem:s21+$0xFFFFDFB0] =	vst v10  }
0x29d: {  	v10 =	vunpack.i.u.bf16.f32 v8;
	v8 =	vunpack.i.l.bf16.f32 v8;
	[tilespmem:s21+$0xFFFFDFC0] =	vst v7  }
0x29e: {  	[tilespmem:s21+$0xFFFFFE10] =	vst v13;
	v7 =	vld [tilespmem:s24+$0x10C0]  }
0x29f: {  	[tilespmem:s21+$0xFFFFFE20] =	vst v5;
	v5 =	vunpack.i.u.bf16.f32 v6;
	v6 =	vunpack.i.l.bf16.f32 v6  }
0x2a0: {  	v13 =	vld [tilespmem:s24+$0x1010];
	[tilespmem:s21+$0xFFFFFE50] =	vst v9  }
0x2a1: {  	[tilespmem:s21+$0xFFFFFE60] =	vst v11;
	v9 =	vunpack.i.u.bf16.f32 v3;
	v3 =	vunpack.i.l.bf16.f32 v3  }
0x2a2: {  	v11 =	vld [tilespmem:s24+$0x1030];
	[tilespmem:s21+$0xFFFFFE90] =	vst v12  }
0x2a3: {  	[tilespmem:s21+$0xFFFFFEA0] =	vst v4;
	v4 =	vunpack.i.u.bf16.f32 v7;
	v7 =	vunpack.i.l.bf16.f32 v7  }
0x2a4: {  	v12 =	vld [tilespmem:s24+$0x1050];
	[tilespmem:s21+$0xFFFFFED0] =	vst v8  }
0x2a5: {  	v8 =	vunpack.i.u.bf16.f32 v13;
	v13 =	vunpack.i.l.bf16.f32 v13;
	[tilespmem:s21+$0xFFFFFEE0] =	vst v10  }
0x2a6: {  	v10 =	vld [tilespmem:s24+$0x1070];
	[tilespmem:s21+$0xFFFFFF10] =	vst v6  }
0x2a7: {  	v6 =	vunpack.i.u.bf16.f32 v11;
	v11 =	vunpack.i.l.bf16.f32 v11;
	[tilespmem:s21+$0xFFFFFF20] =	vst v5  }
0x2a8: {  	v14 =	vld [tilespmem:s24+$0x1090];
	[tilespmem:s21+$0xFFFFFF50] =	vst v3  }
0x2a9: {  	v15 =	vunpack.i.u.bf16.f32 v12;
	v12 =	vunpack.i.l.bf16.f32 v12;
	[tilespmem:s21+$0xFFFFFF60] =	vst v9  }
0x2aa: {  	v9 =	vld [tilespmem:s24+$0x10B0];
	[tilespmem:s21+$0xFFFFFF90] =	vst v7  }
0x2ab: {  	v16 =	vunpack.i.u.bf16.f32 v10;
	v10 =	vunpack.i.l.bf16.f32 v10;
	[tilespmem:s21+$0xFFFFFFA0] =	vst v4  }
0x2ac: {  	[tilespmem:s21+$0xFFFFFE30] =	vst v13;
	v13 =	vld [tilespmem:s24+$0x10D0]  }
0x2ad: {  	[tilespmem:s21+$0xFFFFFE40] =	vst v8;
	v5 =	vunpack.i.u.bf16.f32 v14;
	v8 =	vunpack.i.l.bf16.f32 v14  }
0x2ae: {  	[tilespmem:s21+$0xFFFFFE70] =	vst v11  }
0x2af: {  	[tilespmem:s21+$0xFFFFFE80] =	vst v6;
	v3 =	vunpack.i.u.bf16.f32 v9;
	v7 =	vunpack.i.l.bf16.f32 v9  }
.Ltmp1:
0x2b0: {  	[tilespmem:s21+$0xFFFFFEB0] =	vst v12;
	(pc) =	sbr.rel @p2 .LBB2_5-.Ltmp1, $4  }
0x2b1: {  	[tilespmem:s21+$0xFFFFFEC0] =	vst v15;
	v4 =	vunpack.i.u.bf16.f32 v13;
	v6 =	vunpack.i.l.bf16.f32 v13  }
0x2b2: {  	[tilespmem:s21+$0xFFFFFEF0] =	vst v10  }
0x2b3: {  	[tilespmem:s21+$0xFFFFFF00] =	vst v16  }
0x2b4: {  	s24 =	sadd.s32 $0x100, s24;
	[tilespmem:s21+$0xFFFFFF30] =	vst v8  }
0x2b5: {  	p2 =	sgt.u32 s13, $0x23  }
0x2b6: {  	p3 =	sne.s32 @!p2 s20, $0x0  }
0x2b7: {  	[tilespmem:s21+$0xFFFFFF40] =	vst v5;
	p2 =	por p3, p2  }
0x2b8: {  	[tilespmem:s21+$0xFFFFFF70] =	vst v7;
	s20 =	sshll.u32 @!p2 s13, $0x9  }
0x2b9: {  	[tilespmem:s21+$0xFFFFFF80] =	vst v3;
	s20 =	sadd.s32 @!p2 $0x800, s20  }
0x2ba: {  	[tilespmem:s21+$0xFFFFFFB0] =	vst v6;
	s23 =	sadd.s32 @!p2 s5, s20  }
0x2bb: {  	[tilespmem:s21+$0xFFFFFFC0] =	vst v4;
	s25 =	sshll.u32 s13, $0x9;
	s23 =	sshrl.u32 @!p2 s23, $0x3  }
0x2bc: {  	[tilespmem:s21+$0xFFFFFFF0] =	vst v2;
	s24 =	simm.s32 @!p2 $0x0;
	s20 =	sand.u32 @!p2 $0x800, s20;
	s21 =	sadd.s32 @!p2 s18, s23  }
0x2bd: {  	[tilespmem:s20], [sflag:$0x4] =	stream.linear.gather @!p2 [hbm4b:s21+s24], $0x800, $0x38;
	[tilespmem:$0x1F3A0] =	vst v63  }
0x2be: {  	s13 =	sand.u32 $0xE00, s25;
	s20 =	sor.u32 @!p2 $0x1000, s20;
	s21 =	sadd.s32 @!p2 s19, s23  }
0x2bf: {  	[tilespmem:s20], [sflag:$0x4] =	stream.linear.gather @!p2 [hbm4b:s21+s24], $0x800, $0x38;
	[tilespmem:$0x1F3A0] =	vst v63  }
0x2c0: {  	s20 =	sor.u32 $0x1000, s13  }
0x2c1: {  	[spmem:s14] =	stream.indirect.scatter.add.f32 [tilespmem:s6], [sflag:$0x2], $0x40, s20, s12, $0xb8;
	[tilespmem:$0x1F3A0] =	vst v63  }
0x2c2: {  	s21 =	sor.u32 $0x1080, s13  }
0x2c3: {  	[spmem:s14] =	stream.indirect.scatter.add.f32 [tilespmem:s8], [sflag:$0x2], $0x40, s21, s12, $0xb8;
	[tilespmem:$0x1F3A0] =	vst v63  }
0x2c4: {  	s23 =	sor.u32 $0x1100, s13  }
0x2c5: {  	[spmem:s14] =	stream.indirect.scatter.add.f32 [tilespmem:s9], [sflag:$0x2], $0x40, s23, s12, $0xb8;
	[tilespmem:$0x1F3A0] =	vst v63  }
0x2c6: {  	s13 =	sor.u32 $0x1180, s13;
	p2 =	sne.s32 s2, s22  }
0x2c7: {  	[spmem:s14] =	stream.indirect.scatter.add.f32 [tilespmem:s10], [sflag:$0x2], $0x40, s13, s12, $0xb8;
	[tilespmem:$0x1F3A0] =	vst v63  }
0x2c8: {  	s22 =	simm.s32 @!p2 $0x80;
	s24 =	simm.s32 @!p2 $0x12000  }
0x2c9: {  	[spmem:s15] =	stream.indirect.scatter.add.f32 @!p2 [tilespmem:s24], [sflag:$0x3], $0x10, s20, s22, $0xb8;
	[tilespmem:$0x1F3A0] =	vst v63  }
0x2ca: {  	_ = 	snop  }
0x2cb: {  	[spmem:s15] =	stream.indirect.scatter.add.f32 @!p2 [tilespmem:s24], [sflag:$0x3], $0x10, s21, s22, $0xb8;
	[tilespmem:$0x1F3A0] =	vst v63  }
0x2cc: {  	_ = 	snop  }
0x2cd: {  	[spmem:s15] =	stream.indirect.scatter.add.f32 @!p2 [tilespmem:s24], [sflag:$0x3], $0x10, s23, s22, $0xb8;
	[tilespmem:$0x1F3A0] =	vst v63  }
0x2ce: {  	_ = 	snop  }
0x2cf: {  	[spmem:s15] =	stream.indirect.scatter.add.f32 @!p2 [tilespmem:s24], [sflag:$0x3], $0x10, s13, s22, $0xb8;
	[tilespmem:$0x1F3A0] =	vst v63  }
0x2d0: {  	p2 =	sne.s32 s0, $0x28  }
.Ltmp2:
0x2d1: {  	_ = 	snop;
	(pc) =	sbr.rel @p2 .LBB2_4-.Ltmp2, $2  }
0x2d2: {  	_ =	sdelay $0x2  }
0x2d3: {  	p1 =	por !p1, !p1;
	s13 =	smov.u32 s0  }
0x2d4: {  	_ =	swait.ge [sflag:s17], $0x2000  }
0x2d5: {  	[sflag:s17] =	ssyncset.done $0x0  }
0x2d6: {  	[sflag:s17] =	ssyncadd.s32 $0xFFFFE000  }
0x2d7: {  	_ =	swait.ge [sflag:s17], $0x2000  }
0x2d8: {  	[sflag:s17] =	ssyncset.done $0x0  }
0x2d9: {  	[sflag:s17] =	ssyncadd.s32 $0xFFFFE000  }
0x2da: {  	_ =	swait.ge [sflag:s17], $0x2000  }
0x2db: {  	[sflag:s17] =	ssyncset.done $0x0  }
0x2dc: {  	[sflag:s17] =	ssyncadd.s32 $0xFFFFE000  }
0x2dd: {  	_ =	swait.ge [sflag:s17], $0x2000  }
0x2de: {  	[sflag:s17] =	ssyncset.done $0x0  }
0x2df: {  	s0 =	simm.s32 @!p0 $0x3;
	[sflag:s17] =	ssyncadd.s32 $0xFFFFE000  }
0x2e0: {  	_ =	swait.ge @!p0 [sflag:s0], $0x800  }
0x2e1: {  	[sflag:s0] =	ssyncset.done @!p0 $0x0  }
0x2e2: {  	[sflag:s0] =	ssyncadd.s32 @!p0 $0xFFFFF800  }
0x2e3: {  	_ =	swait.ge @!p0 [sflag:s0], $0x800  }
0x2e4: {  	[sflag:s0] =	ssyncset.done @!p0 $0x0  }
0x2e5: {  	[sflag:s0] =	ssyncadd.s32 @!p0 $0xFFFFF800  }
0x2e6: {  	_ =	swait.ge @!p0 [sflag:s0], $0x800  }
0x2e7: {  	[sflag:s0] =	ssyncset.done @!p0 $0x0  }
0x2e8: {  	[sflag:s0] =	ssyncadd.s32 @!p0 $0xFFFFF800  }
0x2e9: {  	_ =	swait.ge @!p0 [sflag:s0], $0x800  }
0x2ea: {  	[sflag:s0] =	ssyncset.done @!p0 $0x0  }
0x2eb: {  	[sflag:s0] =	ssyncadd.s32 @!p0 $0xFFFFF800  }
0x2ec: {  	[bflag:$0x0] =	sbarrier.arrive $0xFFFF  }
0x2ed: {  	[tilespmem:s6], [sflag:$0x5] =	stream.linear.gather [spmem:s26], $0x2000, $0x38;
	[tilespmem:$0x1F3A0] =	vst v63  }
0x2ee: {  	_ =	swait.ge [sflag:s7], $0x2000  }
0x2ef: {  	[sflag:s7] =	ssyncset.done $0x0  }
0x2f0: {  	s22 =	smov.u32 s26;
	s26 =	rddreg [dreg:$0x5];
	[sflag:s7] =	ssyncadd.s32 $0xFFFFE000  }
0x2f1: {  	[hbm4b:s26+s3] =	stream.linear.scatter [tilespmem:s6], [sflag:$0x5], $0x2000, $0x38;
	[tilespmem:$0x1F3A0] =	vst v63  }
0x2f2: {  	_ =	swait.ge [sflag:s7], $0x2000  }
0x2f3: {  	[sflag:s7] =	ssyncset.done $0x0  }
0x2f4: {  	[sflag:s7] =	ssyncadd.s32 $0xFFFFE000  }
0x2f5: {  	[tilespmem:s8], [sflag:$0x5] =	stream.linear.gather [spmem:s28], $0x2000, $0x38;
	[tilespmem:$0x1F3A0] =	vst v63  }
0x2f6: {  	_ =	swait.ge [sflag:s7], $0x2000  }
0x2f7: {  	[sflag:s7] =	ssyncset.done $0x0  }
0x2f8: {  	s23 =	smov.u32 s28;
	s28 =	rddreg [dreg:$0x6];
	[sflag:s7] =	ssyncadd.s32 $0xFFFFE000  }
0x2f9: {  	[hbm4b:s28+s3] =	stream.linear.scatter [tilespmem:s8], [sflag:$0x5], $0x2000, $0x38;
	[tilespmem:$0x1F3A0] =	vst v63  }
0x2fa: {  	_ =	swait.ge [sflag:s7], $0x2000  }
0x2fb: {  	[sflag:s7] =	ssyncset.done $0x0  }
0x2fc: {  	[sflag:s7] =	ssyncadd.s32 $0xFFFFE000  }
0x2fd: {  	[tilespmem:s9], [sflag:$0x5] =	stream.linear.gather [spmem:s29], $0x2000, $0x38;
	[tilespmem:$0x1F3A0] =	vst v63  }
0x2fe: {  	_ =	swait.ge [sflag:s7], $0x2000  }
0x2ff: {  	[sflag:s7] =	ssyncset.done $0x0  }
0x300: {  	s24 =	smov.u32 s29;
	s29 =	rddreg [dreg:$0x7];
	[sflag:s7] =	ssyncadd.s32 $0xFFFFE000  }
0x301: {  	[hbm4b:s29+s3] =	stream.linear.scatter [tilespmem:s9], [sflag:$0x5], $0x2000, $0x38;
	[tilespmem:$0x1F3A0] =	vst v63  }
0x302: {  	_ =	swait.ge [sflag:s7], $0x2000  }
0x303: {  	[sflag:s7] =	ssyncset.done $0x0  }
0x304: {  	[sflag:s7] =	ssyncadd.s32 $0xFFFFE000  }
0x305: {  	[tilespmem:s10], [sflag:$0x5] =	stream.linear.gather [spmem:s30], $0x2000, $0x38;
	[tilespmem:$0x1F3A0] =	vst v63  }
0x306: {  	_ =	swait.ge [sflag:s7], $0x2000  }
0x307: {  	[sflag:s7] =	ssyncset.done $0x0  }
0x308: {  	s13 =	rddreg [dreg:$0x8];
	[sflag:s7] =	ssyncadd.s32 $0xFFFFE000  }
0x309: {  	[hbm4b:s13+s3] =	stream.linear.scatter [tilespmem:s10], [sflag:$0x5], $0x2000, $0x38;
	[tilespmem:$0x1F3A0] =	vst v63  }
0x30a: {  	_ =	swait.ge [sflag:s7], $0x2000  }
0x30b: {  	[sflag:s7] =	ssyncset.done $0x0  }
0x30c: {  	s20 =	rddreg [dreg:$0xf];
	[sflag:s7] =	ssyncadd.s32 $0xFFFFE000  }
0x30d: {  	[tilespmem:s6], [sflag:$0x5] =	stream.linear.gather [spmem:s20], $0x1C80, $0x38;
	[tilespmem:$0x1F3A0] =	vst v63  }
0x30e: {  	_ =	swait.ge [sflag:s7], $0x1C80  }
0x30f: {  	[sflag:s7] =	ssyncset.done $0x0  }
0x310: {  	s21 =	rddreg [dreg:$0x9];
	[sflag:s7] =	ssyncadd.s32 $0xFFFFE380  }
0x311: {  	[hbm4b:s21+s3] =	stream.linear.scatter [tilespmem:s6], [sflag:$0x5], $0x1C80, $0x38;
	[tilespmem:$0x1F3A0] =	vst v63  }
0x312: {  	_ =	swait.ge [sflag:s7], $0x1C80  }
0x313: {  	[sflag:s7] =	ssyncset.done $0x0  }
0x314: {  	s26 =	rddreg [dreg:$0x10];
	[sflag:s7] =	ssyncadd.s32 $0xFFFFE380  }
0x315: {  	[tilespmem:s11], [sflag:$0x5] =	stream.linear.gather [spmem:s26], $0x800, $0x38;
	[tilespmem:$0x1F3A0] =	vst v63  }
0x316: {  	_ =	swait.ge [sflag:s7], $0x800  }
0x317: {  	[sflag:s7] =	ssyncset.done $0x0  }
0x318: {  	s28 =	rddreg [dreg:$0xa];
	[sflag:s7] =	ssyncadd.s32 $0xFFFFF800  }
0x319: {  	[hbm4b:s28+s3] =	stream.linear.scatter [tilespmem:s11], [sflag:$0x5], $0x800, $0x38;
	[tilespmem:$0x1F3A0] =	vst v63  }
0x31a: {  	_ =	swait.ge [sflag:s7], $0x800  }
0x31b: {  	[sflag:s7] =	ssyncset.done $0x0  }
0x31c: {  	s29 =	rddreg [dreg:$0x11];
	[sflag:s7] =	ssyncadd.s32 $0xFFFFF800  }
0x31d: {  	[tilespmem:s11], [sflag:$0x5] =	stream.linear.gather [spmem:s29], $0x800, $0x38;
	[tilespmem:$0x1F3A0] =	vst v63  }
0x31e: {  	_ =	swait.ge [sflag:s7], $0x800  }
0x31f: {  	[sflag:s7] =	ssyncset.done $0x0  }
0x320: {  	s25 =	smov.u32 s30;
	s30 =	rddreg [dreg:$0xb];
	[sflag:s7] =	ssyncadd.s32 $0xFFFFF800  }
0x321: {  	[hbm4b:s30+s3] =	stream.linear.scatter [tilespmem:s11], [sflag:$0x5], $0x800, $0x38;
	[tilespmem:$0x1F3A0] =	vst v63  }
0x322: {  	_ =	swait.ge [sflag:s7], $0x800  }
0x323: {  	[sflag:s7] =	ssyncset.done $0x0  }
0x324: {  	s13 =	rddreg [dreg:$0x12];
	[sflag:s7] =	ssyncadd.s32 $0xFFFFF800  }
0x325: {  	[tilespmem:s11], [sflag:$0x5] =	stream.linear.gather [spmem:s13], $0x800, $0x38;
	[tilespmem:$0x1F3A0] =	vst v63  }
0x326: {  	_ =	swait.ge [sflag:s7], $0x800  }
0x327: {  	[sflag:s7] =	ssyncset.done $0x0  }
0x328: {  	s20 =	rddreg [dreg:$0xc];
	[sflag:s7] =	ssyncadd.s32 $0xFFFFF800  }
0x329: {  	[hbm4b:s20+s3] =	stream.linear.scatter [tilespmem:s11], [sflag:$0x5], $0x800, $0x38;
	[tilespmem:$0x1F3A0] =	vst v63  }
0x32a: {  	_ =	swait.ge [sflag:s7], $0x800  }
0x32b: {  	[sflag:s7] =	ssyncset.done $0x0  }
0x32c: {  	s21 =	rddreg [dreg:$0x13];
	[sflag:s7] =	ssyncadd.s32 $0xFFFFF800  }
0x32d: {  	[tilespmem:s11], [sflag:$0x5] =	stream.linear.gather [spmem:s21], $0x800, $0x38;
	[tilespmem:$0x1F3A0] =	vst v63  }
0x32e: {  	_ =	swait.ge [sflag:s7], $0x800  }
0x32f: {  	[sflag:s7] =	ssyncset.done $0x0  }
0x330: {  	s26 =	rddreg [dreg:$0xd];
	[sflag:s7] =	ssyncadd.s32 $0xFFFFF800  }
0x331: {  	[hbm4b:s26+s3] =	stream.linear.scatter [tilespmem:s11], [sflag:$0x5], $0x800, $0x38;
	[tilespmem:$0x1F3A0] =	vst v63  }
0x332: {  	_ =	swait.ge [sflag:s7], $0x800  }
0x333: {  	[sflag:s7] =	ssyncset.done $0x0  }
0x334: {  	s28 =	rddreg [dreg:$0x14];
	[sflag:s7] =	ssyncadd.s32 $0xFFFFF800  }
0x335: {  	[tilespmem:s11], [sflag:$0x5] =	stream.linear.gather [spmem:s28], $0x720, $0x38;
	[tilespmem:$0x1F3A0] =	vst v63  }
0x336: {  	_ =	swait.ge [sflag:s7], $0x720  }
0x337: {  	[sflag:s7] =	ssyncset.done $0x0  }
0x338: {  	s29 =	rddreg [dreg:$0xe];
	[sflag:s7] =	ssyncadd.s32 $0xFFFFF8E0  }
0x339: {  	[hbm4b:s29+s3] =	stream.linear.scatter [tilespmem:s11], [sflag:$0x5], $0x720, $0x38;
	[tilespmem:$0x1F3A0] =	vst v63  }
0x33a: {  	_ =	swait.ge [sflag:s7], $0x720  }
0x33b: {  	s31 =	sadd.s32 $0x1, s31;
	s30 =	rddreg [dreg:$0x17]  }
0x33c: {  	p1 =	sne.s32 s31, s30  }
.Ltmp3:
0x33d: {  	_ = 	snop;
	(pc) =	sbr.rel @p1 .LBB2_1-.Ltmp3, $3  }
0x33e: {  	_ =	sdelay $0x1  }
0x33f: {  	[sflag:s7] =	ssyncset.done $0x0  }
0x340: {  	[sflag:s7] =	ssyncadd.s32 $0xFFFFF8E0  }
0x341: {  	_ =	sfence.sel $0x180000  }
0x342: {  	[bflag:$0x0] =	sbarrier.arrive $0xFFFF  }
0x343: {  	_ =	strace $0x90000047  }
0x344: {  	s0 =	stileid.u32;
	[bflag:$0x2] =	sbarrier.arrive $0xFFFF  }
0x345: {  	p0 =	sne.s32 s0, $0x0;
	s0 =	rddreg [dreg:$0x4]  }
0x346: {  	s0 =	sadd.s32 @!p0 $0x100000, s0  }
0x347: {  	[sflag:s0] =	ssyncadd.tile.s32 @!p0 $0x1;
	_ =	shalt  }
.Lfunc_end2:
_tile_overlayer_lowered:
.L_overlay_start_2:
0x348: {  	(tag) =	ssettag $0x2  }
0x349: {  	s0 =	rddreg [dreg:$0x0];
	s2 =	stileid.u32  }
0x34a: {  	s1 =	rddreg [dreg:$0x1];
	p0 =	sne.s32 s2, $0x0  }
0x34b: {  	s3 =	rddreg [dreg:$0x2];
	[bflag:$0x3] =	sbarrier.arrive $0xFFFF;
	s2 =	simm.s32 @!p0 $0x1C05  }
0x34c: {  	[timem:s3], [sflag:s2] =	dma.local @!p0 [hbm:s0], s1  }
0x34d: {  	s0 =	simm.s32 @!p0 $0x5  }
0x34e: {  	_ =	swait.ge @!p0 [sflag:s0], s1  }
0x34f: {  	s1 =	ssub.s32 @!p0 $0x0, s1;
	[sflag:s0] =	ssyncset.done @!p0 $0x0  }
0x350: {  	[sflag:s0] =	ssyncadd.s32 @!p0 s1  }
0x351: {  	[bflag:$0x3] =	sbarrier.arrive $0xFFFF  }
0x352: {  	_ =	shalt  }

</sc_bundles>
